<compile_context>
chip_gen: v7x
topology: tpu7x:2x2x1
jax: 0.10.2.dev20260603
libtpu: 0.0.44.dev20260713+nightly
codegen_flags: <defaults>
</compile_context>

<pallas_src>
import functools

import jax
import jax.numpy as jnp
from jax import lax
from jax.experimental import pallas as pl
from jax.experimental.pallas import tpu as pltpu
from jax.experimental.pallas import tpu_sc as plsc

_N = 10000
_E = 320000
_D_IN = 128
_D_H = 64

_NC = 2
_NS = 16
_NW = _NC * _NS
_CHUNK = 128

_NPAD = 10240
_RPT = _NPAD // _NS
_EPW = 10240
_E_PAD = _EPW * _NW
_NCHUNK = _EPW // _CHUNK
_DEG_W = 16
_NB = 4

_SC_PARAMS = pltpu.CompilerParams(use_tc_tiling_on_sc=False)


def _sc_degree(ei):
  mesh = plsc.VectorSubcoreMesh(core_axis_name="c", subcore_axis_name="s")

  @functools.partial(
      pl.kernel,
      out_type=jax.ShapeDtypeStruct((_NC * _N, _DEG_W), jnp.float32),
      mesh=mesh,
      scratch_types=[
          pltpu.VMEM((_NCHUNK, _CHUNK), jnp.int32),
          pltpu.VMEM((_CHUNK, _DEG_W), jnp.float32),
          pltpu.VMEM_SHARED((_NPAD, _DEG_W), jnp.float32),
          pltpu.SemaphoreType.DMA,
          pltpu.SemaphoreType.DMA,
      ],
      compiler_params=_SC_PARAMS,
  )
  def k(ei_hbm, out_hbm, didx, buf, acc, isem, ssem):
    cid = lax.axis_index("c")
    sid = lax.axis_index("s")
    wid = sid * _NC + cid
    r0 = sid * _RPT

    idxc = pltpu.async_copy(
        ei_hbm.at[1, pl.ds(wid * _NCHUNK, _NCHUNK)], didx, isem)

    def fill(i, val):
      buf[i] = jnp.full((_DEG_W,), val, jnp.float32)
      return val

    lax.fori_loop(0, _CHUNK, fill, 0.0)
    zcs = [
        pltpu.async_copy(buf, acc.at[pl.ds(r0 + j * _CHUNK, _CHUNK)], ssem)
        for j in range(_RPT // _CHUNK)
    ]
    tail = _RPT % _CHUNK
    if tail:
      zcs.append(pltpu.async_copy(
          buf.at[pl.ds(0, tail)],
          acc.at[pl.ds(r0 + (_RPT // _CHUNK) * _CHUNK, tail)], ssem))
    for c in zcs:
      c.wait()
    lax.fori_loop(0, _CHUNK, fill, 1.0)
    idxc.wait()
    plsc.subcore_barrier()

    def body(t, carry):
      cs = [
          pltpu.async_copy(buf, acc.at[didx.at[8 * t + b]], ssem, add=True)
          for b in range(8)
      ]
      for c in cs:
        c.wait()
      return carry

    lax.fori_loop(0, _NCHUNK // 8, body, 0)
    plsc.subcore_barrier()
    last = _N - (_NS - 1) * _RPT

    @pl.when(sid < _NS - 1)
    def _():
      pltpu.sync_copy(acc.at[pl.ds(r0, _RPT)],
                      out_hbm.at[pl.ds(cid * _N + r0, _RPT)])

    @pl.when(sid == _NS - 1)
    def _():
      pltpu.sync_copy(acc.at[pl.ds(r0, last)],
                      out_hbm.at[pl.ds(cid * _N + r0, last)])

  return k(ei)


def _sc_edge_pass(z, ei):
  mesh = plsc.VectorSubcoreMesh(core_axis_name="c", subcore_axis_name="s")

  @functools.partial(
      pl.kernel,
      out_type=jax.ShapeDtypeStruct((_NC * _N, 128), jnp.float32),
      mesh=mesh,
      scratch_types=[
          pltpu.VMEM((_NCHUNK, _CHUNK), jnp.int32),
          pltpu.VMEM((_NCHUNK, _CHUNK), jnp.int32),
          pltpu.VMEM((2 * _NB, _CHUNK, _D_H), jnp.float32),
          pltpu.VMEM_SHARED((_NPAD, _D_H), jnp.float32),
          pltpu.SemaphoreType.DMA,
          pltpu.SemaphoreType.DMA,
          pltpu.SemaphoreType.DMA,
          pltpu.SemaphoreType.DMA,
      ],
      compiler_params=_SC_PARAMS,
  )
  def k(z_hbm, ei_hbm, out_hbm, sidx, didx, bufs, acc,
        gsA, gsB, ssA, ssB):
    cid = lax.axis_index("c")
    sid = lax.axis_index("s")
    wid = sid * _NC + cid
    r0 = sid * _RPT

    ic1 = pltpu.async_copy(
        ei_hbm.at[0, pl.ds(wid * _NCHUNK, _NCHUNK)], sidx, gsB)
    ic2 = pltpu.async_copy(
        ei_hbm.at[1, pl.ds(wid * _NCHUNK, _NCHUNK)], didx, gsB)

    zb = bufs.at[0]

    def zstore(i, carry):
      r = i // (_D_H // 16)
      c = (i % (_D_H // 16)) * 16
      zb[r, pl.ds(c, 16)] = jnp.zeros((16,), jnp.float32)
      return carry

    lax.fori_loop(0, _CHUNK * (_D_H // 16), zstore, 0)
    zcs = [
        pltpu.async_copy(zb, acc.at[pl.ds(r0 + j * _CHUNK, _CHUNK)], ssA)
        for j in range(_RPT // _CHUNK)
    ]
    tail = _RPT % _CHUNK
    if tail:
      zcs.append(pltpu.async_copy(
          zb.at[pl.ds(0, tail)],
          acc.at[pl.ds(r0 + (_RPT // _CHUNK) * _CHUNK, tail)], ssA))
    for c in zcs:
      c.wait()
    ic1.wait()
    ic2.wait()
    plsc.subcore_barrier()

    def gfire(j, b, sem):
      pltpu.async_copy(z_hbm.at[sidx.at[j]], bufs.at[b], sem)

    def gwait(j, b, sem):
      pltpu.make_async_copy(z_hbm.at[sidx.at[j]], bufs.at[b], sem).wait()

    def sfire(j, b, sem):
      pltpu.async_copy(bufs.at[b], acc.at[didx.at[j]], sem, add=True)

    def swait(j, b, sem):
      pltpu.make_async_copy(bufs.at[b], acc.at[didx.at[j]], sem).wait()

    for b in range(_NB):
      gfire(b, b, gsA)

    def body(t, carry):
      jA = t * 2 * _NB
      jB = jA + _NB
      for b in range(_NB):
        gwait(jA + b, b, gsA)
      for b in range(_NB):
        gfire(jB + b, _NB + b, gsB)
      for b in range(_NB):
        sfire(jA + b, b, ssA)
      for b in range(_NB):
        swait(jA + b, b, ssA)

      @pl.when(t < _NCHUNK // (2 * _NB) - 1)
      def _():
        for b in range(_NB):
          gfire(jA + 2 * _NB + b, b, gsA)

      for b in range(_NB):
        gwait(jB + b, _NB + b, gsB)
      for b in range(_NB):
        sfire(jB + b, _NB + b, ssB)
      for b in range(_NB):
        swait(jB + b, _NB + b, ssB)
      return carry

    lax.fori_loop(0, _NCHUNK // (2 * _NB), body, 0)
    plsc.subcore_barrier()
    last = _N - (_NS - 1) * _RPT

    @pl.when(sid < _NS - 1)
    def _():
      pltpu.sync_copy(acc.at[pl.ds(r0, _RPT)],
                      out_hbm.at[pl.ds(cid * _N + r0, _RPT), pl.ds(0, _D_H)])

    @pl.when(sid == _NS - 1)
    def _():
      pltpu.sync_copy(acc.at[pl.ds(r0, last)],
                      out_hbm.at[pl.ds(cid * _N + r0, last), pl.ds(0, _D_H)])

  return k(z, ei)


_BR = 1000


def _tc_layer1(x, W1, deg0, deg1):

  def body(x_ref, w_ref, d0_ref, d1_ref, z_ref):
    deg = d0_ref[:, 0:1] + d1_ref[:, 0:1] + 1.0
    dinv = 1.0 / jnp.sqrt(deg)
    xw = jnp.dot(x_ref[...], w_ref[...], preferred_element_type=jnp.float32)
    z_ref[...] = dinv * xw

  return pl.pallas_call(
      body,
      grid=(_N // _BR,),
      in_specs=[
          pl.BlockSpec((_BR, _D_IN), lambda i: (i, 0)),
          pl.BlockSpec((_D_IN, _D_H), lambda i: (0, 0)),
          pl.BlockSpec((_BR, _DEG_W), lambda i: (i, 0)),
          pl.BlockSpec((_BR, _DEG_W), lambda i: (i + _N // _BR, 0)),
      ],
      out_specs=pl.BlockSpec((_BR, _D_H), lambda i: (i, 0)),
      out_shape=jax.ShapeDtypeStruct((_N, _D_H), jnp.float32),
  )(x, W1, deg0, deg1)


def _tc_mid(a0, a1, z1, deg0, deg1, b1, W2):

  def body(a0_ref, a1_ref, z_ref, d0_ref, d1_ref, b_ref, w_ref, z2_ref):
    dv = 1.0 / jnp.sqrt(d0_ref[:, 0:1] + d1_ref[:, 0:1] + 1.0)
    asum = a0_ref[:, :_D_H] + a1_ref[:, :_D_H]
    h = jnp.maximum(dv * (asum + z_ref[...]) + b_ref[...], 0.0)
    z2_ref[...] = dv * jnp.dot(h, w_ref[...],
                               preferred_element_type=jnp.float32)

  return pl.pallas_call(
      body,
      grid=(_N // _BR,),
      in_specs=[
          pl.BlockSpec((_BR, 128), lambda i: (i, 0)),
          pl.BlockSpec((_BR, 128), lambda i: (i + _N // _BR, 0)),
          pl.BlockSpec((_BR, _D_H), lambda i: (i, 0)),
          pl.BlockSpec((_BR, _DEG_W), lambda i: (i, 0)),
          pl.BlockSpec((_BR, _DEG_W), lambda i: (i + _N // _BR, 0)),
          pl.BlockSpec((1, _D_H), lambda i: (0, 0)),
          pl.BlockSpec((_D_H, _D_H), lambda i: (0, 0)),
      ],
      out_specs=pl.BlockSpec((_BR, _D_H), lambda i: (i, 0)),
      out_shape=jax.ShapeDtypeStruct((_N, _D_H), jnp.float32),
  )(a0, a1, z1, deg0, deg1, b1, W2)


def _tc_final(a0, a1, z2, deg0, deg1, b2):

  def body(a0_ref, a1_ref, z_ref, d0_ref, d1_ref, b_ref, o_ref):
    dv = 1.0 / jnp.sqrt(d0_ref[:, 0:1] + d1_ref[:, 0:1] + 1.0)
    asum = a0_ref[:, :_D_H] + a1_ref[:, :_D_H]
    o_ref[...] = dv * (asum + z_ref[...]) + b_ref[...]

  return pl.pallas_call(
      body,
      grid=(_N // _BR,),
      in_specs=[
          pl.BlockSpec((_BR, 128), lambda i: (i, 0)),
          pl.BlockSpec((_BR, 128), lambda i: (i + _N // _BR, 0)),
          pl.BlockSpec((_BR, _D_H), lambda i: (i, 0)),
          pl.BlockSpec((_BR, _DEG_W), lambda i: (i, 0)),
          pl.BlockSpec((_BR, _DEG_W), lambda i: (i + _N // _BR, 0)),
          pl.BlockSpec((1, _D_H), lambda i: (0, 0)),
      ],
      out_specs=pl.BlockSpec((_BR, _D_H), lambda i: (i, 0)),
      out_shape=jax.ShapeDtypeStruct((_N, _D_H), jnp.float32),
  )(a0, a1, z2, deg0, deg1, b2)


def kernel(x, edge_index, W1, b1, W2, b2):
  pad = _E_PAD - _E
  pad_src = jnp.arange(pad, dtype=jnp.int32)
  pad_dst = _N + jnp.broadcast_to(
      jnp.arange(_NPAD - _N, dtype=jnp.int32),
      (pad // (_NPAD - _N), _NPAD - _N)).reshape(pad)
  ei = jnp.concatenate(
      [edge_index, jnp.stack([pad_src, pad_dst])],
      axis=1).reshape(2, _E_PAD // _CHUNK, _CHUNK)

  degp = _sc_degree(ei)
  z1 = _tc_layer1(x, W1, degp, degp)

  acc1 = _sc_edge_pass(z1, ei)
  z2 = _tc_mid(acc1, acc1, z1, degp, degp, b1.reshape(1, _D_H), W2)

  acc2 = _sc_edge_pass(z2, ei)
  return _tc_final(acc2, acc2, z2, degp, degp, b2.reshape(1, _D_H))

# --- scband reference (transcript-rebuilt; emitter-appended) ---
"""Pipeline reference for scband-gcn-30365418782894 (READ-ONLY COPY).

The authoritative reference and input builder live on the scoring server;
editing this copy changes nothing except your own understanding.
"""

import jax, jax.numpy as jnp
import numpy as np

N = 10000
E = 320000
D_IN = 128
D_HID = 64


def gcn_conv(x, src, dst, W, b, num_nodes):
    # GCNConv (Kipf & Welling): out = D^{-1/2} (A + I) D^{-1/2} X W + b
    xw = x @ W
    loop = jnp.arange(num_nodes, dtype=src.dtype)
    s = jnp.concatenate([src, loop])
    d = jnp.concatenate([dst, loop])
    deg = jnp.zeros((num_nodes,), dtype=x.dtype).at[d].add(1.0)
    dinv = jnp.where(deg > 0, 1.0 / jnp.sqrt(deg), 0.0)
    norm = dinv[s] * dinv[d]
    msg = xw[s] * norm[:, None]
    out = jnp.zeros((num_nodes, W.shape[1]), dtype=x.dtype).at[d].add(msg)
    return out + b


def setup_inputs(seed: int = 0) -> dict:
    key = jax.random.key(seed)
    ks = jax.random.split(key, 6)
    x = jax.random.normal(ks[0], (N, D_IN), dtype=jnp.float32)
    edge_index = jax.random.randint(ks[1], (2, E), 0, N, dtype=jnp.int32)
    W1 = jax.random.normal(ks[2], (D_IN, D_HID), dtype=jnp.float32) * (1.0 / np.sqrt(D_IN))
    b1 = jnp.zeros((D_HID,), dtype=jnp.float32)
    W2 = jax.random.normal(ks[3], (D_HID, D_HID), dtype=jnp.float32) * (1.0 / np.sqrt(D_HID))
    b2 = jnp.zeros((D_HID,), dtype=jnp.float32)
    return {"x": x, "edge_index": edge_index, "W1": W1, "b1": b1, "W2": W2, "b2": b2}


def reference(x, edge_index, W1, b1, W2, b2):
    src = edge_index[0]
    dst = edge_index[1]
    h = jax.nn.relu(gcn_conv(x, src, dst, W1, b1, N))
    out = gcn_conv(h, src, dst, W2, b2, N)
    return out

if __name__ == "__main__":
    import jax
    _d = setup_inputs()
    print(jax.jit(kernel)(*tuple(_d.values())))

</pallas_src>

<mosaic_0001>
#map = affine_map<(d0, d1) -> (0, 0)>
#map1 = affine_map<(d0, d1) -> (0, 0, 0)>
module attributes {stable_mosaic.version = 14 : i64} {
  func.func @k(%arg0: i32, %arg1: i32, %arg2: memref<10000x64xf32, #tpu.memory_space<hbm>>, %arg3: memref<2x2560x128xi32, #tpu.memory_space<hbm>>, %arg4: memref<20000x128xf32, #tpu.memory_space<hbm>>, %arg5: memref<80x128xi32, #tpu.memory_space<vmem>>, %arg6: memref<80x128xi32, #tpu.memory_space<vmem>>, %arg7: memref<8x128x64xf32, #tpu.memory_space<vmem>>, %arg8: memref<10240x64xf32, #tpu.memory_space<vmem_shared>>, %arg9: memref<!tpu.dma_semaphore, #tpu.memory_space<semaphore_mem>>, %arg10: memref<!tpu.dma_semaphore, #tpu.memory_space<semaphore_mem>>, %arg11: memref<!tpu.dma_semaphore, #tpu.memory_space<semaphore_mem>>, %arg12: memref<!tpu.dma_semaphore, #tpu.memory_space<semaphore_mem>>) attributes {dimension_semantics = [#tpu.dimension_semantics<core_parallel>, #tpu.dimension_semantics<subcore_parallel>], iteration_bounds = array<i64: 2, 16>, scalar_prefetch = 0 : i64, scratch_operands = 8 : i64, tpu.core_type = #tpu.core_type<sc_vector_subcore>, window_params = [{transform_indices = #map}, {transform_indices = #map1}, {transform_indices = #map}]} {
    %mul3A = arith.constant 2 : i32
    %mul3A_0 = arith.muli %arg1, %mul3A : i32
    %add3A = arith.addi %mul3A_0, %arg0 : i32
    %mul3A_1 = arith.constant 640 : i32
    %mul3A_2 = arith.muli %arg1, %mul3A_1 : i32
    %mul3A_3 = arith.constant 80 : i32
    %mul3A_4 = arith.muli %add3A, %mul3A_3 : i32
    %dma_start3A = arith.constant 0 : i32
    %dma_start3A_5 = arith.constant 0 : i32
    %dma_start3A_6 = tpu.memref_slice %arg3[%dma_start3A, %mul3A_4, %dma_start3A_5] : memref<2x2560x128xi32, #tpu.memory_space<hbm>> -> memref<1x80x128xi32, #tpu.memory_space<hbm>>
    %dma_start3A_7 = tpu.memref_squeeze %dma_start3A_6 : memref<1x80x128xi32, #tpu.memory_space<hbm>> -> memref<80x128xi32, #tpu.memory_space<hbm>>
    %dma_start3A_8 = arith.constant 0 : i32
    %dma_start3A_9 = tpu.memref_slice %arg3[%dma_start3A, %mul3A_4, %dma_start3A_8] : memref<2x2560x128xi32, #tpu.memory_space<hbm>> -> memref<1x80x128xi32, #tpu.memory_space<hbm>>
    %dma_start3A_10 = tpu.memref_squeeze %dma_start3A_9 : memref<1x80x128xi32, #tpu.memory_space<hbm>> -> memref<80x128xi32, #tpu.memory_space<hbm>>
    tpu.enqueue_dma source(%dma_start3A_10 : memref<80x128xi32, #tpu.memory_space<hbm>>) target(%arg5 : memref<80x128xi32, #tpu.memory_space<vmem>>) target_semaphore(%arg10 : memref<!tpu.dma_semaphore, #tpu.memory_space<semaphore_mem>>)
    %mul3A_11 = arith.constant 80 : i32
    %mul3A_12 = arith.muli %add3A, %mul3A_11 : i32
    %dma_start3A_13 = arith.constant 1 : i32
    %dma_start3A_14 = arith.constant 0 : i32
    %dma_start3A_15 = tpu.memref_slice %arg3[%dma_start3A_13, %mul3A_12, %dma_start3A_14] : memref<2x2560x128xi32, #tpu.memory_space<hbm>> -> memref<1x80x128xi32, #tpu.memory_space<hbm>>
    %dma_start3A_16 = tpu.memref_squeeze %dma_start3A_15 : memref<1x80x128xi32, #tpu.memory_space<hbm>> -> memref<80x128xi32, #tpu.memory_space<hbm>>
    %dma_start3A_17 = arith.constant 0 : i32
    %dma_start3A_18 = tpu.memref_slice %arg3[%dma_start3A_13, %mul3A_12, %dma_start3A_17] : memref<2x2560x128xi32, #tpu.memory_space<hbm>> -> memref<1x80x128xi32, #tpu.memory_space<hbm>>
    %dma_start3A_19 = tpu.memref_squeeze %dma_start3A_18 : memref<1x80x128xi32, #tpu.memory_space<hbm>> -> memref<80x128xi32, #tpu.memory_space<hbm>>
    tpu.enqueue_dma source(%dma_start3A_19 : memref<80x128xi32, #tpu.memory_space<hbm>>) target(%arg6 : memref<80x128xi32, #tpu.memory_space<vmem>>) target_semaphore(%arg10 : memref<!tpu.dma_semaphore, #tpu.memory_space<semaphore_mem>>)
    %scan3A = arith.constant 0 : i32
    %scan3A_20 = arith.constant 0 : i32
    %scan3A_21 = arith.constant 0 : i32
    %scan3A_22 = arith.constant 512 : i32
    %scan3A_23 = arith.addi %scan3A_21, %scan3A_22 : i32
    %scan3A_24 = arith.constant 1 : i32
    scf.for %scan3A_240 = %scan3A_21 to %scan3A_23 step %scan3A_24  : i32 {
      %jit3A = arith.constant 4 : i32
      %div3A = arith.divsi %scan3A_240, %jit3A : i32
      %sign3A = arith.constant 0 : i32
      %sign3A_241 = arith.cmpi sgt, %scan3A_240, %sign3A : i32
      %sign3A_242 = arith.extui %sign3A_241 : i1 to i32
      %sign3A_243 = arith.constant 0 : i32
      %sign3A_244 = arith.cmpi slt, %scan3A_240, %sign3A_243 : i32
      %sign3A_245 = arith.extui %sign3A_244 : i1 to i32
      %sign3A_246 = arith.subi %sign3A_242, %sign3A_245 : i32
      %sign3A_247 = arith.constant 0 : i32
      %sign3A_248 = arith.cmpi sgt, %jit3A, %sign3A_247 : i32
      %sign3A_249 = arith.extui %sign3A_248 : i1 to i32
      %sign3A_250 = arith.constant 0 : i32
      %sign3A_251 = arith.cmpi slt, %jit3A, %sign3A_250 : i32
      %sign3A_252 = arith.extui %sign3A_251 : i1 to i32
      %sign3A_253 = arith.subi %sign3A_249, %sign3A_252 : i32
      %ne3A = arith.cmpi ne, %sign3A_246, %sign3A_253 : i32
      %rem3A = arith.remsi %scan3A_240, %jit3A : i32
      %ne3A_254 = arith.constant 0 : i32
      %ne3A_255 = arith.cmpi ne, %rem3A, %ne3A_254 : i32
      %and3A = arith.andi %ne3A, %ne3A_255 : i1
      %sub3A = arith.constant 1 : i32
      %sub3A_256 = arith.subi %div3A, %sub3A : i32
      %select_n3A = arith.select %and3A, %sub3A_256, %div3A : i32
      %jit3A_257 = arith.constant 4 : i32
      %eq3A_258 = arith.constant 0 : i32
      %eq3A_259 = arith.cmpi eq, %jit3A_257, %eq3A_258 : i32
      %jit3A_260 = arith.constant 1 : i32
      %select_n3A_261 = arith.select %eq3A_259, %jit3A_260, %jit3A_257 : i32
      %rem3A_262 = arith.remsi %scan3A_240, %select_n3A_261 : i32
      %ne3A_263 = arith.constant 0 : i32
      %ne3A_264 = arith.cmpi ne, %rem3A_262, %ne3A_263 : i32
      %lt3A_265 = arith.constant 0 : i32
      %lt3A_266 = arith.cmpi slt, %rem3A_262, %lt3A_265 : i32
      %lt3A_267 = arith.constant 0 : i32
      %lt3A_268 = arith.cmpi slt, %select_n3A_261, %lt3A_267 : i32
      %ne3A_269 = arith.xori %lt3A_266, %lt3A_268 : i1
      %and3A_270 = arith.andi %ne3A_269, %ne3A_264 : i1
      %add3A_271 = arith.addi %rem3A_262, %select_n3A_261 : i32
      %select_n3A_272 = arith.select %and3A_270, %add3A_271, %rem3A_262 : i32
      %mul3A_273 = arith.constant 16 : i32
      %mul3A_274 = arith.muli %select_n3A_272, %mul3A_273 : i32
      %broadcast_in_dim3A = arith.constant 0.000000e+00 : f32
      %broadcast_in_dim3A_275 = vector.broadcast %broadcast_in_dim3A : f32 to vector<16xf32>
      %swap3A = arith.constant 0 : i32
      %swap3A_276 = arith.constant 0 : i32
      %swap3A_277 = tpu.memref_slice %arg7[%scan3A_20, %swap3A, %swap3A_276] : memref<8x128x64xf32, #tpu.memory_space<vmem>> -> memref<1x128x64xf32, #tpu.memory_space<vmem>>
      %swap3A_278 = tpu.memref_squeeze %swap3A_277 : memref<1x128x64xf32, #tpu.memory_space<vmem>> -> memref<128x64xf32, #tpu.memory_space<vmem>>
      %swap3A_279 = arith.index_cast %select_n3A : i32 to index
      %swap3A_280 = arith.index_cast %mul3A_274 : i32 to index
      %swap3A_281 = tpu.vector_load %swap3A_278[%swap3A_279, %swap3A_280] {strides = array<i32>} : memref<128x64xf32, #tpu.memory_space<vmem>>, vector<1x16xf32>,
      %swap3A_282 = vector.shape_cast %swap3A_281 : vector<1x16xf32> to vector<16xf32>
      %swap3A_283 = vector.shape_cast %broadcast_in_dim3A_275 : vector<16xf32> to vector<1x16xf32>
      tpu.vector_store %swap3A_278[%swap3A_279, %swap3A_280], %swap3A_283 {strides = array<i32>} : memref<128x64xf32, #tpu.memory_space<vmem>>, vector<1x16xf32>,
    }
    %scan3A_25 = arith.constant 512 : i32
    %add3A_26 = arith.constant 0 : i32
    %add3A_27 = arith.addi %mul3A_2, %add3A_26 : i32
    %dma_start3A_28 = arith.constant 0 : i32
    %dma_start3A_29 = arith.constant 0 : i32
    %dma_start3A_30 = arith.constant 0 : i32
    %dma_start3A_31 = tpu.memref_slice %arg7[%dma_start3A_28, %dma_start3A_29, %dma_start3A_30] : memref<8x128x64xf32, #tpu.memory_space<vmem>> -> memref<1x128x64xf32, #tpu.memory_space<vmem>>
    %dma_start3A_32 = tpu.memref_squeeze %dma_start3A_31 : memref<1x128x64xf32, #tpu.memory_space<vmem>> -> memref<128x64xf32, #tpu.memory_space<vmem>>
    %dma_start3A_33 = arith.constant 0 : i32
    %dma_start3A_34 = tpu.memref_slice %arg8[%add3A_27, %dma_start3A_33] : memref<10240x64xf32, #tpu.memory_space<vmem_shared>> -> memref<128x64xf32, #tpu.memory_space<vmem_shared>>
    %dma_start3A_35 = arith.constant 0 : i32
    %dma_start3A_36 = tpu.memref_slice %arg8[%add3A_27, %dma_start3A_35] : memref<10240x64xf32, #tpu.memory_space<vmem_shared>> -> memref<128x64xf32, #tpu.memory_space<vmem_shared>>
    %dma_start3A_37 = arith.constant 0 : i32
    %dma_start3A_38 = arith.constant 0 : i32
    %dma_start3A_39 = tpu.memref_slice %arg7[%dma_start3A_28, %dma_start3A_37, %dma_start3A_38] : memref<8x128x64xf32, #tpu.memory_space<vmem>> -> memref<1x128x64xf32, #tpu.memory_space<vmem>>
    %dma_start3A_40 = tpu.memref_squeeze %dma_start3A_39 : memref<1x128x64xf32, #tpu.memory_space<vmem>> -> memref<128x64xf32, #tpu.memory_space<vmem>>
    tpu.enqueue_dma source(%dma_start3A_40 : memref<128x64xf32, #tpu.memory_space<vmem>>) target(%dma_start3A_36 : memref<128x64xf32, #tpu.memory_space<vmem_shared>>) target_semaphore(%arg11 : memref<!tpu.dma_semaphore, #tpu.memory_space<semaphore_mem>>)
    %add3A_41 = arith.constant 128 : i32
    %add3A_42 = arith.addi %mul3A_2, %add3A_41 : i32
    %dma_start3A_43 = arith.constant 0 : i32
    %dma_start3A_44 = arith.constant 0 : i32
    %dma_start3A_45 = arith.constant 0 : i32
    %dma_start3A_46 = tpu.memref_slice %arg7[%dma_start3A_43, %dma_start3A_44, %dma_start3A_45] : memref<8x128x64xf32, #tpu.memory_space<vmem>> -> memref<1x128x64xf32, #tpu.memory_space<vmem>>
    %dma_start3A_47 = tpu.memref_squeeze %dma_start3A_46 : memref<1x128x64xf32, #tpu.memory_space<vmem>> -> memref<128x64xf32, #tpu.memory_space<vmem>>
    %dma_start3A_48 = arith.constant 0 : i32
    %dma_start3A_49 = tpu.memref_slice %arg8[%add3A_42, %dma_start3A_48] : memref<10240x64xf32, #tpu.memory_space<vmem_shared>> -> memref<128x64xf32, #tpu.memory_space<vmem_shared>>
    %dma_start3A_50 = arith.constant 0 : i32
    %dma_start3A_51 = tpu.memref_slice %arg8[%add3A_42, %dma_start3A_50] : memref<10240x64xf32, #tpu.memory_space<vmem_shared>> -> memref<128x64xf32, #tpu.memory_space<vmem_shared>>
    %dma_start3A_52 = arith.constant 0 : i32
    %dma_start3A_53 = arith.constant 0 : i32
    %dma_start3A_54 = tpu.memref_slice %arg7[%dma_start3A_43, %dma_start3A_52, %dma_start3A_53] : memref<8x128x64xf32, #tpu.memory_space<vmem>> -> memref<1x128x64xf32, #tpu.memory_space<vmem>>
    %dma_start3A_55 = tpu.memref_squeeze %dma_start3A_54 : memref<1x128x64xf32, #tpu.memory_space<vmem>> -> memref<128x64xf32, #tpu.memory_space<vmem>>
    tpu.enqueue_dma source(%dma_start3A_55 : memref<128x64xf32, #tpu.memory_space<vmem>>) target(%dma_start3A_51 : memref<128x64xf32, #tpu.memory_space<vmem_shared>>) target_semaphore(%arg11 : memref<!tpu.dma_semaphore, #tpu.memory_space<semaphore_mem>>)
    %add3A_56 = arith.constant 256 : i32
    %add3A_57 = arith.addi %mul3A_2, %add3A_56 : i32
    %dma_start3A_58 = arith.constant 0 : i32
    %dma_start3A_59 = arith.constant 0 : i32
    %dma_start3A_60 = arith.constant 0 : i32
    %dma_start3A_61 = tpu.memref_slice %arg7[%dma_start3A_58, %dma_start3A_59, %dma_start3A_60] : memref<8x128x64xf32, #tpu.memory_space<vmem>> -> memref<1x128x64xf32, #tpu.memory_space<vmem>>
    %dma_start3A_62 = tpu.memref_squeeze %dma_start3A_61 : memref<1x128x64xf32, #tpu.memory_space<vmem>> -> memref<128x64xf32, #tpu.memory_space<vmem>>
    %dma_start3A_63 = arith.constant 0 : i32
    %dma_start3A_64 = tpu.memref_slice %arg8[%add3A_57, %dma_start3A_63] : memref<10240x64xf32, #tpu.memory_space<vmem_shared>> -> memref<128x64xf32, #tpu.memory_space<vmem_shared>>
    %dma_start3A_65 = arith.constant 0 : i32
    %dma_start3A_66 = tpu.memref_slice %arg8[%add3A_57, %dma_start3A_65] : memref<10240x64xf32, #tpu.memory_space<vmem_shared>> -> memref<128x64xf32, #tpu.memory_space<vmem_shared>>
    %dma_start3A_67 = arith.constant 0 : i32
    %dma_start3A_68 = arith.constant 0 : i32
    %dma_start3A_69 = tpu.memref_slice %arg7[%dma_start3A_58, %dma_start3A_67, %dma_start3A_68] : memref<8x128x64xf32, #tpu.memory_space<vmem>> -> memref<1x128x64xf32, #tpu.memory_space<vmem>>
    %dma_start3A_70 = tpu.memref_squeeze %dma_start3A_69 : memref<1x128x64xf32, #tpu.memory_space<vmem>> -> memref<128x64xf32, #tpu.memory_space<vmem>>
    tpu.enqueue_dma source(%dma_start3A_70 : memref<128x64xf32, #tpu.memory_space<vmem>>) target(%dma_start3A_66 : memref<128x64xf32, #tpu.memory_space<vmem_shared>>) target_semaphore(%arg11 : memref<!tpu.dma_semaphore, #tpu.memory_space<semaphore_mem>>)
    %add3A_71 = arith.constant 384 : i32
    %add3A_72 = arith.addi %mul3A_2, %add3A_71 : i32
    %dma_start3A_73 = arith.constant 0 : i32
    %dma_start3A_74 = arith.constant 0 : i32
    %dma_start3A_75 = arith.constant 0 : i32
    %dma_start3A_76 = tpu.memref_slice %arg7[%dma_start3A_73, %dma_start3A_74, %dma_start3A_75] : memref<8x128x64xf32, #tpu.memory_space<vmem>> -> memref<1x128x64xf32, #tpu.memory_space<vmem>>
    %dma_start3A_77 = tpu.memref_squeeze %dma_start3A_76 : memref<1x128x64xf32, #tpu.memory_space<vmem>> -> memref<128x64xf32, #tpu.memory_space<vmem>>
    %dma_start3A_78 = arith.constant 0 : i32
    %dma_start3A_79 = tpu.memref_slice %arg8[%add3A_72, %dma_start3A_78] : memref<10240x64xf32, #tpu.memory_space<vmem_shared>> -> memref<128x64xf32, #tpu.memory_space<vmem_shared>>
    %dma_start3A_80 = arith.constant 0 : i32
    %dma_start3A_81 = tpu.memref_slice %arg8[%add3A_72, %dma_start3A_80] : memref<10240x64xf32, #tpu.memory_space<vmem_shared>> -> memref<128x64xf32, #tpu.memory_space<vmem_shared>>
    %dma_start3A_82 = arith.constant 0 : i32
    %dma_start3A_83 = arith.constant 0 : i32
    %dma_start3A_84 = tpu.memref_slice %arg7[%dma_start3A_73, %dma_start3A_82, %dma_start3A_83] : memref<8x128x64xf32, #tpu.memory_space<vmem>> -> memref<1x128x64xf32, #tpu.memory_space<vmem>>
    %dma_start3A_85 = tpu.memref_squeeze %dma_start3A_84 : memref<1x128x64xf32, #tpu.memory_space<vmem>> -> memref<128x64xf32, #tpu.memory_space<vmem>>
    tpu.enqueue_dma source(%dma_start3A_85 : memref<128x64xf32, #tpu.memory_space<vmem>>) target(%dma_start3A_81 : memref<128x64xf32, #tpu.memory_space<vmem_shared>>) target_semaphore(%arg11 : memref<!tpu.dma_semaphore, #tpu.memory_space<semaphore_mem>>)
    %add3A_86 = arith.constant 512 : i32
    %add3A_87 = arith.addi %mul3A_2, %add3A_86 : i32
    %dma_start3A_88 = arith.constant 0 : i32
    %dma_start3A_89 = arith.constant 0 : i32
    %dma_start3A_90 = arith.constant 0 : i32
    %dma_start3A_91 = tpu.memref_slice %arg7[%dma_start3A_88, %dma_start3A_89, %dma_start3A_90] : memref<8x128x64xf32, #tpu.memory_space<vmem>> -> memref<1x128x64xf32, #tpu.memory_space<vmem>>
    %dma_start3A_92 = tpu.memref_squeeze %dma_start3A_91 : memref<1x128x64xf32, #tpu.memory_space<vmem>> -> memref<128x64xf32, #tpu.memory_space<vmem>>
    %dma_start3A_93 = arith.constant 0 : i32
    %dma_start3A_94 = tpu.memref_slice %arg8[%add3A_87, %dma_start3A_93] : memref<10240x64xf32, #tpu.memory_space<vmem_shared>> -> memref<128x64xf32, #tpu.memory_space<vmem_shared>>
    %dma_start3A_95 = arith.constant 0 : i32
    %dma_start3A_96 = tpu.memref_slice %arg8[%add3A_87, %dma_start3A_95] : memref<10240x64xf32, #tpu.memory_space<vmem_shared>> -> memref<128x64xf32, #tpu.memory_space<vmem_shared>>
    %dma_start3A_97 = arith.constant 0 : i32
    %dma_start3A_98 = arith.constant 0 : i32
    %dma_start3A_99 = tpu.memref_slice %arg7[%dma_start3A_88, %dma_start3A_97, %dma_start3A_98] : memref<8x128x64xf32, #tpu.memory_space<vmem>> -> memref<1x128x64xf32, #tpu.memory_space<vmem>>
    %dma_start3A_100 = tpu.memref_squeeze %dma_start3A_99 : memref<1x128x64xf32, #tpu.memory_space<vmem>> -> memref<128x64xf32, #tpu.memory_space<vmem>>
    tpu.enqueue_dma source(%dma_start3A_100 : memref<128x64xf32, #tpu.memory_space<vmem>>) target(%dma_start3A_96 : memref<128x64xf32, #tpu.memory_space<vmem_shared>>) target_semaphore(%arg11 : memref<!tpu.dma_semaphore, #tpu.memory_space<semaphore_mem>>)
    %dma_wait3A = arith.constant 0 : i32
    %dma_wait3A_101 = arith.constant 0 : i32
    %dma_wait3A_102 = arith.constant 0 : i32
    %dma_wait3A_103 = tpu.memref_slice %arg7[%dma_wait3A, %dma_wait3A_101, %dma_wait3A_102] : memref<8x128x64xf32, #tpu.memory_space<vmem>> -> memref<1x128x64xf32, #tpu.memory_space<vmem>>
    %dma_wait3A_104 = tpu.memref_squeeze %dma_wait3A_103 : memref<1x128x64xf32, #tpu.memory_space<vmem>> -> memref<128x64xf32, #tpu.memory_space<vmem>>
    %dma_wait3A_105 = arith.constant 0 : i32
    %dma_wait3A_106 = tpu.memref_slice %arg8[%add3A_27, %dma_wait3A_105] : memref<10240x64xf32, #tpu.memory_space<vmem_shared>> -> memref<128x64xf32, #tpu.memory_space<vmem_shared>>
    %dma_wait3A_107 = arith.constant 0 : i32
    %dma_wait3A_108 = tpu.memref_slice %arg8[%add3A_27, %dma_wait3A_107] : memref<10240x64xf32, #tpu.memory_space<vmem_shared>> -> memref<128x64xf32, #tpu.memory_space<vmem_shared>>
    %dma_wait3A_109 = arith.constant 0 : i32
    %dma_wait3A_110 = arith.constant 0 : i32
    %dma_wait3A_111 = tpu.memref_slice %arg7[%dma_wait3A, %dma_wait3A_109, %dma_wait3A_110] : memref<8x128x64xf32, #tpu.memory_space<vmem>> -> memref<1x128x64xf32, #tpu.memory_space<vmem>>
    %dma_wait3A_112 = tpu.memref_squeeze %dma_wait3A_111 : memref<1x128x64xf32, #tpu.memory_space<vmem>> -> memref<128x64xf32, #tpu.memory_space<vmem>>
    tpu.wait_dma2 semaphore(%arg11 : memref<!tpu.dma_semaphore, #tpu.memory_space<semaphore_mem>>) src(%dma_wait3A_112 : memref<128x64xf32, #tpu.memory_space<vmem>>) dst(%dma_wait3A_108 : memref<128x64xf32, #tpu.memory_space<vmem_shared>>)
    %dma_wait3A_113 = arith.constant 0 : i32
    %dma_wait3A_114 = arith.constant 0 : i32
    %dma_wait3A_115 = arith.constant 0 : i32
    %dma_wait3A_116 = tpu.memref_slice %arg7[%dma_wait3A_113, %dma_wait3A_114, %dma_wait3A_115] : memref<8x128x64xf32, #tpu.memory_space<vmem>> -> memref<1x128x64xf32, #tpu.memory_space<vmem>>
    %dma_wait3A_117 = tpu.memref_squeeze %dma_wait3A_116 : memref<1x128x64xf32, #tpu.memory_space<vmem>> -> memref<128x64xf32, #tpu.memory_space<vmem>>
    %dma_wait3A_118 = arith.constant 0 : i32
    %dma_wait3A_119 = tpu.memref_slice %arg8[%add3A_42, %dma_wait3A_118] : memref<10240x64xf32, #tpu.memory_space<vmem_shared>> -> memref<128x64xf32, #tpu.memory_space<vmem_shared>>
    %dma_wait3A_120 = arith.constant 0 : i32
    %dma_wait3A_121 = tpu.memref_slice %arg8[%add3A_42, %dma_wait3A_120] : memref<10240x64xf32, #tpu.memory_space<vmem_shared>> -> memref<128x64xf32, #tpu.memory_space<vmem_shared>>
    %dma_wait3A_122 = arith.constant 0 : i32
    %dma_wait3A_123 = arith.constant 0 : i32
    %dma_wait3A_124 = tpu.memref_slice %arg7[%dma_wait3A_113, %dma_wait3A_122, %dma_wait3A_123] : memref<8x128x64xf32, #tpu.memory_space<vmem>> -> memref<1x128x64xf32, #tpu.memory_space<vmem>>
    %dma_wait3A_125 = tpu.memref_squeeze %dma_wait3A_124 : memref<1x128x64xf32, #tpu.memory_space<vmem>> -> memref<128x64xf32, #tpu.memory_space<vmem>>
    tpu.wait_dma2 semaphore(%arg11 : memref<!tpu.dma_semaphore, #tpu.memory_space<semaphore_mem>>) src(%dma_wait3A_125 : memref<128x64xf32, #tpu.memory_space<vmem>>) dst(%dma_wait3A_121 : memref<128x64xf32, #tpu.memory_space<vmem_shared>>)
    %dma_wait3A_126 = arith.constant 0 : i32
    %dma_wait3A_127 = arith.constant 0 : i32
    %dma_wait3A_128 = arith.constant 0 : i32
    %dma_wait3A_129 = tpu.memref_slice %arg7[%dma_wait3A_126, %dma_wait3A_127, %dma_wait3A_128] : memref<8x128x64xf32, #tpu.memory_space<vmem>> -> memref<1x128x64xf32, #tpu.memory_space<vmem>>
    %dma_wait3A_130 = tpu.memref_squeeze %dma_wait3A_129 : memref<1x128x64xf32, #tpu.memory_space<vmem>> -> memref<128x64xf32, #tpu.memory_space<vmem>>
    %dma_wait3A_131 = arith.constant 0 : i32
    %dma_wait3A_132 = tpu.memref_slice %arg8[%add3A_57, %dma_wait3A_131] : memref<10240x64xf32, #tpu.memory_space<vmem_shared>> -> memref<128x64xf32, #tpu.memory_space<vmem_shared>>
    %dma_wait3A_133 = arith.constant 0 : i32
    %dma_wait3A_134 = tpu.memref_slice %arg8[%add3A_57, %dma_wait3A_133] : memref<10240x64xf32, #tpu.memory_space<vmem_shared>> -> memref<128x64xf32, #tpu.memory_space<vmem_shared>>
    %dma_wait3A_135 = arith.constant 0 : i32
    %dma_wait3A_136 = arith.constant 0 : i32
    %dma_wait3A_137 = tpu.memref_slice %arg7[%dma_wait3A_126, %dma_wait3A_135, %dma_wait3A_136] : memref<8x128x64xf32, #tpu.memory_space<vmem>> -> memref<1x128x64xf32, #tpu.memory_space<vmem>>
    %dma_wait3A_138 = tpu.memref_squeeze %dma_wait3A_137 : memref<1x128x64xf32, #tpu.memory_space<vmem>> -> memref<128x64xf32, #tpu.memory_space<vmem>>
    tpu.wait_dma2 semaphore(%arg11 : memref<!tpu.dma_semaphore, #tpu.memory_space<semaphore_mem>>) src(%dma_wait3A_138 : memref<128x64xf32, #tpu.memory_space<vmem>>) dst(%dma_wait3A_134 : memref<128x64xf32, #tpu.memory_space<vmem_shared>>)
    %dma_wait3A_139 = arith.constant 0 : i32
    %dma_wait3A_140 = arith.constant 0 : i32
    %dma_wait3A_141 = arith.constant 0 : i32
    %dma_wait3A_142 = tpu.memref_slice %arg7[%dma_wait3A_139, %dma_wait3A_140, %dma_wait3A_141] : memref<8x128x64xf32, #tpu.memory_space<vmem>> -> memref<1x128x64xf32, #tpu.memory_space<vmem>>
    %dma_wait3A_143 = tpu.memref_squeeze %dma_wait3A_142 : memref<1x128x64xf32, #tpu.memory_space<vmem>> -> memref<128x64xf32, #tpu.memory_space<vmem>>
    %dma_wait3A_144 = arith.constant 0 : i32
    %dma_wait3A_145 = tpu.memref_slice %arg8[%add3A_72, %dma_wait3A_144] : memref<10240x64xf32, #tpu.memory_space<vmem_shared>> -> memref<128x64xf32, #tpu.memory_space<vmem_shared>>
    %dma_wait3A_146 = arith.constant 0 : i32
    %dma_wait3A_147 = tpu.memref_slice %arg8[%add3A_72, %dma_wait3A_146] : memref<10240x64xf32, #tpu.memory_space<vmem_shared>> -> memref<128x64xf32, #tpu.memory_space<vmem_shared>>
    %dma_wait3A_148 = arith.constant 0 : i32
    %dma_wait3A_149 = arith.constant 0 : i32
    %dma_wait3A_150 = tpu.memref_slice %arg7[%dma_wait3A_139, %dma_wait3A_148, %dma_wait3A_149] : memref<8x128x64xf32, #tpu.memory_space<vmem>> -> memref<1x128x64xf32, #tpu.memory_space<vmem>>
    %dma_wait3A_151 = tpu.memref_squeeze %dma_wait3A_150 : memref<1x128x64xf32, #tpu.memory_space<vmem>> -> memref<128x64xf32, #tpu.memory_space<vmem>>
    tpu.wait_dma2 semaphore(%arg11 : memref<!tpu.dma_semaphore, #tpu.memory_space<semaphore_mem>>) src(%dma_wait3A_151 : memref<128x64xf32, #tpu.memory_space<vmem>>) dst(%dma_wait3A_147 : memref<128x64xf32, #tpu.memory_space<vmem_shared>>)
    %dma_wait3A_152 = arith.constant 0 : i32
    %dma_wait3A_153 = arith.constant 0 : i32
    %dma_wait3A_154 = arith.constant 0 : i32
    %dma_wait3A_155 = tpu.memref_slice %arg7[%dma_wait3A_152, %dma_wait3A_153, %dma_wait3A_154] : memref<8x128x64xf32, #tpu.memory_space<vmem>> -> memref<1x128x64xf32, #tpu.memory_space<vmem>>
    %dma_wait3A_156 = tpu.memref_squeeze %dma_wait3A_155 : memref<1x128x64xf32, #tpu.memory_space<vmem>> -> memref<128x64xf32, #tpu.memory_space<vmem>>
    %dma_wait3A_157 = arith.constant 0 : i32
    %dma_wait3A_158 = tpu.memref_slice %arg8[%add3A_87, %dma_wait3A_157] : memref<10240x64xf32, #tpu.memory_space<vmem_shared>> -> memref<128x64xf32, #tpu.memory_space<vmem_shared>>
    %dma_wait3A_159 = arith.constant 0 : i32
    %dma_wait3A_160 = tpu.memref_slice %arg8[%add3A_87, %dma_wait3A_159] : memref<10240x64xf32, #tpu.memory_space<vmem_shared>> -> memref<128x64xf32, #tpu.memory_space<vmem_shared>>
    %dma_wait3A_161 = arith.constant 0 : i32
    %dma_wait3A_162 = arith.constant 0 : i32
    %dma_wait3A_163 = tpu.memref_slice %arg7[%dma_wait3A_152, %dma_wait3A_161, %dma_wait3A_162] : memref<8x128x64xf32, #tpu.memory_space<vmem>> -> memref<1x128x64xf32, #tpu.memory_space<vmem>>
    %dma_wait3A_164 = tpu.memref_squeeze %dma_wait3A_163 : memref<1x128x64xf32, #tpu.memory_space<vmem>> -> memref<128x64xf32, #tpu.memory_space<vmem>>
    tpu.wait_dma2 semaphore(%arg11 : memref<!tpu.dma_semaphore, #tpu.memory_space<semaphore_mem>>) src(%dma_wait3A_164 : memref<128x64xf32, #tpu.memory_space<vmem>>) dst(%dma_wait3A_160 : memref<128x64xf32, #tpu.memory_space<vmem_shared>>)
    %dma_wait3A_165 = arith.constant 0 : i32
    %dma_wait3A_166 = arith.constant 0 : i32
    %dma_wait3A_167 = tpu.memref_slice %arg3[%dma_wait3A_165, %mul3A_4, %dma_wait3A_166] : memref<2x2560x128xi32, #tpu.memory_space<hbm>> -> memref<1x80x128xi32, #tpu.memory_space<hbm>>
    %dma_wait3A_168 = tpu.memref_squeeze %dma_wait3A_167 : memref<1x80x128xi32, #tpu.memory_space<hbm>> -> memref<80x128xi32, #tpu.memory_space<hbm>>
    %dma_wait3A_169 = arith.constant 0 : i32
    %dma_wait3A_170 = tpu.memref_slice %arg3[%dma_wait3A_165, %mul3A_4, %dma_wait3A_169] : memref<2x2560x128xi32, #tpu.memory_space<hbm>> -> memref<1x80x128xi32, #tpu.memory_space<hbm>>
    %dma_wait3A_171 = tpu.memref_squeeze %dma_wait3A_170 : memref<1x80x128xi32, #tpu.memory_space<hbm>> -> memref<80x128xi32, #tpu.memory_space<hbm>>
    tpu.wait_dma2 semaphore(%arg10 : memref<!tpu.dma_semaphore, #tpu.memory_space<semaphore_mem>>) src(%dma_wait3A_171 : memref<80x128xi32, #tpu.memory_space<hbm>>) dst(%arg5 : memref<80x128xi32, #tpu.memory_space<vmem>>)
    %dma_wait3A_172 = arith.constant 1 : i32
    %dma_wait3A_173 = arith.constant 0 : i32
    %dma_wait3A_174 = tpu.memref_slice %arg3[%dma_wait3A_172, %mul3A_12, %dma_wait3A_173] : memref<2x2560x128xi32, #tpu.memory_space<hbm>> -> memref<1x80x128xi32, #tpu.memory_space<hbm>>
    %dma_wait3A_175 = tpu.memref_squeeze %dma_wait3A_174 : memref<1x80x128xi32, #tpu.memory_space<hbm>> -> memref<80x128xi32, #tpu.memory_space<hbm>>
    %dma_wait3A_176 = arith.constant 0 : i32
    %dma_wait3A_177 = tpu.memref_slice %arg3[%dma_wait3A_172, %mul3A_12, %dma_wait3A_176] : memref<2x2560x128xi32, #tpu.memory_space<hbm>> -> memref<1x80x128xi32, #tpu.memory_space<hbm>>
    %dma_wait3A_178 = tpu.memref_squeeze %dma_wait3A_177 : memref<1x80x128xi32, #tpu.memory_space<hbm>> -> memref<80x128xi32, #tpu.memory_space<hbm>>
    tpu.wait_dma2 semaphore(%arg10 : memref<!tpu.dma_semaphore, #tpu.memory_space<semaphore_mem>>) src(%dma_wait3A_178 : memref<80x128xi32, #tpu.memory_space<hbm>>) dst(%arg6 : memref<80x128xi32, #tpu.memory_space<vmem>>)
    %barrier3A = arith.constant 0 : index
    tpu.barrier barrier_id(%barrier3A)
    %dma_start3A_179 = arith.constant 0 : i32
    %dma_start3A_180 = arith.constant 0 : i32
    %dma_start3A_181 = arith.constant 0 : i32
    %dma_start3A_182 = arith.constant 0 : i32
    %dma_start3A_183 = tpu.memref_slice %arg7[%dma_start3A_180, %dma_start3A_181, %dma_start3A_182] : memref<8x128x64xf32, #tpu.memory_space<vmem>> -> memref<1x128x64xf32, #tpu.memory_space<vmem>>
    %dma_start3A_184 = tpu.memref_squeeze %dma_start3A_183 : memref<1x128x64xf32, #tpu.memory_space<vmem>> -> memref<128x64xf32, #tpu.memory_space<vmem>>
    %dma_start3A_185 = arith.constant 0 : i32
    %dma_start3A_186 = tpu.memref_slice %arg5[%dma_start3A_179, %dma_start3A_185] : memref<80x128xi32, #tpu.memory_space<vmem>> -> memref<1x128xi32, #tpu.memory_space<vmem>>
    %dma_start3A_187 = tpu.memref_squeeze %dma_start3A_186 : memref<1x128xi32, #tpu.memory_space<vmem>> -> memref<128xi32, #tpu.memory_space<vmem>>
    %dma_start3A_188 = arith.constant 0 : i32
    %dma_start3A_189 = arith.constant 0 : i32
    %dma_start3A_190 = tpu.memref_slice %arg2[%dma_start3A_188, %dma_start3A_189] : memref<10000x64xf32, #tpu.memory_space<hbm>> -> memref<10000x64xf32, #tpu.memory_space<hbm>>
    tpu.enqueue_indirect_dma source(%dma_start3A_190 : memref<10000x64xf32, #tpu.memory_space<hbm>>) target(%dma_start3A_184 : memref<128x64xf32, #tpu.memory_space<vmem>>) offsets(%dma_start3A_187 : memref<128xi32, #tpu.memory_space<vmem>>) semaphore(%arg9 : memref<!tpu.dma_semaphore, #tpu.memory_space<semaphore_mem>>)
    %dma_start3A_191 = arith.constant 1 : i32
    %dma_start3A_192 = arith.constant 1 : i32
    %dma_start3A_193 = arith.constant 0 : i32
    %dma_start3A_194 = arith.constant 0 : i32
    %dma_start3A_195 = tpu.memref_slice %arg7[%dma_start3A_192, %dma_start3A_193, %dma_start3A_194] : memref<8x128x64xf32, #tpu.memory_space<vmem>> -> memref<1x128x64xf32, #tpu.memory_space<vmem>>
    %dma_start3A_196 = tpu.memref_squeeze %dma_start3A_195 : memref<1x128x64xf32, #tpu.memory_space<vmem>> -> memref<128x64xf32, #tpu.memory_space<vmem>>
    %dma_start3A_197 = arith.constant 0 : i32
    %dma_start3A_198 = tpu.memref_slice %arg5[%dma_start3A_191, %dma_start3A_197] : memref<80x128xi32, #tpu.memory_space<vmem>> -> memref<1x128xi32, #tpu.memory_space<vmem>>
    %dma_start3A_199 = tpu.memref_squeeze %dma_start3A_198 : memref<1x128xi32, #tpu.memory_space<vmem>> -> memref<128xi32, #tpu.memory_space<vmem>>
    %dma_start3A_200 = arith.constant 0 : i32
    %dma_start3A_201 = arith.constant 0 : i32
    %dma_start3A_202 = tpu.memref_slice %arg2[%dma_start3A_200, %dma_start3A_201] : memref<10000x64xf32, #tpu.memory_space<hbm>> -> memref<10000x64xf32, #tpu.memory_space<hbm>>
    tpu.enqueue_indirect_dma source(%dma_start3A_202 : memref<10000x64xf32, #tpu.memory_space<hbm>>) target(%dma_start3A_196 : memref<128x64xf32, #tpu.memory_space<vmem>>) offsets(%dma_start3A_199 : memref<128xi32, #tpu.memory_space<vmem>>) semaphore(%arg9 : memref<!tpu.dma_semaphore, #tpu.memory_space<semaphore_mem>>)
    %dma_start3A_203 = arith.constant 2 : i32
    %dma_start3A_204 = arith.constant 2 : i32
    %dma_start3A_205 = arith.constant 0 : i32
    %dma_start3A_206 = arith.constant 0 : i32
    %dma_start3A_207 = tpu.memref_slice %arg7[%dma_start3A_204, %dma_start3A_205, %dma_start3A_206] : memref<8x128x64xf32, #tpu.memory_space<vmem>> -> memref<1x128x64xf32, #tpu.memory_space<vmem>>
    %dma_start3A_208 = tpu.memref_squeeze %dma_start3A_207 : memref<1x128x64xf32, #tpu.memory_space<vmem>> -> memref<128x64xf32, #tpu.memory_space<vmem>>
    %dma_start3A_209 = arith.constant 0 : i32
    %dma_start3A_210 = tpu.memref_slice %arg5[%dma_start3A_203, %dma_start3A_209] : memref<80x128xi32, #tpu.memory_space<vmem>> -> memref<1x128xi32, #tpu.memory_space<vmem>>
    %dma_start3A_211 = tpu.memref_squeeze %dma_start3A_210 : memref<1x128xi32, #tpu.memory_space<vmem>> -> memref<128xi32, #tpu.memory_space<vmem>>
    %dma_start3A_212 = arith.constant 0 : i32
    %dma_start3A_213 = arith.constant 0 : i32
    %dma_start3A_214 = tpu.memref_slice %arg2[%dma_start3A_212, %dma_start3A_213] : memref<10000x64xf32, #tpu.memory_space<hbm>> -> memref<10000x64xf32, #tpu.memory_space<hbm>>
    tpu.enqueue_indirect_dma source(%dma_start3A_214 : memref<10000x64xf32, #tpu.memory_space<hbm>>) target(%dma_start3A_208 : memref<128x64xf32, #tpu.memory_space<vmem>>) offsets(%dma_start3A_211 : memref<128xi32, #tpu.memory_space<vmem>>) semaphore(%arg9 : memref<!tpu.dma_semaphore, #tpu.memory_space<semaphore_mem>>)
    %dma_start3A_215 = arith.constant 3 : i32
    %dma_start3A_216 = arith.constant 3 : i32
    %dma_start3A_217 = arith.constant 0 : i32
    %dma_start3A_218 = arith.constant 0 : i32
    %dma_start3A_219 = tpu.memref_slice %arg7[%dma_start3A_216, %dma_start3A_217, %dma_start3A_218] : memref<8x128x64xf32, #tpu.memory_space<vmem>> -> memref<1x128x64xf32, #tpu.memory_space<vmem>>
    %dma_start3A_220 = tpu.memref_squeeze %dma_start3A_219 : memref<1x128x64xf32, #tpu.memory_space<vmem>> -> memref<128x64xf32, #tpu.memory_space<vmem>>
    %dma_start3A_221 = arith.constant 0 : i32
    %dma_start3A_222 = tpu.memref_slice %arg5[%dma_start3A_215, %dma_start3A_221] : memref<80x128xi32, #tpu.memory_space<vmem>> -> memref<1x128xi32, #tpu.memory_space<vmem>>
    %dma_start3A_223 = tpu.memref_squeeze %dma_start3A_222 : memref<1x128xi32, #tpu.memory_space<vmem>> -> memref<128xi32, #tpu.memory_space<vmem>>
    %dma_start3A_224 = arith.constant 0 : i32
    %dma_start3A_225 = arith.constant 0 : i32
    %dma_start3A_226 = tpu.memref_slice %arg2[%dma_start3A_224, %dma_start3A_225] : memref<10000x64xf32, #tpu.memory_space<hbm>> -> memref<10000x64xf32, #tpu.memory_space<hbm>>
    tpu.enqueue_indirect_dma source(%dma_start3A_226 : memref<10000x64xf32, #tpu.memory_space<hbm>>) target(%dma_start3A_220 : memref<128x64xf32, #tpu.memory_space<vmem>>) offsets(%dma_start3A_223 : memref<128xi32, #tpu.memory_space<vmem>>) semaphore(%arg9 : memref<!tpu.dma_semaphore, #tpu.memory_space<semaphore_mem>>)
    %scan3A_227 = arith.constant 0 : i32
    %scan3A_228 = arith.constant 0 : i32
    %scan3A_229 = arith.constant 10 : i32
    %scan3A_230 = arith.addi %scan3A_228, %scan3A_229 : i32
    %scan3A_231 = arith.constant 1 : i32
    scf.for %scan3A_240 = %scan3A_228 to %scan3A_230 step %scan3A_231  : i32 {
      %mul3A_241 = arith.constant 2 : i32
      %mul3A_242 = arith.muli %scan3A_240, %mul3A_241 : i32
      %mul3A_243 = arith.constant 4 : i32
      %mul3A_244 = arith.muli %mul3A_242, %mul3A_243 : i32
      %add3A_245 = arith.constant 4 : i32
      %add3A_246 = arith.addi %mul3A_244, %add3A_245 : i32
      %add3A_247 = arith.constant 0 : i32
      %add3A_248 = arith.addi %mul3A_244, %add3A_247 : i32
      %dma_wait3A_249 = arith.constant 0 : i32
      %dma_wait3A_250 = arith.constant 0 : i32
      %dma_wait3A_251 = arith.constant 0 : i32
      %dma_wait3A_252 = tpu.memref_slice %arg7[%dma_wait3A_249, %dma_wait3A_250, %dma_wait3A_251] : memref<8x128x64xf32, #tpu.memory_space<vmem>> -> memref<1x128x64xf32, #tpu.memory_space<vmem>>
      %dma_wait3A_253 = tpu.memref_squeeze %dma_wait3A_252 : memref<1x128x64xf32, #tpu.memory_space<vmem>> -> memref<128x64xf32, #tpu.memory_space<vmem>>
      %dma_wait3A_254 = arith.constant 0 : i32
      %dma_wait3A_255 = tpu.memref_slice %arg5[%add3A_248, %dma_wait3A_254] : memref<80x128xi32, #tpu.memory_space<vmem>> -> memref<1x128xi32, #tpu.memory_space<vmem>>
      %dma_wait3A_256 = tpu.memref_squeeze %dma_wait3A_255 : memref<1x128xi32, #tpu.memory_space<vmem>> -> memref<128xi32, #tpu.memory_space<vmem>>
      %dma_wait3A_257 = arith.constant 0 : i32
      %dma_wait3A_258 = arith.constant 0 : i32
      %dma_wait3A_259 = tpu.memref_slice %arg2[%dma_wait3A_257, %dma_wait3A_258] : memref<10000x64xf32, #tpu.memory_space<hbm>> -> memref<10000x64xf32, #tpu.memory_space<hbm>>
      tpu.wait_indirect_dma semaphore(%arg9 : memref<!tpu.dma_semaphore, #tpu.memory_space<semaphore_mem>>) src(%dma_wait3A_259 : memref<10000x64xf32, #tpu.memory_space<hbm>>) dst(%dma_wait3A_253 : memref<128x64xf32, #tpu.memory_space<vmem>>)
      %add3A_260 = arith.constant 1 : i32
      %add3A_261 = arith.addi %mul3A_244, %add3A_260 : i32
      %dma_wait3A_262 = arith.constant 1 : i32
      %dma_wait3A_263 = arith.constant 0 : i32
      %dma_wait3A_264 = arith.constant 0 : i32
      %dma_wait3A_265 = tpu.memref_slice %arg7[%dma_wait3A_262, %dma_wait3A_263, %dma_wait3A_264] : memref<8x128x64xf32, #tpu.memory_space<vmem>> -> memref<1x128x64xf32, #tpu.memory_space<vmem>>
      %dma_wait3A_266 = tpu.memref_squeeze %dma_wait3A_265 : memref<1x128x64xf32, #tpu.memory_space<vmem>> -> memref<128x64xf32, #tpu.memory_space<vmem>>
      %dma_wait3A_267 = arith.constant 0 : i32
      %dma_wait3A_268 = tpu.memref_slice %arg5[%add3A_261, %dma_wait3A_267] : memref<80x128xi32, #tpu.memory_space<vmem>> -> memref<1x128xi32, #tpu.memory_space<vmem>>
      %dma_wait3A_269 = tpu.memref_squeeze %dma_wait3A_268 : memref<1x128xi32, #tpu.memory_space<vmem>> -> memref<128xi32, #tpu.memory_space<vmem>>
      %dma_wait3A_270 = arith.constant 0 : i32
      %dma_wait3A_271 = arith.constant 0 : i32
      %dma_wait3A_272 = tpu.memref_slice %arg2[%dma_wait3A_270, %dma_wait3A_271] : memref<10000x64xf32, #tpu.memory_space<hbm>> -> memref<10000x64xf32, #tpu.memory_space<hbm>>
      tpu.wait_indirect_dma semaphore(%arg9 : memref<!tpu.dma_semaphore, #tpu.memory_space<semaphore_mem>>) src(%dma_wait3A_272 : memref<10000x64xf32, #tpu.memory_space<hbm>>) dst(%dma_wait3A_266 : memref<128x64xf32, #tpu.memory_space<vmem>>)
      %add3A_273 = arith.constant 2 : i32
      %add3A_274 = arith.addi %mul3A_244, %add3A_273 : i32
      %dma_wait3A_275 = arith.constant 2 : i32
      %dma_wait3A_276 = arith.constant 0 : i32
      %dma_wait3A_277 = arith.constant 0 : i32
      %dma_wait3A_278 = tpu.memref_slice %arg7[%dma_wait3A_275, %dma_wait3A_276, %dma_wait3A_277] : memref<8x128x64xf32, #tpu.memory_space<vmem>> -> memref<1x128x64xf32, #tpu.memory_space<vmem>>
      %dma_wait3A_279 = tpu.memref_squeeze %dma_wait3A_278 : memref<1x128x64xf32, #tpu.memory_space<vmem>> -> memref<128x64xf32, #tpu.memory_space<vmem>>
      %dma_wait3A_280 = arith.constant 0 : i32
      %dma_wait3A_281 = tpu.memref_slice %arg5[%add3A_274, %dma_wait3A_280] : memref<80x128xi32, #tpu.memory_space<vmem>> -> memref<1x128xi32, #tpu.memory_space<vmem>>
      %dma_wait3A_282 = tpu.memref_squeeze %dma_wait3A_281 : memref<1x128xi32, #tpu.memory_space<vmem>> -> memref<128xi32, #tpu.memory_space<vmem>>
      %dma_wait3A_283 = arith.constant 0 : i32
      %dma_wait3A_284 = arith.constant 0 : i32
      %dma_wait3A_285 = tpu.memref_slice %arg2[%dma_wait3A_283, %dma_wait3A_284] : memref<10000x64xf32, #tpu.memory_space<hbm>> -> memref<10000x64xf32, #tpu.memory_space<hbm>>
      tpu.wait_indirect_dma semaphore(%arg9 : memref<!tpu.dma_semaphore, #tpu.memory_space<semaphore_mem>>) src(%dma_wait3A_285 : memref<10000x64xf32, #tpu.memory_space<hbm>>) dst(%dma_wait3A_279 : memref<128x64xf32, #tpu.memory_space<vmem>>)
      %add3A_286 = arith.constant 3 : i32
      %add3A_287 = arith.addi %mul3A_244, %add3A_286 : i32
      %dma_wait3A_288 = arith.constant 3 : i32
      %dma_wait3A_289 = arith.constant 0 : i32
      %dma_wait3A_290 = arith.constant 0 : i32
      %dma_wait3A_291 = tpu.memref_slice %arg7[%dma_wait3A_288, %dma_wait3A_289, %dma_wait3A_290] : memref<8x128x64xf32, #tpu.memory_space<vmem>> -> memref<1x128x64xf32, #tpu.memory_space<vmem>>
      %dma_wait3A_292 = tpu.memref_squeeze %dma_wait3A_291 : memref<1x128x64xf32, #tpu.memory_space<vmem>> -> memref<128x64xf32, #tpu.memory_space<vmem>>
      %dma_wait3A_293 = arith.constant 0 : i32
      %dma_wait3A_294 = tpu.memref_slice %arg5[%add3A_287, %dma_wait3A_293] : memref<80x128xi32, #tpu.memory_space<vmem>> -> memref<1x128xi32, #tpu.memory_space<vmem>>
      %dma_wait3A_295 = tpu.memref_squeeze %dma_wait3A_294 : memref<1x128xi32, #tpu.memory_space<vmem>> -> memref<128xi32, #tpu.memory_space<vmem>>
      %dma_wait3A_296 = arith.constant 0 : i32
      %dma_wait3A_297 = arith.constant 0 : i32
      %dma_wait3A_298 = tpu.memref_slice %arg2[%dma_wait3A_296, %dma_wait3A_297] : memref<10000x64xf32, #tpu.memory_space<hbm>> -> memref<10000x64xf32, #tpu.memory_space<hbm>>
      tpu.wait_indirect_dma semaphore(%arg9 : memref<!tpu.dma_semaphore, #tpu.memory_space<semaphore_mem>>) src(%dma_wait3A_298 : memref<10000x64xf32, #tpu.memory_space<hbm>>) dst(%dma_wait3A_292 : memref<128x64xf32, #tpu.memory_space<vmem>>)
      %add3A_299 = arith.constant 0 : i32
      %add3A_300 = arith.addi %add3A_246, %add3A_299 : i32
      %dma_start3A_301 = arith.constant 4 : i32
      %dma_start3A_302 = arith.constant 0 : i32
      %dma_start3A_303 = arith.constant 0 : i32
      %dma_start3A_304 = tpu.memref_slice %arg7[%dma_start3A_301, %dma_start3A_302, %dma_start3A_303] : memref<8x128x64xf32, #tpu.memory_space<vmem>> -> memref<1x128x64xf32, #tpu.memory_space<vmem>>
      %dma_start3A_305 = tpu.memref_squeeze %dma_start3A_304 : memref<1x128x64xf32, #tpu.memory_space<vmem>> -> memref<128x64xf32, #tpu.memory_space<vmem>>
      %dma_start3A_306 = arith.constant 0 : i32
      %dma_start3A_307 = tpu.memref_slice %arg5[%add3A_300, %dma_start3A_306] : memref<80x128xi32, #tpu.memory_space<vmem>> -> memref<1x128xi32, #tpu.memory_space<vmem>>
      %dma_start3A_308 = tpu.memref_squeeze %dma_start3A_307 : memref<1x128xi32, #tpu.memory_space<vmem>> -> memref<128xi32, #tpu.memory_space<vmem>>
      %dma_start3A_309 = arith.constant 0 : i32
      %dma_start3A_310 = arith.constant 0 : i32
      %dma_start3A_311 = tpu.memref_slice %arg2[%dma_start3A_309, %dma_start3A_310] : memref<10000x64xf32, #tpu.memory_space<hbm>> -> memref<10000x64xf32, #tpu.memory_space<hbm>>
      tpu.enqueue_indirect_dma source(%dma_start3A_311 : memref<10000x64xf32, #tpu.memory_space<hbm>>) target(%dma_start3A_305 : memref<128x64xf32, #tpu.memory_space<vmem>>) offsets(%dma_start3A_308 : memref<128xi32, #tpu.memory_space<vmem>>) semaphore(%arg10 : memref<!tpu.dma_semaphore, #tpu.memory_space<semaphore_mem>>)
      %add3A_312 = arith.constant 1 : i32
      %add3A_313 = arith.addi %add3A_246, %add3A_312 : i32
      %dma_start3A_314 = arith.constant 5 : i32
      %dma_start3A_315 = arith.constant 0 : i32
      %dma_start3A_316 = arith.constant 0 : i32
      %dma_start3A_317 = tpu.memref_slice %arg7[%dma_start3A_314, %dma_start3A_315, %dma_start3A_316] : memref<8x128x64xf32, #tpu.memory_space<vmem>> -> memref<1x128x64xf32, #tpu.memory_space<vmem>>
      %dma_start3A_318 = tpu.memref_squeeze %dma_start3A_317 : memref<1x128x64xf32, #tpu.memory_space<vmem>> -> memref<128x64xf32, #tpu.memory_space<vmem>>
      %dma_start3A_319 = arith.constant 0 : i32
      %dma_start3A_320 = tpu.memref_slice %arg5[%add3A_313, %dma_start3A_319] : memref<80x128xi32, #tpu.memory_space<vmem>> -> memref<1x128xi32, #tpu.memory_space<vmem>>
      %dma_start3A_321 = tpu.memref_squeeze %dma_start3A_320 : memref<1x128xi32, #tpu.memory_space<vmem>> -> memref<128xi32, #tpu.memory_space<vmem>>
      %dma_start3A_322 = arith.constant 0 : i32
      %dma_start3A_323 = arith.constant 0 : i32
      %dma_start3A_324 = tpu.memref_slice %arg2[%dma_start3A_322, %dma_start3A_323] : memref<10000x64xf32, #tpu.memory_space<hbm>> -> memref<10000x64xf32, #tpu.memory_space<hbm>>
      tpu.enqueue_indirect_dma source(%dma_start3A_324 : memref<10000x64xf32, #tpu.memory_space<hbm>>) target(%dma_start3A_318 : memref<128x64xf32, #tpu.memory_space<vmem>>) offsets(%dma_start3A_321 : memref<128xi32, #tpu.memory_space<vmem>>) semaphore(%arg10 : memref<!tpu.dma_semaphore, #tpu.memory_space<semaphore_mem>>)
      %add3A_325 = arith.constant 2 : i32
      %add3A_326 = arith.addi %add3A_246, %add3A_325 : i32
      %dma_start3A_327 = arith.constant 6 : i32
      %dma_start3A_328 = arith.constant 0 : i32
      %dma_start3A_329 = arith.constant 0 : i32
      %dma_start3A_330 = tpu.memref_slice %arg7[%dma_start3A_327, %dma_start3A_328, %dma_start3A_329] : memref<8x128x64xf32, #tpu.memory_space<vmem>> -> memref<1x128x64xf32, #tpu.memory_space<vmem>>
      %dma_start3A_331 = tpu.memref_squeeze %dma_start3A_330 : memref<1x128x64xf32, #tpu.memory_space<vmem>> -> memref<128x64xf32, #tpu.memory_space<vmem>>
      %dma_start3A_332 = arith.constant 0 : i32
      %dma_start3A_333 = tpu.memref_slice %arg5[%add3A_326, %dma_start3A_332] : memref<80x128xi32, #tpu.memory_space<vmem>> -> memref<1x128xi32, #tpu.memory_space<vmem>>
      %dma_start3A_334 = tpu.memref_squeeze %dma_start3A_333 : memref<1x128xi32, #tpu.memory_space<vmem>> -> memref<128xi32, #tpu.memory_space<vmem>>
      %dma_start3A_335 = arith.constant 0 : i32
      %dma_start3A_336 = arith.constant 0 : i32
      %dma_start3A_337 = tpu.memref_slice %arg2[%dma_start3A_335, %dma_start3A_336] : memref<10000x64xf32, #tpu.memory_space<hbm>> -> memref<10000x64xf32, #tpu.memory_space<hbm>>
      tpu.enqueue_indirect_dma source(%dma_start3A_337 : memref<10000x64xf32, #tpu.memory_space<hbm>>) target(%dma_start3A_331 : memref<128x64xf32, #tpu.memory_space<vmem>>) offsets(%dma_start3A_334 : memref<128xi32, #tpu.memory_space<vmem>>) semaphore(%arg10 : memref<!tpu.dma_semaphore, #tpu.memory_space<semaphore_mem>>)
      %add3A_338 = arith.constant 3 : i32
      %add3A_339 = arith.addi %add3A_246, %add3A_338 : i32
      %dma_start3A_340 = arith.constant 7 : i32
      %dma_start3A_341 = arith.constant 0 : i32
      %dma_start3A_342 = arith.constant 0 : i32
      %dma_start3A_343 = tpu.memref_slice %arg7[%dma_start3A_340, %dma_start3A_341, %dma_start3A_342] : memref<8x128x64xf32, #tpu.memory_space<vmem>> -> memref<1x128x64xf32, #tpu.memory_space<vmem>>
      %dma_start3A_344 = tpu.memref_squeeze %dma_start3A_343 : memref<1x128x64xf32, #tpu.memory_space<vmem>> -> memref<128x64xf32, #tpu.memory_space<vmem>>
      %dma_start3A_345 = arith.constant 0 : i32
      %dma_start3A_346 = tpu.memref_slice %arg5[%add3A_339, %dma_start3A_345] : memref<80x128xi32, #tpu.memory_space<vmem>> -> memref<1x128xi32, #tpu.memory_space<vmem>>
      %dma_start3A_347 = tpu.memref_squeeze %dma_start3A_346 : memref<1x128xi32, #tpu.memory_space<vmem>> -> memref<128xi32, #tpu.memory_space<vmem>>
      %dma_start3A_348 = arith.constant 0 : i32
      %dma_start3A_349 = arith.constant 0 : i32
      %dma_start3A_350 = tpu.memref_slice %arg2[%dma_start3A_348, %dma_start3A_349] : memref<10000x64xf32, #tpu.memory_space<hbm>> -> memref<10000x64xf32, #tpu.memory_space<hbm>>
      tpu.enqueue_indirect_dma source(%dma_start3A_350 : memref<10000x64xf32, #tpu.memory_space<hbm>>) target(%dma_start3A_344 : memref<128x64xf32, #tpu.memory_space<vmem>>) offsets(%dma_start3A_347 : memref<128xi32, #tpu.memory_space<vmem>>) semaphore(%arg10 : memref<!tpu.dma_semaphore, #tpu.memory_space<semaphore_mem>>)
      %add3A_351 = arith.constant 0 : i32
      %add3A_352 = arith.addi %mul3A_244, %add3A_351 : i32
      %dma_start3A_353 = arith.constant 0 : i32
      %dma_start3A_354 = arith.constant 0 : i32
      %dma_start3A_355 = arith.constant 0 : i32
      %dma_start3A_356 = tpu.memref_slice %arg7[%dma_start3A_353, %dma_start3A_354, %dma_start3A_355] : memref<8x128x64xf32, #tpu.memory_space<vmem>> -> memref<1x128x64xf32, #tpu.memory_space<vmem>>
      %dma_start3A_357 = tpu.memref_squeeze %dma_start3A_356 : memref<1x128x64xf32, #tpu.memory_space<vmem>> -> memref<128x64xf32, #tpu.memory_space<vmem>>
      %dma_start3A_358 = arith.constant 0 : i32
      %dma_start3A_359 = tpu.memref_slice %arg6[%add3A_352, %dma_start3A_358] : memref<80x128xi32, #tpu.memory_space<vmem>> -> memref<1x128xi32, #tpu.memory_space<vmem>>
      %dma_start3A_360 = tpu.memref_squeeze %dma_start3A_359 : memref<1x128xi32, #tpu.memory_space<vmem>> -> memref<128xi32, #tpu.memory_space<vmem>>
      %dma_start3A_361 = arith.constant 0 : i32
      %dma_start3A_362 = arith.constant 0 : i32
      %dma_start3A_363 = tpu.memref_slice %arg8[%dma_start3A_361, %dma_start3A_362] : memref<10240x64xf32, #tpu.memory_space<vmem_shared>> -> memref<10240x64xf32, #tpu.memory_space<vmem_shared>>
      tpu.enqueue_indirect_dma source(%dma_start3A_357 : memref<128x64xf32, #tpu.memory_space<vmem>>) target(%dma_start3A_363 : memref<10240x64xf32, #tpu.memory_space<vmem_shared>>) offsets(%dma_start3A_360 : memref<128xi32, #tpu.memory_space<vmem>>) semaphore(%arg11 : memref<!tpu.dma_semaphore, #tpu.memory_space<semaphore_mem>>) {add = true}
      %add3A_364 = arith.constant 1 : i32
      %add3A_365 = arith.addi %mul3A_244, %add3A_364 : i32
      %dma_start3A_366 = arith.constant 1 : i32
      %dma_start3A_367 = arith.constant 0 : i32
      %dma_start3A_368 = arith.constant 0 : i32
      %dma_start3A_369 = tpu.memref_slice %arg7[%dma_start3A_366, %dma_start3A_367, %dma_start3A_368] : memref<8x128x64xf32, #tpu.memory_space<vmem>> -> memref<1x128x64xf32, #tpu.memory_space<vmem>>
      %dma_start3A_370 = tpu.memref_squeeze %dma_start3A_369 : memref<1x128x64xf32, #tpu.memory_space<vmem>> -> memref<128x64xf32, #tpu.memory_space<vmem>>
      %dma_start3A_371 = arith.constant 0 : i32
      %dma_start3A_372 = tpu.memref_slice %arg6[%add3A_365, %dma_start3A_371] : memref<80x128xi32, #tpu.memory_space<vmem>> -> memref<1x128xi32, #tpu.memory_space<vmem>>
      %dma_start3A_373 = tpu.memref_squeeze %dma_start3A_372 : memref<1x128xi32, #tpu.memory_space<vmem>> -> memref<128xi32, #tpu.memory_space<vmem>>
      %dma_start3A_374 = arith.constant 0 : i32
      %dma_start3A_375 = arith.constant 0 : i32
      %dma_start3A_376 = tpu.memref_slice %arg8[%dma_start3A_374, %dma_start3A_375] : memref<10240x64xf32, #tpu.memory_space<vmem_shared>> -> memref<10240x64xf32, #tpu.memory_space<vmem_shared>>
      tpu.enqueue_indirect_dma source(%dma_start3A_370 : memref<128x64xf32, #tpu.memory_space<vmem>>) target(%dma_start3A_376 : memref<10240x64xf32, #tpu.memory_space<vmem_shared>>) offsets(%dma_start3A_373 : memref<128xi32, #tpu.memory_space<vmem>>) semaphore(%arg11 : memref<!tpu.dma_semaphore, #tpu.memory_space<semaphore_mem>>) {add = true}
      %add3A_377 = arith.constant 2 : i32
      %add3A_378 = arith.addi %mul3A_244, %add3A_377 : i32
      %dma_start3A_379 = arith.constant 2 : i32
      %dma_start3A_380 = arith.constant 0 : i32
      %dma_start3A_381 = arith.constant 0 : i32
      %dma_start3A_382 = tpu.memref_slice %arg7[%dma_start3A_379, %dma_start3A_380, %dma_start3A_381] : memref<8x128x64xf32, #tpu.memory_space<vmem>> -> memref<1x128x64xf32, #tpu.memory_space<vmem>>
      %dma_start3A_383 = tpu.memref_squeeze %dma_start3A_382 : memref<1x128x64xf32, #tpu.memory_space<vmem>> -> memref<128x64xf32, #tpu.memory_space<vmem>>
      %dma_start3A_384 = arith.constant 0 : i32
      %dma_start3A_385 = tpu.memref_slice %arg6[%add3A_378, %dma_start3A_384] : memref<80x128xi32, #tpu.memory_space<vmem>> -> memref<1x128xi32, #tpu.memory_space<vmem>>
      %dma_start3A_386 = tpu.memref_squeeze %dma_start3A_385 : memref<1x128xi32, #tpu.memory_space<vmem>> -> memref<128xi32, #tpu.memory_space<vmem>>
      %dma_start3A_387 = arith.constant 0 : i32
      %dma_start3A_388 = arith.constant 0 : i32
      %dma_start3A_389 = tpu.memref_slice %arg8[%dma_start3A_387, %dma_start3A_388] : memref<10240x64xf32, #tpu.memory_space<vmem_shared>> -> memref<10240x64xf32, #tpu.memory_space<vmem_shared>>
      tpu.enqueue_indirect_dma source(%dma_start3A_383 : memref<128x64xf32, #tpu.memory_space<vmem>>) target(%dma_start3A_389 : memref<10240x64xf32, #tpu.memory_space<vmem_shared>>) offsets(%dma_start3A_386 : memref<128xi32, #tpu.memory_space<vmem>>) semaphore(%arg11 : memref<!tpu.dma_semaphore, #tpu.memory_space<semaphore_mem>>) {add = true}
      %add3A_390 = arith.constant 3 : i32
      %add3A_391 = arith.addi %mul3A_244, %add3A_390 : i32
      %dma_start3A_392 = arith.constant 3 : i32
      %dma_start3A_393 = arith.constant 0 : i32
      %dma_start3A_394 = arith.constant 0 : i32
      %dma_start3A_395 = tpu.memref_slice %arg7[%dma_start3A_392, %dma_start3A_393, %dma_start3A_394] : memref<8x128x64xf32, #tpu.memory_space<vmem>> -> memref<1x128x64xf32, #tpu.memory_space<vmem>>
      %dma_start3A_396 = tpu.memref_squeeze %dma_start3A_395 : memref<1x128x64xf32, #tpu.memory_space<vmem>> -> memref<128x64xf32, #tpu.memory_space<vmem>>
      %dma_start3A_397 = arith.constant 0 : i32
      %dma_start3A_398 = tpu.memref_slice %arg6[%add3A_391, %dma_start3A_397] : memref<80x128xi32, #tpu.memory_space<vmem>> -> memref<1x128xi32, #tpu.memory_space<vmem>>
      %dma_start3A_399 = tpu.memref_squeeze %dma_start3A_398 : memref<1x128xi32, #tpu.memory_space<vmem>> -> memref<128xi32, #tpu.memory_space<vmem>>
      %dma_start3A_400 = arith.constant 0 : i32
      %dma_start3A_401 = arith.constant 0 : i32
      %dma_start3A_402 = tpu.memref_slice %arg8[%dma_start3A_400, %dma_start3A_401] : memref<10240x64xf32, #tpu.memory_space<vmem_shared>> -> memref<10240x64xf32, #tpu.memory_space<vmem_shared>>
      tpu.enqueue_indirect_dma source(%dma_start3A_396 : memref<128x64xf32, #tpu.memory_space<vmem>>) target(%dma_start3A_402 : memref<10240x64xf32, #tpu.memory_space<vmem_shared>>) offsets(%dma_start3A_399 : memref<128xi32, #tpu.memory_space<vmem>>) semaphore(%arg11 : memref<!tpu.dma_semaphore, #tpu.memory_space<semaphore_mem>>) {add = true}
      %add3A_403 = arith.constant 0 : i32
      %add3A_404 = arith.addi %mul3A_244, %add3A_403 : i32
      %dma_wait3A_405 = arith.constant 0 : i32
      %dma_wait3A_406 = arith.constant 0 : i32
      %dma_wait3A_407 = arith.constant 0 : i32
      %dma_wait3A_408 = tpu.memref_slice %arg7[%dma_wait3A_405, %dma_wait3A_406, %dma_wait3A_407] : memref<8x128x64xf32, #tpu.memory_space<vmem>> -> memref<1x128x64xf32, #tpu.memory_space<vmem>>
      %dma_wait3A_409 = tpu.memref_squeeze %dma_wait3A_408 : memref<1x128x64xf32, #tpu.memory_space<vmem>> -> memref<128x64xf32, #tpu.memory_space<vmem>>
      %dma_wait3A_410 = arith.constant 0 : i32
      %dma_wait3A_411 = tpu.memref_slice %arg6[%add3A_404, %dma_wait3A_410] : memref<80x128xi32, #tpu.memory_space<vmem>> -> memref<1x128xi32, #tpu.memory_space<vmem>>
      %dma_wait3A_412 = tpu.memref_squeeze %dma_wait3A_411 : memref<1x128xi32, #tpu.memory_space<vmem>> -> memref<128xi32, #tpu.memory_space<vmem>>
      %dma_wait3A_413 = arith.constant 0 : i32
      %dma_wait3A_414 = arith.constant 0 : i32
      %dma_wait3A_415 = tpu.memref_slice %arg8[%dma_wait3A_413, %dma_wait3A_414] : memref<10240x64xf32, #tpu.memory_space<vmem_shared>> -> memref<10240x64xf32, #tpu.memory_space<vmem_shared>>
      tpu.wait_indirect_dma semaphore(%arg11 : memref<!tpu.dma_semaphore, #tpu.memory_space<semaphore_mem>>) src(%dma_wait3A_409 : memref<128x64xf32, #tpu.memory_space<vmem>>) dst(%dma_wait3A_415 : memref<10240x64xf32, #tpu.memory_space<vmem_shared>>)
      %add3A_416 = arith.constant 1 : i32
      %add3A_417 = arith.addi %mul3A_244, %add3A_416 : i32
      %dma_wait3A_418 = arith.constant 1 : i32
      %dma_wait3A_419 = arith.constant 0 : i32
      %dma_wait3A_420 = arith.constant 0 : i32
      %dma_wait3A_421 = tpu.memref_slice %arg7[%dma_wait3A_418, %dma_wait3A_419, %dma_wait3A_420] : memref<8x128x64xf32, #tpu.memory_space<vmem>> -> memref<1x128x64xf32, #tpu.memory_space<vmem>>
      %dma_wait3A_422 = tpu.memref_squeeze %dma_wait3A_421 : memref<1x128x64xf32, #tpu.memory_space<vmem>> -> memref<128x64xf32, #tpu.memory_space<vmem>>
      %dma_wait3A_423 = arith.constant 0 : i32
      %dma_wait3A_424 = tpu.memref_slice %arg6[%add3A_417, %dma_wait3A_423] : memref<80x128xi32, #tpu.memory_space<vmem>> -> memref<1x128xi32, #tpu.memory_space<vmem>>
      %dma_wait3A_425 = tpu.memref_squeeze %dma_wait3A_424 : memref<1x128xi32, #tpu.memory_space<vmem>> -> memref<128xi32, #tpu.memory_space<vmem>>
      %dma_wait3A_426 = arith.constant 0 : i32
      %dma_wait3A_427 = arith.constant 0 : i32
      %dma_wait3A_428 = tpu.memref_slice %arg8[%dma_wait3A_426, %dma_wait3A_427] : memref<10240x64xf32, #tpu.memory_space<vmem_shared>> -> memref<10240x64xf32, #tpu.memory_space<vmem_shared>>
      tpu.wait_indirect_dma semaphore(%arg11 : memref<!tpu.dma_semaphore, #tpu.memory_space<semaphore_mem>>) src(%dma_wait3A_422 : memref<128x64xf32, #tpu.memory_space<vmem>>) dst(%dma_wait3A_428 : memref<10240x64xf32, #tpu.memory_space<vmem_shared>>)
      %add3A_429 = arith.constant 2 : i32
      %add3A_430 = arith.addi %mul3A_244, %add3A_429 : i32
      %dma_wait3A_431 = arith.constant 2 : i32
      %dma_wait3A_432 = arith.constant 0 : i32
      %dma_wait3A_433 = arith.constant 0 : i32
      %dma_wait3A_434 = tpu.memref_slice %arg7[%dma_wait3A_431, %dma_wait3A_432, %dma_wait3A_433] : memref<8x128x64xf32, #tpu.memory_space<vmem>> -> memref<1x128x64xf32, #tpu.memory_space<vmem>>
      %dma_wait3A_435 = tpu.memref_squeeze %dma_wait3A_434 : memref<1x128x64xf32, #tpu.memory_space<vmem>> -> memref<128x64xf32, #tpu.memory_space<vmem>>
      %dma_wait3A_436 = arith.constant 0 : i32
      %dma_wait3A_437 = tpu.memref_slice %arg6[%add3A_430, %dma_wait3A_436] : memref<80x128xi32, #tpu.memory_space<vmem>> -> memref<1x128xi32, #tpu.memory_space<vmem>>
      %dma_wait3A_438 = tpu.memref_squeeze %dma_wait3A_437 : memref<1x128xi32, #tpu.memory_space<vmem>> -> memref<128xi32, #tpu.memory_space<vmem>>
      %dma_wait3A_439 = arith.constant 0 : i32
      %dma_wait3A_440 = arith.constant 0 : i32
      %dma_wait3A_441 = tpu.memref_slice %arg8[%dma_wait3A_439, %dma_wait3A_440] : memref<10240x64xf32, #tpu.memory_space<vmem_shared>> -> memref<10240x64xf32, #tpu.memory_space<vmem_shared>>
      tpu.wait_indirect_dma semaphore(%arg11 : memref<!tpu.dma_semaphore, #tpu.memory_space<semaphore_mem>>) src(%dma_wait3A_435 : memref<128x64xf32, #tpu.memory_space<vmem>>) dst(%dma_wait3A_441 : memref<10240x64xf32, #tpu.memory_space<vmem_shared>>)
      %add3A_442 = arith.constant 3 : i32
      %add3A_443 = arith.addi %mul3A_244, %add3A_442 : i32
      %dma_wait3A_444 = arith.constant 3 : i32
      %dma_wait3A_445 = arith.constant 0 : i32
      %dma_wait3A_446 = arith.constant 0 : i32
      %dma_wait3A_447 = tpu.memref_slice %arg7[%dma_wait3A_444, %dma_wait3A_445, %dma_wait3A_446] : memref<8x128x64xf32, #tpu.memory_space<vmem>> -> memref<1x128x64xf32, #tpu.memory_space<vmem>>
      %dma_wait3A_448 = tpu.memref_squeeze %dma_wait3A_447 : memref<1x128x64xf32, #tpu.memory_space<vmem>> -> memref<128x64xf32, #tpu.memory_space<vmem>>
      %dma_wait3A_449 = arith.constant 0 : i32
      %dma_wait3A_450 = tpu.memref_slice %arg6[%add3A_443, %dma_wait3A_449] : memref<80x128xi32, #tpu.memory_space<vmem>> -> memref<1x128xi32, #tpu.memory_space<vmem>>
      %dma_wait3A_451 = tpu.memref_squeeze %dma_wait3A_450 : memref<1x128xi32, #tpu.memory_space<vmem>> -> memref<128xi32, #tpu.memory_space<vmem>>
      %dma_wait3A_452 = arith.constant 0 : i32
      %dma_wait3A_453 = arith.constant 0 : i32
      %dma_wait3A_454 = tpu.memref_slice %arg8[%dma_wait3A_452, %dma_wait3A_453] : memref<10240x64xf32, #tpu.memory_space<vmem_shared>> -> memref<10240x64xf32, #tpu.memory_space<vmem_shared>>
      tpu.wait_indirect_dma semaphore(%arg11 : memref<!tpu.dma_semaphore, #tpu.memory_space<semaphore_mem>>) src(%dma_wait3A_448 : memref<128x64xf32, #tpu.memory_space<vmem>>) dst(%dma_wait3A_454 : memref<10240x64xf32, #tpu.memory_space<vmem_shared>>)
      %lt3A_455 = arith.constant 9 : i32
      %lt3A_456 = arith.cmpi slt, %scan3A_240, %lt3A_455 : i32
      %convert_element_type3A_457 = arith.extui %lt3A_456 : i1 to i32
      %cond3A_458 = arith.constant 0 : i32
      %cond3A_459 = arith.cmpi ne, %convert_element_type3A_457, %cond3A_458 : i32
      scf.if %cond3A_459 {
        %add3A_616 = arith.constant 8 : i32
        %add3A_617 = arith.addi %mul3A_244, %add3A_616 : i32
        %add3A_618 = arith.constant 0 : i32
        %add3A_619 = arith.addi %add3A_617, %add3A_618 : i32
        %dma_start3A_620 = arith.constant 0 : i32
        %dma_start3A_621 = arith.constant 0 : i32
        %dma_start3A_622 = arith.constant 0 : i32
        %dma_start3A_623 = tpu.memref_slice %arg7[%dma_start3A_620, %dma_start3A_621, %dma_start3A_622] : memref<8x128x64xf32, #tpu.memory_space<vmem>> -> memref<1x128x64xf32, #tpu.memory_space<vmem>>
        %dma_start3A_624 = tpu.memref_squeeze %dma_start3A_623 : memref<1x128x64xf32, #tpu.memory_space<vmem>> -> memref<128x64xf32, #tpu.memory_space<vmem>>
        %dma_start3A_625 = arith.constant 0 : i32
        %dma_start3A_626 = tpu.memref_slice %arg5[%add3A_619, %dma_start3A_625] : memref<80x128xi32, #tpu.memory_space<vmem>> -> memref<1x128xi32, #tpu.memory_space<vmem>>
        %dma_start3A_627 = tpu.memref_squeeze %dma_start3A_626 : memref<1x128xi32, #tpu.memory_space<vmem>> -> memref<128xi32, #tpu.memory_space<vmem>>
        %dma_start3A_628 = arith.constant 0 : i32
        %dma_start3A_629 = arith.constant 0 : i32
        %dma_start3A_630 = tpu.memref_slice %arg2[%dma_start3A_628, %dma_start3A_629] : memref<10000x64xf32, #tpu.memory_space<hbm>> -> memref<10000x64xf32, #tpu.memory_space<hbm>>
        tpu.enqueue_indirect_dma source(%dma_start3A_630 : memref<10000x64xf32, #tpu.memory_space<hbm>>) target(%dma_start3A_624 : memref<128x64xf32, #tpu.memory_space<vmem>>) offsets(%dma_start3A_627 : memref<128xi32, #tpu.memory_space<vmem>>) semaphore(%arg9 : memref<!tpu.dma_semaphore, #tpu.memory_space<semaphore_mem>>)
        %add3A_631 = arith.constant 8 : i32
        %add3A_632 = arith.addi %mul3A_244, %add3A_631 : i32
        %add3A_633 = arith.constant 1 : i32
        %add3A_634 = arith.addi %add3A_632, %add3A_633 : i32
        %dma_start3A_635 = arith.constant 1 : i32
        %dma_start3A_636 = arith.constant 0 : i32
        %dma_start3A_637 = arith.constant 0 : i32
        %dma_start3A_638 = tpu.memref_slice %arg7[%dma_start3A_635, %dma_start3A_636, %dma_start3A_637] : memref<8x128x64xf32, #tpu.memory_space<vmem>> -> memref<1x128x64xf32, #tpu.memory_space<vmem>>
        %dma_start3A_639 = tpu.memref_squeeze %dma_start3A_638 : memref<1x128x64xf32, #tpu.memory_space<vmem>> -> memref<128x64xf32, #tpu.memory_space<vmem>>
        %dma_start3A_640 = arith.constant 0 : i32
        %dma_start3A_641 = tpu.memref_slice %arg5[%add3A_634, %dma_start3A_640] : memref<80x128xi32, #tpu.memory_space<vmem>> -> memref<1x128xi32, #tpu.memory_space<vmem>>
        %dma_start3A_642 = tpu.memref_squeeze %dma_start3A_641 : memref<1x128xi32, #tpu.memory_space<vmem>> -> memref<128xi32, #tpu.memory_space<vmem>>
        %dma_start3A_643 = arith.constant 0 : i32
        %dma_start3A_644 = arith.constant 0 : i32
        %dma_start3A_645 = tpu.memref_slice %arg2[%dma_start3A_643, %dma_start3A_644] : memref<10000x64xf32, #tpu.memory_space<hbm>> -> memref<10000x64xf32, #tpu.memory_space<hbm>>
        tpu.enqueue_indirect_dma source(%dma_start3A_645 : memref<10000x64xf32, #tpu.memory_space<hbm>>) target(%dma_start3A_639 : memref<128x64xf32, #tpu.memory_space<vmem>>) offsets(%dma_start3A_642 : memref<128xi32, #tpu.memory_space<vmem>>) semaphore(%arg9 : memref<!tpu.dma_semaphore, #tpu.memory_space<semaphore_mem>>)
        %add3A_646 = arith.constant 8 : i32
        %add3A_647 = arith.addi %mul3A_244, %add3A_646 : i32
        %add3A_648 = arith.constant 2 : i32
        %add3A_649 = arith.addi %add3A_647, %add3A_648 : i32
        %dma_start3A_650 = arith.constant 2 : i32
        %dma_start3A_651 = arith.constant 0 : i32
        %dma_start3A_652 = arith.constant 0 : i32
        %dma_start3A_653 = tpu.memref_slice %arg7[%dma_start3A_650, %dma_start3A_651, %dma_start3A_652] : memref<8x128x64xf32, #tpu.memory_space<vmem>> -> memref<1x128x64xf32, #tpu.memory_space<vmem>>
        %dma_start3A_654 = tpu.memref_squeeze %dma_start3A_653 : memref<1x128x64xf32, #tpu.memory_space<vmem>> -> memref<128x64xf32, #tpu.memory_space<vmem>>
        %dma_start3A_655 = arith.constant 0 : i32
        %dma_start3A_656 = tpu.memref_slice %arg5[%add3A_649, %dma_start3A_655] : memref<80x128xi32, #tpu.memory_space<vmem>> -> memref<1x128xi32, #tpu.memory_space<vmem>>
        %dma_start3A_657 = tpu.memref_squeeze %dma_start3A_656 : memref<1x128xi32, #tpu.memory_space<vmem>> -> memref<128xi32, #tpu.memory_space<vmem>>
        %dma_start3A_658 = arith.constant 0 : i32
        %dma_start3A_659 = arith.constant 0 : i32
        %dma_start3A_660 = tpu.memref_slice %arg2[%dma_start3A_658, %dma_start3A_659] : memref<10000x64xf32, #tpu.memory_space<hbm>> -> memref<10000x64xf32, #tpu.memory_space<hbm>>
        tpu.enqueue_indirect_dma source(%dma_start3A_660 : memref<10000x64xf32, #tpu.memory_space<hbm>>) target(%dma_start3A_654 : memref<128x64xf32, #tpu.memory_space<vmem>>) offsets(%dma_start3A_657 : memref<128xi32, #tpu.memory_space<vmem>>) semaphore(%arg9 : memref<!tpu.dma_semaphore, #tpu.memory_space<semaphore_mem>>)
        %add3A_661 = arith.constant 8 : i32
        %add3A_662 = arith.addi %mul3A_244, %add3A_661 : i32
        %add3A_663 = arith.constant 3 : i32
        %add3A_664 = arith.addi %add3A_662, %add3A_663 : i32
        %dma_start3A_665 = arith.constant 3 : i32
        %dma_start3A_666 = arith.constant 0 : i32
        %dma_start3A_667 = arith.constant 0 : i32
        %dma_start3A_668 = tpu.memref_slice %arg7[%dma_start3A_665, %dma_start3A_666, %dma_start3A_667] : memref<8x128x64xf32, #tpu.memory_space<vmem>> -> memref<1x128x64xf32, #tpu.memory_space<vmem>>
        %dma_start3A_669 = tpu.memref_squeeze %dma_start3A_668 : memref<1x128x64xf32, #tpu.memory_space<vmem>> -> memref<128x64xf32, #tpu.memory_space<vmem>>
        %dma_start3A_670 = arith.constant 0 : i32
        %dma_start3A_671 = tpu.memref_slice %arg5[%add3A_664, %dma_start3A_670] : memref<80x128xi32, #tpu.memory_space<vmem>> -> memref<1x128xi32, #tpu.memory_space<vmem>>
        %dma_start3A_672 = tpu.memref_squeeze %dma_start3A_671 : memref<1x128xi32, #tpu.memory_space<vmem>> -> memref<128xi32, #tpu.memory_space<vmem>>
        %dma_start3A_673 = arith.constant 0 : i32
        %dma_start3A_674 = arith.constant 0 : i32
        %dma_start3A_675 = tpu.memref_slice %arg2[%dma_start3A_673, %dma_start3A_674] : memref<10000x64xf32, #tpu.memory_space<hbm>> -> memref<10000x64xf32, #tpu.memory_space<hbm>>
        tpu.enqueue_indirect_dma source(%dma_start3A_675 : memref<10000x64xf32, #tpu.memory_space<hbm>>) target(%dma_start3A_669 : memref<128x64xf32, #tpu.memory_space<vmem>>) offsets(%dma_start3A_672 : memref<128xi32, #tpu.memory_space<vmem>>) semaphore(%arg9 : memref<!tpu.dma_semaphore, #tpu.memory_space<semaphore_mem>>)
      } else {
      }
      %add3A_460 = arith.constant 0 : i32
      %add3A_461 = arith.addi %add3A_246, %add3A_460 : i32
      %dma_wait3A_462 = arith.constant 4 : i32
      %dma_wait3A_463 = arith.constant 0 : i32
      %dma_wait3A_464 = arith.constant 0 : i32
      %dma_wait3A_465 = tpu.memref_slice %arg7[%dma_wait3A_462, %dma_wait3A_463, %dma_wait3A_464] : memref<8x128x64xf32, #tpu.memory_space<vmem>> -> memref<1x128x64xf32, #tpu.memory_space<vmem>>
      %dma_wait3A_466 = tpu.memref_squeeze %dma_wait3A_465 : memref<1x128x64xf32, #tpu.memory_space<vmem>> -> memref<128x64xf32, #tpu.memory_space<vmem>>
      %dma_wait3A_467 = arith.constant 0 : i32
      %dma_wait3A_468 = tpu.memref_slice %arg5[%add3A_461, %dma_wait3A_467] : memref<80x128xi32, #tpu.memory_space<vmem>> -> memref<1x128xi32, #tpu.memory_space<vmem>>
      %dma_wait3A_469 = tpu.memref_squeeze %dma_wait3A_468 : memref<1x128xi32, #tpu.memory_space<vmem>> -> memref<128xi32, #tpu.memory_space<vmem>>
      %dma_wait3A_470 = arith.constant 0 : i32
      %dma_wait3A_471 = arith.constant 0 : i32
      %dma_wait3A_472 = tpu.memref_slice %arg2[%dma_wait3A_470, %dma_wait3A_471] : memref<10000x64xf32, #tpu.memory_space<hbm>> -> memref<10000x64xf32, #tpu.memory_space<hbm>>
      tpu.wait_indirect_dma semaphore(%arg10 : memref<!tpu.dma_semaphore, #tpu.memory_space<semaphore_mem>>) src(%dma_wait3A_472 : memref<10000x64xf32, #tpu.memory_space<hbm>>) dst(%dma_wait3A_466 : memref<128x64xf32, #tpu.memory_space<vmem>>)
      %add3A_473 = arith.constant 1 : i32
      %add3A_474 = arith.addi %add3A_246, %add3A_473 : i32
      %dma_wait3A_475 = arith.constant 5 : i32
      %dma_wait3A_476 = arith.constant 0 : i32
      %dma_wait3A_477 = arith.constant 0 : i32
      %dma_wait3A_478 = tpu.memref_slice %arg7[%dma_wait3A_475, %dma_wait3A_476, %dma_wait3A_477] : memref<8x128x64xf32, #tpu.memory_space<vmem>> -> memref<1x128x64xf32, #tpu.memory_space<vmem>>
      %dma_wait3A_479 = tpu.memref_squeeze %dma_wait3A_478 : memref<1x128x64xf32, #tpu.memory_space<vmem>> -> memref<128x64xf32, #tpu.memory_space<vmem>>
      %dma_wait3A_480 = arith.constant 0 : i32
      %dma_wait3A_481 = tpu.memref_slice %arg5[%add3A_474, %dma_wait3A_480] : memref<80x128xi32, #tpu.memory_space<vmem>> -> memref<1x128xi32, #tpu.memory_space<vmem>>
      %dma_wait3A_482 = tpu.memref_squeeze %dma_wait3A_481 : memref<1x128xi32, #tpu.memory_space<vmem>> -> memref<128xi32, #tpu.memory_space<vmem>>
      %dma_wait3A_483 = arith.constant 0 : i32
      %dma_wait3A_484 = arith.constant 0 : i32
      %dma_wait3A_485 = tpu.memref_slice %arg2[%dma_wait3A_483, %dma_wait3A_484] : memref<10000x64xf32, #tpu.memory_space<hbm>> -> memref<10000x64xf32, #tpu.memory_space<hbm>>
      tpu.wait_indirect_dma semaphore(%arg10 : memref<!tpu.dma_semaphore, #tpu.memory_space<semaphore_mem>>) src(%dma_wait3A_485 : memref<10000x64xf32, #tpu.memory_space<hbm>>) dst(%dma_wait3A_479 : memref<128x64xf32, #tpu.memory_space<vmem>>)
      %add3A_486 = arith.constant 2 : i32
      %add3A_487 = arith.addi %add3A_246, %add3A_486 : i32
      %dma_wait3A_488 = arith.constant 6 : i32
      %dma_wait3A_489 = arith.constant 0 : i32
      %dma_wait3A_490 = arith.constant 0 : i32
      %dma_wait3A_491 = tpu.memref_slice %arg7[%dma_wait3A_488, %dma_wait3A_489, %dma_wait3A_490] : memref<8x128x64xf32, #tpu.memory_space<vmem>> -> memref<1x128x64xf32, #tpu.memory_space<vmem>>
      %dma_wait3A_492 = tpu.memref_squeeze %dma_wait3A_491 : memref<1x128x64xf32, #tpu.memory_space<vmem>> -> memref<128x64xf32, #tpu.memory_space<vmem>>
      %dma_wait3A_493 = arith.constant 0 : i32
      %dma_wait3A_494 = tpu.memref_slice %arg5[%add3A_487, %dma_wait3A_493] : memref<80x128xi32, #tpu.memory_space<vmem>> -> memref<1x128xi32, #tpu.memory_space<vmem>>
      %dma_wait3A_495 = tpu.memref_squeeze %dma_wait3A_494 : memref<1x128xi32, #tpu.memory_space<vmem>> -> memref<128xi32, #tpu.memory_space<vmem>>
      %dma_wait3A_496 = arith.constant 0 : i32
      %dma_wait3A_497 = arith.constant 0 : i32
      %dma_wait3A_498 = tpu.memref_slice %arg2[%dma_wait3A_496, %dma_wait3A_497] : memref<10000x64xf32, #tpu.memory_space<hbm>> -> memref<10000x64xf32, #tpu.memory_space<hbm>>
      tpu.wait_indirect_dma semaphore(%arg10 : memref<!tpu.dma_semaphore, #tpu.memory_space<semaphore_mem>>) src(%dma_wait3A_498 : memref<10000x64xf32, #tpu.memory_space<hbm>>) dst(%dma_wait3A_492 : memref<128x64xf32, #tpu.memory_space<vmem>>)
      %add3A_499 = arith.constant 3 : i32
      %add3A_500 = arith.addi %add3A_246, %add3A_499 : i32
      %dma_wait3A_501 = arith.constant 7 : i32
      %dma_wait3A_502 = arith.constant 0 : i32
      %dma_wait3A_503 = arith.constant 0 : i32
      %dma_wait3A_504 = tpu.memref_slice %arg7[%dma_wait3A_501, %dma_wait3A_502, %dma_wait3A_503] : memref<8x128x64xf32, #tpu.memory_space<vmem>> -> memref<1x128x64xf32, #tpu.memory_space<vmem>>
      %dma_wait3A_505 = tpu.memref_squeeze %dma_wait3A_504 : memref<1x128x64xf32, #tpu.memory_space<vmem>> -> memref<128x64xf32, #tpu.memory_space<vmem>>
      %dma_wait3A_506 = arith.constant 0 : i32
      %dma_wait3A_507 = tpu.memref_slice %arg5[%add3A_500, %dma_wait3A_506] : memref<80x128xi32, #tpu.memory_space<vmem>> -> memref<1x128xi32, #tpu.memory_space<vmem>>
      %dma_wait3A_508 = tpu.memref_squeeze %dma_wait3A_507 : memref<1x128xi32, #tpu.memory_space<vmem>> -> memref<128xi32, #tpu.memory_space<vmem>>
      %dma_wait3A_509 = arith.constant 0 : i32
      %dma_wait3A_510 = arith.constant 0 : i32
      %dma_wait3A_511 = tpu.memref_slice %arg2[%dma_wait3A_509, %dma_wait3A_510] : memref<10000x64xf32, #tpu.memory_space<hbm>> -> memref<10000x64xf32, #tpu.memory_space<hbm>>
      tpu.wait_indirect_dma semaphore(%arg10 : memref<!tpu.dma_semaphore, #tpu.memory_space<semaphore_mem>>) src(%dma_wait3A_511 : memref<10000x64xf32, #tpu.memory_space<hbm>>) dst(%dma_wait3A_505 : memref<128x64xf32, #tpu.memory_space<vmem>>)
      %add3A_512 = arith.constant 0 : i32
      %add3A_513 = arith.addi %add3A_246, %add3A_512 : i32
      %dma_start3A_514 = arith.constant 4 : i32
      %dma_start3A_515 = arith.constant 0 : i32
      %dma_start3A_516 = arith.constant 0 : i32
      %dma_start3A_517 = tpu.memref_slice %arg7[%dma_start3A_514, %dma_start3A_515, %dma_start3A_516] : memref<8x128x64xf32, #tpu.memory_space<vmem>> -> memref<1x128x64xf32, #tpu.memory_space<vmem>>
      %dma_start3A_518 = tpu.memref_squeeze %dma_start3A_517 : memref<1x128x64xf32, #tpu.memory_space<vmem>> -> memref<128x64xf32, #tpu.memory_space<vmem>>
      %dma_start3A_519 = arith.constant 0 : i32
      %dma_start3A_520 = tpu.memref_slice %arg6[%add3A_513, %dma_start3A_519] : memref<80x128xi32, #tpu.memory_space<vmem>> -> memref<1x128xi32, #tpu.memory_space<vmem>>
      %dma_start3A_521 = tpu.memref_squeeze %dma_start3A_520 : memref<1x128xi32, #tpu.memory_space<vmem>> -> memref<128xi32, #tpu.memory_space<vmem>>
      %dma_start3A_522 = arith.constant 0 : i32
      %dma_start3A_523 = arith.constant 0 : i32
      %dma_start3A_524 = tpu.memref_slice %arg8[%dma_start3A_522, %dma_start3A_523] : memref<10240x64xf32, #tpu.memory_space<vmem_shared>> -> memref<10240x64xf32, #tpu.memory_space<vmem_shared>>
      tpu.enqueue_indirect_dma source(%dma_start3A_518 : memref<128x64xf32, #tpu.memory_space<vmem>>) target(%dma_start3A_524 : memref<10240x64xf32, #tpu.memory_space<vmem_shared>>) offsets(%dma_start3A_521 : memref<128xi32, #tpu.memory_space<vmem>>) semaphore(%arg12 : memref<!tpu.dma_semaphore, #tpu.memory_space<semaphore_mem>>) {add = true}
      %add3A_525 = arith.constant 1 : i32
      %add3A_526 = arith.addi %add3A_246, %add3A_525 : i32
      %dma_start3A_527 = arith.constant 5 : i32
      %dma_start3A_528 = arith.constant 0 : i32
      %dma_start3A_529 = arith.constant 0 : i32
      %dma_start3A_530 = tpu.memref_slice %arg7[%dma_start3A_527, %dma_start3A_528, %dma_start3A_529] : memref<8x128x64xf32, #tpu.memory_space<vmem>> -> memref<1x128x64xf32, #tpu.memory_space<vmem>>
      %dma_start3A_531 = tpu.memref_squeeze %dma_start3A_530 : memref<1x128x64xf32, #tpu.memory_space<vmem>> -> memref<128x64xf32, #tpu.memory_space<vmem>>
      %dma_start3A_532 = arith.constant 0 : i32
      %dma_start3A_533 = tpu.memref_slice %arg6[%add3A_526, %dma_start3A_532] : memref<80x128xi32, #tpu.memory_space<vmem>> -> memref<1x128xi32, #tpu.memory_space<vmem>>
      %dma_start3A_534 = tpu.memref_squeeze %dma_start3A_533 : memref<1x128xi32, #tpu.memory_space<vmem>> -> memref<128xi32, #tpu.memory_space<vmem>>
      %dma_start3A_535 = arith.constant 0 : i32
      %dma_start3A_536 = arith.constant 0 : i32
      %dma_start3A_537 = tpu.memref_slice %arg8[%dma_start3A_535, %dma_start3A_536] : memref<10240x64xf32, #tpu.memory_space<vmem_shared>> -> memref<10240x64xf32, #tpu.memory_space<vmem_shared>>
      tpu.enqueue_indirect_dma source(%dma_start3A_531 : memref<128x64xf32, #tpu.memory_space<vmem>>) target(%dma_start3A_537 : memref<10240x64xf32, #tpu.memory_space<vmem_shared>>) offsets(%dma_start3A_534 : memref<128xi32, #tpu.memory_space<vmem>>) semaphore(%arg12 : memref<!tpu.dma_semaphore, #tpu.memory_space<semaphore_mem>>) {add = true}
      %add3A_538 = arith.constant 2 : i32
      %add3A_539 = arith.addi %add3A_246, %add3A_538 : i32
      %dma_start3A_540 = arith.constant 6 : i32
      %dma_start3A_541 = arith.constant 0 : i32
      %dma_start3A_542 = arith.constant 0 : i32
      %dma_start3A_543 = tpu.memref_slice %arg7[%dma_start3A_540, %dma_start3A_541, %dma_start3A_542] : memref<8x128x64xf32, #tpu.memory_space<vmem>> -> memref<1x128x64xf32, #tpu.memory_space<vmem>>
      %dma_start3A_544 = tpu.memref_squeeze %dma_start3A_543 : memref<1x128x64xf32, #tpu.memory_space<vmem>> -> memref<128x64xf32, #tpu.memory_space<vmem>>
      %dma_start3A_545 = arith.constant 0 : i32
      %dma_start3A_546 = tpu.memref_slice %arg6[%add3A_539, %dma_start3A_545] : memref<80x128xi32, #tpu.memory_space<vmem>> -> memref<1x128xi32, #tpu.memory_space<vmem>>
      %dma_start3A_547 = tpu.memref_squeeze %dma_start3A_546 : memref<1x128xi32, #tpu.memory_space<vmem>> -> memref<128xi32, #tpu.memory_space<vmem>>
      %dma_start3A_548 = arith.constant 0 : i32
      %dma_start3A_549 = arith.constant 0 : i32
      %dma_start3A_550 = tpu.memref_slice %arg8[%dma_start3A_548, %dma_start3A_549] : memref<10240x64xf32, #tpu.memory_space<vmem_shared>> -> memref<10240x64xf32, #tpu.memory_space<vmem_shared>>
      tpu.enqueue_indirect_dma source(%dma_start3A_544 : memref<128x64xf32, #tpu.memory_space<vmem>>) target(%dma_start3A_550 : memref<10240x64xf32, #tpu.memory_space<vmem_shared>>) offsets(%dma_start3A_547 : memref<128xi32, #tpu.memory_space<vmem>>) semaphore(%arg12 : memref<!tpu.dma_semaphore, #tpu.memory_space<semaphore_mem>>) {add = true}
      %add3A_551 = arith.constant 3 : i32
      %add3A_552 = arith.addi %add3A_246, %add3A_551 : i32
      %dma_start3A_553 = arith.constant 7 : i32
      %dma_start3A_554 = arith.constant 0 : i32
      %dma_start3A_555 = arith.constant 0 : i32
      %dma_start3A_556 = tpu.memref_slice %arg7[%dma_start3A_553, %dma_start3A_554, %dma_start3A_555] : memref<8x128x64xf32, #tpu.memory_space<vmem>> -> memref<1x128x64xf32, #tpu.memory_space<vmem>>
      %dma_start3A_557 = tpu.memref_squeeze %dma_start3A_556 : memref<1x128x64xf32, #tpu.memory_space<vmem>> -> memref<128x64xf32, #tpu.memory_space<vmem>>
      %dma_start3A_558 = arith.constant 0 : i32
      %dma_start3A_559 = tpu.memref_slice %arg6[%add3A_552, %dma_start3A_558] : memref<80x128xi32, #tpu.memory_space<vmem>> -> memref<1x128xi32, #tpu.memory_space<vmem>>
      %dma_start3A_560 = tpu.memref_squeeze %dma_start3A_559 : memref<1x128xi32, #tpu.memory_space<vmem>> -> memref<128xi32, #tpu.memory_space<vmem>>
      %dma_start3A_561 = arith.constant 0 : i32
      %dma_start3A_562 = arith.constant 0 : i32
      %dma_start3A_563 = tpu.memref_slice %arg8[%dma_start3A_561, %dma_start3A_562] : memref<10240x64xf32, #tpu.memory_space<vmem_shared>> -> memref<10240x64xf32, #tpu.memory_space<vmem_shared>>
      tpu.enqueue_indirect_dma source(%dma_start3A_557 : memref<128x64xf32, #tpu.memory_space<vmem>>) target(%dma_start3A_563 : memref<10240x64xf32, #tpu.memory_space<vmem_shared>>) offsets(%dma_start3A_560 : memref<128xi32, #tpu.memory_space<vmem>>) semaphore(%arg12 : memref<!tpu.dma_semaphore, #tpu.memory_space<semaphore_mem>>) {add = true}
      %add3A_564 = arith.constant 0 : i32
      %add3A_565 = arith.addi %add3A_246, %add3A_564 : i32
      %dma_wait3A_566 = arith.constant 4 : i32
      %dma_wait3A_567 = arith.constant 0 : i32
      %dma_wait3A_568 = arith.constant 0 : i32
      %dma_wait3A_569 = tpu.memref_slice %arg7[%dma_wait3A_566, %dma_wait3A_567, %dma_wait3A_568] : memref<8x128x64xf32, #tpu.memory_space<vmem>> -> memref<1x128x64xf32, #tpu.memory_space<vmem>>
      %dma_wait3A_570 = tpu.memref_squeeze %dma_wait3A_569 : memref<1x128x64xf32, #tpu.memory_space<vmem>> -> memref<128x64xf32, #tpu.memory_space<vmem>>
      %dma_wait3A_571 = arith.constant 0 : i32
      %dma_wait3A_572 = tpu.memref_slice %arg6[%add3A_565, %dma_wait3A_571] : memref<80x128xi32, #tpu.memory_space<vmem>> -> memref<1x128xi32, #tpu.memory_space<vmem>>
      %dma_wait3A_573 = tpu.memref_squeeze %dma_wait3A_572 : memref<1x128xi32, #tpu.memory_space<vmem>> -> memref<128xi32, #tpu.memory_space<vmem>>
      %dma_wait3A_574 = arith.constant 0 : i32
      %dma_wait3A_575 = arith.constant 0 : i32
      %dma_wait3A_576 = tpu.memref_slice %arg8[%dma_wait3A_574, %dma_wait3A_575] : memref<10240x64xf32, #tpu.memory_space<vmem_shared>> -> memref<10240x64xf32, #tpu.memory_space<vmem_shared>>
      tpu.wait_indirect_dma semaphore(%arg12 : memref<!tpu.dma_semaphore, #tpu.memory_space<semaphore_mem>>) src(%dma_wait3A_570 : memref<128x64xf32, #tpu.memory_space<vmem>>) dst(%dma_wait3A_576 : memref<10240x64xf32, #tpu.memory_space<vmem_shared>>)
      %add3A_577 = arith.constant 1 : i32
      %add3A_578 = arith.addi %add3A_246, %add3A_577 : i32
      %dma_wait3A_579 = arith.constant 5 : i32
      %dma_wait3A_580 = arith.constant 0 : i32
      %dma_wait3A_581 = arith.constant 0 : i32
      %dma_wait3A_582 = tpu.memref_slice %arg7[%dma_wait3A_579, %dma_wait3A_580, %dma_wait3A_581] : memref<8x128x64xf32, #tpu.memory_space<vmem>> -> memref<1x128x64xf32, #tpu.memory_space<vmem>>
      %dma_wait3A_583 = tpu.memref_squeeze %dma_wait3A_582 : memref<1x128x64xf32, #tpu.memory_space<vmem>> -> memref<128x64xf32, #tpu.memory_space<vmem>>
      %dma_wait3A_584 = arith.constant 0 : i32
      %dma_wait3A_585 = tpu.memref_slice %arg6[%add3A_578, %dma_wait3A_584] : memref<80x128xi32, #tpu.memory_space<vmem>> -> memref<1x128xi32, #tpu.memory_space<vmem>>
      %dma_wait3A_586 = tpu.memref_squeeze %dma_wait3A_585 : memref<1x128xi32, #tpu.memory_space<vmem>> -> memref<128xi32, #tpu.memory_space<vmem>>
      %dma_wait3A_587 = arith.constant 0 : i32
      %dma_wait3A_588 = arith.constant 0 : i32
      %dma_wait3A_589 = tpu.memref_slice %arg8[%dma_wait3A_587, %dma_wait3A_588] : memref<10240x64xf32, #tpu.memory_space<vmem_shared>> -> memref<10240x64xf32, #tpu.memory_space<vmem_shared>>
      tpu.wait_indirect_dma semaphore(%arg12 : memref<!tpu.dma_semaphore, #tpu.memory_space<semaphore_mem>>) src(%dma_wait3A_583 : memref<128x64xf32, #tpu.memory_space<vmem>>) dst(%dma_wait3A_589 : memref<10240x64xf32, #tpu.memory_space<vmem_shared>>)
      %add3A_590 = arith.constant 2 : i32
      %add3A_591 = arith.addi %add3A_246, %add3A_590 : i32
      %dma_wait3A_592 = arith.constant 6 : i32
      %dma_wait3A_593 = arith.constant 0 : i32
      %dma_wait3A_594 = arith.constant 0 : i32
      %dma_wait3A_595 = tpu.memref_slice %arg7[%dma_wait3A_592, %dma_wait3A_593, %dma_wait3A_594] : memref<8x128x64xf32, #tpu.memory_space<vmem>> -> memref<1x128x64xf32, #tpu.memory_space<vmem>>
      %dma_wait3A_596 = tpu.memref_squeeze %dma_wait3A_595 : memref<1x128x64xf32, #tpu.memory_space<vmem>> -> memref<128x64xf32, #tpu.memory_space<vmem>>
      %dma_wait3A_597 = arith.constant 0 : i32
      %dma_wait3A_598 = tpu.memref_slice %arg6[%add3A_591, %dma_wait3A_597] : memref<80x128xi32, #tpu.memory_space<vmem>> -> memref<1x128xi32, #tpu.memory_space<vmem>>
      %dma_wait3A_599 = tpu.memref_squeeze %dma_wait3A_598 : memref<1x128xi32, #tpu.memory_space<vmem>> -> memref<128xi32, #tpu.memory_space<vmem>>
      %dma_wait3A_600 = arith.constant 0 : i32
      %dma_wait3A_601 = arith.constant 0 : i32
      %dma_wait3A_602 = tpu.memref_slice %arg8[%dma_wait3A_600, %dma_wait3A_601] : memref<10240x64xf32, #tpu.memory_space<vmem_shared>> -> memref<10240x64xf32, #tpu.memory_space<vmem_shared>>
      tpu.wait_indirect_dma semaphore(%arg12 : memref<!tpu.dma_semaphore, #tpu.memory_space<semaphore_mem>>) src(%dma_wait3A_596 : memref<128x64xf32, #tpu.memory_space<vmem>>) dst(%dma_wait3A_602 : memref<10240x64xf32, #tpu.memory_space<vmem_shared>>)
      %add3A_603 = arith.constant 3 : i32
      %add3A_604 = arith.addi %add3A_246, %add3A_603 : i32
      %dma_wait3A_605 = arith.constant 7 : i32
      %dma_wait3A_606 = arith.constant 0 : i32
      %dma_wait3A_607 = arith.constant 0 : i32
      %dma_wait3A_608 = tpu.memref_slice %arg7[%dma_wait3A_605, %dma_wait3A_606, %dma_wait3A_607] : memref<8x128x64xf32, #tpu.memory_space<vmem>> -> memref<1x128x64xf32, #tpu.memory_space<vmem>>
      %dma_wait3A_609 = tpu.memref_squeeze %dma_wait3A_608 : memref<1x128x64xf32, #tpu.memory_space<vmem>> -> memref<128x64xf32, #tpu.memory_space<vmem>>
      %dma_wait3A_610 = arith.constant 0 : i32
      %dma_wait3A_611 = tpu.memref_slice %arg6[%add3A_604, %dma_wait3A_610] : memref<80x128xi32, #tpu.memory_space<vmem>> -> memref<1x128xi32, #tpu.memory_space<vmem>>
      %dma_wait3A_612 = tpu.memref_squeeze %dma_wait3A_611 : memref<1x128xi32, #tpu.memory_space<vmem>> -> memref<128xi32, #tpu.memory_space<vmem>>
      %dma_wait3A_613 = arith.constant 0 : i32
      %dma_wait3A_614 = arith.constant 0 : i32
      %dma_wait3A_615 = tpu.memref_slice %arg8[%dma_wait3A_613, %dma_wait3A_614] : memref<10240x64xf32, #tpu.memory_space<vmem_shared>> -> memref<10240x64xf32, #tpu.memory_space<vmem_shared>>
      tpu.wait_indirect_dma semaphore(%arg12 : memref<!tpu.dma_semaphore, #tpu.memory_space<semaphore_mem>>) src(%dma_wait3A_609 : memref<128x64xf32, #tpu.memory_space<vmem>>) dst(%dma_wait3A_615 : memref<10240x64xf32, #tpu.memory_space<vmem_shared>>)
    }
    %scan3A_232 = arith.constant 10 : i32
    %barrier3A_233 = arith.constant 0 : index
    tpu.barrier barrier_id(%barrier3A_233)
    %lt3A = arith.constant 15 : i32
    %lt3A_234 = arith.cmpi slt, %arg1, %lt3A : i32
    %convert_element_type3A = arith.extui %lt3A_234 : i1 to i32
    %cond3A = arith.constant 0 : i32
    %cond3A_235 = arith.cmpi ne, %convert_element_type3A, %cond3A : i32
    scf.if %cond3A_235 {
      %mul3A_240 = arith.constant 10000 : i32
      %mul3A_241 = arith.muli %arg0, %mul3A_240 : i32
      %add3A_242 = arith.addi %mul3A_241, %mul3A_2 : i32
      "tpu.region"() ({
        %run_scoped3A = tpu.sem_alloc : memref<!tpu.dma_semaphore, #tpu.memory_space<semaphore_mem>>
        %dma_start3A_243 = arith.constant 0 : i32
        %dma_start3A_244 = tpu.memref_slice %arg4[%add3A_242, %dma_start3A_243] : memref<20000x128xf32, #tpu.memory_space<hbm>> -> memref<640x64xf32, #tpu.memory_space<hbm>>
        %dma_start3A_245 = arith.constant 0 : i32
        %dma_start3A_246 = tpu.memref_slice %arg8[%mul3A_2, %dma_start3A_245] : memref<10240x64xf32, #tpu.memory_space<vmem_shared>> -> memref<640x64xf32, #tpu.memory_space<vmem_shared>>
        tpu.enqueue_dma source(%dma_start3A_246 : memref<640x64xf32, #tpu.memory_space<vmem_shared>>) target(%dma_start3A_244 : memref<640x64xf32, #tpu.memory_space<hbm>>) target_semaphore(%run_scoped3A : memref<!tpu.dma_semaphore, #tpu.memory_space<semaphore_mem>>)
        %dma_wait3A_247 = arith.constant 0 : i32
        %dma_wait3A_248 = tpu.memref_slice %arg4[%add3A_242, %dma_wait3A_247] : memref<20000x128xf32, #tpu.memory_space<hbm>> -> memref<640x64xf32, #tpu.memory_space<hbm>>
        %dma_wait3A_249 = arith.constant 0 : i32
        %dma_wait3A_250 = tpu.memref_slice %arg8[%mul3A_2, %dma_wait3A_249] : memref<10240x64xf32, #tpu.memory_space<vmem_shared>> -> memref<640x64xf32, #tpu.memory_space<vmem_shared>>
        tpu.wait_dma2 semaphore(%run_scoped3A : memref<!tpu.dma_semaphore, #tpu.memory_space<semaphore_mem>>) src(%dma_wait3A_250 : memref<640x64xf32, #tpu.memory_space<vmem_shared>>) dst(%dma_wait3A_248 : memref<640x64xf32, #tpu.memory_space<hbm>>)
        tpu.yield
      }) : () -> ()
    } else {
    }
    %eq3A = arith.constant 15 : i32
    %eq3A_236 = arith.cmpi eq, %arg1, %eq3A : i32
    %convert_element_type3A_237 = arith.extui %eq3A_236 : i1 to i32
    %cond3A_238 = arith.constant 0 : i32
    %cond3A_239 = arith.cmpi ne, %convert_element_type3A_237, %cond3A_238 : i32
    scf.if %cond3A_239 {
      %mul3A_240 = arith.constant 10000 : i32
      %mul3A_241 = arith.muli %arg0, %mul3A_240 : i32
      %add3A_242 = arith.addi %mul3A_241, %mul3A_2 : i32
      "tpu.region"() ({
        %run_scoped3A = tpu.sem_alloc : memref<!tpu.dma_semaphore, #tpu.memory_space<semaphore_mem>>
        %dma_start3A_243 = arith.constant 0 : i32
        %dma_start3A_244 = tpu.memref_slice %arg4[%add3A_242, %dma_start3A_243] : memref<20000x128xf32, #tpu.memory_space<hbm>> -> memref<400x64xf32, #tpu.memory_space<hbm>>
        %dma_start3A_245 = arith.constant 0 : i32
        %dma_start3A_246 = tpu.memref_slice %arg8[%mul3A_2, %dma_start3A_245] : memref<10240x64xf32, #tpu.memory_space<vmem_shared>> -> memref<400x64xf32, #tpu.memory_space<vmem_shared>>
        tpu.enqueue_dma source(%dma_start3A_246 : memref<400x64xf32, #tpu.memory_space<vmem_shared>>) target(%dma_start3A_244 : memref<400x64xf32, #tpu.memory_space<hbm>>) target_semaphore(%run_scoped3A : memref<!tpu.dma_semaphore, #tpu.memory_space<semaphore_mem>>)
        %dma_wait3A_247 = arith.constant 0 : i32
        %dma_wait3A_248 = tpu.memref_slice %arg4[%add3A_242, %dma_wait3A_247] : memref<20000x128xf32, #tpu.memory_space<hbm>> -> memref<400x64xf32, #tpu.memory_space<hbm>>
        %dma_wait3A_249 = arith.constant 0 : i32
        %dma_wait3A_250 = tpu.memref_slice %arg8[%mul3A_2, %dma_wait3A_249] : memref<10240x64xf32, #tpu.memory_space<vmem_shared>> -> memref<400x64xf32, #tpu.memory_space<vmem_shared>>
        tpu.wait_dma2 semaphore(%run_scoped3A : memref<!tpu.dma_semaphore, #tpu.memory_space<semaphore_mem>>) src(%dma_wait3A_250 : memref<400x64xf32, #tpu.memory_space<vmem_shared>>) dst(%dma_wait3A_248 : memref<400x64xf32, #tpu.memory_space<hbm>>)
        tpu.yield
      }) : () -> ()
    } else {
    }
    return
  }
}

#map = affine_map<(d0, d1) -> (0, 0, 0)>
#map1 = affine_map<(d0, d1) -> (0, 0)>
module attributes {stable_mosaic.version = 14 : i64} {
  func.func @k(%arg0: i32, %arg1: i32, %arg2: memref<2x2560x128xi32, #tpu.memory_space<hbm>>, %arg3: memref<20000x16xf32, #tpu.memory_space<hbm>>, %arg4: memref<80x128xi32, #tpu.memory_space<vmem>>, %arg5: memref<128x16xf32, #tpu.memory_space<vmem>>, %arg6: memref<10240x16xf32, #tpu.memory_space<vmem_shared>>, %arg7: memref<!tpu.dma_semaphore, #tpu.memory_space<semaphore_mem>>, %arg8: memref<!tpu.dma_semaphore, #tpu.memory_space<semaphore_mem>>) attributes {dimension_semantics = [#tpu.dimension_semantics<core_parallel>, #tpu.dimension_semantics<subcore_parallel>], iteration_bounds = array<i64: 2, 16>, scalar_prefetch = 0 : i64, scratch_operands = 5 : i64, tpu.core_type = #tpu.core_type<sc_vector_subcore>, window_params = [{transform_indices = #map}, {transform_indices = #map1}]} {
    %mul3A = arith.constant 2 : i32
    %mul3A_0 = arith.muli %arg1, %mul3A : i32
    %add3A = arith.addi %mul3A_0, %arg0 : i32
    %mul3A_1 = arith.constant 640 : i32
    %mul3A_2 = arith.muli %arg1, %mul3A_1 : i32
    %mul3A_3 = arith.constant 80 : i32
    %mul3A_4 = arith.muli %add3A, %mul3A_3 : i32
    %dma_start3A = arith.constant 1 : i32
    %dma_start3A_5 = arith.constant 0 : i32
    %dma_start3A_6 = tpu.memref_slice %arg2[%dma_start3A, %mul3A_4, %dma_start3A_5] : memref<2x2560x128xi32, #tpu.memory_space<hbm>> -> memref<1x80x128xi32, #tpu.memory_space<hbm>>
    %dma_start3A_7 = tpu.memref_squeeze %dma_start3A_6 : memref<1x80x128xi32, #tpu.memory_space<hbm>> -> memref<80x128xi32, #tpu.memory_space<hbm>>
    %dma_start3A_8 = arith.constant 0 : i32
    %dma_start3A_9 = tpu.memref_slice %arg2[%dma_start3A, %mul3A_4, %dma_start3A_8] : memref<2x2560x128xi32, #tpu.memory_space<hbm>> -> memref<1x80x128xi32, #tpu.memory_space<hbm>>
    %dma_start3A_10 = tpu.memref_squeeze %dma_start3A_9 : memref<1x80x128xi32, #tpu.memory_space<hbm>> -> memref<80x128xi32, #tpu.memory_space<hbm>>
    tpu.enqueue_dma source(%dma_start3A_10 : memref<80x128xi32, #tpu.memory_space<hbm>>) target(%arg4 : memref<80x128xi32, #tpu.memory_space<vmem>>) target_semaphore(%arg7 : memref<!tpu.dma_semaphore, #tpu.memory_space<semaphore_mem>>)
    %scan3A = arith.constant 0.000000e+00 : f32
    %scan3A_11 = arith.constant 0 : i32
    %scan3A_12 = arith.constant 128 : i32
    %scan3A_13 = arith.addi %scan3A_11, %scan3A_12 : i32
    %scan3A_14 = arith.constant 1 : i32
    scf.for %scan3A_91 = %scan3A_11 to %scan3A_13 step %scan3A_14  : i32 {
      %broadcast_in_dim3A = vector.broadcast %scan3A : f32 to vector<16xf32>
      %swap3A = arith.index_cast %scan3A_91 : i32 to index
      %swap3A_92 = arith.constant 0 : index
      %swap3A_93 = tpu.vector_load %arg5[%swap3A, %swap3A_92] {strides = array<i32>} : memref<128x16xf32, #tpu.memory_space<vmem>>, vector<1x16xf32>,
      %swap3A_94 = vector.shape_cast %swap3A_93 : vector<1x16xf32> to vector<16xf32>
      %swap3A_95 = vector.shape_cast %broadcast_in_dim3A : vector<16xf32> to vector<1x16xf32>
      tpu.vector_store %arg5[%swap3A, %swap3A_92], %swap3A_95 {strides = array<i32>} : memref<128x16xf32, #tpu.memory_space<vmem>>, vector<1x16xf32>,
    }
    %scan3A_15 = arith.constant 128 : i32
    %add3A_16 = arith.constant 0 : i32
    %add3A_17 = arith.addi %mul3A_2, %add3A_16 : i32
    %dma_start3A_18 = arith.constant 0 : i32
    %dma_start3A_19 = tpu.memref_slice %arg6[%add3A_17, %dma_start3A_18] : memref<10240x16xf32, #tpu.memory_space<vmem_shared>> -> memref<128x16xf32, #tpu.memory_space<vmem_shared>>
    %dma_start3A_20 = arith.constant 0 : i32
    %dma_start3A_21 = tpu.memref_slice %arg6[%add3A_17, %dma_start3A_20] : memref<10240x16xf32, #tpu.memory_space<vmem_shared>> -> memref<128x16xf32, #tpu.memory_space<vmem_shared>>
    tpu.enqueue_dma source(%arg5 : memref<128x16xf32, #tpu.memory_space<vmem>>) target(%dma_start3A_21 : memref<128x16xf32, #tpu.memory_space<vmem_shared>>) target_semaphore(%arg8 : memref<!tpu.dma_semaphore, #tpu.memory_space<semaphore_mem>>)
    %add3A_22 = arith.constant 128 : i32
    %add3A_23 = arith.addi %mul3A_2, %add3A_22 : i32
    %dma_start3A_24 = arith.constant 0 : i32
    %dma_start3A_25 = tpu.memref_slice %arg6[%add3A_23, %dma_start3A_24] : memref<10240x16xf32, #tpu.memory_space<vmem_shared>> -> memref<128x16xf32, #tpu.memory_space<vmem_shared>>
    %dma_start3A_26 = arith.constant 0 : i32
    %dma_start3A_27 = tpu.memref_slice %arg6[%add3A_23, %dma_start3A_26] : memref<10240x16xf32, #tpu.memory_space<vmem_shared>> -> memref<128x16xf32, #tpu.memory_space<vmem_shared>>
    tpu.enqueue_dma source(%arg5 : memref<128x16xf32, #tpu.memory_space<vmem>>) target(%dma_start3A_27 : memref<128x16xf32, #tpu.memory_space<vmem_shared>>) target_semaphore(%arg8 : memref<!tpu.dma_semaphore, #tpu.memory_space<semaphore_mem>>)
    %add3A_28 = arith.constant 256 : i32
    %add3A_29 = arith.addi %mul3A_2, %add3A_28 : i32
    %dma_start3A_30 = arith.constant 0 : i32
    %dma_start3A_31 = tpu.memref_slice %arg6[%add3A_29, %dma_start3A_30] : memref<10240x16xf32, #tpu.memory_space<vmem_shared>> -> memref<128x16xf32, #tpu.memory_space<vmem_shared>>
    %dma_start3A_32 = arith.constant 0 : i32
    %dma_start3A_33 = tpu.memref_slice %arg6[%add3A_29, %dma_start3A_32] : memref<10240x16xf32, #tpu.memory_space<vmem_shared>> -> memref<128x16xf32, #tpu.memory_space<vmem_shared>>
    tpu.enqueue_dma source(%arg5 : memref<128x16xf32, #tpu.memory_space<vmem>>) target(%dma_start3A_33 : memref<128x16xf32, #tpu.memory_space<vmem_shared>>) target_semaphore(%arg8 : memref<!tpu.dma_semaphore, #tpu.memory_space<semaphore_mem>>)
    %add3A_34 = arith.constant 384 : i32
    %add3A_35 = arith.addi %mul3A_2, %add3A_34 : i32
    %dma_start3A_36 = arith.constant 0 : i32
    %dma_start3A_37 = tpu.memref_slice %arg6[%add3A_35, %dma_start3A_36] : memref<10240x16xf32, #tpu.memory_space<vmem_shared>> -> memref<128x16xf32, #tpu.memory_space<vmem_shared>>
    %dma_start3A_38 = arith.constant 0 : i32
    %dma_start3A_39 = tpu.memref_slice %arg6[%add3A_35, %dma_start3A_38] : memref<10240x16xf32, #tpu.memory_space<vmem_shared>> -> memref<128x16xf32, #tpu.memory_space<vmem_shared>>
    tpu.enqueue_dma source(%arg5 : memref<128x16xf32, #tpu.memory_space<vmem>>) target(%dma_start3A_39 : memref<128x16xf32, #tpu.memory_space<vmem_shared>>) target_semaphore(%arg8 : memref<!tpu.dma_semaphore, #tpu.memory_space<semaphore_mem>>)
    %add3A_40 = arith.constant 512 : i32
    %add3A_41 = arith.addi %mul3A_2, %add3A_40 : i32
    %dma_start3A_42 = arith.constant 0 : i32
    %dma_start3A_43 = tpu.memref_slice %arg6[%add3A_41, %dma_start3A_42] : memref<10240x16xf32, #tpu.memory_space<vmem_shared>> -> memref<128x16xf32, #tpu.memory_space<vmem_shared>>
    %dma_start3A_44 = arith.constant 0 : i32
    %dma_start3A_45 = tpu.memref_slice %arg6[%add3A_41, %dma_start3A_44] : memref<10240x16xf32, #tpu.memory_space<vmem_shared>> -> memref<128x16xf32, #tpu.memory_space<vmem_shared>>
    tpu.enqueue_dma source(%arg5 : memref<128x16xf32, #tpu.memory_space<vmem>>) target(%dma_start3A_45 : memref<128x16xf32, #tpu.memory_space<vmem_shared>>) target_semaphore(%arg8 : memref<!tpu.dma_semaphore, #tpu.memory_space<semaphore_mem>>)
    %dma_wait3A = arith.constant 0 : i32
    %dma_wait3A_46 = tpu.memref_slice %arg6[%add3A_17, %dma_wait3A] : memref<10240x16xf32, #tpu.memory_space<vmem_shared>> -> memref<128x16xf32, #tpu.memory_space<vmem_shared>>
    %dma_wait3A_47 = arith.constant 0 : i32
    %dma_wait3A_48 = tpu.memref_slice %arg6[%add3A_17, %dma_wait3A_47] : memref<10240x16xf32, #tpu.memory_space<vmem_shared>> -> memref<128x16xf32, #tpu.memory_space<vmem_shared>>
    tpu.wait_dma2 semaphore(%arg8 : memref<!tpu.dma_semaphore, #tpu.memory_space<semaphore_mem>>) src(%arg5 : memref<128x16xf32, #tpu.memory_space<vmem>>) dst(%dma_wait3A_48 : memref<128x16xf32, #tpu.memory_space<vmem_shared>>)
    %dma_wait3A_49 = arith.constant 0 : i32
    %dma_wait3A_50 = tpu.memref_slice %arg6[%add3A_23, %dma_wait3A_49] : memref<10240x16xf32, #tpu.memory_space<vmem_shared>> -> memref<128x16xf32, #tpu.memory_space<vmem_shared>>
    %dma_wait3A_51 = arith.constant 0 : i32
    %dma_wait3A_52 = tpu.memref_slice %arg6[%add3A_23, %dma_wait3A_51] : memref<10240x16xf32, #tpu.memory_space<vmem_shared>> -> memref<128x16xf32, #tpu.memory_space<vmem_shared>>
    tpu.wait_dma2 semaphore(%arg8 : memref<!tpu.dma_semaphore, #tpu.memory_space<semaphore_mem>>) src(%arg5 : memref<128x16xf32, #tpu.memory_space<vmem>>) dst(%dma_wait3A_52 : memref<128x16xf32, #tpu.memory_space<vmem_shared>>)
    %dma_wait3A_53 = arith.constant 0 : i32
    %dma_wait3A_54 = tpu.memref_slice %arg6[%add3A_29, %dma_wait3A_53] : memref<10240x16xf32, #tpu.memory_space<vmem_shared>> -> memref<128x16xf32, #tpu.memory_space<vmem_shared>>
    %dma_wait3A_55 = arith.constant 0 : i32
    %dma_wait3A_56 = tpu.memref_slice %arg6[%add3A_29, %dma_wait3A_55] : memref<10240x16xf32, #tpu.memory_space<vmem_shared>> -> memref<128x16xf32, #tpu.memory_space<vmem_shared>>
    tpu.wait_dma2 semaphore(%arg8 : memref<!tpu.dma_semaphore, #tpu.memory_space<semaphore_mem>>) src(%arg5 : memref<128x16xf32, #tpu.memory_space<vmem>>) dst(%dma_wait3A_56 : memref<128x16xf32, #tpu.memory_space<vmem_shared>>)
    %dma_wait3A_57 = arith.constant 0 : i32
    %dma_wait3A_58 = tpu.memref_slice %arg6[%add3A_35, %dma_wait3A_57] : memref<10240x16xf32, #tpu.memory_space<vmem_shared>> -> memref<128x16xf32, #tpu.memory_space<vmem_shared>>
    %dma_wait3A_59 = arith.constant 0 : i32
    %dma_wait3A_60 = tpu.memref_slice %arg6[%add3A_35, %dma_wait3A_59] : memref<10240x16xf32, #tpu.memory_space<vmem_shared>> -> memref<128x16xf32, #tpu.memory_space<vmem_shared>>
    tpu.wait_dma2 semaphore(%arg8 : memref<!tpu.dma_semaphore, #tpu.memory_space<semaphore_mem>>) src(%arg5 : memref<128x16xf32, #tpu.memory_space<vmem>>) dst(%dma_wait3A_60 : memref<128x16xf32, #tpu.memory_space<vmem_shared>>)
    %dma_wait3A_61 = arith.constant 0 : i32
    %dma_wait3A_62 = tpu.memref_slice %arg6[%add3A_41, %dma_wait3A_61] : memref<10240x16xf32, #tpu.memory_space<vmem_shared>> -> memref<128x16xf32, #tpu.memory_space<vmem_shared>>
    %dma_wait3A_63 = arith.constant 0 : i32
    %dma_wait3A_64 = tpu.memref_slice %arg6[%add3A_41, %dma_wait3A_63] : memref<10240x16xf32, #tpu.memory_space<vmem_shared>> -> memref<128x16xf32, #tpu.memory_space<vmem_shared>>
    tpu.wait_dma2 semaphore(%arg8 : memref<!tpu.dma_semaphore, #tpu.memory_space<semaphore_mem>>) src(%arg5 : memref<128x16xf32, #tpu.memory_space<vmem>>) dst(%dma_wait3A_64 : memref<128x16xf32, #tpu.memory_space<vmem_shared>>)
    %scan3A_65 = arith.constant 1.000000e+00 : f32
    %scan3A_66 = arith.constant 0 : i32
    %scan3A_67 = arith.constant 128 : i32
    %scan3A_68 = arith.addi %scan3A_66, %scan3A_67 : i32
    %scan3A_69 = arith.constant 1 : i32
    scf.for %scan3A_91 = %scan3A_66 to %scan3A_68 step %scan3A_69  : i32 {
      %broadcast_in_dim3A = vector.broadcast %scan3A_65 : f32 to vector<16xf32>
      %swap3A = arith.index_cast %scan3A_91 : i32 to index
      %swap3A_92 = arith.constant 0 : index
      %swap3A_93 = tpu.vector_load %arg5[%swap3A, %swap3A_92] {strides = array<i32>} : memref<128x16xf32, #tpu.memory_space<vmem>>, vector<1x16xf32>,
      %swap3A_94 = vector.shape_cast %swap3A_93 : vector<1x16xf32> to vector<16xf32>
      %swap3A_95 = vector.shape_cast %broadcast_in_dim3A : vector<16xf32> to vector<1x16xf32>
      tpu.vector_store %arg5[%swap3A, %swap3A_92], %swap3A_95 {strides = array<i32>} : memref<128x16xf32, #tpu.memory_space<vmem>>, vector<1x16xf32>,
    }
    %scan3A_70 = arith.constant 128 : i32
    %dma_wait3A_71 = arith.constant 1 : i32
    %dma_wait3A_72 = arith.constant 0 : i32
    %dma_wait3A_73 = tpu.memref_slice %arg2[%dma_wait3A_71, %mul3A_4, %dma_wait3A_72] : memref<2x2560x128xi32, #tpu.memory_space<hbm>> -> memref<1x80x128xi32, #tpu.memory_space<hbm>>
    %dma_wait3A_74 = tpu.memref_squeeze %dma_wait3A_73 : memref<1x80x128xi32, #tpu.memory_space<hbm>> -> memref<80x128xi32, #tpu.memory_space<hbm>>
    %dma_wait3A_75 = arith.constant 0 : i32
    %dma_wait3A_76 = tpu.memref_slice %arg2[%dma_wait3A_71, %mul3A_4, %dma_wait3A_75] : memref<2x2560x128xi32, #tpu.memory_space<hbm>> -> memref<1x80x128xi32, #tpu.memory_space<hbm>>
    %dma_wait3A_77 = tpu.memref_squeeze %dma_wait3A_76 : memref<1x80x128xi32, #tpu.memory_space<hbm>> -> memref<80x128xi32, #tpu.memory_space<hbm>>
    tpu.wait_dma2 semaphore(%arg7 : memref<!tpu.dma_semaphore, #tpu.memory_space<semaphore_mem>>) src(%dma_wait3A_77 : memref<80x128xi32, #tpu.memory_space<hbm>>) dst(%arg4 : memref<80x128xi32, #tpu.memory_space<vmem>>)
    %barrier3A = arith.constant 0 : index
    tpu.barrier barrier_id(%barrier3A)
    %scan3A_78 = arith.constant 0 : i32
    %scan3A_79 = arith.constant 0 : i32
    %scan3A_80 = arith.constant 10 : i32
    %scan3A_81 = arith.addi %scan3A_79, %scan3A_80 : i32
    %scan3A_82 = arith.constant 1 : i32
    scf.for %scan3A_91 = %scan3A_79 to %scan3A_81 step %scan3A_82  : i32 {
      %mul3A_92 = arith.constant 8 : i32
      %mul3A_93 = arith.muli %mul3A_92, %scan3A_91 : i32
      %add3A_94 = arith.constant 0 : i32
      %add3A_95 = arith.addi %mul3A_93, %add3A_94 : i32
      %dma_start3A_96 = arith.constant 0 : i32
      %dma_start3A_97 = tpu.memref_slice %arg4[%add3A_95, %dma_start3A_96] : memref<80x128xi32, #tpu.memory_space<vmem>> -> memref<1x128xi32, #tpu.memory_space<vmem>>
      %dma_start3A_98 = tpu.memref_squeeze %dma_start3A_97 : memref<1x128xi32, #tpu.memory_space<vmem>> -> memref<128xi32, #tpu.memory_space<vmem>>
      %dma_start3A_99 = arith.constant 0 : i32
      %dma_start3A_100 = arith.constant 0 : i32
      %dma_start3A_101 = tpu.memref_slice %arg6[%dma_start3A_99, %dma_start3A_100] : memref<10240x16xf32, #tpu.memory_space<vmem_shared>> -> memref<10240x16xf32, #tpu.memory_space<vmem_shared>>
      tpu.enqueue_indirect_dma source(%arg5 : memref<128x16xf32, #tpu.memory_space<vmem>>) target(%dma_start3A_101 : memref<10240x16xf32, #tpu.memory_space<vmem_shared>>) offsets(%dma_start3A_98 : memref<128xi32, #tpu.memory_space<vmem>>) semaphore(%arg8 : memref<!tpu.dma_semaphore, #tpu.memory_space<semaphore_mem>>) {add = true}
      %mul3A_102 = arith.constant 8 : i32
      %mul3A_103 = arith.muli %mul3A_102, %scan3A_91 : i32
      %add3A_104 = arith.constant 1 : i32
      %add3A_105 = arith.addi %mul3A_103, %add3A_104 : i32
      %dma_start3A_106 = arith.constant 0 : i32
      %dma_start3A_107 = tpu.memref_slice %arg4[%add3A_105, %dma_start3A_106] : memref<80x128xi32, #tpu.memory_space<vmem>> -> memref<1x128xi32, #tpu.memory_space<vmem>>
      %dma_start3A_108 = tpu.memref_squeeze %dma_start3A_107 : memref<1x128xi32, #tpu.memory_space<vmem>> -> memref<128xi32, #tpu.memory_space<vmem>>
      %dma_start3A_109 = arith.constant 0 : i32
      %dma_start3A_110 = arith.constant 0 : i32
      %dma_start3A_111 = tpu.memref_slice %arg6[%dma_start3A_109, %dma_start3A_110] : memref<10240x16xf32, #tpu.memory_space<vmem_shared>> -> memref<10240x16xf32, #tpu.memory_space<vmem_shared>>
      tpu.enqueue_indirect_dma source(%arg5 : memref<128x16xf32, #tpu.memory_space<vmem>>) target(%dma_start3A_111 : memref<10240x16xf32, #tpu.memory_space<vmem_shared>>) offsets(%dma_start3A_108 : memref<128xi32, #tpu.memory_space<vmem>>) semaphore(%arg8 : memref<!tpu.dma_semaphore, #tpu.memory_space<semaphore_mem>>) {add = true}
      %mul3A_112 = arith.constant 8 : i32
      %mul3A_113 = arith.muli %mul3A_112, %scan3A_91 : i32
      %add3A_114 = arith.constant 2 : i32
      %add3A_115 = arith.addi %mul3A_113, %add3A_114 : i32
      %dma_start3A_116 = arith.constant 0 : i32
      %dma_start3A_117 = tpu.memref_slice %arg4[%add3A_115, %dma_start3A_116] : memref<80x128xi32, #tpu.memory_space<vmem>> -> memref<1x128xi32, #tpu.memory_space<vmem>>
      %dma_start3A_118 = tpu.memref_squeeze %dma_start3A_117 : memref<1x128xi32, #tpu.memory_space<vmem>> -> memref<128xi32, #tpu.memory_space<vmem>>
      %dma_start3A_119 = arith.constant 0 : i32
      %dma_start3A_120 = arith.constant 0 : i32
      %dma_start3A_121 = tpu.memref_slice %arg6[%dma_start3A_119, %dma_start3A_120] : memref<10240x16xf32, #tpu.memory_space<vmem_shared>> -> memref<10240x16xf32, #tpu.memory_space<vmem_shared>>
      tpu.enqueue_indirect_dma source(%arg5 : memref<128x16xf32, #tpu.memory_space<vmem>>) target(%dma_start3A_121 : memref<10240x16xf32, #tpu.memory_space<vmem_shared>>) offsets(%dma_start3A_118 : memref<128xi32, #tpu.memory_space<vmem>>) semaphore(%arg8 : memref<!tpu.dma_semaphore, #tpu.memory_space<semaphore_mem>>) {add = true}
      %mul3A_122 = arith.constant 8 : i32
      %mul3A_123 = arith.muli %mul3A_122, %scan3A_91 : i32
      %add3A_124 = arith.constant 3 : i32
      %add3A_125 = arith.addi %mul3A_123, %add3A_124 : i32
      %dma_start3A_126 = arith.constant 0 : i32
      %dma_start3A_127 = tpu.memref_slice %arg4[%add3A_125, %dma_start3A_126] : memref<80x128xi32, #tpu.memory_space<vmem>> -> memref<1x128xi32, #tpu.memory_space<vmem>>
      %dma_start3A_128 = tpu.memref_squeeze %dma_start3A_127 : memref<1x128xi32, #tpu.memory_space<vmem>> -> memref<128xi32, #tpu.memory_space<vmem>>
      %dma_start3A_129 = arith.constant 0 : i32
      %dma_start3A_130 = arith.constant 0 : i32
      %dma_start3A_131 = tpu.memref_slice %arg6[%dma_start3A_129, %dma_start3A_130] : memref<10240x16xf32, #tpu.memory_space<vmem_shared>> -> memref<10240x16xf32, #tpu.memory_space<vmem_shared>>
      tpu.enqueue_indirect_dma source(%arg5 : memref<128x16xf32, #tpu.memory_space<vmem>>) target(%dma_start3A_131 : memref<10240x16xf32, #tpu.memory_space<vmem_shared>>) offsets(%dma_start3A_128 : memref<128xi32, #tpu.memory_space<vmem>>) semaphore(%arg8 : memref<!tpu.dma_semaphore, #tpu.memory_space<semaphore_mem>>) {add = true}
      %mul3A_132 = arith.constant 8 : i32
      %mul3A_133 = arith.muli %mul3A_132, %scan3A_91 : i32
      %add3A_134 = arith.constant 4 : i32
      %add3A_135 = arith.addi %mul3A_133, %add3A_134 : i32
      %dma_start3A_136 = arith.constant 0 : i32
      %dma_start3A_137 = tpu.memref_slice %arg4[%add3A_135, %dma_start3A_136] : memref<80x128xi32, #tpu.memory_space<vmem>> -> memref<1x128xi32, #tpu.memory_space<vmem>>
      %dma_start3A_138 = tpu.memref_squeeze %dma_start3A_137 : memref<1x128xi32, #tpu.memory_space<vmem>> -> memref<128xi32, #tpu.memory_space<vmem>>
      %dma_start3A_139 = arith.constant 0 : i32
      %dma_start3A_140 = arith.constant 0 : i32
      %dma_start3A_141 = tpu.memref_slice %arg6[%dma_start3A_139, %dma_start3A_140] : memref<10240x16xf32, #tpu.memory_space<vmem_shared>> -> memref<10240x16xf32, #tpu.memory_space<vmem_shared>>
      tpu.enqueue_indirect_dma source(%arg5 : memref<128x16xf32, #tpu.memory_space<vmem>>) target(%dma_start3A_141 : memref<10240x16xf32, #tpu.memory_space<vmem_shared>>) offsets(%dma_start3A_138 : memref<128xi32, #tpu.memory_space<vmem>>) semaphore(%arg8 : memref<!tpu.dma_semaphore, #tpu.memory_space<semaphore_mem>>) {add = true}
      %mul3A_142 = arith.constant 8 : i32
      %mul3A_143 = arith.muli %mul3A_142, %scan3A_91 : i32
      %add3A_144 = arith.constant 5 : i32
      %add3A_145 = arith.addi %mul3A_143, %add3A_144 : i32
      %dma_start3A_146 = arith.constant 0 : i32
      %dma_start3A_147 = tpu.memref_slice %arg4[%add3A_145, %dma_start3A_146] : memref<80x128xi32, #tpu.memory_space<vmem>> -> memref<1x128xi32, #tpu.memory_space<vmem>>
      %dma_start3A_148 = tpu.memref_squeeze %dma_start3A_147 : memref<1x128xi32, #tpu.memory_space<vmem>> -> memref<128xi32, #tpu.memory_space<vmem>>
      %dma_start3A_149 = arith.constant 0 : i32
      %dma_start3A_150 = arith.constant 0 : i32
      %dma_start3A_151 = tpu.memref_slice %arg6[%dma_start3A_149, %dma_start3A_150] : memref<10240x16xf32, #tpu.memory_space<vmem_shared>> -> memref<10240x16xf32, #tpu.memory_space<vmem_shared>>
      tpu.enqueue_indirect_dma source(%arg5 : memref<128x16xf32, #tpu.memory_space<vmem>>) target(%dma_start3A_151 : memref<10240x16xf32, #tpu.memory_space<vmem_shared>>) offsets(%dma_start3A_148 : memref<128xi32, #tpu.memory_space<vmem>>) semaphore(%arg8 : memref<!tpu.dma_semaphore, #tpu.memory_space<semaphore_mem>>) {add = true}
      %mul3A_152 = arith.constant 8 : i32
      %mul3A_153 = arith.muli %mul3A_152, %scan3A_91 : i32
      %add3A_154 = arith.constant 6 : i32
      %add3A_155 = arith.addi %mul3A_153, %add3A_154 : i32
      %dma_start3A_156 = arith.constant 0 : i32
      %dma_start3A_157 = tpu.memref_slice %arg4[%add3A_155, %dma_start3A_156] : memref<80x128xi32, #tpu.memory_space<vmem>> -> memref<1x128xi32, #tpu.memory_space<vmem>>
      %dma_start3A_158 = tpu.memref_squeeze %dma_start3A_157 : memref<1x128xi32, #tpu.memory_space<vmem>> -> memref<128xi32, #tpu.memory_space<vmem>>
      %dma_start3A_159 = arith.constant 0 : i32
      %dma_start3A_160 = arith.constant 0 : i32
      %dma_start3A_161 = tpu.memref_slice %arg6[%dma_start3A_159, %dma_start3A_160] : memref<10240x16xf32, #tpu.memory_space<vmem_shared>> -> memref<10240x16xf32, #tpu.memory_space<vmem_shared>>
      tpu.enqueue_indirect_dma source(%arg5 : memref<128x16xf32, #tpu.memory_space<vmem>>) target(%dma_start3A_161 : memref<10240x16xf32, #tpu.memory_space<vmem_shared>>) offsets(%dma_start3A_158 : memref<128xi32, #tpu.memory_space<vmem>>) semaphore(%arg8 : memref<!tpu.dma_semaphore, #tpu.memory_space<semaphore_mem>>) {add = true}
      %mul3A_162 = arith.constant 8 : i32
      %mul3A_163 = arith.muli %mul3A_162, %scan3A_91 : i32
      %add3A_164 = arith.constant 7 : i32
      %add3A_165 = arith.addi %mul3A_163, %add3A_164 : i32
      %dma_start3A_166 = arith.constant 0 : i32
      %dma_start3A_167 = tpu.memref_slice %arg4[%add3A_165, %dma_start3A_166] : memref<80x128xi32, #tpu.memory_space<vmem>> -> memref<1x128xi32, #tpu.memory_space<vmem>>
      %dma_start3A_168 = tpu.memref_squeeze %dma_start3A_167 : memref<1x128xi32, #tpu.memory_space<vmem>> -> memref<128xi32, #tpu.memory_space<vmem>>
      %dma_start3A_169 = arith.constant 0 : i32
      %dma_start3A_170 = arith.constant 0 : i32
      %dma_start3A_171 = tpu.memref_slice %arg6[%dma_start3A_169, %dma_start3A_170] : memref<10240x16xf32, #tpu.memory_space<vmem_shared>> -> memref<10240x16xf32, #tpu.memory_space<vmem_shared>>
      tpu.enqueue_indirect_dma source(%arg5 : memref<128x16xf32, #tpu.memory_space<vmem>>) target(%dma_start3A_171 : memref<10240x16xf32, #tpu.memory_space<vmem_shared>>) offsets(%dma_start3A_168 : memref<128xi32, #tpu.memory_space<vmem>>) semaphore(%arg8 : memref<!tpu.dma_semaphore, #tpu.memory_space<semaphore_mem>>) {add = true}
      %dma_wait3A_172 = arith.constant 0 : i32
      %dma_wait3A_173 = tpu.memref_slice %arg4[%add3A_95, %dma_wait3A_172] : memref<80x128xi32, #tpu.memory_space<vmem>> -> memref<1x128xi32, #tpu.memory_space<vmem>>
      %dma_wait3A_174 = tpu.memref_squeeze %dma_wait3A_173 : memref<1x128xi32, #tpu.memory_space<vmem>> -> memref<128xi32, #tpu.memory_space<vmem>>
      %dma_wait3A_175 = arith.constant 0 : i32
      %dma_wait3A_176 = arith.constant 0 : i32
      %dma_wait3A_177 = tpu.memref_slice %arg6[%dma_wait3A_175, %dma_wait3A_176] : memref<10240x16xf32, #tpu.memory_space<vmem_shared>> -> memref<10240x16xf32, #tpu.memory_space<vmem_shared>>
      tpu.wait_indirect_dma semaphore(%arg8 : memref<!tpu.dma_semaphore, #tpu.memory_space<semaphore_mem>>) src(%arg5 : memref<128x16xf32, #tpu.memory_space<vmem>>) dst(%dma_wait3A_177 : memref<10240x16xf32, #tpu.memory_space<vmem_shared>>)
      %dma_wait3A_178 = arith.constant 0 : i32
      %dma_wait3A_179 = tpu.memref_slice %arg4[%add3A_105, %dma_wait3A_178] : memref<80x128xi32, #tpu.memory_space<vmem>> -> memref<1x128xi32, #tpu.memory_space<vmem>>
      %dma_wait3A_180 = tpu.memref_squeeze %dma_wait3A_179 : memref<1x128xi32, #tpu.memory_space<vmem>> -> memref<128xi32, #tpu.memory_space<vmem>>
      %dma_wait3A_181 = arith.constant 0 : i32
      %dma_wait3A_182 = arith.constant 0 : i32
      %dma_wait3A_183 = tpu.memref_slice %arg6[%dma_wait3A_181, %dma_wait3A_182] : memref<10240x16xf32, #tpu.memory_space<vmem_shared>> -> memref<10240x16xf32, #tpu.memory_space<vmem_shared>>
      tpu.wait_indirect_dma semaphore(%arg8 : memref<!tpu.dma_semaphore, #tpu.memory_space<semaphore_mem>>) src(%arg5 : memref<128x16xf32, #tpu.memory_space<vmem>>) dst(%dma_wait3A_183 : memref<10240x16xf32, #tpu.memory_space<vmem_shared>>)
      %dma_wait3A_184 = arith.constant 0 : i32
      %dma_wait3A_185 = tpu.memref_slice %arg4[%add3A_115, %dma_wait3A_184] : memref<80x128xi32, #tpu.memory_space<vmem>> -> memref<1x128xi32, #tpu.memory_space<vmem>>
      %dma_wait3A_186 = tpu.memref_squeeze %dma_wait3A_185 : memref<1x128xi32, #tpu.memory_space<vmem>> -> memref<128xi32, #tpu.memory_space<vmem>>
      %dma_wait3A_187 = arith.constant 0 : i32
      %dma_wait3A_188 = arith.constant 0 : i32
      %dma_wait3A_189 = tpu.memref_slice %arg6[%dma_wait3A_187, %dma_wait3A_188] : memref<10240x16xf32, #tpu.memory_space<vmem_shared>> -> memref<10240x16xf32, #tpu.memory_space<vmem_shared>>
      tpu.wait_indirect_dma semaphore(%arg8 : memref<!tpu.dma_semaphore, #tpu.memory_space<semaphore_mem>>) src(%arg5 : memref<128x16xf32, #tpu.memory_space<vmem>>) dst(%dma_wait3A_189 : memref<10240x16xf32, #tpu.memory_space<vmem_shared>>)
      %dma_wait3A_190 = arith.constant 0 : i32
      %dma_wait3A_191 = tpu.memref_slice %arg4[%add3A_125, %dma_wait3A_190] : memref<80x128xi32, #tpu.memory_space<vmem>> -> memref<1x128xi32, #tpu.memory_space<vmem>>
      %dma_wait3A_192 = tpu.memref_squeeze %dma_wait3A_191 : memref<1x128xi32, #tpu.memory_space<vmem>> -> memref<128xi32, #tpu.memory_space<vmem>>
      %dma_wait3A_193 = arith.constant 0 : i32
      %dma_wait3A_194 = arith.constant 0 : i32
      %dma_wait3A_195 = tpu.memref_slice %arg6[%dma_wait3A_193, %dma_wait3A_194] : memref<10240x16xf32, #tpu.memory_space<vmem_shared>> -> memref<10240x16xf32, #tpu.memory_space<vmem_shared>>
      tpu.wait_indirect_dma semaphore(%arg8 : memref<!tpu.dma_semaphore, #tpu.memory_space<semaphore_mem>>) src(%arg5 : memref<128x16xf32, #tpu.memory_space<vmem>>) dst(%dma_wait3A_195 : memref<10240x16xf32, #tpu.memory_space<vmem_shared>>)
      %dma_wait3A_196 = arith.constant 0 : i32
      %dma_wait3A_197 = tpu.memref_slice %arg4[%add3A_135, %dma_wait3A_196] : memref<80x128xi32, #tpu.memory_space<vmem>> -> memref<1x128xi32, #tpu.memory_space<vmem>>
      %dma_wait3A_198 = tpu.memref_squeeze %dma_wait3A_197 : memref<1x128xi32, #tpu.memory_space<vmem>> -> memref<128xi32, #tpu.memory_space<vmem>>
      %dma_wait3A_199 = arith.constant 0 : i32
      %dma_wait3A_200 = arith.constant 0 : i32
      %dma_wait3A_201 = tpu.memref_slice %arg6[%dma_wait3A_199, %dma_wait3A_200] : memref<10240x16xf32, #tpu.memory_space<vmem_shared>> -> memref<10240x16xf32, #tpu.memory_space<vmem_shared>>
      tpu.wait_indirect_dma semaphore(%arg8 : memref<!tpu.dma_semaphore, #tpu.memory_space<semaphore_mem>>) src(%arg5 : memref<128x16xf32, #tpu.memory_space<vmem>>) dst(%dma_wait3A_201 : memref<10240x16xf32, #tpu.memory_space<vmem_shared>>)
      %dma_wait3A_202 = arith.constant 0 : i32
      %dma_wait3A_203 = tpu.memref_slice %arg4[%add3A_145, %dma_wait3A_202] : memref<80x128xi32, #tpu.memory_space<vmem>> -> memref<1x128xi32, #tpu.memory_space<vmem>>
      %dma_wait3A_204 = tpu.memref_squeeze %dma_wait3A_203 : memref<1x128xi32, #tpu.memory_space<vmem>> -> memref<128xi32, #tpu.memory_space<vmem>>
      %dma_wait3A_205 = arith.constant 0 : i32
      %dma_wait3A_206 = arith.constant 0 : i32
      %dma_wait3A_207 = tpu.memref_slice %arg6[%dma_wait3A_205, %dma_wait3A_206] : memref<10240x16xf32, #tpu.memory_space<vmem_shared>> -> memref<10240x16xf32, #tpu.memory_space<vmem_shared>>
      tpu.wait_indirect_dma semaphore(%arg8 : memref<!tpu.dma_semaphore, #tpu.memory_space<semaphore_mem>>) src(%arg5 : memref<128x16xf32, #tpu.memory_space<vmem>>) dst(%dma_wait3A_207 : memref<10240x16xf32, #tpu.memory_space<vmem_shared>>)
      %dma_wait3A_208 = arith.constant 0 : i32
      %dma_wait3A_209 = tpu.memref_slice %arg4[%add3A_155, %dma_wait3A_208] : memref<80x128xi32, #tpu.memory_space<vmem>> -> memref<1x128xi32, #tpu.memory_space<vmem>>
      %dma_wait3A_210 = tpu.memref_squeeze %dma_wait3A_209 : memref<1x128xi32, #tpu.memory_space<vmem>> -> memref<128xi32, #tpu.memory_space<vmem>>
      %dma_wait3A_211 = arith.constant 0 : i32
      %dma_wait3A_212 = arith.constant 0 : i32
      %dma_wait3A_213 = tpu.memref_slice %arg6[%dma_wait3A_211, %dma_wait3A_212] : memref<10240x16xf32, #tpu.memory_space<vmem_shared>> -> memref<10240x16xf32, #tpu.memory_space<vmem_shared>>
      tpu.wait_indirect_dma semaphore(%arg8 : memref<!tpu.dma_semaphore, #tpu.memory_space<semaphore_mem>>) src(%arg5 : memref<128x16xf32, #tpu.memory_space<vmem>>) dst(%dma_wait3A_213 : memref<10240x16xf32, #tpu.memory_space<vmem_shared>>)
      %dma_wait3A_214 = arith.constant 0 : i32
      %dma_wait3A_215 = tpu.memref_slice %arg4[%add3A_165, %dma_wait3A_214] : memref<80x128xi32, #tpu.memory_space<vmem>> -> memref<1x128xi32, #tpu.memory_space<vmem>>
      %dma_wait3A_216 = tpu.memref_squeeze %dma_wait3A_215 : memref<1x128xi32, #tpu.memory_space<vmem>> -> memref<128xi32, #tpu.memory_space<vmem>>
      %dma_wait3A_217 = arith.constant 0 : i32
      %dma_wait3A_218 = arith.constant 0 : i32
      %dma_wait3A_219 = tpu.memref_slice %arg6[%dma_wait3A_217, %dma_wait3A_218] : memref<10240x16xf32, #tpu.memory_space<vmem_shared>> -> memref<10240x16xf32, #tpu.memory_space<vmem_shared>>
      tpu.wait_indirect_dma semaphore(%arg8 : memref<!tpu.dma_semaphore, #tpu.memory_space<semaphore_mem>>) src(%arg5 : memref<128x16xf32, #tpu.memory_space<vmem>>) dst(%dma_wait3A_219 : memref<10240x16xf32, #tpu.memory_space<vmem_shared>>)
    }
    %scan3A_83 = arith.constant 10 : i32
    %barrier3A_84 = arith.constant 0 : index
    tpu.barrier barrier_id(%barrier3A_84)
    %lt3A = arith.constant 15 : i32
    %lt3A_85 = arith.cmpi slt, %arg1, %lt3A : i32
    %convert_element_type3A = arith.extui %lt3A_85 : i1 to i32
    %cond3A = arith.constant 0 : i32
    %cond3A_86 = arith.cmpi ne, %convert_element_type3A, %cond3A : i32
    scf.if %cond3A_86 {
      %mul3A_91 = arith.constant 10000 : i32
      %mul3A_92 = arith.muli %arg0, %mul3A_91 : i32
      %add3A_93 = arith.addi %mul3A_92, %mul3A_2 : i32
      "tpu.region"() ({
        %run_scoped3A = tpu.sem_alloc : memref<!tpu.dma_semaphore, #tpu.memory_space<semaphore_mem>>
        %dma_start3A_94 = arith.constant 0 : i32
        %dma_start3A_95 = tpu.memref_slice %arg3[%add3A_93, %dma_start3A_94] : memref<20000x16xf32, #tpu.memory_space<hbm>> -> memref<640x16xf32, #tpu.memory_space<hbm>>
        %dma_start3A_96 = arith.constant 0 : i32
        %dma_start3A_97 = tpu.memref_slice %arg6[%mul3A_2, %dma_start3A_96] : memref<10240x16xf32, #tpu.memory_space<vmem_shared>> -> memref<640x16xf32, #tpu.memory_space<vmem_shared>>
        tpu.enqueue_dma source(%dma_start3A_97 : memref<640x16xf32, #tpu.memory_space<vmem_shared>>) target(%dma_start3A_95 : memref<640x16xf32, #tpu.memory_space<hbm>>) target_semaphore(%run_scoped3A : memref<!tpu.dma_semaphore, #tpu.memory_space<semaphore_mem>>)
        %dma_wait3A_98 = arith.constant 0 : i32
        %dma_wait3A_99 = tpu.memref_slice %arg3[%add3A_93, %dma_wait3A_98] : memref<20000x16xf32, #tpu.memory_space<hbm>> -> memref<640x16xf32, #tpu.memory_space<hbm>>
        %dma_wait3A_100 = arith.constant 0 : i32
        %dma_wait3A_101 = tpu.memref_slice %arg6[%mul3A_2, %dma_wait3A_100] : memref<10240x16xf32, #tpu.memory_space<vmem_shared>> -> memref<640x16xf32, #tpu.memory_space<vmem_shared>>
        tpu.wait_dma2 semaphore(%run_scoped3A : memref<!tpu.dma_semaphore, #tpu.memory_space<semaphore_mem>>) src(%dma_wait3A_101 : memref<640x16xf32, #tpu.memory_space<vmem_shared>>) dst(%dma_wait3A_99 : memref<640x16xf32, #tpu.memory_space<hbm>>)
        tpu.yield
      }) : () -> ()
    } else {
    }
    %eq3A = arith.constant 15 : i32
    %eq3A_87 = arith.cmpi eq, %arg1, %eq3A : i32
    %convert_element_type3A_88 = arith.extui %eq3A_87 : i1 to i32
    %cond3A_89 = arith.constant 0 : i32
    %cond3A_90 = arith.cmpi ne, %convert_element_type3A_88, %cond3A_89 : i32
    scf.if %cond3A_90 {
      %mul3A_91 = arith.constant 10000 : i32
      %mul3A_92 = arith.muli %arg0, %mul3A_91 : i32
      %add3A_93 = arith.addi %mul3A_92, %mul3A_2 : i32
      "tpu.region"() ({
        %run_scoped3A = tpu.sem_alloc : memref<!tpu.dma_semaphore, #tpu.memory_space<semaphore_mem>>
        %dma_start3A_94 = arith.constant 0 : i32
        %dma_start3A_95 = tpu.memref_slice %arg3[%add3A_93, %dma_start3A_94] : memref<20000x16xf32, #tpu.memory_space<hbm>> -> memref<400x16xf32, #tpu.memory_space<hbm>>
        %dma_start3A_96 = arith.constant 0 : i32
        %dma_start3A_97 = tpu.memref_slice %arg6[%mul3A_2, %dma_start3A_96] : memref<10240x16xf32, #tpu.memory_space<vmem_shared>> -> memref<400x16xf32, #tpu.memory_space<vmem_shared>>
        tpu.enqueue_dma source(%dma_start3A_97 : memref<400x16xf32, #tpu.memory_space<vmem_shared>>) target(%dma_start3A_95 : memref<400x16xf32, #tpu.memory_space<hbm>>) target_semaphore(%run_scoped3A : memref<!tpu.dma_semaphore, #tpu.memory_space<semaphore_mem>>)
        %dma_wait3A_98 = arith.constant 0 : i32
        %dma_wait3A_99 = tpu.memref_slice %arg3[%add3A_93, %dma_wait3A_98] : memref<20000x16xf32, #tpu.memory_space<hbm>> -> memref<400x16xf32, #tpu.memory_space<hbm>>
        %dma_wait3A_100 = arith.constant 0 : i32
        %dma_wait3A_101 = tpu.memref_slice %arg6[%mul3A_2, %dma_wait3A_100] : memref<10240x16xf32, #tpu.memory_space<vmem_shared>> -> memref<400x16xf32, #tpu.memory_space<vmem_shared>>
        tpu.wait_dma2 semaphore(%run_scoped3A : memref<!tpu.dma_semaphore, #tpu.memory_space<semaphore_mem>>) src(%dma_wait3A_101 : memref<400x16xf32, #tpu.memory_space<vmem_shared>>) dst(%dma_wait3A_99 : memref<400x16xf32, #tpu.memory_space<hbm>>)
        tpu.yield
      }) : () -> ()
    } else {
    }
    return
  }
}

#map = affine_map<(d0, d1) -> (0, 0)>
#map1 = affine_map<(d0, d1) -> (0, 0, 0)>
module attributes {stable_mosaic.version = 14 : i64} {
  func.func @k(%arg0: i32, %arg1: i32, %arg2: memref<10000x64xf32, #tpu.memory_space<hbm>>, %arg3: memref<2x2560x128xi32, #tpu.memory_space<hbm>>, %arg4: memref<20000x128xf32, #tpu.memory_space<hbm>>, %arg5: memref<80x128xi32, #tpu.memory_space<vmem>>, %arg6: memref<80x128xi32, #tpu.memory_space<vmem>>, %arg7: memref<8x128x64xf32, #tpu.memory_space<vmem>>, %arg8: memref<10240x64xf32, #tpu.memory_space<vmem_shared>>, %arg9: memref<!tpu.dma_semaphore, #tpu.memory_space<semaphore_mem>>, %arg10: memref<!tpu.dma_semaphore, #tpu.memory_space<semaphore_mem>>, %arg11: memref<!tpu.dma_semaphore, #tpu.memory_space<semaphore_mem>>, %arg12: memref<!tpu.dma_semaphore, #tpu.memory_space<semaphore_mem>>) attributes {dimension_semantics = [#tpu.dimension_semantics<core_parallel>, #tpu.dimension_semantics<subcore_parallel>], iteration_bounds = array<i64: 2, 16>, scalar_prefetch = 0 : i64, scratch_operands = 8 : i64, tpu.core_type = #tpu.core_type<sc_vector_subcore>, window_params = [{transform_indices = #map}, {transform_indices = #map1}, {transform_indices = #map}]} {
    %mul3A = arith.constant 2 : i32
    %mul3A_0 = arith.muli %arg1, %mul3A : i32
    %add3A = arith.addi %mul3A_0, %arg0 : i32
    %mul3A_1 = arith.constant 640 : i32
    %mul3A_2 = arith.muli %arg1, %mul3A_1 : i32
    %mul3A_3 = arith.constant 80 : i32
    %mul3A_4 = arith.muli %add3A, %mul3A_3 : i32
    %dma_start3A = arith.constant 0 : i32
    %dma_start3A_5 = arith.constant 0 : i32
    %dma_start3A_6 = tpu.memref_slice %arg3[%dma_start3A, %mul3A_4, %dma_start3A_5] : memref<2x2560x128xi32, #tpu.memory_space<hbm>> -> memref<1x80x128xi32, #tpu.memory_space<hbm>>
    %dma_start3A_7 = tpu.memref_squeeze %dma_start3A_6 : memref<1x80x128xi32, #tpu.memory_space<hbm>> -> memref<80x128xi32, #tpu.memory_space<hbm>>
    %dma_start3A_8 = arith.constant 0 : i32
    %dma_start3A_9 = tpu.memref_slice %arg3[%dma_start3A, %mul3A_4, %dma_start3A_8] : memref<2x2560x128xi32, #tpu.memory_space<hbm>> -> memref<1x80x128xi32, #tpu.memory_space<hbm>>
    %dma_start3A_10 = tpu.memref_squeeze %dma_start3A_9 : memref<1x80x128xi32, #tpu.memory_space<hbm>> -> memref<80x128xi32, #tpu.memory_space<hbm>>
    tpu.enqueue_dma source(%dma_start3A_10 : memref<80x128xi32, #tpu.memory_space<hbm>>) target(%arg5 : memref<80x128xi32, #tpu.memory_space<vmem>>) target_semaphore(%arg10 : memref<!tpu.dma_semaphore, #tpu.memory_space<semaphore_mem>>)
    %mul3A_11 = arith.constant 80 : i32
    %mul3A_12 = arith.muli %add3A, %mul3A_11 : i32
    %dma_start3A_13 = arith.constant 1 : i32
    %dma_start3A_14 = arith.constant 0 : i32
    %dma_start3A_15 = tpu.memref_slice %arg3[%dma_start3A_13, %mul3A_12, %dma_start3A_14] : memref<2x2560x128xi32, #tpu.memory_space<hbm>> -> memref<1x80x128xi32, #tpu.memory_space<hbm>>
    %dma_start3A_16 = tpu.memref_squeeze %dma_start3A_15 : memref<1x80x128xi32, #tpu.memory_space<hbm>> -> memref<80x128xi32, #tpu.memory_space<hbm>>
    %dma_start3A_17 = arith.constant 0 : i32
    %dma_start3A_18 = tpu.memref_slice %arg3[%dma_start3A_13, %mul3A_12, %dma_start3A_17] : memref<2x2560x128xi32, #tpu.memory_space<hbm>> -> memref<1x80x128xi32, #tpu.memory_space<hbm>>
    %dma_start3A_19 = tpu.memref_squeeze %dma_start3A_18 : memref<1x80x128xi32, #tpu.memory_space<hbm>> -> memref<80x128xi32, #tpu.memory_space<hbm>>
    tpu.enqueue_dma source(%dma_start3A_19 : memref<80x128xi32, #tpu.memory_space<hbm>>) target(%arg6 : memref<80x128xi32, #tpu.memory_space<vmem>>) target_semaphore(%arg10 : memref<!tpu.dma_semaphore, #tpu.memory_space<semaphore_mem>>)
    %scan3A = arith.constant 0 : i32
    %scan3A_20 = arith.constant 0 : i32
    %scan3A_21 = arith.constant 0 : i32
    %scan3A_22 = arith.constant 512 : i32
    %scan3A_23 = arith.addi %scan3A_21, %scan3A_22 : i32
    %scan3A_24 = arith.constant 1 : i32
    scf.for %scan3A_240 = %scan3A_21 to %scan3A_23 step %scan3A_24  : i32 {
      %jit3A = arith.constant 4 : i32
      %div3A = arith.divsi %scan3A_240, %jit3A : i32
      %sign3A = arith.constant 0 : i32
      %sign3A_241 = arith.cmpi sgt, %scan3A_240, %sign3A : i32
      %sign3A_242 = arith.extui %sign3A_241 : i1 to i32
      %sign3A_243 = arith.constant 0 : i32
      %sign3A_244 = arith.cmpi slt, %scan3A_240, %sign3A_243 : i32
      %sign3A_245 = arith.extui %sign3A_244 : i1 to i32
      %sign3A_246 = arith.subi %sign3A_242, %sign3A_245 : i32
      %sign3A_247 = arith.constant 0 : i32
      %sign3A_248 = arith.cmpi sgt, %jit3A, %sign3A_247 : i32
      %sign3A_249 = arith.extui %sign3A_248 : i1 to i32
      %sign3A_250 = arith.constant 0 : i32
      %sign3A_251 = arith.cmpi slt, %jit3A, %sign3A_250 : i32
      %sign3A_252 = arith.extui %sign3A_251 : i1 to i32
      %sign3A_253 = arith.subi %sign3A_249, %sign3A_252 : i32
      %ne3A = arith.cmpi ne, %sign3A_246, %sign3A_253 : i32
      %rem3A = arith.remsi %scan3A_240, %jit3A : i32
      %ne3A_254 = arith.constant 0 : i32
      %ne3A_255 = arith.cmpi ne, %rem3A, %ne3A_254 : i32
      %and3A = arith.andi %ne3A, %ne3A_255 : i1
      %sub3A = arith.constant 1 : i32
      %sub3A_256 = arith.subi %div3A, %sub3A : i32
      %select_n3A = arith.select %and3A, %sub3A_256, %div3A : i32
      %jit3A_257 = arith.constant 4 : i32
      %eq3A_258 = arith.constant 0 : i32
      %eq3A_259 = arith.cmpi eq, %jit3A_257, %eq3A_258 : i32
      %jit3A_260 = arith.constant 1 : i32
      %select_n3A_261 = arith.select %eq3A_259, %jit3A_260, %jit3A_257 : i32
      %rem3A_262 = arith.remsi %scan3A_240, %select_n3A_261 : i32
      %ne3A_263 = arith.constant 0 : i32
      %ne3A_264 = arith.cmpi ne, %rem3A_262, %ne3A_263 : i32
      %lt3A_265 = arith.constant 0 : i32
      %lt3A_266 = arith.cmpi slt, %rem3A_262, %lt3A_265 : i32
      %lt3A_267 = arith.constant 0 : i32
      %lt3A_268 = arith.cmpi slt, %select_n3A_261, %lt3A_267 : i32
      %ne3A_269 = arith.xori %lt3A_266, %lt3A_268 : i1
      %and3A_270 = arith.andi %ne3A_269, %ne3A_264 : i1
      %add3A_271 = arith.addi %rem3A_262, %select_n3A_261 : i32
      %select_n3A_272 = arith.select %and3A_270, %add3A_271, %rem3A_262 : i32
      %mul3A_273 = arith.constant 16 : i32
      %mul3A_274 = arith.muli %select_n3A_272, %mul3A_273 : i32
      %broadcast_in_dim3A = arith.constant 0.000000e+00 : f32
      %broadcast_in_dim3A_275 = vector.broadcast %broadcast_in_dim3A : f32 to vector<16xf32>
      %swap3A = arith.constant 0 : i32
      %swap3A_276 = arith.constant 0 : i32
      %swap3A_277 = tpu.memref_slice %arg7[%scan3A_20, %swap3A, %swap3A_276] : memref<8x128x64xf32, #tpu.memory_space<vmem>> -> memref<1x128x64xf32, #tpu.memory_space<vmem>>
      %swap3A_278 = tpu.memref_squeeze %swap3A_277 : memref<1x128x64xf32, #tpu.memory_space<vmem>> -> memref<128x64xf32, #tpu.memory_space<vmem>>
      %swap3A_279 = arith.index_cast %select_n3A : i32 to index
      %swap3A_280 = arith.index_cast %mul3A_274 : i32 to index
      %swap3A_281 = tpu.vector_load %swap3A_278[%swap3A_279, %swap3A_280] {strides = array<i32>} : memref<128x64xf32, #tpu.memory_space<vmem>>, vector<1x16xf32>,
      %swap3A_282 = vector.shape_cast %swap3A_281 : vector<1x16xf32> to vector<16xf32>
      %swap3A_283 = vector.shape_cast %broadcast_in_dim3A_275 : vector<16xf32> to vector<1x16xf32>
      tpu.vector_store %swap3A_278[%swap3A_279, %swap3A_280], %swap3A_283 {strides = array<i32>} : memref<128x64xf32, #tpu.memory_space<vmem>>, vector<1x16xf32>,
    }
    %scan3A_25 = arith.constant 512 : i32
    %add3A_26 = arith.constant 0 : i32
    %add3A_27 = arith.addi %mul3A_2, %add3A_26 : i32
    %dma_start3A_28 = arith.constant 0 : i32
    %dma_start3A_29 = arith.constant 0 : i32
    %dma_start3A_30 = arith.constant 0 : i32
    %dma_start3A_31 = tpu.memref_slice %arg7[%dma_start3A_28, %dma_start3A_29, %dma_start3A_30] : memref<8x128x64xf32, #tpu.memory_space<vmem>> -> memref<1x128x64xf32, #tpu.memory_space<vmem>>
    %dma_start3A_32 = tpu.memref_squeeze %dma_start3A_31 : memref<1x128x64xf32, #tpu.memory_space<vmem>> -> memref<128x64xf32, #tpu.memory_space<vmem>>
    %dma_start3A_33 = arith.constant 0 : i32
    %dma_start3A_34 = tpu.memref_slice %arg8[%add3A_27, %dma_start3A_33] : memref<10240x64xf32, #tpu.memory_space<vmem_shared>> -> memref<128x64xf32, #tpu.memory_space<vmem_shared>>
    %dma_start3A_35 = arith.constant 0 : i32
    %dma_start3A_36 = tpu.memref_slice %arg8[%add3A_27, %dma_start3A_35] : memref<10240x64xf32, #tpu.memory_space<vmem_shared>> -> memref<128x64xf32, #tpu.memory_space<vmem_shared>>
    %dma_start3A_37 = arith.constant 0 : i32
    %dma_start3A_38 = arith.constant 0 : i32
    %dma_start3A_39 = tpu.memref_slice %arg7[%dma_start3A_28, %dma_start3A_37, %dma_start3A_38] : memref<8x128x64xf32, #tpu.memory_space<vmem>> -> memref<1x128x64xf32, #tpu.memory_space<vmem>>
    %dma_start3A_40 = tpu.memref_squeeze %dma_start3A_39 : memref<1x128x64xf32, #tpu.memory_space<vmem>> -> memref<128x64xf32, #tpu.memory_space<vmem>>
    tpu.enqueue_dma source(%dma_start3A_40 : memref<128x64xf32, #tpu.memory_space<vmem>>) target(%dma_start3A_36 : memref<128x64xf32, #tpu.memory_space<vmem_shared>>) target_semaphore(%arg11 : memref<!tpu.dma_semaphore, #tpu.memory_space<semaphore_mem>>)
    %add3A_41 = arith.constant 128 : i32
    %add3A_42 = arith.addi %mul3A_2, %add3A_41 : i32
    %dma_start3A_43 = arith.constant 0 : i32
    %dma_start3A_44 = arith.constant 0 : i32
    %dma_start3A_45 = arith.constant 0 : i32
    %dma_start3A_46 = tpu.memref_slice %arg7[%dma_start3A_43, %dma_start3A_44, %dma_start3A_45] : memref<8x128x64xf32, #tpu.memory_space<vmem>> -> memref<1x128x64xf32, #tpu.memory_space<vmem>>
    %dma_start3A_47 = tpu.memref_squeeze %dma_start3A_46 : memref<1x128x64xf32, #tpu.memory_space<vmem>> -> memref<128x64xf32, #tpu.memory_space<vmem>>
    %dma_start3A_48 = arith.constant 0 : i32
    %dma_start3A_49 = tpu.memref_slice %arg8[%add3A_42, %dma_start3A_48] : memref<10240x64xf32, #tpu.memory_space<vmem_shared>> -> memref<128x64xf32, #tpu.memory_space<vmem_shared>>
    %dma_start3A_50 = arith.constant 0 : i32
    %dma_start3A_51 = tpu.memref_slice %arg8[%add3A_42, %dma_start3A_50] : memref<10240x64xf32, #tpu.memory_space<vmem_shared>> -> memref<128x64xf32, #tpu.memory_space<vmem_shared>>
    %dma_start3A_52 = arith.constant 0 : i32
    %dma_start3A_53 = arith.constant 0 : i32
    %dma_start3A_54 = tpu.memref_slice %arg7[%dma_start3A_43, %dma_start3A_52, %dma_start3A_53] : memref<8x128x64xf32, #tpu.memory_space<vmem>> -> memref<1x128x64xf32, #tpu.memory_space<vmem>>
    %dma_start3A_55 = tpu.memref_squeeze %dma_start3A_54 : memref<1x128x64xf32, #tpu.memory_space<vmem>> -> memref<128x64xf32, #tpu.memory_space<vmem>>
    tpu.enqueue_dma source(%dma_start3A_55 : memref<128x64xf32, #tpu.memory_space<vmem>>) target(%dma_start3A_51 : memref<128x64xf32, #tpu.memory_space<vmem_shared>>) target_semaphore(%arg11 : memref<!tpu.dma_semaphore, #tpu.memory_space<semaphore_mem>>)
    %add3A_56 = arith.constant 256 : i32
    %add3A_57 = arith.addi %mul3A_2, %add3A_56 : i32
    %dma_start3A_58 = arith.constant 0 : i32
    %dma_start3A_59 = arith.constant 0 : i32
    %dma_start3A_60 = arith.constant 0 : i32
    %dma_start3A_61 = tpu.memref_slice %arg7[%dma_start3A_58, %dma_start3A_59, %dma_start3A_60] : memref<8x128x64xf32, #tpu.memory_space<vmem>> -> memref<1x128x64xf32, #tpu.memory_space<vmem>>
    %dma_start3A_62 = tpu.memref_squeeze %dma_start3A_61 : memref<1x128x64xf32, #tpu.memory_space<vmem>> -> memref<128x64xf32, #tpu.memory_space<vmem>>
    %dma_start3A_63 = arith.constant 0 : i32
    %dma_start3A_64 = tpu.memref_slice %arg8[%add3A_57, %dma_start3A_63] : memref<10240x64xf32, #tpu.memory_space<vmem_shared>> -> memref<128x64xf32, #tpu.memory_space<vmem_shared>>
    %dma_start3A_65 = arith.constant 0 : i32
    %dma_start3A_66 = tpu.memref_slice %arg8[%add3A_57, %dma_start3A_65] : memref<10240x64xf32, #tpu.memory_space<vmem_shared>> -> memref<128x64xf32, #tpu.memory_space<vmem_shared>>
    %dma_start3A_67 = arith.constant 0 : i32
    %dma_start3A_68 = arith.constant 0 : i32
    %dma_start3A_69 = tpu.memref_slice %arg7[%dma_start3A_58, %dma_start3A_67, %dma_start3A_68] : memref<8x128x64xf32, #tpu.memory_space<vmem>> -> memref<1x128x64xf32, #tpu.memory_space<vmem>>
    %dma_start3A_70 = tpu.memref_squeeze %dma_start3A_69 : memref<1x128x64xf32, #tpu.memory_space<vmem>> -> memref<128x64xf32, #tpu.memory_space<vmem>>
    tpu.enqueue_dma source(%dma_start3A_70 : memref<128x64xf32, #tpu.memory_space<vmem>>) target(%dma_start3A_66 : memref<128x64xf32, #tpu.memory_space<vmem_shared>>) target_semaphore(%arg11 : memref<!tpu.dma_semaphore, #tpu.memory_space<semaphore_mem>>)
    %add3A_71 = arith.constant 384 : i32
    %add3A_72 = arith.addi %mul3A_2, %add3A_71 : i32
    %dma_start3A_73 = arith.constant 0 : i32
    %dma_start3A_74 = arith.constant 0 : i32
    %dma_start3A_75 = arith.constant 0 : i32
    %dma_start3A_76 = tpu.memref_slice %arg7[%dma_start3A_73, %dma_start3A_74, %dma_start3A_75] : memref<8x128x64xf32, #tpu.memory_space<vmem>> -> memref<1x128x64xf32, #tpu.memory_space<vmem>>
    %dma_start3A_77 = tpu.memref_squeeze %dma_start3A_76 : memref<1x128x64xf32, #tpu.memory_space<vmem>> -> memref<128x64xf32, #tpu.memory_space<vmem>>
    %dma_start3A_78 = arith.constant 0 : i32
    %dma_start3A_79 = tpu.memref_slice %arg8[%add3A_72, %dma_start3A_78] : memref<10240x64xf32, #tpu.memory_space<vmem_shared>> -> memref<128x64xf32, #tpu.memory_space<vmem_shared>>
    %dma_start3A_80 = arith.constant 0 : i32
    %dma_start3A_81 = tpu.memref_slice %arg8[%add3A_72, %dma_start3A_80] : memref<10240x64xf32, #tpu.memory_space<vmem_shared>> -> memref<128x64xf32, #tpu.memory_space<vmem_shared>>
    %dma_start3A_82 = arith.constant 0 : i32
    %dma_start3A_83 = arith.constant 0 : i32
    %dma_start3A_84 = tpu.memref_slice %arg7[%dma_start3A_73, %dma_start3A_82, %dma_start3A_83] : memref<8x128x64xf32, #tpu.memory_space<vmem>> -> memref<1x128x64xf32, #tpu.memory_space<vmem>>
    %dma_start3A_85 = tpu.memref_squeeze %dma_start3A_84 : memref<1x128x64xf32, #tpu.memory_space<vmem>> -> memref<128x64xf32, #tpu.memory_space<vmem>>
    tpu.enqueue_dma source(%dma_start3A_85 : memref<128x64xf32, #tpu.memory_space<vmem>>) target(%dma_start3A_81 : memref<128x64xf32, #tpu.memory_space<vmem_shared>>) target_semaphore(%arg11 : memref<!tpu.dma_semaphore, #tpu.memory_space<semaphore_mem>>)
    %add3A_86 = arith.constant 512 : i32
    %add3A_87 = arith.addi %mul3A_2, %add3A_86 : i32
    %dma_start3A_88 = arith.constant 0 : i32
    %dma_start3A_89 = arith.constant 0 : i32
    %dma_start3A_90 = arith.constant 0 : i32
    %dma_start3A_91 = tpu.memref_slice %arg7[%dma_start3A_88, %dma_start3A_89, %dma_start3A_90] : memref<8x128x64xf32, #tpu.memory_space<vmem>> -> memref<1x128x64xf32, #tpu.memory_space<vmem>>
    %dma_start3A_92 = tpu.memref_squeeze %dma_start3A_91 : memref<1x128x64xf32, #tpu.memory_space<vmem>> -> memref<128x64xf32, #tpu.memory_space<vmem>>
    %dma_start3A_93 = arith.constant 0 : i32
    %dma_start3A_94 = tpu.memref_slice %arg8[%add3A_87, %dma_start3A_93] : memref<10240x64xf32, #tpu.memory_space<vmem_shared>> -> memref<128x64xf32, #tpu.memory_space<vmem_shared>>
    %dma_start3A_95 = arith.constant 0 : i32
    %dma_start3A_96 = tpu.memref_slice %arg8[%add3A_87, %dma_start3A_95] : memref<10240x64xf32, #tpu.memory_space<vmem_shared>> -> memref<128x64xf32, #tpu.memory_space<vmem_shared>>
    %dma_start3A_97 = arith.constant 0 : i32
    %dma_start3A_98 = arith.constant 0 : i32
    %dma_start3A_99 = tpu.memref_slice %arg7[%dma_start3A_88, %dma_start3A_97, %dma_start3A_98] : memref<8x128x64xf32, #tpu.memory_space<vmem>> -> memref<1x128x64xf32, #tpu.memory_space<vmem>>
    %dma_start3A_100 = tpu.memref_squeeze %dma_start3A_99 : memref<1x128x64xf32, #tpu.memory_space<vmem>> -> memref<128x64xf32, #tpu.memory_space<vmem>>
    tpu.enqueue_dma source(%dma_start3A_100 : memref<128x64xf32, #tpu.memory_space<vmem>>) target(%dma_start3A_96 : memref<128x64xf32, #tpu.memory_space<vmem_shared>>) target_semaphore(%arg11 : memref<!tpu.dma_semaphore, #tpu.memory_space<semaphore_mem>>)
    %dma_wait3A = arith.constant 0 : i32
    %dma_wait3A_101 = arith.constant 0 : i32
    %dma_wait3A_102 = arith.constant 0 : i32
    %dma_wait3A_103 = tpu.memref_slice %arg7[%dma_wait3A, %dma_wait3A_101, %dma_wait3A_102] : memref<8x128x64xf32, #tpu.memory_space<vmem>> -> memref<1x128x64xf32, #tpu.memory_space<vmem>>
    %dma_wait3A_104 = tpu.memref_squeeze %dma_wait3A_103 : memref<1x128x64xf32, #tpu.memory_space<vmem>> -> memref<128x64xf32, #tpu.memory_space<vmem>>
    %dma_wait3A_105 = arith.constant 0 : i32
    %dma_wait3A_106 = tpu.memref_slice %arg8[%add3A_27, %dma_wait3A_105] : memref<10240x64xf32, #tpu.memory_space<vmem_shared>> -> memref<128x64xf32, #tpu.memory_space<vmem_shared>>
    %dma_wait3A_107 = arith.constant 0 : i32
    %dma_wait3A_108 = tpu.memref_slice %arg8[%add3A_27, %dma_wait3A_107] : memref<10240x64xf32, #tpu.memory_space<vmem_shared>> -> memref<128x64xf32, #tpu.memory_space<vmem_shared>>
    %dma_wait3A_109 = arith.constant 0 : i32
    %dma_wait3A_110 = arith.constant 0 : i32
    %dma_wait3A_111 = tpu.memref_slice %arg7[%dma_wait3A, %dma_wait3A_109, %dma_wait3A_110] : memref<8x128x64xf32, #tpu.memory_space<vmem>> -> memref<1x128x64xf32, #tpu.memory_space<vmem>>
    %dma_wait3A_112 = tpu.memref_squeeze %dma_wait3A_111 : memref<1x128x64xf32, #tpu.memory_space<vmem>> -> memref<128x64xf32, #tpu.memory_space<vmem>>
    tpu.wait_dma2 semaphore(%arg11 : memref<!tpu.dma_semaphore, #tpu.memory_space<semaphore_mem>>) src(%dma_wait3A_112 : memref<128x64xf32, #tpu.memory_space<vmem>>) dst(%dma_wait3A_108 : memref<128x64xf32, #tpu.memory_space<vmem_shared>>)
    %dma_wait3A_113 = arith.constant 0 : i32
    %dma_wait3A_114 = arith.constant 0 : i32
    %dma_wait3A_115 = arith.constant 0 : i32
    %dma_wait3A_116 = tpu.memref_slice %arg7[%dma_wait3A_113, %dma_wait3A_114, %dma_wait3A_115] : memref<8x128x64xf32, #tpu.memory_space<vmem>> -> memref<1x128x64xf32, #tpu.memory_space<vmem>>
    %dma_wait3A_117 = tpu.memref_squeeze %dma_wait3A_116 : memref<1x128x64xf32, #tpu.memory_space<vmem>> -> memref<128x64xf32, #tpu.memory_space<vmem>>
    %dma_wait3A_118 = arith.constant 0 : i32
    %dma_wait3A_119 = tpu.memref_slice %arg8[%add3A_42, %dma_wait3A_118] : memref<10240x64xf32, #tpu.memory_space<vmem_shared>> -> memref<128x64xf32, #tpu.memory_space<vmem_shared>>
    %dma_wait3A_120 = arith.constant 0 : i32
    %dma_wait3A_121 = tpu.memref_slice %arg8[%add3A_42, %dma_wait3A_120] : memref<10240x64xf32, #tpu.memory_space<vmem_shared>> -> memref<128x64xf32, #tpu.memory_space<vmem_shared>>
    %dma_wait3A_122 = arith.constant 0 : i32
    %dma_wait3A_123 = arith.constant 0 : i32
    %dma_wait3A_124 = tpu.memref_slice %arg7[%dma_wait3A_113, %dma_wait3A_122, %dma_wait3A_123] : memref<8x128x64xf32, #tpu.memory_space<vmem>> -> memref<1x128x64xf32, #tpu.memory_space<vmem>>
    %dma_wait3A_125 = tpu.memref_squeeze %dma_wait3A_124 : memref<1x128x64xf32, #tpu.memory_space<vmem>> -> memref<128x64xf32, #tpu.memory_space<vmem>>
    tpu.wait_dma2 semaphore(%arg11 : memref<!tpu.dma_semaphore, #tpu.memory_space<semaphore_mem>>) src(%dma_wait3A_125 : memref<128x64xf32, #tpu.memory_space<vmem>>) dst(%dma_wait3A_121 : memref<128x64xf32, #tpu.memory_space<vmem_shared>>)
    %dma_wait3A_126 = arith.constant 0 : i32
    %dma_wait3A_127 = arith.constant 0 : i32
    %dma_wait3A_128 = arith.constant 0 : i32
    %dma_wait3A_129 = tpu.memref_slice %arg7[%dma_wait3A_126, %dma_wait3A_127, %dma_wait3A_128] : memref<8x128x64xf32, #tpu.memory_space<vmem>> -> memref<1x128x64xf32, #tpu.memory_space<vmem>>
    %dma_wait3A_130 = tpu.memref_squeeze %dma_wait3A_129 : memref<1x128x64xf32, #tpu.memory_space<vmem>> -> memref<128x64xf32, #tpu.memory_space<vmem>>
    %dma_wait3A_131 = arith.constant 0 : i32
    %dma_wait3A_132 = tpu.memref_slice %arg8[%add3A_57, %dma_wait3A_131] : memref<10240x64xf32, #tpu.memory_space<vmem_shared>> -> memref<128x64xf32, #tpu.memory_space<vmem_shared>>
    %dma_wait3A_133 = arith.constant 0 : i32
    %dma_wait3A_134 = tpu.memref_slice %arg8[%add3A_57, %dma_wait3A_133] : memref<10240x64xf32, #tpu.memory_space<vmem_shared>> -> memref<128x64xf32, #tpu.memory_space<vmem_shared>>
    %dma_wait3A_135 = arith.constant 0 : i32
    %dma_wait3A_136 = arith.constant 0 : i32
    %dma_wait3A_137 = tpu.memref_slice %arg7[%dma_wait3A_126, %dma_wait3A_135, %dma_wait3A_136] : memref<8x128x64xf32, #tpu.memory_space<vmem>> -> memref<1x128x64xf32, #tpu.memory_space<vmem>>
    %dma_wait3A_138 = tpu.memref_squeeze %dma_wait3A_137 : memref<1x128x64xf32, #tpu.memory_space<vmem>> -> memref<128x64xf32, #tpu.memory_space<vmem>>
    tpu.wait_dma2 semaphore(%arg11 : memref<!tpu.dma_semaphore, #tpu.memory_space<semaphore_mem>>) src(%dma_wait3A_138 : memref<128x64xf32, #tpu.memory_space<vmem>>) dst(%dma_wait3A_134 : memref<128x64xf32, #tpu.memory_space<vmem_shared>>)
    %dma_wait3A_139 = arith.constant 0 : i32
    %dma_wait3A_140 = arith.constant 0 : i32
    %dma_wait3A_141 = arith.constant 0 : i32
    %dma_wait3A_142 = tpu.memref_slice %arg7[%dma_wait3A_139, %dma_wait3A_140, %dma_wait3A_141] : memref<8x128x64xf32, #tpu.memory_space<vmem>> -> memref<1x128x64xf32, #tpu.memory_space<vmem>>
    %dma_wait3A_143 = tpu.memref_squeeze %dma_wait3A_142 : memref<1x128x64xf32, #tpu.memory_space<vmem>> -> memref<128x64xf32, #tpu.memory_space<vmem>>
    %dma_wait3A_144 = arith.constant 0 : i32
    %dma_wait3A_145 = tpu.memref_slice %arg8[%add3A_72, %dma_wait3A_144] : memref<10240x64xf32, #tpu.memory_space<vmem_shared>> -> memref<128x64xf32, #tpu.memory_space<vmem_shared>>
    %dma_wait3A_146 = arith.constant 0 : i32
    %dma_wait3A_147 = tpu.memref_slice %arg8[%add3A_72, %dma_wait3A_146] : memref<10240x64xf32, #tpu.memory_space<vmem_shared>> -> memref<128x64xf32, #tpu.memory_space<vmem_shared>>
    %dma_wait3A_148 = arith.constant 0 : i32
    %dma_wait3A_149 = arith.constant 0 : i32
    %dma_wait3A_150 = tpu.memref_slice %arg7[%dma_wait3A_139, %dma_wait3A_148, %dma_wait3A_149] : memref<8x128x64xf32, #tpu.memory_space<vmem>> -> memref<1x128x64xf32, #tpu.memory_space<vmem>>
    %dma_wait3A_151 = tpu.memref_squeeze %dma_wait3A_150 : memref<1x128x64xf32, #tpu.memory_space<vmem>> -> memref<128x64xf32, #tpu.memory_space<vmem>>
    tpu.wait_dma2 semaphore(%arg11 : memref<!tpu.dma_semaphore, #tpu.memory_space<semaphore_mem>>) src(%dma_wait3A_151 : memref<128x64xf32, #tpu.memory_space<vmem>>) dst(%dma_wait3A_147 : memref<128x64xf32, #tpu.memory_space<vmem_shared>>)
    %dma_wait3A_152 = arith.constant 0 : i32
    %dma_wait3A_153 = arith.constant 0 : i32
    %dma_wait3A_154 = arith.constant 0 : i32
    %dma_wait3A_155 = tpu.memref_slice %arg7[%dma_wait3A_152, %dma_wait3A_153, %dma_wait3A_154] : memref<8x128x64xf32, #tpu.memory_space<vmem>> -> memref<1x128x64xf32, #tpu.memory_space<vmem>>
    %dma_wait3A_156 = tpu.memref_squeeze %dma_wait3A_155 : memref<1x128x64xf32, #tpu.memory_space<vmem>> -> memref<128x64xf32, #tpu.memory_space<vmem>>
    %dma_wait3A_157 = arith.constant 0 : i32
    %dma_wait3A_158 = tpu.memref_slice %arg8[%add3A_87, %dma_wait3A_157] : memref<10240x64xf32, #tpu.memory_space<vmem_shared>> -> memref<128x64xf32, #tpu.memory_space<vmem_shared>>
    %dma_wait3A_159 = arith.constant 0 : i32
    %dma_wait3A_160 = tpu.memref_slice %arg8[%add3A_87, %dma_wait3A_159] : memref<10240x64xf32, #tpu.memory_space<vmem_shared>> -> memref<128x64xf32, #tpu.memory_space<vmem_shared>>
    %dma_wait3A_161 = arith.constant 0 : i32
    %dma_wait3A_162 = arith.constant 0 : i32
    %dma_wait3A_163 = tpu.memref_slice %arg7[%dma_wait3A_152, %dma_wait3A_161, %dma_wait3A_162] : memref<8x128x64xf32, #tpu.memory_space<vmem>> -> memref<1x128x64xf32, #tpu.memory_space<vmem>>
    %dma_wait3A_164 = tpu.memref_squeeze %dma_wait3A_163 : memref<1x128x64xf32, #tpu.memory_space<vmem>> -> memref<128x64xf32, #tpu.memory_space<vmem>>
    tpu.wait_dma2 semaphore(%arg11 : memref<!tpu.dma_semaphore, #tpu.memory_space<semaphore_mem>>) src(%dma_wait3A_164 : memref<128x64xf32, #tpu.memory_space<vmem>>) dst(%dma_wait3A_160 : memref<128x64xf32, #tpu.memory_space<vmem_shared>>)
    %dma_wait3A_165 = arith.constant 0 : i32
    %dma_wait3A_166 = arith.constant 0 : i32
    %dma_wait3A_167 = tpu.memref_slice %arg3[%dma_wait3A_165, %mul3A_4, %dma_wait3A_166] : memref<2x2560x128xi32, #tpu.memory_space<hbm>> -> memref<1x80x128xi32, #tpu.memory_space<hbm>>
    %dma_wait3A_168 = tpu.memref_squeeze %dma_wait3A_167 : memref<1x80x128xi32, #tpu.memory_space<hbm>> -> memref<80x128xi32, #tpu.memory_space<hbm>>
    %dma_wait3A_169 = arith.constant 0 : i32
    %dma_wait3A_170 = tpu.memref_slice %arg3[%dma_wait3A_165, %mul3A_4, %dma_wait3A_169] : memref<2x2560x128xi32, #tpu.memory_space<hbm>> -> memref<1x80x128xi32, #tpu.memory_space<hbm>>
    %dma_wait3A_171 = tpu.memref_squeeze %dma_wait3A_170 : memref<1x80x128xi32, #tpu.memory_space<hbm>> -> memref<80x128xi32, #tpu.memory_space<hbm>>
    tpu.wait_dma2 semaphore(%arg10 : memref<!tpu.dma_semaphore, #tpu.memory_space<semaphore_mem>>) src(%dma_wait3A_171 : memref<80x128xi32, #tpu.memory_space<hbm>>) dst(%arg5 : memref<80x128xi32, #tpu.memory_space<vmem>>)
    %dma_wait3A_172 = arith.constant 1 : i32
    %dma_wait3A_173 = arith.constant 0 : i32
    %dma_wait3A_174 = tpu.memref_slice %arg3[%dma_wait3A_172, %mul3A_12, %dma_wait3A_173] : memref<2x2560x128xi32, #tpu.memory_space<hbm>> -> memref<1x80x128xi32, #tpu.memory_space<hbm>>
    %dma_wait3A_175 = tpu.memref_squeeze %dma_wait3A_174 : memref<1x80x128xi32, #tpu.memory_space<hbm>> -> memref<80x128xi32, #tpu.memory_space<hbm>>
    %dma_wait3A_176 = arith.constant 0 : i32
    %dma_wait3A_177 = tpu.memref_slice %arg3[%dma_wait3A_172, %mul3A_12, %dma_wait3A_176] : memref<2x2560x128xi32, #tpu.memory_space<hbm>> -> memref<1x80x128xi32, #tpu.memory_space<hbm>>
    %dma_wait3A_178 = tpu.memref_squeeze %dma_wait3A_177 : memref<1x80x128xi32, #tpu.memory_space<hbm>> -> memref<80x128xi32, #tpu.memory_space<hbm>>
    tpu.wait_dma2 semaphore(%arg10 : memref<!tpu.dma_semaphore, #tpu.memory_space<semaphore_mem>>) src(%dma_wait3A_178 : memref<80x128xi32, #tpu.memory_space<hbm>>) dst(%arg6 : memref<80x128xi32, #tpu.memory_space<vmem>>)
    %barrier3A = arith.constant 0 : index
    tpu.barrier barrier_id(%barrier3A)
    %dma_start3A_179 = arith.constant 0 : i32
    %dma_start3A_180 = arith.constant 0 : i32
    %dma_start3A_181 = arith.constant 0 : i32
    %dma_start3A_182 = arith.constant 0 : i32
    %dma_start3A_183 = tpu.memref_slice %arg7[%dma_start3A_180, %dma_start3A_181, %dma_start3A_182] : memref<8x128x64xf32, #tpu.memory_space<vmem>> -> memref<1x128x64xf32, #tpu.memory_space<vmem>>
    %dma_start3A_184 = tpu.memref_squeeze %dma_start3A_183 : memref<1x128x64xf32, #tpu.memory_space<vmem>> -> memref<128x64xf32, #tpu.memory_space<vmem>>
    %dma_start3A_185 = arith.constant 0 : i32
    %dma_start3A_186 = tpu.memref_slice %arg5[%dma_start3A_179, %dma_start3A_185] : memref<80x128xi32, #tpu.memory_space<vmem>> -> memref<1x128xi32, #tpu.memory_space<vmem>>
    %dma_start3A_187 = tpu.memref_squeeze %dma_start3A_186 : memref<1x128xi32, #tpu.memory_space<vmem>> -> memref<128xi32, #tpu.memory_space<vmem>>
    %dma_start3A_188 = arith.constant 0 : i32
    %dma_start3A_189 = arith.constant 0 : i32
    %dma_start3A_190 = tpu.memref_slice %arg2[%dma_start3A_188, %dma_start3A_189] : memref<10000x64xf32, #tpu.memory_space<hbm>> -> memref<10000x64xf32, #tpu.memory_space<hbm>>
    tpu.enqueue_indirect_dma source(%dma_start3A_190 : memref<10000x64xf32, #tpu.memory_space<hbm>>) target(%dma_start3A_184 : memref<128x64xf32, #tpu.memory_space<vmem>>) offsets(%dma_start3A_187 : memref<128xi32, #tpu.memory_space<vmem>>) semaphore(%arg9 : memref<!tpu.dma_semaphore, #tpu.memory_space<semaphore_mem>>)
    %dma_start3A_191 = arith.constant 1 : i32
    %dma_start3A_192 = arith.constant 1 : i32
    %dma_start3A_193 = arith.constant 0 : i32
    %dma_start3A_194 = arith.constant 0 : i32
    %dma_start3A_195 = tpu.memref_slice %arg7[%dma_start3A_192, %dma_start3A_193, %dma_start3A_194] : memref<8x128x64xf32, #tpu.memory_space<vmem>> -> memref<1x128x64xf32, #tpu.memory_space<vmem>>
    %dma_start3A_196 = tpu.memref_squeeze %dma_start3A_195 : memref<1x128x64xf32, #tpu.memory_space<vmem>> -> memref<128x64xf32, #tpu.memory_space<vmem>>
    %dma_start3A_197 = arith.constant 0 : i32
    %dma_start3A_198 = tpu.memref_slice %arg5[%dma_start3A_191, %dma_start3A_197] : memref<80x128xi32, #tpu.memory_space<vmem>> -> memref<1x128xi32, #tpu.memory_space<vmem>>
    %dma_start3A_199 = tpu.memref_squeeze %dma_start3A_198 : memref<1x128xi32, #tpu.memory_space<vmem>> -> memref<128xi32, #tpu.memory_space<vmem>>
    %dma_start3A_200 = arith.constant 0 : i32
    %dma_start3A_201 = arith.constant 0 : i32
    %dma_start3A_202 = tpu.memref_slice %arg2[%dma_start3A_200, %dma_start3A_201] : memref<10000x64xf32, #tpu.memory_space<hbm>> -> memref<10000x64xf32, #tpu.memory_space<hbm>>
    tpu.enqueue_indirect_dma source(%dma_start3A_202 : memref<10000x64xf32, #tpu.memory_space<hbm>>) target(%dma_start3A_196 : memref<128x64xf32, #tpu.memory_space<vmem>>) offsets(%dma_start3A_199 : memref<128xi32, #tpu.memory_space<vmem>>) semaphore(%arg9 : memref<!tpu.dma_semaphore, #tpu.memory_space<semaphore_mem>>)
    %dma_start3A_203 = arith.constant 2 : i32
    %dma_start3A_204 = arith.constant 2 : i32
    %dma_start3A_205 = arith.constant 0 : i32
    %dma_start3A_206 = arith.constant 0 : i32
    %dma_start3A_207 = tpu.memref_slice %arg7[%dma_start3A_204, %dma_start3A_205, %dma_start3A_206] : memref<8x128x64xf32, #tpu.memory_space<vmem>> -> memref<1x128x64xf32, #tpu.memory_space<vmem>>
    %dma_start3A_208 = tpu.memref_squeeze %dma_start3A_207 : memref<1x128x64xf32, #tpu.memory_space<vmem>> -> memref<128x64xf32, #tpu.memory_space<vmem>>
    %dma_start3A_209 = arith.constant 0 : i32
    %dma_start3A_210 = tpu.memref_slice %arg5[%dma_start3A_203, %dma_start3A_209] : memref<80x128xi32, #tpu.memory_space<vmem>> -> memref<1x128xi32, #tpu.memory_space<vmem>>
    %dma_start3A_211 = tpu.memref_squeeze %dma_start3A_210 : memref<1x128xi32, #tpu.memory_space<vmem>> -> memref<128xi32, #tpu.memory_space<vmem>>
    %dma_start3A_212 = arith.constant 0 : i32
    %dma_start3A_213 = arith.constant 0 : i32
    %dma_start3A_214 = tpu.memref_slice %arg2[%dma_start3A_212, %dma_start3A_213] : memref<10000x64xf32, #tpu.memory_space<hbm>> -> memref<10000x64xf32, #tpu.memory_space<hbm>>
    tpu.enqueue_indirect_dma source(%dma_start3A_214 : memref<10000x64xf32, #tpu.memory_space<hbm>>) target(%dma_start3A_208 : memref<128x64xf32, #tpu.memory_space<vmem>>) offsets(%dma_start3A_211 : memref<128xi32, #tpu.memory_space<vmem>>) semaphore(%arg9 : memref<!tpu.dma_semaphore, #tpu.memory_space<semaphore_mem>>)
    %dma_start3A_215 = arith.constant 3 : i32
    %dma_start3A_216 = arith.constant 3 : i32
    %dma_start3A_217 = arith.constant 0 : i32
    %dma_start3A_218 = arith.constant 0 : i32
    %dma_start3A_219 = tpu.memref_slice %arg7[%dma_start3A_216, %dma_start3A_217, %dma_start3A_218] : memref<8x128x64xf32, #tpu.memory_space<vmem>> -> memref<1x128x64xf32, #tpu.memory_space<vmem>>
    %dma_start3A_220 = tpu.memref_squeeze %dma_start3A_219 : memref<1x128x64xf32, #tpu.memory_space<vmem>> -> memref<128x64xf32, #tpu.memory_space<vmem>>
    %dma_start3A_221 = arith.constant 0 : i32
    %dma_start3A_222 = tpu.memref_slice %arg5[%dma_start3A_215, %dma_start3A_221] : memref<80x128xi32, #tpu.memory_space<vmem>> -> memref<1x128xi32, #tpu.memory_space<vmem>>
    %dma_start3A_223 = tpu.memref_squeeze %dma_start3A_222 : memref<1x128xi32, #tpu.memory_space<vmem>> -> memref<128xi32, #tpu.memory_space<vmem>>
    %dma_start3A_224 = arith.constant 0 : i32
    %dma_start3A_225 = arith.constant 0 : i32
    %dma_start3A_226 = tpu.memref_slice %arg2[%dma_start3A_224, %dma_start3A_225] : memref<10000x64xf32, #tpu.memory_space<hbm>> -> memref<10000x64xf32, #tpu.memory_space<hbm>>
    tpu.enqueue_indirect_dma source(%dma_start3A_226 : memref<10000x64xf32, #tpu.memory_space<hbm>>) target(%dma_start3A_220 : memref<128x64xf32, #tpu.memory_space<vmem>>) offsets(%dma_start3A_223 : memref<128xi32, #tpu.memory_space<vmem>>) semaphore(%arg9 : memref<!tpu.dma_semaphore, #tpu.memory_space<semaphore_mem>>)
    %scan3A_227 = arith.constant 0 : i32
    %scan3A_228 = arith.constant 0 : i32
    %scan3A_229 = arith.constant 10 : i32
    %scan3A_230 = arith.addi %scan3A_228, %scan3A_229 : i32
    %scan3A_231 = arith.constant 1 : i32
    scf.for %scan3A_240 = %scan3A_228 to %scan3A_230 step %scan3A_231  : i32 {
      %mul3A_241 = arith.constant 2 : i32
      %mul3A_242 = arith.muli %scan3A_240, %mul3A_241 : i32
      %mul3A_243 = arith.constant 4 : i32
      %mul3A_244 = arith.muli %mul3A_242, %mul3A_243 : i32
      %add3A_245 = arith.constant 4 : i32
      %add3A_246 = arith.addi %mul3A_244, %add3A_245 : i32
      %add3A_247 = arith.constant 0 : i32
      %add3A_248 = arith.addi %mul3A_244, %add3A_247 : i32
      %dma_wait3A_249 = arith.constant 0 : i32
      %dma_wait3A_250 = arith.constant 0 : i32
      %dma_wait3A_251 = arith.constant 0 : i32
      %dma_wait3A_252 = tpu.memref_slice %arg7[%dma_wait3A_249, %dma_wait3A_250, %dma_wait3A_251] : memref<8x128x64xf32, #tpu.memory_space<vmem>> -> memref<1x128x64xf32, #tpu.memory_space<vmem>>
      %dma_wait3A_253 = tpu.memref_squeeze %dma_wait3A_252 : memref<1x128x64xf32, #tpu.memory_space<vmem>> -> memref<128x64xf32, #tpu.memory_space<vmem>>
      %dma_wait3A_254 = arith.constant 0 : i32
      %dma_wait3A_255 = tpu.memref_slice %arg5[%add3A_248, %dma_wait3A_254] : memref<80x128xi32, #tpu.memory_space<vmem>> -> memref<1x128xi32, #tpu.memory_space<vmem>>
      %dma_wait3A_256 = tpu.memref_squeeze %dma_wait3A_255 : memref<1x128xi32, #tpu.memory_space<vmem>> -> memref<128xi32, #tpu.memory_space<vmem>>
      %dma_wait3A_257 = arith.constant 0 : i32
      %dma_wait3A_258 = arith.constant 0 : i32
      %dma_wait3A_259 = tpu.memref_slice %arg2[%dma_wait3A_257, %dma_wait3A_258] : memref<10000x64xf32, #tpu.memory_space<hbm>> -> memref<10000x64xf32, #tpu.memory_space<hbm>>
      tpu.wait_indirect_dma semaphore(%arg9 : memref<!tpu.dma_semaphore, #tpu.memory_space<semaphore_mem>>) src(%dma_wait3A_259 : memref<10000x64xf32, #tpu.memory_space<hbm>>) dst(%dma_wait3A_253 : memref<128x64xf32, #tpu.memory_space<vmem>>)
      %add3A_260 = arith.constant 1 : i32
      %add3A_261 = arith.addi %mul3A_244, %add3A_260 : i32
      %dma_wait3A_262 = arith.constant 1 : i32
      %dma_wait3A_263 = arith.constant 0 : i32
      %dma_wait3A_264 = arith.constant 0 : i32
      %dma_wait3A_265 = tpu.memref_slice %arg7[%dma_wait3A_262, %dma_wait3A_263, %dma_wait3A_264] : memref<8x128x64xf32, #tpu.memory_space<vmem>> -> memref<1x128x64xf32, #tpu.memory_space<vmem>>
      %dma_wait3A_266 = tpu.memref_squeeze %dma_wait3A_265 : memref<1x128x64xf32, #tpu.memory_space<vmem>> -> memref<128x64xf32, #tpu.memory_space<vmem>>
      %dma_wait3A_267 = arith.constant 0 : i32
      %dma_wait3A_268 = tpu.memref_slice %arg5[%add3A_261, %dma_wait3A_267] : memref<80x128xi32, #tpu.memory_space<vmem>> -> memref<1x128xi32, #tpu.memory_space<vmem>>
      %dma_wait3A_269 = tpu.memref_squeeze %dma_wait3A_268 : memref<1x128xi32, #tpu.memory_space<vmem>> -> memref<128xi32, #tpu.memory_space<vmem>>
      %dma_wait3A_270 = arith.constant 0 : i32
      %dma_wait3A_271 = arith.constant 0 : i32
      %dma_wait3A_272 = tpu.memref_slice %arg2[%dma_wait3A_270, %dma_wait3A_271] : memref<10000x64xf32, #tpu.memory_space<hbm>> -> memref<10000x64xf32, #tpu.memory_space<hbm>>
      tpu.wait_indirect_dma semaphore(%arg9 : memref<!tpu.dma_semaphore, #tpu.memory_space<semaphore_mem>>) src(%dma_wait3A_272 : memref<10000x64xf32, #tpu.memory_space<hbm>>) dst(%dma_wait3A_266 : memref<128x64xf32, #tpu.memory_space<vmem>>)
      %add3A_273 = arith.constant 2 : i32
      %add3A_274 = arith.addi %mul3A_244, %add3A_273 : i32
      %dma_wait3A_275 = arith.constant 2 : i32
      %dma_wait3A_276 = arith.constant 0 : i32
      %dma_wait3A_277 = arith.constant 0 : i32
      %dma_wait3A_278 = tpu.memref_slice %arg7[%dma_wait3A_275, %dma_wait3A_276, %dma_wait3A_277] : memref<8x128x64xf32, #tpu.memory_space<vmem>> -> memref<1x128x64xf32, #tpu.memory_space<vmem>>
      %dma_wait3A_279 = tpu.memref_squeeze %dma_wait3A_278 : memref<1x128x64xf32, #tpu.memory_space<vmem>> -> memref<128x64xf32, #tpu.memory_space<vmem>>
      %dma_wait3A_280 = arith.constant 0 : i32
      %dma_wait3A_281 = tpu.memref_slice %arg5[%add3A_274, %dma_wait3A_280] : memref<80x128xi32, #tpu.memory_space<vmem>> -> memref<1x128xi32, #tpu.memory_space<vmem>>
      %dma_wait3A_282 = tpu.memref_squeeze %dma_wait3A_281 : memref<1x128xi32, #tpu.memory_space<vmem>> -> memref<128xi32, #tpu.memory_space<vmem>>
      %dma_wait3A_283 = arith.constant 0 : i32
      %dma_wait3A_284 = arith.constant 0 : i32
      %dma_wait3A_285 = tpu.memref_slice %arg2[%dma_wait3A_283, %dma_wait3A_284] : memref<10000x64xf32, #tpu.memory_space<hbm>> -> memref<10000x64xf32, #tpu.memory_space<hbm>>
      tpu.wait_indirect_dma semaphore(%arg9 : memref<!tpu.dma_semaphore, #tpu.memory_space<semaphore_mem>>) src(%dma_wait3A_285 : memref<10000x64xf32, #tpu.memory_space<hbm>>) dst(%dma_wait3A_279 : memref<128x64xf32, #tpu.memory_space<vmem>>)
      %add3A_286 = arith.constant 3 : i32
      %add3A_287 = arith.addi %mul3A_244, %add3A_286 : i32
      %dma_wait3A_288 = arith.constant 3 : i32
      %dma_wait3A_289 = arith.constant 0 : i32
      %dma_wait3A_290 = arith.constant 0 : i32
      %dma_wait3A_291 = tpu.memref_slice %arg7[%dma_wait3A_288, %dma_wait3A_289, %dma_wait3A_290] : memref<8x128x64xf32, #tpu.memory_space<vmem>> -> memref<1x128x64xf32, #tpu.memory_space<vmem>>
      %dma_wait3A_292 = tpu.memref_squeeze %dma_wait3A_291 : memref<1x128x64xf32, #tpu.memory_space<vmem>> -> memref<128x64xf32, #tpu.memory_space<vmem>>
      %dma_wait3A_293 = arith.constant 0 : i32
      %dma_wait3A_294 = tpu.memref_slice %arg5[%add3A_287, %dma_wait3A_293] : memref<80x128xi32, #tpu.memory_space<vmem>> -> memref<1x128xi32, #tpu.memory_space<vmem>>
      %dma_wait3A_295 = tpu.memref_squeeze %dma_wait3A_294 : memref<1x128xi32, #tpu.memory_space<vmem>> -> memref<128xi32, #tpu.memory_space<vmem>>
      %dma_wait3A_296 = arith.constant 0 : i32
      %dma_wait3A_297 = arith.constant 0 : i32
      %dma_wait3A_298 = tpu.memref_slice %arg2[%dma_wait3A_296, %dma_wait3A_297] : memref<10000x64xf32, #tpu.memory_space<hbm>> -> memref<10000x64xf32, #tpu.memory_space<hbm>>
      tpu.wait_indirect_dma semaphore(%arg9 : memref<!tpu.dma_semaphore, #tpu.memory_space<semaphore_mem>>) src(%dma_wait3A_298 : memref<10000x64xf32, #tpu.memory_space<hbm>>) dst(%dma_wait3A_292 : memref<128x64xf32, #tpu.memory_space<vmem>>)
      %add3A_299 = arith.constant 0 : i32
      %add3A_300 = arith.addi %add3A_246, %add3A_299 : i32
      %dma_start3A_301 = arith.constant 4 : i32
      %dma_start3A_302 = arith.constant 0 : i32
      %dma_start3A_303 = arith.constant 0 : i32
      %dma_start3A_304 = tpu.memref_slice %arg7[%dma_start3A_301, %dma_start3A_302, %dma_start3A_303] : memref<8x128x64xf32, #tpu.memory_space<vmem>> -> memref<1x128x64xf32, #tpu.memory_space<vmem>>
      %dma_start3A_305 = tpu.memref_squeeze %dma_start3A_304 : memref<1x128x64xf32, #tpu.memory_space<vmem>> -> memref<128x64xf32, #tpu.memory_space<vmem>>
      %dma_start3A_306 = arith.constant 0 : i32
      %dma_start3A_307 = tpu.memref_slice %arg5[%add3A_300, %dma_start3A_306] : memref<80x128xi32, #tpu.memory_space<vmem>> -> memref<1x128xi32, #tpu.memory_space<vmem>>
      %dma_start3A_308 = tpu.memref_squeeze %dma_start3A_307 : memref<1x128xi32, #tpu.memory_space<vmem>> -> memref<128xi32, #tpu.memory_space<vmem>>
      %dma_start3A_309 = arith.constant 0 : i32
      %dma_start3A_310 = arith.constant 0 : i32
      %dma_start3A_311 = tpu.memref_slice %arg2[%dma_start3A_309, %dma_start3A_310] : memref<10000x64xf32, #tpu.memory_space<hbm>> -> memref<10000x64xf32, #tpu.memory_space<hbm>>
      tpu.enqueue_indirect_dma source(%dma_start3A_311 : memref<10000x64xf32, #tpu.memory_space<hbm>>) target(%dma_start3A_305 : memref<128x64xf32, #tpu.memory_space<vmem>>) offsets(%dma_start3A_308 : memref<128xi32, #tpu.memory_space<vmem>>) semaphore(%arg10 : memref<!tpu.dma_semaphore, #tpu.memory_space<semaphore_mem>>)
      %add3A_312 = arith.constant 1 : i32
      %add3A_313 = arith.addi %add3A_246, %add3A_312 : i32
      %dma_start3A_314 = arith.constant 5 : i32
      %dma_start3A_315 = arith.constant 0 : i32
      %dma_start3A_316 = arith.constant 0 : i32
      %dma_start3A_317 = tpu.memref_slice %arg7[%dma_start3A_314, %dma_start3A_315, %dma_start3A_316] : memref<8x128x64xf32, #tpu.memory_space<vmem>> -> memref<1x128x64xf32, #tpu.memory_space<vmem>>
      %dma_start3A_318 = tpu.memref_squeeze %dma_start3A_317 : memref<1x128x64xf32, #tpu.memory_space<vmem>> -> memref<128x64xf32, #tpu.memory_space<vmem>>
      %dma_start3A_319 = arith.constant 0 : i32
      %dma_start3A_320 = tpu.memref_slice %arg5[%add3A_313, %dma_start3A_319] : memref<80x128xi32, #tpu.memory_space<vmem>> -> memref<1x128xi32, #tpu.memory_space<vmem>>
      %dma_start3A_321 = tpu.memref_squeeze %dma_start3A_320 : memref<1x128xi32, #tpu.memory_space<vmem>> -> memref<128xi32, #tpu.memory_space<vmem>>
      %dma_start3A_322 = arith.constant 0 : i32
      %dma_start3A_323 = arith.constant 0 : i32
      %dma_start3A_324 = tpu.memref_slice %arg2[%dma_start3A_322, %dma_start3A_323] : memref<10000x64xf32, #tpu.memory_space<hbm>> -> memref<10000x64xf32, #tpu.memory_space<hbm>>
      tpu.enqueue_indirect_dma source(%dma_start3A_324 : memref<10000x64xf32, #tpu.memory_space<hbm>>) target(%dma_start3A_318 : memref<128x64xf32, #tpu.memory_space<vmem>>) offsets(%dma_start3A_321 : memref<128xi32, #tpu.memory_space<vmem>>) semaphore(%arg10 : memref<!tpu.dma_semaphore, #tpu.memory_space<semaphore_mem>>)
      %add3A_325 = arith.constant 2 : i32
      %add3A_326 = arith.addi %add3A_246, %add3A_325 : i32
      %dma_start3A_327 = arith.constant 6 : i32
      %dma_start3A_328 = arith.constant 0 : i32
      %dma_start3A_329 = arith.constant 0 : i32
      %dma_start3A_330 = tpu.memref_slice %arg7[%dma_start3A_327, %dma_start3A_328, %dma_start3A_329] : memref<8x128x64xf32, #tpu.memory_space<vmem>> -> memref<1x128x64xf32, #tpu.memory_space<vmem>>
      %dma_start3A_331 = tpu.memref_squeeze %dma_start3A_330 : memref<1x128x64xf32, #tpu.memory_space<vmem>> -> memref<128x64xf32, #tpu.memory_space<vmem>>
      %dma_start3A_332 = arith.constant 0 : i32
      %dma_start3A_333 = tpu.memref_slice %arg5[%add3A_326, %dma_start3A_332] : memref<80x128xi32, #tpu.memory_space<vmem>> -> memref<1x128xi32, #tpu.memory_space<vmem>>
      %dma_start3A_334 = tpu.memref_squeeze %dma_start3A_333 : memref<1x128xi32, #tpu.memory_space<vmem>> -> memref<128xi32, #tpu.memory_space<vmem>>
      %dma_start3A_335 = arith.constant 0 : i32
      %dma_start3A_336 = arith.constant 0 : i32
      %dma_start3A_337 = tpu.memref_slice %arg2[%dma_start3A_335, %dma_start3A_336] : memref<10000x64xf32, #tpu.memory_space<hbm>> -> memref<10000x64xf32, #tpu.memory_space<hbm>>
      tpu.enqueue_indirect_dma source(%dma_start3A_337 : memref<10000x64xf32, #tpu.memory_space<hbm>>) target(%dma_start3A_331 : memref<128x64xf32, #tpu.memory_space<vmem>>) offsets(%dma_start3A_334 : memref<128xi32, #tpu.memory_space<vmem>>) semaphore(%arg10 : memref<!tpu.dma_semaphore, #tpu.memory_space<semaphore_mem>>)
      %add3A_338 = arith.constant 3 : i32
      %add3A_339 = arith.addi %add3A_246, %add3A_338 : i32
      %dma_start3A_340 = arith.constant 7 : i32
      %dma_start3A_341 = arith.constant 0 : i32
      %dma_start3A_342 = arith.constant 0 : i32
      %dma_start3A_343 = tpu.memref_slice %arg7[%dma_start3A_340, %dma_start3A_341, %dma_start3A_342] : memref<8x128x64xf32, #tpu.memory_space<vmem>> -> memref<1x128x64xf32, #tpu.memory_space<vmem>>
      %dma_start3A_344 = tpu.memref_squeeze %dma_start3A_343 : memref<1x128x64xf32, #tpu.memory_space<vmem>> -> memref<128x64xf32, #tpu.memory_space<vmem>>
      %dma_start3A_345 = arith.constant 0 : i32
      %dma_start3A_346 = tpu.memref_slice %arg5[%add3A_339, %dma_start3A_345] : memref<80x128xi32, #tpu.memory_space<vmem>> -> memref<1x128xi32, #tpu.memory_space<vmem>>
      %dma_start3A_347 = tpu.memref_squeeze %dma_start3A_346 : memref<1x128xi32, #tpu.memory_space<vmem>> -> memref<128xi32, #tpu.memory_space<vmem>>
      %dma_start3A_348 = arith.constant 0 : i32
      %dma_start3A_349 = arith.constant 0 : i32
      %dma_start3A_350 = tpu.memref_slice %arg2[%dma_start3A_348, %dma_start3A_349] : memref<10000x64xf32, #tpu.memory_space<hbm>> -> memref<10000x64xf32, #tpu.memory_space<hbm>>
      tpu.enqueue_indirect_dma source(%dma_start3A_350 : memref<10000x64xf32, #tpu.memory_space<hbm>>) target(%dma_start3A_344 : memref<128x64xf32, #tpu.memory_space<vmem>>) offsets(%dma_start3A_347 : memref<128xi32, #tpu.memory_space<vmem>>) semaphore(%arg10 : memref<!tpu.dma_semaphore, #tpu.memory_space<semaphore_mem>>)
      %add3A_351 = arith.constant 0 : i32
      %add3A_352 = arith.addi %mul3A_244, %add3A_351 : i32
      %dma_start3A_353 = arith.constant 0 : i32
      %dma_start3A_354 = arith.constant 0 : i32
      %dma_start3A_355 = arith.constant 0 : i32
      %dma_start3A_356 = tpu.memref_slice %arg7[%dma_start3A_353, %dma_start3A_354, %dma_start3A_355] : memref<8x128x64xf32, #tpu.memory_space<vmem>> -> memref<1x128x64xf32, #tpu.memory_space<vmem>>
      %dma_start3A_357 = tpu.memref_squeeze %dma_start3A_356 : memref<1x128x64xf32, #tpu.memory_space<vmem>> -> memref<128x64xf32, #tpu.memory_space<vmem>>
      %dma_start3A_358 = arith.constant 0 : i32
      %dma_start3A_359 = tpu.memref_slice %arg6[%add3A_352, %dma_start3A_358] : memref<80x128xi32, #tpu.memory_space<vmem>> -> memref<1x128xi32, #tpu.memory_space<vmem>>
      %dma_start3A_360 = tpu.memref_squeeze %dma_start3A_359 : memref<1x128xi32, #tpu.memory_space<vmem>> -> memref<128xi32, #tpu.memory_space<vmem>>
      %dma_start3A_361 = arith.constant 0 : i32
      %dma_start3A_362 = arith.constant 0 : i32
      %dma_start3A_363 = tpu.memref_slice %arg8[%dma_start3A_361, %dma_start3A_362] : memref<10240x64xf32, #tpu.memory_space<vmem_shared>> -> memref<10240x64xf32, #tpu.memory_space<vmem_shared>>
      tpu.enqueue_indirect_dma source(%dma_start3A_357 : memref<128x64xf32, #tpu.memory_space<vmem>>) target(%dma_start3A_363 : memref<10240x64xf32, #tpu.memory_space<vmem_shared>>) offsets(%dma_start3A_360 : memref<128xi32, #tpu.memory_space<vmem>>) semaphore(%arg11 : memref<!tpu.dma_semaphore, #tpu.memory_space<semaphore_mem>>) {add = true}
      %add3A_364 = arith.constant 1 : i32
      %add3A_365 = arith.addi %mul3A_244, %add3A_364 : i32
      %dma_start3A_366 = arith.constant 1 : i32
      %dma_start3A_367 = arith.constant 0 : i32
      %dma_start3A_368 = arith.constant 0 : i32
      %dma_start3A_369 = tpu.memref_slice %arg7[%dma_start3A_366, %dma_start3A_367, %dma_start3A_368] : memref<8x128x64xf32, #tpu.memory_space<vmem>> -> memref<1x128x64xf32, #tpu.memory_space<vmem>>
      %dma_start3A_370 = tpu.memref_squeeze %dma_start3A_369 : memref<1x128x64xf32, #tpu.memory_space<vmem>> -> memref<128x64xf32, #tpu.memory_space<vmem>>
      %dma_start3A_371 = arith.constant 0 : i32
      %dma_start3A_372 = tpu.memref_slice %arg6[%add3A_365, %dma_start3A_371] : memref<80x128xi32, #tpu.memory_space<vmem>> -> memref<1x128xi32, #tpu.memory_space<vmem>>
      %dma_start3A_373 = tpu.memref_squeeze %dma_start3A_372 : memref<1x128xi32, #tpu.memory_space<vmem>> -> memref<128xi32, #tpu.memory_space<vmem>>
      %dma_start3A_374 = arith.constant 0 : i32
      %dma_start3A_375 = arith.constant 0 : i32
      %dma_start3A_376 = tpu.memref_slice %arg8[%dma_start3A_374, %dma_start3A_375] : memref<10240x64xf32, #tpu.memory_space<vmem_shared>> -> memref<10240x64xf32, #tpu.memory_space<vmem_shared>>
      tpu.enqueue_indirect_dma source(%dma_start3A_370 : memref<128x64xf32, #tpu.memory_space<vmem>>) target(%dma_start3A_376 : memref<10240x64xf32, #tpu.memory_space<vmem_shared>>) offsets(%dma_start3A_373 : memref<128xi32, #tpu.memory_space<vmem>>) semaphore(%arg11 : memref<!tpu.dma_semaphore, #tpu.memory_space<semaphore_mem>>) {add = true}
      %add3A_377 = arith.constant 2 : i32
      %add3A_378 = arith.addi %mul3A_244, %add3A_377 : i32
      %dma_start3A_379 = arith.constant 2 : i32
      %dma_start3A_380 = arith.constant 0 : i32
      %dma_start3A_381 = arith.constant 0 : i32
      %dma_start3A_382 = tpu.memref_slice %arg7[%dma_start3A_379, %dma_start3A_380, %dma_start3A_381] : memref<8x128x64xf32, #tpu.memory_space<vmem>> -> memref<1x128x64xf32, #tpu.memory_space<vmem>>
      %dma_start3A_383 = tpu.memref_squeeze %dma_start3A_382 : memref<1x128x64xf32, #tpu.memory_space<vmem>> -> memref<128x64xf32, #tpu.memory_space<vmem>>
      %dma_start3A_384 = arith.constant 0 : i32
      %dma_start3A_385 = tpu.memref_slice %arg6[%add3A_378, %dma_start3A_384] : memref<80x128xi32, #tpu.memory_space<vmem>> -> memref<1x128xi32, #tpu.memory_space<vmem>>
      %dma_start3A_386 = tpu.memref_squeeze %dma_start3A_385 : memref<1x128xi32, #tpu.memory_space<vmem>> -> memref<128xi32, #tpu.memory_space<vmem>>
      %dma_start3A_387 = arith.constant 0 : i32
      %dma_start3A_388 = arith.constant 0 : i32
      %dma_start3A_389 = tpu.memref_slice %arg8[%dma_start3A_387, %dma_start3A_388] : memref<10240x64xf32, #tpu.memory_space<vmem_shared>> -> memref<10240x64xf32, #tpu.memory_space<vmem_shared>>
      tpu.enqueue_indirect_dma source(%dma_start3A_383 : memref<128x64xf32, #tpu.memory_space<vmem>>) target(%dma_start3A_389 : memref<10240x64xf32, #tpu.memory_space<vmem_shared>>) offsets(%dma_start3A_386 : memref<128xi32, #tpu.memory_space<vmem>>) semaphore(%arg11 : memref<!tpu.dma_semaphore, #tpu.memory_space<semaphore_mem>>) {add = true}
      %add3A_390 = arith.constant 3 : i32
      %add3A_391 = arith.addi %mul3A_244, %add3A_390 : i32
      %dma_start3A_392 = arith.constant 3 : i32
      %dma_start3A_393 = arith.constant 0 : i32
      %dma_start3A_394 = arith.constant 0 : i32
      %dma_start3A_395 = tpu.memref_slice %arg7[%dma_start3A_392, %dma_start3A_393, %dma_start3A_394] : memref<8x128x64xf32, #tpu.memory_space<vmem>> -> memref<1x128x64xf32, #tpu.memory_space<vmem>>
      %dma_start3A_396 = tpu.memref_squeeze %dma_start3A_395 : memref<1x128x64xf32, #tpu.memory_space<vmem>> -> memref<128x64xf32, #tpu.memory_space<vmem>>
      %dma_start3A_397 = arith.constant 0 : i32
      %dma_start3A_398 = tpu.memref_slice %arg6[%add3A_391, %dma_start3A_397] : memref<80x128xi32, #tpu.memory_space<vmem>> -> memref<1x128xi32, #tpu.memory_space<vmem>>
      %dma_start3A_399 = tpu.memref_squeeze %dma_start3A_398 : memref<1x128xi32, #tpu.memory_space<vmem>> -> memref<128xi32, #tpu.memory_space<vmem>>
      %dma_start3A_400 = arith.constant 0 : i32
      %dma_start3A_401 = arith.constant 0 : i32
      %dma_start3A_402 = tpu.memref_slice %arg8[%dma_start3A_400, %dma_start3A_401] : memref<10240x64xf32, #tpu.memory_space<vmem_shared>> -> memref<10240x64xf32, #tpu.memory_space<vmem_shared>>
      tpu.enqueue_indirect_dma source(%dma_start3A_396 : memref<128x64xf32, #tpu.memory_space<vmem>>) target(%dma_start3A_402 : memref<10240x64xf32, #tpu.memory_space<vmem_shared>>) offsets(%dma_start3A_399 : memref<128xi32, #tpu.memory_space<vmem>>) semaphore(%arg11 : memref<!tpu.dma_semaphore, #tpu.memory_space<semaphore_mem>>) {add = true}
      %add3A_403 = arith.constant 0 : i32
      %add3A_404 = arith.addi %mul3A_244, %add3A_403 : i32
      %dma_wait3A_405 = arith.constant 0 : i32
      %dma_wait3A_406 = arith.constant 0 : i32
      %dma_wait3A_407 = arith.constant 0 : i32
      %dma_wait3A_408 = tpu.memref_slice %arg7[%dma_wait3A_405, %dma_wait3A_406, %dma_wait3A_407] : memref<8x128x64xf32, #tpu.memory_space<vmem>> -> memref<1x128x64xf32, #tpu.memory_space<vmem>>
      %dma_wait3A_409 = tpu.memref_squeeze %dma_wait3A_408 : memref<1x128x64xf32, #tpu.memory_space<vmem>> -> memref<128x64xf32, #tpu.memory_space<vmem>>
      %dma_wait3A_410 = arith.constant 0 : i32
      %dma_wait3A_411 = tpu.memref_slice %arg6[%add3A_404, %dma_wait3A_410] : memref<80x128xi32, #tpu.memory_space<vmem>> -> memref<1x128xi32, #tpu.memory_space<vmem>>
      %dma_wait3A_412 = tpu.memref_squeeze %dma_wait3A_411 : memref<1x128xi32, #tpu.memory_space<vmem>> -> memref<128xi32, #tpu.memory_space<vmem>>
      %dma_wait3A_413 = arith.constant 0 : i32
      %dma_wait3A_414 = arith.constant 0 : i32
      %dma_wait3A_415 = tpu.memref_slice %arg8[%dma_wait3A_413, %dma_wait3A_414] : memref<10240x64xf32, #tpu.memory_space<vmem_shared>> -> memref<10240x64xf32, #tpu.memory_space<vmem_shared>>
      tpu.wait_indirect_dma semaphore(%arg11 : memref<!tpu.dma_semaphore, #tpu.memory_space<semaphore_mem>>) src(%dma_wait3A_409 : memref<128x64xf32, #tpu.memory_space<vmem>>) dst(%dma_wait3A_415 : memref<10240x64xf32, #tpu.memory_space<vmem_shared>>)
      %add3A_416 = arith.constant 1 : i32
      %add3A_417 = arith.addi %mul3A_244, %add3A_416 : i32
      %dma_wait3A_418 = arith.constant 1 : i32
      %dma_wait3A_419 = arith.constant 0 : i32
      %dma_wait3A_420 = arith.constant 0 : i32
      %dma_wait3A_421 = tpu.memref_slice %arg7[%dma_wait3A_418, %dma_wait3A_419, %dma_wait3A_420] : memref<8x128x64xf32, #tpu.memory_space<vmem>> -> memref<1x128x64xf32, #tpu.memory_space<vmem>>
      %dma_wait3A_422 = tpu.memref_squeeze %dma_wait3A_421 : memref<1x128x64xf32, #tpu.memory_space<vmem>> -> memref<128x64xf32, #tpu.memory_space<vmem>>
      %dma_wait3A_423 = arith.constant 0 : i32
      %dma_wait3A_424 = tpu.memref_slice %arg6[%add3A_417, %dma_wait3A_423] : memref<80x128xi32, #tpu.memory_space<vmem>> -> memref<1x128xi32, #tpu.memory_space<vmem>>
      %dma_wait3A_425 = tpu.memref_squeeze %dma_wait3A_424 : memref<1x128xi32, #tpu.memory_space<vmem>> -> memref<128xi32, #tpu.memory_space<vmem>>
      %dma_wait3A_426 = arith.constant 0 : i32
      %dma_wait3A_427 = arith.constant 0 : i32
      %dma_wait3A_428 = tpu.memref_slice %arg8[%dma_wait3A_426, %dma_wait3A_427] : memref<10240x64xf32, #tpu.memory_space<vmem_shared>> -> memref<10240x64xf32, #tpu.memory_space<vmem_shared>>
      tpu.wait_indirect_dma semaphore(%arg11 : memref<!tpu.dma_semaphore, #tpu.memory_space<semaphore_mem>>) src(%dma_wait3A_422 : memref<128x64xf32, #tpu.memory_space<vmem>>) dst(%dma_wait3A_428 : memref<10240x64xf32, #tpu.memory_space<vmem_shared>>)
      %add3A_429 = arith.constant 2 : i32
      %add3A_430 = arith.addi %mul3A_244, %add3A_429 : i32
      %dma_wait3A_431 = arith.constant 2 : i32
      %dma_wait3A_432 = arith.constant 0 : i32
      %dma_wait3A_433 = arith.constant 0 : i32
      %dma_wait3A_434 = tpu.memref_slice %arg7[%dma_wait3A_431, %dma_wait3A_432, %dma_wait3A_433] : memref<8x128x64xf32, #tpu.memory_space<vmem>> -> memref<1x128x64xf32, #tpu.memory_space<vmem>>
      %dma_wait3A_435 = tpu.memref_squeeze %dma_wait3A_434 : memref<1x128x64xf32, #tpu.memory_space<vmem>> -> memref<128x64xf32, #tpu.memory_space<vmem>>
      %dma_wait3A_436 = arith.constant 0 : i32
      %dma_wait3A_437 = tpu.memref_slice %arg6[%add3A_430, %dma_wait3A_436] : memref<80x128xi32, #tpu.memory_space<vmem>> -> memref<1x128xi32, #tpu.memory_space<vmem>>
      %dma_wait3A_438 = tpu.memref_squeeze %dma_wait3A_437 : memref<1x128xi32, #tpu.memory_space<vmem>> -> memref<128xi32, #tpu.memory_space<vmem>>
      %dma_wait3A_439 = arith.constant 0 : i32
      %dma_wait3A_440 = arith.constant 0 : i32
      %dma_wait3A_441 = tpu.memref_slice %arg8[%dma_wait3A_439, %dma_wait3A_440] : memref<10240x64xf32, #tpu.memory_space<vmem_shared>> -> memref<10240x64xf32, #tpu.memory_space<vmem_shared>>
      tpu.wait_indirect_dma semaphore(%arg11 : memref<!tpu.dma_semaphore, #tpu.memory_space<semaphore_mem>>) src(%dma_wait3A_435 : memref<128x64xf32, #tpu.memory_space<vmem>>) dst(%dma_wait3A_441 : memref<10240x64xf32, #tpu.memory_space<vmem_shared>>)
      %add3A_442 = arith.constant 3 : i32
      %add3A_443 = arith.addi %mul3A_244, %add3A_442 : i32
      %dma_wait3A_444 = arith.constant 3 : i32
      %dma_wait3A_445 = arith.constant 0 : i32
      %dma_wait3A_446 = arith.constant 0 : i32
      %dma_wait3A_447 = tpu.memref_slice %arg7[%dma_wait3A_444, %dma_wait3A_445, %dma_wait3A_446] : memref<8x128x64xf32, #tpu.memory_space<vmem>> -> memref<1x128x64xf32, #tpu.memory_space<vmem>>
      %dma_wait3A_448 = tpu.memref_squeeze %dma_wait3A_447 : memref<1x128x64xf32, #tpu.memory_space<vmem>> -> memref<128x64xf32, #tpu.memory_space<vmem>>
      %dma_wait3A_449 = arith.constant 0 : i32
      %dma_wait3A_450 = tpu.memref_slice %arg6[%add3A_443, %dma_wait3A_449] : memref<80x128xi32, #tpu.memory_space<vmem>> -> memref<1x128xi32, #tpu.memory_space<vmem>>
      %dma_wait3A_451 = tpu.memref_squeeze %dma_wait3A_450 : memref<1x128xi32, #tpu.memory_space<vmem>> -> memref<128xi32, #tpu.memory_space<vmem>>
      %dma_wait3A_452 = arith.constant 0 : i32
      %dma_wait3A_453 = arith.constant 0 : i32
      %dma_wait3A_454 = tpu.memref_slice %arg8[%dma_wait3A_452, %dma_wait3A_453] : memref<10240x64xf32, #tpu.memory_space<vmem_shared>> -> memref<10240x64xf32, #tpu.memory_space<vmem_shared>>
      tpu.wait_indirect_dma semaphore(%arg11 : memref<!tpu.dma_semaphore, #tpu.memory_space<semaphore_mem>>) src(%dma_wait3A_448 : memref<128x64xf32, #tpu.memory_space<vmem>>) dst(%dma_wait3A_454 : memref<10240x64xf32, #tpu.memory_space<vmem_shared>>)
      %lt3A_455 = arith.constant 9 : i32
      %lt3A_456 = arith.cmpi slt, %scan3A_240, %lt3A_455 : i32
      %convert_element_type3A_457 = arith.extui %lt3A_456 : i1 to i32
      %cond3A_458 = arith.constant 0 : i32
      %cond3A_459 = arith.cmpi ne, %convert_element_type3A_457, %cond3A_458 : i32
      scf.if %cond3A_459 {
        %add3A_616 = arith.constant 8 : i32
        %add3A_617 = arith.addi %mul3A_244, %add3A_616 : i32
        %add3A_618 = arith.constant 0 : i32
        %add3A_619 = arith.addi %add3A_617, %add3A_618 : i32
        %dma_start3A_620 = arith.constant 0 : i32
        %dma_start3A_621 = arith.constant 0 : i32
        %dma_start3A_622 = arith.constant 0 : i32
        %dma_start3A_623 = tpu.memref_slice %arg7[%dma_start3A_620, %dma_start3A_621, %dma_start3A_622] : memref<8x128x64xf32, #tpu.memory_space<vmem>> -> memref<1x128x64xf32, #tpu.memory_space<vmem>>
        %dma_start3A_624 = tpu.memref_squeeze %dma_start3A_623 : memref<1x128x64xf32, #tpu.memory_space<vmem>> -> memref<128x64xf32, #tpu.memory_space<vmem>>
        %dma_start3A_625 = arith.constant 0 : i32
        %dma_start3A_626 = tpu.memref_slice %arg5[%add3A_619, %dma_start3A_625] : memref<80x128xi32, #tpu.memory_space<vmem>> -> memref<1x128xi32, #tpu.memory_space<vmem>>
        %dma_start3A_627 = tpu.memref_squeeze %dma_start3A_626 : memref<1x128xi32, #tpu.memory_space<vmem>> -> memref<128xi32, #tpu.memory_space<vmem>>
        %dma_start3A_628 = arith.constant 0 : i32
        %dma_start3A_629 = arith.constant 0 : i32
        %dma_start3A_630 = tpu.memref_slice %arg2[%dma_start3A_628, %dma_start3A_629] : memref<10000x64xf32, #tpu.memory_space<hbm>> -> memref<10000x64xf32, #tpu.memory_space<hbm>>
        tpu.enqueue_indirect_dma source(%dma_start3A_630 : memref<10000x64xf32, #tpu.memory_space<hbm>>) target(%dma_start3A_624 : memref<128x64xf32, #tpu.memory_space<vmem>>) offsets(%dma_start3A_627 : memref<128xi32, #tpu.memory_space<vmem>>) semaphore(%arg9 : memref<!tpu.dma_semaphore, #tpu.memory_space<semaphore_mem>>)
        %add3A_631 = arith.constant 8 : i32
        %add3A_632 = arith.addi %mul3A_244, %add3A_631 : i32
        %add3A_633 = arith.constant 1 : i32
        %add3A_634 = arith.addi %add3A_632, %add3A_633 : i32
        %dma_start3A_635 = arith.constant 1 : i32
        %dma_start3A_636 = arith.constant 0 : i32
        %dma_start3A_637 = arith.constant 0 : i32
        %dma_start3A_638 = tpu.memref_slice %arg7[%dma_start3A_635, %dma_start3A_636, %dma_start3A_637] : memref<8x128x64xf32, #tpu.memory_space<vmem>> -> memref<1x128x64xf32, #tpu.memory_space<vmem>>
        %dma_start3A_639 = tpu.memref_squeeze %dma_start3A_638 : memref<1x128x64xf32, #tpu.memory_space<vmem>> -> memref<128x64xf32, #tpu.memory_space<vmem>>
        %dma_start3A_640 = arith.constant 0 : i32
        %dma_start3A_641 = tpu.memref_slice %arg5[%add3A_634, %dma_start3A_640] : memref<80x128xi32, #tpu.memory_space<vmem>> -> memref<1x128xi32, #tpu.memory_space<vmem>>
        %dma_start3A_642 = tpu.memref_squeeze %dma_start3A_641 : memref<1x128xi32, #tpu.memory_space<vmem>> -> memref<128xi32, #tpu.memory_space<vmem>>
        %dma_start3A_643 = arith.constant 0 : i32
        %dma_start3A_644 = arith.constant 0 : i32
        %dma_start3A_645 = tpu.memref_slice %arg2[%dma_start3A_643, %dma_start3A_644] : memref<10000x64xf32, #tpu.memory_space<hbm>> -> memref<10000x64xf32, #tpu.memory_space<hbm>>
        tpu.enqueue_indirect_dma source(%dma_start3A_645 : memref<10000x64xf32, #tpu.memory_space<hbm>>) target(%dma_start3A_639 : memref<128x64xf32, #tpu.memory_space<vmem>>) offsets(%dma_start3A_642 : memref<128xi32, #tpu.memory_space<vmem>>) semaphore(%arg9 : memref<!tpu.dma_semaphore, #tpu.memory_space<semaphore_mem>>)
        %add3A_646 = arith.constant 8 : i32
        %add3A_647 = arith.addi %mul3A_244, %add3A_646 : i32
        %add3A_648 = arith.constant 2 : i32
        %add3A_649 = arith.addi %add3A_647, %add3A_648 : i32
        %dma_start3A_650 = arith.constant 2 : i32
        %dma_start3A_651 = arith.constant 0 : i32
        %dma_start3A_652 = arith.constant 0 : i32
        %dma_start3A_653 = tpu.memref_slice %arg7[%dma_start3A_650, %dma_start3A_651, %dma_start3A_652] : memref<8x128x64xf32, #tpu.memory_space<vmem>> -> memref<1x128x64xf32, #tpu.memory_space<vmem>>
        %dma_start3A_654 = tpu.memref_squeeze %dma_start3A_653 : memref<1x128x64xf32, #tpu.memory_space<vmem>> -> memref<128x64xf32, #tpu.memory_space<vmem>>
        %dma_start3A_655 = arith.constant 0 : i32
        %dma_start3A_656 = tpu.memref_slice %arg5[%add3A_649, %dma_start3A_655] : memref<80x128xi32, #tpu.memory_space<vmem>> -> memref<1x128xi32, #tpu.memory_space<vmem>>
        %dma_start3A_657 = tpu.memref_squeeze %dma_start3A_656 : memref<1x128xi32, #tpu.memory_space<vmem>> -> memref<128xi32, #tpu.memory_space<vmem>>
        %dma_start3A_658 = arith.constant 0 : i32
        %dma_start3A_659 = arith.constant 0 : i32
        %dma_start3A_660 = tpu.memref_slice %arg2[%dma_start3A_658, %dma_start3A_659] : memref<10000x64xf32, #tpu.memory_space<hbm>> -> memref<10000x64xf32, #tpu.memory_space<hbm>>
        tpu.enqueue_indirect_dma source(%dma_start3A_660 : memref<10000x64xf32, #tpu.memory_space<hbm>>) target(%dma_start3A_654 : memref<128x64xf32, #tpu.memory_space<vmem>>) offsets(%dma_start3A_657 : memref<128xi32, #tpu.memory_space<vmem>>) semaphore(%arg9 : memref<!tpu.dma_semaphore, #tpu.memory_space<semaphore_mem>>)
        %add3A_661 = arith.constant 8 : i32
        %add3A_662 = arith.addi %mul3A_244, %add3A_661 : i32
        %add3A_663 = arith.constant 3 : i32
        %add3A_664 = arith.addi %add3A_662, %add3A_663 : i32
        %dma_start3A_665 = arith.constant 3 : i32
        %dma_start3A_666 = arith.constant 0 : i32
        %dma_start3A_667 = arith.constant 0 : i32
        %dma_start3A_668 = tpu.memref_slice %arg7[%dma_start3A_665, %dma_start3A_666, %dma_start3A_667] : memref<8x128x64xf32, #tpu.memory_space<vmem>> -> memref<1x128x64xf32, #tpu.memory_space<vmem>>
        %dma_start3A_669 = tpu.memref_squeeze %dma_start3A_668 : memref<1x128x64xf32, #tpu.memory_space<vmem>> -> memref<128x64xf32, #tpu.memory_space<vmem>>
        %dma_start3A_670 = arith.constant 0 : i32
        %dma_start3A_671 = tpu.memref_slice %arg5[%add3A_664, %dma_start3A_670] : memref<80x128xi32, #tpu.memory_space<vmem>> -> memref<1x128xi32, #tpu.memory_space<vmem>>
        %dma_start3A_672 = tpu.memref_squeeze %dma_start3A_671 : memref<1x128xi32, #tpu.memory_space<vmem>> -> memref<128xi32, #tpu.memory_space<vmem>>
        %dma_start3A_673 = arith.constant 0 : i32
        %dma_start3A_674 = arith.constant 0 : i32
        %dma_start3A_675 = tpu.memref_slice %arg2[%dma_start3A_673, %dma_start3A_674] : memref<10000x64xf32, #tpu.memory_space<hbm>> -> memref<10000x64xf32, #tpu.memory_space<hbm>>
        tpu.enqueue_indirect_dma source(%dma_start3A_675 : memref<10000x64xf32, #tpu.memory_space<hbm>>) target(%dma_start3A_669 : memref<128x64xf32, #tpu.memory_space<vmem>>) offsets(%dma_start3A_672 : memref<128xi32, #tpu.memory_space<vmem>>) semaphore(%arg9 : memref<!tpu.dma_semaphore, #tpu.memory_space<semaphore_mem>>)
      } else {
      }
      %add3A_460 = arith.constant 0 : i32
      %add3A_461 = arith.addi %add3A_246, %add3A_460 : i32
      %dma_wait3A_462 = arith.constant 4 : i32
      %dma_wait3A_463 = arith.constant 0 : i32
      %dma_wait3A_464 = arith.constant 0 : i32
      %dma_wait3A_465 = tpu.memref_slice %arg7[%dma_wait3A_462, %dma_wait3A_463, %dma_wait3A_464] : memref<8x128x64xf32, #tpu.memory_space<vmem>> -> memref<1x128x64xf32, #tpu.memory_space<vmem>>
      %dma_wait3A_466 = tpu.memref_squeeze %dma_wait3A_465 : memref<1x128x64xf32, #tpu.memory_space<vmem>> -> memref<128x64xf32, #tpu.memory_space<vmem>>
      %dma_wait3A_467 = arith.constant 0 : i32
      %dma_wait3A_468 = tpu.memref_slice %arg5[%add3A_461, %dma_wait3A_467] : memref<80x128xi32, #tpu.memory_space<vmem>> -> memref<1x128xi32, #tpu.memory_space<vmem>>
      %dma_wait3A_469 = tpu.memref_squeeze %dma_wait3A_468 : memref<1x128xi32, #tpu.memory_space<vmem>> -> memref<128xi32, #tpu.memory_space<vmem>>
      %dma_wait3A_470 = arith.constant 0 : i32
      %dma_wait3A_471 = arith.constant 0 : i32
      %dma_wait3A_472 = tpu.memref_slice %arg2[%dma_wait3A_470, %dma_wait3A_471] : memref<10000x64xf32, #tpu.memory_space<hbm>> -> memref<10000x64xf32, #tpu.memory_space<hbm>>
      tpu.wait_indirect_dma semaphore(%arg10 : memref<!tpu.dma_semaphore, #tpu.memory_space<semaphore_mem>>) src(%dma_wait3A_472 : memref<10000x64xf32, #tpu.memory_space<hbm>>) dst(%dma_wait3A_466 : memref<128x64xf32, #tpu.memory_space<vmem>>)
      %add3A_473 = arith.constant 1 : i32
      %add3A_474 = arith.addi %add3A_246, %add3A_473 : i32
      %dma_wait3A_475 = arith.constant 5 : i32
      %dma_wait3A_476 = arith.constant 0 : i32
      %dma_wait3A_477 = arith.constant 0 : i32
      %dma_wait3A_478 = tpu.memref_slice %arg7[%dma_wait3A_475, %dma_wait3A_476, %dma_wait3A_477] : memref<8x128x64xf32, #tpu.memory_space<vmem>> -> memref<1x128x64xf32, #tpu.memory_space<vmem>>
      %dma_wait3A_479 = tpu.memref_squeeze %dma_wait3A_478 : memref<1x128x64xf32, #tpu.memory_space<vmem>> -> memref<128x64xf32, #tpu.memory_space<vmem>>
      %dma_wait3A_480 = arith.constant 0 : i32
      %dma_wait3A_481 = tpu.memref_slice %arg5[%add3A_474, %dma_wait3A_480] : memref<80x128xi32, #tpu.memory_space<vmem>> -> memref<1x128xi32, #tpu.memory_space<vmem>>
      %dma_wait3A_482 = tpu.memref_squeeze %dma_wait3A_481 : memref<1x128xi32, #tpu.memory_space<vmem>> -> memref<128xi32, #tpu.memory_space<vmem>>
      %dma_wait3A_483 = arith.constant 0 : i32
      %dma_wait3A_484 = arith.constant 0 : i32
      %dma_wait3A_485 = tpu.memref_slice %arg2[%dma_wait3A_483, %dma_wait3A_484] : memref<10000x64xf32, #tpu.memory_space<hbm>> -> memref<10000x64xf32, #tpu.memory_space<hbm>>
      tpu.wait_indirect_dma semaphore(%arg10 : memref<!tpu.dma_semaphore, #tpu.memory_space<semaphore_mem>>) src(%dma_wait3A_485 : memref<10000x64xf32, #tpu.memory_space<hbm>>) dst(%dma_wait3A_479 : memref<128x64xf32, #tpu.memory_space<vmem>>)
      %add3A_486 = arith.constant 2 : i32
      %add3A_487 = arith.addi %add3A_246, %add3A_486 : i32
      %dma_wait3A_488 = arith.constant 6 : i32
      %dma_wait3A_489 = arith.constant 0 : i32
      %dma_wait3A_490 = arith.constant 0 : i32
      %dma_wait3A_491 = tpu.memref_slice %arg7[%dma_wait3A_488, %dma_wait3A_489, %dma_wait3A_490] : memref<8x128x64xf32, #tpu.memory_space<vmem>> -> memref<1x128x64xf32, #tpu.memory_space<vmem>>
      %dma_wait3A_492 = tpu.memref_squeeze %dma_wait3A_491 : memref<1x128x64xf32, #tpu.memory_space<vmem>> -> memref<128x64xf32, #tpu.memory_space<vmem>>
      %dma_wait3A_493 = arith.constant 0 : i32
      %dma_wait3A_494 = tpu.memref_slice %arg5[%add3A_487, %dma_wait3A_493] : memref<80x128xi32, #tpu.memory_space<vmem>> -> memref<1x128xi32, #tpu.memory_space<vmem>>
      %dma_wait3A_495 = tpu.memref_squeeze %dma_wait3A_494 : memref<1x128xi32, #tpu.memory_space<vmem>> -> memref<128xi32, #tpu.memory_space<vmem>>
      %dma_wait3A_496 = arith.constant 0 : i32
      %dma_wait3A_497 = arith.constant 0 : i32
      %dma_wait3A_498 = tpu.memref_slice %arg2[%dma_wait3A_496, %dma_wait3A_497] : memref<10000x64xf32, #tpu.memory_space<hbm>> -> memref<10000x64xf32, #tpu.memory_space<hbm>>
      tpu.wait_indirect_dma semaphore(%arg10 : memref<!tpu.dma_semaphore, #tpu.memory_space<semaphore_mem>>) src(%dma_wait3A_498 : memref<10000x64xf32, #tpu.memory_space<hbm>>) dst(%dma_wait3A_492 : memref<128x64xf32, #tpu.memory_space<vmem>>)
      %add3A_499 = arith.constant 3 : i32
      %add3A_500 = arith.addi %add3A_246, %add3A_499 : i32
      %dma_wait3A_501 = arith.constant 7 : i32
      %dma_wait3A_502 = arith.constant 0 : i32
      %dma_wait3A_503 = arith.constant 0 : i32
      %dma_wait3A_504 = tpu.memref_slice %arg7[%dma_wait3A_501, %dma_wait3A_502, %dma_wait3A_503] : memref<8x128x64xf32, #tpu.memory_space<vmem>> -> memref<1x128x64xf32, #tpu.memory_space<vmem>>
      %dma_wait3A_505 = tpu.memref_squeeze %dma_wait3A_504 : memref<1x128x64xf32, #tpu.memory_space<vmem>> -> memref<128x64xf32, #tpu.memory_space<vmem>>
      %dma_wait3A_506 = arith.constant 0 : i32
      %dma_wait3A_507 = tpu.memref_slice %arg5[%add3A_500, %dma_wait3A_506] : memref<80x128xi32, #tpu.memory_space<vmem>> -> memref<1x128xi32, #tpu.memory_space<vmem>>
      %dma_wait3A_508 = tpu.memref_squeeze %dma_wait3A_507 : memref<1x128xi32, #tpu.memory_space<vmem>> -> memref<128xi32, #tpu.memory_space<vmem>>
      %dma_wait3A_509 = arith.constant 0 : i32
      %dma_wait3A_510 = arith.constant 0 : i32
      %dma_wait3A_511 = tpu.memref_slice %arg2[%dma_wait3A_509, %dma_wait3A_510] : memref<10000x64xf32, #tpu.memory_space<hbm>> -> memref<10000x64xf32, #tpu.memory_space<hbm>>
      tpu.wait_indirect_dma semaphore(%arg10 : memref<!tpu.dma_semaphore, #tpu.memory_space<semaphore_mem>>) src(%dma_wait3A_511 : memref<10000x64xf32, #tpu.memory_space<hbm>>) dst(%dma_wait3A_505 : memref<128x64xf32, #tpu.memory_space<vmem>>)
      %add3A_512 = arith.constant 0 : i32
      %add3A_513 = arith.addi %add3A_246, %add3A_512 : i32
      %dma_start3A_514 = arith.constant 4 : i32
      %dma_start3A_515 = arith.constant 0 : i32
      %dma_start3A_516 = arith.constant 0 : i32
      %dma_start3A_517 = tpu.memref_slice %arg7[%dma_start3A_514, %dma_start3A_515, %dma_start3A_516] : memref<8x128x64xf32, #tpu.memory_space<vmem>> -> memref<1x128x64xf32, #tpu.memory_space<vmem>>
      %dma_start3A_518 = tpu.memref_squeeze %dma_start3A_517 : memref<1x128x64xf32, #tpu.memory_space<vmem>> -> memref<128x64xf32, #tpu.memory_space<vmem>>
      %dma_start3A_519 = arith.constant 0 : i32
      %dma_start3A_520 = tpu.memref_slice %arg6[%add3A_513, %dma_start3A_519] : memref<80x128xi32, #tpu.memory_space<vmem>> -> memref<1x128xi32, #tpu.memory_space<vmem>>
      %dma_start3A_521 = tpu.memref_squeeze %dma_start3A_520 : memref<1x128xi32, #tpu.memory_space<vmem>> -> memref<128xi32, #tpu.memory_space<vmem>>
      %dma_start3A_522 = arith.constant 0 : i32
      %dma_start3A_523 = arith.constant 0 : i32
      %dma_start3A_524 = tpu.memref_slice %arg8[%dma_start3A_522, %dma_start3A_523] : memref<10240x64xf32, #tpu.memory_space<vmem_shared>> -> memref<10240x64xf32, #tpu.memory_space<vmem_shared>>
      tpu.enqueue_indirect_dma source(%dma_start3A_518 : memref<128x64xf32, #tpu.memory_space<vmem>>) target(%dma_start3A_524 : memref<10240x64xf32, #tpu.memory_space<vmem_shared>>) offsets(%dma_start3A_521 : memref<128xi32, #tpu.memory_space<vmem>>) semaphore(%arg12 : memref<!tpu.dma_semaphore, #tpu.memory_space<semaphore_mem>>) {add = true}
      %add3A_525 = arith.constant 1 : i32
      %add3A_526 = arith.addi %add3A_246, %add3A_525 : i32
      %dma_start3A_527 = arith.constant 5 : i32
      %dma_start3A_528 = arith.constant 0 : i32
      %dma_start3A_529 = arith.constant 0 : i32
      %dma_start3A_530 = tpu.memref_slice %arg7[%dma_start3A_527, %dma_start3A_528, %dma_start3A_529] : memref<8x128x64xf32, #tpu.memory_space<vmem>> -> memref<1x128x64xf32, #tpu.memory_space<vmem>>
      %dma_start3A_531 = tpu.memref_squeeze %dma_start3A_530 : memref<1x128x64xf32, #tpu.memory_space<vmem>> -> memref<128x64xf32, #tpu.memory_space<vmem>>
      %dma_start3A_532 = arith.constant 0 : i32
      %dma_start3A_533 = tpu.memref_slice %arg6[%add3A_526, %dma_start3A_532] : memref<80x128xi32, #tpu.memory_space<vmem>> -> memref<1x128xi32, #tpu.memory_space<vmem>>
      %dma_start3A_534 = tpu.memref_squeeze %dma_start3A_533 : memref<1x128xi32, #tpu.memory_space<vmem>> -> memref<128xi32, #tpu.memory_space<vmem>>
      %dma_start3A_535 = arith.constant 0 : i32
      %dma_start3A_536 = arith.constant 0 : i32
      %dma_start3A_537 = tpu.memref_slice %arg8[%dma_start3A_535, %dma_start3A_536] : memref<10240x64xf32, #tpu.memory_space<vmem_shared>> -> memref<10240x64xf32, #tpu.memory_space<vmem_shared>>
      tpu.enqueue_indirect_dma source(%dma_start3A_531 : memref<128x64xf32, #tpu.memory_space<vmem>>) target(%dma_start3A_537 : memref<10240x64xf32, #tpu.memory_space<vmem_shared>>) offsets(%dma_start3A_534 : memref<128xi32, #tpu.memory_space<vmem>>) semaphore(%arg12 : memref<!tpu.dma_semaphore, #tpu.memory_space<semaphore_mem>>) {add = true}
      %add3A_538 = arith.constant 2 : i32
      %add3A_539 = arith.addi %add3A_246, %add3A_538 : i32
      %dma_start3A_540 = arith.constant 6 : i32
      %dma_start3A_541 = arith.constant 0 : i32
      %dma_start3A_542 = arith.constant 0 : i32
      %dma_start3A_543 = tpu.memref_slice %arg7[%dma_start3A_540, %dma_start3A_541, %dma_start3A_542] : memref<8x128x64xf32, #tpu.memory_space<vmem>> -> memref<1x128x64xf32, #tpu.memory_space<vmem>>
      %dma_start3A_544 = tpu.memref_squeeze %dma_start3A_543 : memref<1x128x64xf32, #tpu.memory_space<vmem>> -> memref<128x64xf32, #tpu.memory_space<vmem>>
      %dma_start3A_545 = arith.constant 0 : i32
      %dma_start3A_546 = tpu.memref_slice %arg6[%add3A_539, %dma_start3A_545] : memref<80x128xi32, #tpu.memory_space<vmem>> -> memref<1x128xi32, #tpu.memory_space<vmem>>
      %dma_start3A_547 = tpu.memref_squeeze %dma_start3A_546 : memref<1x128xi32, #tpu.memory_space<vmem>> -> memref<128xi32, #tpu.memory_space<vmem>>
      %dma_start3A_548 = arith.constant 0 : i32
      %dma_start3A_549 = arith.constant 0 : i32
      %dma_start3A_550 = tpu.memref_slice %arg8[%dma_start3A_548, %dma_start3A_549] : memref<10240x64xf32, #tpu.memory_space<vmem_shared>> -> memref<10240x64xf32, #tpu.memory_space<vmem_shared>>
      tpu.enqueue_indirect_dma source(%dma_start3A_544 : memref<128x64xf32, #tpu.memory_space<vmem>>) target(%dma_start3A_550 : memref<10240x64xf32, #tpu.memory_space<vmem_shared>>) offsets(%dma_start3A_547 : memref<128xi32, #tpu.memory_space<vmem>>) semaphore(%arg12 : memref<!tpu.dma_semaphore, #tpu.memory_space<semaphore_mem>>) {add = true}
      %add3A_551 = arith.constant 3 : i32
      %add3A_552 = arith.addi %add3A_246, %add3A_551 : i32
      %dma_start3A_553 = arith.constant 7 : i32
      %dma_start3A_554 = arith.constant 0 : i32
      %dma_start3A_555 = arith.constant 0 : i32
      %dma_start3A_556 = tpu.memref_slice %arg7[%dma_start3A_553, %dma_start3A_554, %dma_start3A_555] : memref<8x128x64xf32, #tpu.memory_space<vmem>> -> memref<1x128x64xf32, #tpu.memory_space<vmem>>
      %dma_start3A_557 = tpu.memref_squeeze %dma_start3A_556 : memref<1x128x64xf32, #tpu.memory_space<vmem>> -> memref<128x64xf32, #tpu.memory_space<vmem>>
      %dma_start3A_558 = arith.constant 0 : i32
      %dma_start3A_559 = tpu.memref_slice %arg6[%add3A_552, %dma_start3A_558] : memref<80x128xi32, #tpu.memory_space<vmem>> -> memref<1x128xi32, #tpu.memory_space<vmem>>
      %dma_start3A_560 = tpu.memref_squeeze %dma_start3A_559 : memref<1x128xi32, #tpu.memory_space<vmem>> -> memref<128xi32, #tpu.memory_space<vmem>>
      %dma_start3A_561 = arith.constant 0 : i32
      %dma_start3A_562 = arith.constant 0 : i32
      %dma_start3A_563 = tpu.memref_slice %arg8[%dma_start3A_561, %dma_start3A_562] : memref<10240x64xf32, #tpu.memory_space<vmem_shared>> -> memref<10240x64xf32, #tpu.memory_space<vmem_shared>>
      tpu.enqueue_indirect_dma source(%dma_start3A_557 : memref<128x64xf32, #tpu.memory_space<vmem>>) target(%dma_start3A_563 : memref<10240x64xf32, #tpu.memory_space<vmem_shared>>) offsets(%dma_start3A_560 : memref<128xi32, #tpu.memory_space<vmem>>) semaphore(%arg12 : memref<!tpu.dma_semaphore, #tpu.memory_space<semaphore_mem>>) {add = true}
      %add3A_564 = arith.constant 0 : i32
      %add3A_565 = arith.addi %add3A_246, %add3A_564 : i32
      %dma_wait3A_566 = arith.constant 4 : i32
      %dma_wait3A_567 = arith.constant 0 : i32
      %dma_wait3A_568 = arith.constant 0 : i32
      %dma_wait3A_569 = tpu.memref_slice %arg7[%dma_wait3A_566, %dma_wait3A_567, %dma_wait3A_568] : memref<8x128x64xf32, #tpu.memory_space<vmem>> -> memref<1x128x64xf32, #tpu.memory_space<vmem>>
      %dma_wait3A_570 = tpu.memref_squeeze %dma_wait3A_569 : memref<1x128x64xf32, #tpu.memory_space<vmem>> -> memref<128x64xf32, #tpu.memory_space<vmem>>
      %dma_wait3A_571 = arith.constant 0 : i32
      %dma_wait3A_572 = tpu.memref_slice %arg6[%add3A_565, %dma_wait3A_571] : memref<80x128xi32, #tpu.memory_space<vmem>> -> memref<1x128xi32, #tpu.memory_space<vmem>>
      %dma_wait3A_573 = tpu.memref_squeeze %dma_wait3A_572 : memref<1x128xi32, #tpu.memory_space<vmem>> -> memref<128xi32, #tpu.memory_space<vmem>>
      %dma_wait3A_574 = arith.constant 0 : i32
      %dma_wait3A_575 = arith.constant 0 : i32
      %dma_wait3A_576 = tpu.memref_slice %arg8[%dma_wait3A_574, %dma_wait3A_575] : memref<10240x64xf32, #tpu.memory_space<vmem_shared>> -> memref<10240x64xf32, #tpu.memory_space<vmem_shared>>
      tpu.wait_indirect_dma semaphore(%arg12 : memref<!tpu.dma_semaphore, #tpu.memory_space<semaphore_mem>>) src(%dma_wait3A_570 : memref<128x64xf32, #tpu.memory_space<vmem>>) dst(%dma_wait3A_576 : memref<10240x64xf32, #tpu.memory_space<vmem_shared>>)
      %add3A_577 = arith.constant 1 : i32
      %add3A_578 = arith.addi %add3A_246, %add3A_577 : i32
      %dma_wait3A_579 = arith.constant 5 : i32
      %dma_wait3A_580 = arith.constant 0 : i32
      %dma_wait3A_581 = arith.constant 0 : i32
      %dma_wait3A_582 = tpu.memref_slice %arg7[%dma_wait3A_579, %dma_wait3A_580, %dma_wait3A_581] : memref<8x128x64xf32, #tpu.memory_space<vmem>> -> memref<1x128x64xf32, #tpu.memory_space<vmem>>
      %dma_wait3A_583 = tpu.memref_squeeze %dma_wait3A_582 : memref<1x128x64xf32, #tpu.memory_space<vmem>> -> memref<128x64xf32, #tpu.memory_space<vmem>>
      %dma_wait3A_584 = arith.constant 0 : i32
      %dma_wait3A_585 = tpu.memref_slice %arg6[%add3A_578, %dma_wait3A_584] : memref<80x128xi32, #tpu.memory_space<vmem>> -> memref<1x128xi32, #tpu.memory_space<vmem>>
      %dma_wait3A_586 = tpu.memref_squeeze %dma_wait3A_585 : memref<1x128xi32, #tpu.memory_space<vmem>> -> memref<128xi32, #tpu.memory_space<vmem>>
      %dma_wait3A_587 = arith.constant 0 : i32
      %dma_wait3A_588 = arith.constant 0 : i32
      %dma_wait3A_589 = tpu.memref_slice %arg8[%dma_wait3A_587, %dma_wait3A_588] : memref<10240x64xf32, #tpu.memory_space<vmem_shared>> -> memref<10240x64xf32, #tpu.memory_space<vmem_shared>>
      tpu.wait_indirect_dma semaphore(%arg12 : memref<!tpu.dma_semaphore, #tpu.memory_space<semaphore_mem>>) src(%dma_wait3A_583 : memref<128x64xf32, #tpu.memory_space<vmem>>) dst(%dma_wait3A_589 : memref<10240x64xf32, #tpu.memory_space<vmem_shared>>)
      %add3A_590 = arith.constant 2 : i32
      %add3A_591 = arith.addi %add3A_246, %add3A_590 : i32
      %dma_wait3A_592 = arith.constant 6 : i32
      %dma_wait3A_593 = arith.constant 0 : i32
      %dma_wait3A_594 = arith.constant 0 : i32
      %dma_wait3A_595 = tpu.memref_slice %arg7[%dma_wait3A_592, %dma_wait3A_593, %dma_wait3A_594] : memref<8x128x64xf32, #tpu.memory_space<vmem>> -> memref<1x128x64xf32, #tpu.memory_space<vmem>>
      %dma_wait3A_596 = tpu.memref_squeeze %dma_wait3A_595 : memref<1x128x64xf32, #tpu.memory_space<vmem>> -> memref<128x64xf32, #tpu.memory_space<vmem>>
      %dma_wait3A_597 = arith.constant 0 : i32
      %dma_wait3A_598 = tpu.memref_slice %arg6[%add3A_591, %dma_wait3A_597] : memref<80x128xi32, #tpu.memory_space<vmem>> -> memref<1x128xi32, #tpu.memory_space<vmem>>
      %dma_wait3A_599 = tpu.memref_squeeze %dma_wait3A_598 : memref<1x128xi32, #tpu.memory_space<vmem>> -> memref<128xi32, #tpu.memory_space<vmem>>
      %dma_wait3A_600 = arith.constant 0 : i32
      %dma_wait3A_601 = arith.constant 0 : i32
      %dma_wait3A_602 = tpu.memref_slice %arg8[%dma_wait3A_600, %dma_wait3A_601] : memref<10240x64xf32, #tpu.memory_space<vmem_shared>> -> memref<10240x64xf32, #tpu.memory_space<vmem_shared>>
      tpu.wait_indirect_dma semaphore(%arg12 : memref<!tpu.dma_semaphore, #tpu.memory_space<semaphore_mem>>) src(%dma_wait3A_596 : memref<128x64xf32, #tpu.memory_space<vmem>>) dst(%dma_wait3A_602 : memref<10240x64xf32, #tpu.memory_space<vmem_shared>>)
      %add3A_603 = arith.constant 3 : i32
      %add3A_604 = arith.addi %add3A_246, %add3A_603 : i32
      %dma_wait3A_605 = arith.constant 7 : i32
      %dma_wait3A_606 = arith.constant 0 : i32
      %dma_wait3A_607 = arith.constant 0 : i32
      %dma_wait3A_608 = tpu.memref_slice %arg7[%dma_wait3A_605, %dma_wait3A_606, %dma_wait3A_607] : memref<8x128x64xf32, #tpu.memory_space<vmem>> -> memref<1x128x64xf32, #tpu.memory_space<vmem>>
      %dma_wait3A_609 = tpu.memref_squeeze %dma_wait3A_608 : memref<1x128x64xf32, #tpu.memory_space<vmem>> -> memref<128x64xf32, #tpu.memory_space<vmem>>
      %dma_wait3A_610 = arith.constant 0 : i32
      %dma_wait3A_611 = tpu.memref_slice %arg6[%add3A_604, %dma_wait3A_610] : memref<80x128xi32, #tpu.memory_space<vmem>> -> memref<1x128xi32, #tpu.memory_space<vmem>>
      %dma_wait3A_612 = tpu.memref_squeeze %dma_wait3A_611 : memref<1x128xi32, #tpu.memory_space<vmem>> -> memref<128xi32, #tpu.memory_space<vmem>>
      %dma_wait3A_613 = arith.constant 0 : i32
      %dma_wait3A_614 = arith.constant 0 : i32
      %dma_wait3A_615 = tpu.memref_slice %arg8[%dma_wait3A_613, %dma_wait3A_614] : memref<10240x64xf32, #tpu.memory_space<vmem_shared>> -> memref<10240x64xf32, #tpu.memory_space<vmem_shared>>
      tpu.wait_indirect_dma semaphore(%arg12 : memref<!tpu.dma_semaphore, #tpu.memory_space<semaphore_mem>>) src(%dma_wait3A_609 : memref<128x64xf32, #tpu.memory_space<vmem>>) dst(%dma_wait3A_615 : memref<10240x64xf32, #tpu.memory_space<vmem_shared>>)
    }
    %scan3A_232 = arith.constant 10 : i32
    %barrier3A_233 = arith.constant 0 : index
    tpu.barrier barrier_id(%barrier3A_233)
    %lt3A = arith.constant 15 : i32
    %lt3A_234 = arith.cmpi slt, %arg1, %lt3A : i32
    %convert_element_type3A = arith.extui %lt3A_234 : i1 to i32
    %cond3A = arith.constant 0 : i32
    %cond3A_235 = arith.cmpi ne, %convert_element_type3A, %cond3A : i32
    scf.if %cond3A_235 {
      %mul3A_240 = arith.constant 10000 : i32
      %mul3A_241 = arith.muli %arg0, %mul3A_240 : i32
      %add3A_242 = arith.addi %mul3A_241, %mul3A_2 : i32
      "tpu.region"() ({
        %run_scoped3A = tpu.sem_alloc : memref<!tpu.dma_semaphore, #tpu.memory_space<semaphore_mem>>
        %dma_start3A_243 = arith.constant 0 : i32
        %dma_start3A_244 = tpu.memref_slice %arg4[%add3A_242, %dma_start3A_243] : memref<20000x128xf32, #tpu.memory_space<hbm>> -> memref<640x64xf32, #tpu.memory_space<hbm>>
        %dma_start3A_245 = arith.constant 0 : i32
        %dma_start3A_246 = tpu.memref_slice %arg8[%mul3A_2, %dma_start3A_245] : memref<10240x64xf32, #tpu.memory_space<vmem_shared>> -> memref<640x64xf32, #tpu.memory_space<vmem_shared>>
        tpu.enqueue_dma source(%dma_start3A_246 : memref<640x64xf32, #tpu.memory_space<vmem_shared>>) target(%dma_start3A_244 : memref<640x64xf32, #tpu.memory_space<hbm>>) target_semaphore(%run_scoped3A : memref<!tpu.dma_semaphore, #tpu.memory_space<semaphore_mem>>)
        %dma_wait3A_247 = arith.constant 0 : i32
        %dma_wait3A_248 = tpu.memref_slice %arg4[%add3A_242, %dma_wait3A_247] : memref<20000x128xf32, #tpu.memory_space<hbm>> -> memref<640x64xf32, #tpu.memory_space<hbm>>
        %dma_wait3A_249 = arith.constant 0 : i32
        %dma_wait3A_250 = tpu.memref_slice %arg8[%mul3A_2, %dma_wait3A_249] : memref<10240x64xf32, #tpu.memory_space<vmem_shared>> -> memref<640x64xf32, #tpu.memory_space<vmem_shared>>
        tpu.wait_dma2 semaphore(%run_scoped3A : memref<!tpu.dma_semaphore, #tpu.memory_space<semaphore_mem>>) src(%dma_wait3A_250 : memref<640x64xf32, #tpu.memory_space<vmem_shared>>) dst(%dma_wait3A_248 : memref<640x64xf32, #tpu.memory_space<hbm>>)
        tpu.yield
      }) : () -> ()
    } else {
    }
    %eq3A = arith.constant 15 : i32
    %eq3A_236 = arith.cmpi eq, %arg1, %eq3A : i32
    %convert_element_type3A_237 = arith.extui %eq3A_236 : i1 to i32
    %cond3A_238 = arith.constant 0 : i32
    %cond3A_239 = arith.cmpi ne, %convert_element_type3A_237, %cond3A_238 : i32
    scf.if %cond3A_239 {
      %mul3A_240 = arith.constant 10000 : i32
      %mul3A_241 = arith.muli %arg0, %mul3A_240 : i32
      %add3A_242 = arith.addi %mul3A_241, %mul3A_2 : i32
      "tpu.region"() ({
        %run_scoped3A = tpu.sem_alloc : memref<!tpu.dma_semaphore, #tpu.memory_space<semaphore_mem>>
        %dma_start3A_243 = arith.constant 0 : i32
        %dma_start3A_244 = tpu.memref_slice %arg4[%add3A_242, %dma_start3A_243] : memref<20000x128xf32, #tpu.memory_space<hbm>> -> memref<400x64xf32, #tpu.memory_space<hbm>>
        %dma_start3A_245 = arith.constant 0 : i32
        %dma_start3A_246 = tpu.memref_slice %arg8[%mul3A_2, %dma_start3A_245] : memref<10240x64xf32, #tpu.memory_space<vmem_shared>> -> memref<400x64xf32, #tpu.memory_space<vmem_shared>>
        tpu.enqueue_dma source(%dma_start3A_246 : memref<400x64xf32, #tpu.memory_space<vmem_shared>>) target(%dma_start3A_244 : memref<400x64xf32, #tpu.memory_space<hbm>>) target_semaphore(%run_scoped3A : memref<!tpu.dma_semaphore, #tpu.memory_space<semaphore_mem>>)
        %dma_wait3A_247 = arith.constant 0 : i32
        %dma_wait3A_248 = tpu.memref_slice %arg4[%add3A_242, %dma_wait3A_247] : memref<20000x128xf32, #tpu.memory_space<hbm>> -> memref<400x64xf32, #tpu.memory_space<hbm>>
        %dma_wait3A_249 = arith.constant 0 : i32
        %dma_wait3A_250 = tpu.memref_slice %arg8[%mul3A_2, %dma_wait3A_249] : memref<10240x64xf32, #tpu.memory_space<vmem_shared>> -> memref<400x64xf32, #tpu.memory_space<vmem_shared>>
        tpu.wait_dma2 semaphore(%run_scoped3A : memref<!tpu.dma_semaphore, #tpu.memory_space<semaphore_mem>>) src(%dma_wait3A_250 : memref<400x64xf32, #tpu.memory_space<vmem_shared>>) dst(%dma_wait3A_248 : memref<400x64xf32, #tpu.memory_space<hbm>>)
        tpu.yield
      }) : () -> ()
    } else {
    }
    return
  }
}

module attributes {stable_mosaic.version = 14 : i64} {
  func.func @body(%arg0: i32, %arg1: memref<1000x128xf32, #tpu.memory_space<vmem>>, %arg2: memref<128x64xf32, #tpu.memory_space<vmem>>, %arg3: memref<1000x16xf32, #tpu.memory_space<vmem>>, %arg4: memref<1000x16xf32, #tpu.memory_space<vmem>>, %arg5: memref<1000x64xf32, #tpu.memory_space<vmem>>) attributes {dimension_semantics = [#tpu.dimension_semantics<arbitrary>], iteration_bounds = array<i64: 10>, scalar_prefetch = 0 : i64, scratch_operands = 0 : i64, tpu.core_type = #tpu.core_type<tc>, window_params = [{transform_indices = @transform_0, window_bounds = array<i64: 1000, 128>}, {pipeline_mode = #tpu.pipeline_mode<synchronous>, transform_indices = @transform_1, window_bounds = array<i64: 128, 64>}, {transform_indices = @transform_2, window_bounds = array<i64: 1000, 16>}, {transform_indices = @transform_3, window_bounds = array<i64: 1000, 16>}, {transform_indices = @transform_4, window_bounds = array<i64: 1000, 64>}]} {
    %get3A = arith.constant 0 : index
    %get3A_0 = arith.constant 0 : index
    %get3A_1 = vector.load %arg3[%get3A, %get3A_0] : memref<1000x16xf32, #tpu.memory_space<vmem>>, vector<1000x1xf32>
    %get3A_2 = arith.constant 0 : index
    %get3A_3 = arith.constant 0 : index
    %get3A_4 = vector.load %arg4[%get3A_2, %get3A_3] : memref<1000x16xf32, #tpu.memory_space<vmem>>, vector<1000x1xf32>
    %add3A = arith.addf %get3A_1, %get3A_4 : vector<1000x1xf32>
    %add3A_5 = arith.constant 1.000000e+00 : f32
    %add3A_6 = vector.broadcast %add3A_5 : f32 to vector<1000x1xf32>
    %add3A_7 = arith.addf %add3A, %add3A_6 : vector<1000x1xf32>
    %sqrt3A = math.sqrt %add3A_7 : vector<1000x1xf32>
    %div3A = arith.constant 1.000000e+00 : f32
    %div3A_8 = vector.broadcast %div3A : f32 to vector<1000x1xf32>
    %div3A_9 = arith.divf %div3A_8, %sqrt3A : vector<1000x1xf32>
    %get3A_10 = arith.constant 0 : index
    %get3A_11 = arith.constant 0 : index
    %get3A_12 = vector.load %arg1[%get3A_10, %get3A_11] : memref<1000x128xf32, #tpu.memory_space<vmem>>, vector<1000x128xf32>
    %get3A_13 = arith.constant 0 : index
    %get3A_14 = arith.constant 0 : index
    %get3A_15 = vector.load %arg2[%get3A_13, %get3A_14] : memref<128x64xf32, #tpu.memory_space<vmem>>, vector<128x64xf32>
    %dot_general3A = arith.constant dense<0.000000e+00> : vector<1000x64xf32>
    %dot_general3A_16 = tpu.matmul %get3A_12, %get3A_15, %dot_general3A {dimension_numbers = #tpu.dot_dimension_numbers<[1], [0], [0], [1], [0, 0, 1, 1], [], []>, transpose_lhs_hint = false} : vector<1000x128xf32>, vector<128x64xf32>, vector<1000x64xf32> -> vector<1000x64xf32>
    %mul3A = vector.broadcast %div3A_9 : vector<1000x1xf32> to vector<1000x64xf32>
    %mul3A_17 = arith.mulf %mul3A, %dot_general3A_16 : vector<1000x64xf32>
    %swap3A = arith.constant 0 : index
    %swap3A_18 = arith.constant 0 : index
    %swap3A_19 = vector.load %arg5[%swap3A, %swap3A_18] : memref<1000x64xf32, #tpu.memory_space<vmem>>, vector<1000x64xf32>
    tpu.vector_store %arg5[%swap3A, %swap3A_18], %mul3A_17 {strides = array<i32>} : memref<1000x64xf32, #tpu.memory_space<vmem>>, vector<1000x64xf32>,
    return
  }
  func.func @transform_0(%arg0: i32) -> (i32, i32) {
    %c0_i32 = arith.constant 0 : i32
    %c0_i32_0 = arith.constant 0 : i32
    return %arg0, %c0_i32 : i32, i32
  }
  func.func @transform_1(%arg0: i32) -> (i32, i32) {
    %c0_i32 = arith.constant 0 : i32
    %c0_i32_0 = arith.constant 0 : i32
    %c0_i32_1 = arith.constant 0 : i32
    return %c0_i32, %c0_i32_0 : i32, i32
  }
  func.func @transform_2(%arg0: i32) -> (i32, i32) {
    %c0_i32 = arith.constant 0 : i32
    %c0_i32_0 = arith.constant 0 : i32
    return %arg0, %c0_i32 : i32, i32
  }
  func.func @transform_3(%arg0: i32) -> (i32, i32) {
    %add3A = arith.constant 10 : i32
    %add3A_0 = arith.addi %arg0, %add3A : i32
    %c0_i32 = arith.constant 0 : i32
    %c0_i32_1 = arith.constant 0 : i32
    return %add3A_0, %c0_i32 : i32, i32
  }
  func.func @transform_4(%arg0: i32) -> (i32, i32) {
    %c0_i32 = arith.constant 0 : i32
    %c0_i32_0 = arith.constant 0 : i32
    return %arg0, %c0_i32 : i32, i32
  }
}

module attributes {stable_mosaic.version = 14 : i64} {
  func.func @body(%arg0: i32, %arg1: memref<1000x128xf32, #tpu.memory_space<vmem>>, %arg2: memref<1000x128xf32, #tpu.memory_space<vmem>>, %arg3: memref<1000x64xf32, #tpu.memory_space<vmem>>, %arg4: memref<1000x16xf32, #tpu.memory_space<vmem>>, %arg5: memref<1000x16xf32, #tpu.memory_space<vmem>>, %arg6: memref<1x64xf32, #tpu.memory_space<vmem>>, %arg7: memref<64x64xf32, #tpu.memory_space<vmem>>, %arg8: memref<1000x64xf32, #tpu.memory_space<vmem>>) attributes {dimension_semantics = [#tpu.dimension_semantics<arbitrary>], iteration_bounds = array<i64: 10>, scalar_prefetch = 0 : i64, scratch_operands = 0 : i64, tpu.core_type = #tpu.core_type<tc>, window_params = [{transform_indices = @transform_0, window_bounds = array<i64: 1000, 128>}, {transform_indices = @transform_1, window_bounds = array<i64: 1000, 128>}, {transform_indices = @transform_2, window_bounds = array<i64: 1000, 64>}, {transform_indices = @transform_3, window_bounds = array<i64: 1000, 16>}, {transform_indices = @transform_4, window_bounds = array<i64: 1000, 16>}, {pipeline_mode = #tpu.pipeline_mode<synchronous>, transform_indices = @transform_5, window_bounds = array<i64: 1, 64>}, {pipeline_mode = #tpu.pipeline_mode<synchronous>, transform_indices = @transform_6, window_bounds = array<i64: 64, 64>}, {transform_indices = @transform_7, window_bounds = array<i64: 1000, 64>}]} {
    %get3A = arith.constant 0 : index
    %get3A_0 = arith.constant 0 : index
    %get3A_1 = vector.load %arg4[%get3A, %get3A_0] : memref<1000x16xf32, #tpu.memory_space<vmem>>, vector<1000x1xf32>
    %get3A_2 = arith.constant 0 : index
    %get3A_3 = arith.constant 0 : index
    %get3A_4 = vector.load %arg5[%get3A_2, %get3A_3] : memref<1000x16xf32, #tpu.memory_space<vmem>>, vector<1000x1xf32>
    %add3A = arith.addf %get3A_1, %get3A_4 : vector<1000x1xf32>
    %add3A_5 = arith.constant 1.000000e+00 : f32
    %add3A_6 = vector.broadcast %add3A_5 : f32 to vector<1000x1xf32>
    %add3A_7 = arith.addf %add3A, %add3A_6 : vector<1000x1xf32>
    %sqrt3A = math.sqrt %add3A_7 : vector<1000x1xf32>
    %div3A = arith.constant 1.000000e+00 : f32
    %div3A_8 = vector.broadcast %div3A : f32 to vector<1000x1xf32>
    %div3A_9 = arith.divf %div3A_8, %sqrt3A : vector<1000x1xf32>
    %get3A_10 = arith.constant 0 : index
    %get3A_11 = arith.constant 0 : index
    %get3A_12 = vector.load %arg1[%get3A_10, %get3A_11] : memref<1000x128xf32, #tpu.memory_space<vmem>>, vector<1000x64xf32>
    %get3A_13 = arith.constant 0 : index
    %get3A_14 = arith.constant 0 : index
    %get3A_15 = vector.load %arg2[%get3A_13, %get3A_14] : memref<1000x128xf32, #tpu.memory_space<vmem>>, vector<1000x64xf32>
    %add3A_16 = arith.addf %get3A_12, %get3A_15 : vector<1000x64xf32>
    %get3A_17 = arith.constant 0 : index
    %get3A_18 = arith.constant 0 : index
    %get3A_19 = vector.load %arg3[%get3A_17, %get3A_18] : memref<1000x64xf32, #tpu.memory_space<vmem>>, vector<1000x64xf32>
    %add3A_20 = arith.addf %add3A_16, %get3A_19 : vector<1000x64xf32>
    %mul3A = vector.broadcast %div3A_9 : vector<1000x1xf32> to vector<1000x64xf32>
    %mul3A_21 = arith.mulf %mul3A, %add3A_20 : vector<1000x64xf32>
    %get3A_22 = arith.constant 0 : index
    %get3A_23 = arith.constant 0 : index
    %get3A_24 = vector.load %arg6[%get3A_22, %get3A_23] : memref<1x64xf32, #tpu.memory_space<vmem>>, vector<1x64xf32>
    %add3A_25 = vector.broadcast %get3A_24 : vector<1x64xf32> to vector<1000x64xf32>
    %add3A_26 = arith.addf %mul3A_21, %add3A_25 : vector<1000x64xf32>
    %max3A = arith.constant 0.000000e+00 : f32
    %max3A_27 = vector.broadcast %max3A : f32 to vector<1000x64xf32>
    %max3A_28 = arith.maximumf %add3A_26, %max3A_27 : vector<1000x64xf32>
    %get3A_29 = arith.constant 0 : index
    %get3A_30 = arith.constant 0 : index
    %get3A_31 = vector.load %arg7[%get3A_29, %get3A_30] : memref<64x64xf32, #tpu.memory_space<vmem>>, vector<64x64xf32>
    %dot_general3A = arith.constant dense<0.000000e+00> : vector<1000x64xf32>
    %dot_general3A_32 = tpu.matmul %max3A_28, %get3A_31, %dot_general3A {dimension_numbers = #tpu.dot_dimension_numbers<[1], [0], [0], [1], [0, 0, 1, 1], [], []>, transpose_lhs_hint = false} : vector<1000x64xf32>, vector<64x64xf32>, vector<1000x64xf32> -> vector<1000x64xf32>
    %mul3A_33 = vector.broadcast %div3A_9 : vector<1000x1xf32> to vector<1000x64xf32>
    %mul3A_34 = arith.mulf %mul3A_33, %dot_general3A_32 : vector<1000x64xf32>
    %swap3A = arith.constant 0 : index
    %swap3A_35 = arith.constant 0 : index
    %swap3A_36 = vector.load %arg8[%swap3A, %swap3A_35] : memref<1000x64xf32, #tpu.memory_space<vmem>>, vector<1000x64xf32>
    tpu.vector_store %arg8[%swap3A, %swap3A_35], %mul3A_34 {strides = array<i32>} : memref<1000x64xf32, #tpu.memory_space<vmem>>, vector<1000x64xf32>,
    return
  }
  func.func @transform_0(%arg0: i32) -> (i32, i32) {
    %c0_i32 = arith.constant 0 : i32
    %c0_i32_0 = arith.constant 0 : i32
    return %arg0, %c0_i32 : i32, i32
  }
  func.func @transform_1(%arg0: i32) -> (i32, i32) {
    %add3A = arith.constant 10 : i32
    %add3A_0 = arith.addi %arg0, %add3A : i32
    %c0_i32 = arith.constant 0 : i32
    %c0_i32_1 = arith.constant 0 : i32
    return %add3A_0, %c0_i32 : i32, i32
  }
  func.func @transform_2(%arg0: i32) -> (i32, i32) {
    %c0_i32 = arith.constant 0 : i32
    %c0_i32_0 = arith.constant 0 : i32
    return %arg0, %c0_i32 : i32, i32
  }
  func.func @transform_3(%arg0: i32) -> (i32, i32) {
    %c0_i32 = arith.constant 0 : i32
    %c0_i32_0 = arith.constant 0 : i32
    return %arg0, %c0_i32 : i32, i32
  }
  func.func @transform_4(%arg0: i32) -> (i32, i32) {
    %add3A = arith.constant 10 : i32
    %add3A_0 = arith.addi %arg0, %add3A : i32
    %c0_i32 = arith.constant 0 : i32
    %c0_i32_1 = arith.constant 0 : i32
    return %add3A_0, %c0_i32 : i32, i32
  }
  func.func @transform_5(%arg0: i32) -> (i32, i32) {
    %c0_i32 = arith.constant 0 : i32
    %c0_i32_0 = arith.constant 0 : i32
    %c0_i32_1 = arith.constant 0 : i32
    return %c0_i32, %c0_i32_0 : i32, i32
  }
  func.func @transform_6(%arg0: i32) -> (i32, i32) {
    %c0_i32 = arith.constant 0 : i32
    %c0_i32_0 = arith.constant 0 : i32
    %c0_i32_1 = arith.constant 0 : i32
    return %c0_i32, %c0_i32_0 : i32, i32
  }
  func.func @transform_7(%arg0: i32) -> (i32, i32) {
    %c0_i32 = arith.constant 0 : i32
    %c0_i32_0 = arith.constant 0 : i32
    return %arg0, %c0_i32 : i32, i32
  }
}

module attributes {stable_mosaic.version = 14 : i64} {
  func.func @body(%arg0: i32, %arg1: memref<1000x128xf32, #tpu.memory_space<vmem>>, %arg2: memref<1000x128xf32, #tpu.memory_space<vmem>>, %arg3: memref<1000x64xf32, #tpu.memory_space<vmem>>, %arg4: memref<1000x16xf32, #tpu.memory_space<vmem>>, %arg5: memref<1000x16xf32, #tpu.memory_space<vmem>>, %arg6: memref<1x64xf32, #tpu.memory_space<vmem>>, %arg7: memref<1000x64xf32, #tpu.memory_space<vmem>>) attributes {dimension_semantics = [#tpu.dimension_semantics<arbitrary>], iteration_bounds = array<i64: 10>, scalar_prefetch = 0 : i64, scratch_operands = 0 : i64, tpu.core_type = #tpu.core_type<tc>, window_params = [{transform_indices = @transform_0, window_bounds = array<i64: 1000, 128>}, {transform_indices = @transform_1, window_bounds = array<i64: 1000, 128>}, {transform_indices = @transform_2, window_bounds = array<i64: 1000, 64>}, {transform_indices = @transform_3, window_bounds = array<i64: 1000, 16>}, {transform_indices = @transform_4, window_bounds = array<i64: 1000, 16>}, {pipeline_mode = #tpu.pipeline_mode<synchronous>, transform_indices = @transform_5, window_bounds = array<i64: 1, 64>}, {transform_indices = @transform_6, window_bounds = array<i64: 1000, 64>}]} {
    %get3A = arith.constant 0 : index
    %get3A_0 = arith.constant 0 : index
    %get3A_1 = vector.load %arg4[%get3A, %get3A_0] : memref<1000x16xf32, #tpu.memory_space<vmem>>, vector<1000x1xf32>
    %get3A_2 = arith.constant 0 : index
    %get3A_3 = arith.constant 0 : index
    %get3A_4 = vector.load %arg5[%get3A_2, %get3A_3] : memref<1000x16xf32, #tpu.memory_space<vmem>>, vector<1000x1xf32>
    %add3A = arith.addf %get3A_1, %get3A_4 : vector<1000x1xf32>
    %add3A_5 = arith.constant 1.000000e+00 : f32
    %add3A_6 = vector.broadcast %add3A_5 : f32 to vector<1000x1xf32>
    %add3A_7 = arith.addf %add3A, %add3A_6 : vector<1000x1xf32>
    %sqrt3A = math.sqrt %add3A_7 : vector<1000x1xf32>
    %div3A = arith.constant 1.000000e+00 : f32
    %div3A_8 = vector.broadcast %div3A : f32 to vector<1000x1xf32>
    %div3A_9 = arith.divf %div3A_8, %sqrt3A : vector<1000x1xf32>
    %get3A_10 = arith.constant 0 : index
    %get3A_11 = arith.constant 0 : index
    %get3A_12 = vector.load %arg1[%get3A_10, %get3A_11] : memref<1000x128xf32, #tpu.memory_space<vmem>>, vector<1000x64xf32>
    %get3A_13 = arith.constant 0 : index
    %get3A_14 = arith.constant 0 : index
    %get3A_15 = vector.load %arg2[%get3A_13, %get3A_14] : memref<1000x128xf32, #tpu.memory_space<vmem>>, vector<1000x64xf32>
    %add3A_16 = arith.addf %get3A_12, %get3A_15 : vector<1000x64xf32>
    %get3A_17 = arith.constant 0 : index
    %get3A_18 = arith.constant 0 : index
    %get3A_19 = vector.load %arg3[%get3A_17, %get3A_18] : memref<1000x64xf32, #tpu.memory_space<vmem>>, vector<1000x64xf32>
    %add3A_20 = arith.addf %add3A_16, %get3A_19 : vector<1000x64xf32>
    %mul3A = vector.broadcast %div3A_9 : vector<1000x1xf32> to vector<1000x64xf32>
    %mul3A_21 = arith.mulf %mul3A, %add3A_20 : vector<1000x64xf32>
    %get3A_22 = arith.constant 0 : index
    %get3A_23 = arith.constant 0 : index
    %get3A_24 = vector.load %arg6[%get3A_22, %get3A_23] : memref<1x64xf32, #tpu.memory_space<vmem>>, vector<1x64xf32>
    %add3A_25 = vector.broadcast %get3A_24 : vector<1x64xf32> to vector<1000x64xf32>
    %add3A_26 = arith.addf %mul3A_21, %add3A_25 : vector<1000x64xf32>
    %swap3A = arith.constant 0 : index
    %swap3A_27 = arith.constant 0 : index
    %swap3A_28 = vector.load %arg7[%swap3A, %swap3A_27] : memref<1000x64xf32, #tpu.memory_space<vmem>>, vector<1000x64xf32>
    tpu.vector_store %arg7[%swap3A, %swap3A_27], %add3A_26 {strides = array<i32>} : memref<1000x64xf32, #tpu.memory_space<vmem>>, vector<1000x64xf32>,
    return
  }
  func.func @transform_0(%arg0: i32) -> (i32, i32) {
    %c0_i32 = arith.constant 0 : i32
    %c0_i32_0 = arith.constant 0 : i32
    return %arg0, %c0_i32 : i32, i32
  }
  func.func @transform_1(%arg0: i32) -> (i32, i32) {
    %add3A = arith.constant 10 : i32
    %add3A_0 = arith.addi %arg0, %add3A : i32
    %c0_i32 = arith.constant 0 : i32
    %c0_i32_1 = arith.constant 0 : i32
    return %add3A_0, %c0_i32 : i32, i32
  }
  func.func @transform_2(%arg0: i32) -> (i32, i32) {
    %c0_i32 = arith.constant 0 : i32
    %c0_i32_0 = arith.constant 0 : i32
    return %arg0, %c0_i32 : i32, i32
  }
  func.func @transform_3(%arg0: i32) -> (i32, i32) {
    %c0_i32 = arith.constant 0 : i32
    %c0_i32_0 = arith.constant 0 : i32
    return %arg0, %c0_i32 : i32, i32
  }
  func.func @transform_4(%arg0: i32) -> (i32, i32) {
    %add3A = arith.constant 10 : i32
    %add3A_0 = arith.addi %arg0, %add3A : i32
    %c0_i32 = arith.constant 0 : i32
    %c0_i32_1 = arith.constant 0 : i32
    return %add3A_0, %c0_i32 : i32, i32
  }
  func.func @transform_5(%arg0: i32) -> (i32, i32) {
    %c0_i32 = arith.constant 0 : i32
    %c0_i32_0 = arith.constant 0 : i32
    %c0_i32_1 = arith.constant 0 : i32
    return %c0_i32, %c0_i32_0 : i32, i32
  }
  func.func @transform_6(%arg0: i32) -> (i32, i32) {
    %c0_i32 = arith.constant 0 : i32
    %c0_i32_0 = arith.constant 0 : i32
    return %arg0, %c0_i32 : i32, i32
  }
}

</mosaic_0001>

<sc_bundles>
// kernel: kernel.11.cloned.1.call-start
scs
__scs_entry_jumppad:
0x0: {  	(pc) =	sbr.rel $0x88, $3  }
0x1: {  	(tag) =	ssettag $0x0;
	lr =	simm.s32 $0x1  }
0x2: {  	[smem:$0x3F9B] =	sst lr;
	_ =	strace $0xD0000000  }
0x3: {  	_ = 	snop  }
0x4: {  	_ = 	snop  }
0x5: {  	_ = 	snop  }
0x6: {  	_ = 	snop  }
0x7: {  	_ = 	snop  }
__scs_overlays_trampoline_lowered:
0x8: {  	[smem:$0x3FAA] =	sst s0  }
0x9: {  	[smem:$0x3FAB] =	sst s1  }
0xa: {  	[smem:$0x3FAC] =	sst s2  }
0xb: {  	[smem:$0x3FAD] =	sst s3  }
0xc: {  	[smem:$0x3FAE] =	sst s4  }
0xd: {  	[smem:$0x3FAF] =	sst s5  }
0xe: {  	[smem:$0x3FB0] =	sst s6  }
0xf: {  	[smem:$0x3FB1] =	sst s7  }
0x10: {  	[smem:$0x3FB2] =	sst s8  }
0x11: {  	[smem:$0x3FB3] =	sst s9;
	s0 =	simm.s32 @!p0 $0x0  }
0x12: {  	s1 =	sld [smem:$0x3F99];
	s0 =	simm.s32 @p0 $0x1  }
0x13: {  	[smem:$0x3FB4] =	sst s0;
	s0 =	simm.s32 @!p1 $0x0  }
0x14: {  	s2 =	sld [smem:$0x3F98];
	s0 =	simm.s32 @p1 $0x1  }
0x15: {  	[smem:$0x3FB5] =	sst s0;
	s0 =	simm.s32 @!p2 $0x0  }
0x16: {  	s3 =	sld [smem:$0x3FDB];
	s0 =	simm.s32 @p2 $0x1  }
0x17: {  	s4 =	simm.s32 $0x1BF5;
	[smem:$0x3FB7] =	sst s0  }
0x18: {  	s0 =	sld [smem:$0x3F9A];
	_ =	swait.ge [sflag:s4], $0x0  }
0x19: {  	s7 =	sld [smem:$0x3F9B]  }
0x1a: {  	s8 =	sadd.s32 $0xFFFFE003, lr  }
0x1b: {  	s9 =	sadd.s32 $0xFFFFFEF7, lr;
	s5 =	simm.s32 $0xFFFFFFFF;
	p2 =	slt.u32 s8, $0xFFFFF086  }
0x1c: {  	p1 =	slt.u32 s9, $0xF7A;
	s5 =	simm.s32 @!p2 $0x0  }
0x1d: {  	s5 =	simm.s32 @p1 $0x1;
	p0 =	seq.s32 s7, s2  }
0x1e: {  	s7 =	smul.u32 @!p0 $0xF7A, s2;
	p2 =	seq.s32 @!p0 s5, $0x0  }
0x1f: {  	s9 =	smul.u32 $0xF7A, s1;
	s8 =	simm.s32 @!p0 $0x1BF5;
	p2 =	por !p2, p0  }
0x20: {  	[sflag:s8] =	ssyncset.s32 @!p0 $0xFFFFF086;
	s6 =	sadd.s32 @!p0 s3, s7;
	s7 =	simm.s32 @!p0 $0x108  }
0x21: {  	s3 =	sadd.s32 s3, s9;
	s6 =	sadd.s32 @!p0 $0x88, s6;
	s7 =	simm.s32 @p2 $0x1082  }
0x22: {  	[simem:s7], [sflag:s8] =	dma.local @!p0 [hbm:s6], $0xF7A  }
0x23: {  	s9 =	sor.u32 $0xD0000000, s2;
	s6 =	simm.s32 $0x108;
	_ =	swait.ge @!p0 [sflag:s8], $0x0  }
0x24: {  	s3 =	sadd.s32 $0x88, s3;
	s6 =	simm.s32 @!p1 $0x1082;
	[sflag:s4] =	ssyncset.s32 $0xFFFFF086  }
0x25: {  	[simem:s6], [sflag:s4] =	dma.local [hbm:s3], $0xF7A  }
0x26: {  	[smem:$0x3F9B] =	sst s1;
	(tag) =	ssettag s2;
	_ =	strace s9  }
0x27: {  	s1 =	sld [smem:$0x3FAB]  }
0x28: {  	s2 =	sld [smem:$0x3FAC]  }
0x29: {  	s4 =	sld [smem:$0x3FAE]  }
0x2a: {  	p0 =	seq.s32 s5, $0x0;
	s5 =	sld [smem:$0x3FAF]  }
0x2b: {  	s6 =	sld [smem:$0x3FB0]  }
0x2c: {  	s7 =	sld [smem:$0x3FB1]  }
0x2d: {  	s3 =	simm.s32 $0x108;
	s8 =	sld [smem:$0x3FB2]  }
0x2e: {  	s3 =	simm.s32 @!p0 $0x1082;
	s9 =	sld [smem:$0x3FB3]  }
0x2f: {  	lr =	sadd.s32 s0, s3;
	s0 =	sld [smem:$0x3FAA]  }
0x30: {  	s3 =	sld [smem:$0x3FAD]  }
0x31: {  	[smem:$0x3FB6] =	sst s10  }
0x32: {  	s10 =	sld [smem:$0x3FB4];
	_ =	sdelay $0x3  }
0x33: {  	p0 =	seq.s32 s10, $0x1;
	s10 =	sld [smem:$0x3FB6];
	_ =	sdelay $0x3  }
0x34: {  	[smem:$0x3FB6] =	sst s10  }
0x35: {  	s10 =	sld [smem:$0x3FB5];
	_ =	sdelay $0x3  }
0x36: {  	p1 =	seq.s32 s10, $0x1;
	s10 =	sld [smem:$0x3FB6];
	_ =	sdelay $0x3  }
0x37: {  	[smem:$0x3FB6] =	sst s10  }
0x38: {  	s10 =	sld [smem:$0x3FB7]  }
0x39: {  	_ = 	snop;
	(pc) =	sbr.ind lr, $3  }
0x3a: {  	_ = 	snop  }
0x3b: {  	_ = 	snop  }
0x3c: {  	p2 =	seq.s32 s10, $0x1;
	s10 =	sld [smem:$0x3FB6]  }
0x3d: {  	_ =	shalt  }
0x3e: {  	_ =	shalt  }
0x3f: {  	_ =	shalt  }
0x40: {  	_ =	shalt  }
0x41: {  	_ =	shalt  }
0x42: {  	_ =	shalt  }
0x43: {  	_ =	shalt  }
0x44: {  	_ =	shalt  }
0x45: {  	_ =	shalt  }
0x46: {  	_ =	shalt  }
0x47: {  	_ =	shalt  }
0x48: {  	_ =	shalt  }
0x49: {  	_ =	shalt  }
0x4a: {  	_ =	shalt  }
0x4b: {  	_ =	shalt  }
0x4c: {  	_ =	shalt  }
0x4d: {  	_ =	shalt  }
0x4e: {  	_ =	shalt  }
0x4f: {  	_ =	shalt  }
0x50: {  	_ =	shalt  }
0x51: {  	_ =	shalt  }
0x52: {  	_ =	shalt  }
0x53: {  	_ =	shalt  }
0x54: {  	_ =	shalt  }
0x55: {  	_ =	shalt  }
0x56: {  	_ =	shalt  }
0x57: {  	_ =	shalt  }
0x58: {  	_ =	shalt  }
0x59: {  	_ =	shalt  }
0x5a: {  	_ =	shalt  }
0x5b: {  	_ =	shalt  }
0x5c: {  	_ =	shalt  }
0x5d: {  	_ =	shalt  }
0x5e: {  	_ =	shalt  }
0x5f: {  	_ =	shalt  }
0x60: {  	_ =	shalt  }
0x61: {  	_ =	shalt  }
0x62: {  	_ =	shalt  }
0x63: {  	_ =	shalt  }
0x64: {  	_ =	shalt  }
0x65: {  	_ =	shalt  }
0x66: {  	_ =	shalt  }
0x67: {  	_ =	shalt  }
0x68: {  	_ =	shalt  }
0x69: {  	_ =	shalt  }
0x6a: {  	_ =	shalt  }
0x6b: {  	_ =	shalt  }
0x6c: {  	_ =	shalt  }
0x6d: {  	_ =	shalt  }
0x6e: {  	_ =	shalt  }
0x6f: {  	_ =	shalt  }
0x70: {  	_ =	shalt  }
0x71: {  	_ =	shalt  }
0x72: {  	_ =	shalt  }
0x73: {  	_ =	shalt  }
0x74: {  	_ =	shalt  }
0x75: {  	_ =	shalt  }
0x76: {  	_ =	shalt  }
0x77: {  	_ =	shalt  }
0x78: {  	_ =	shalt  }
0x79: {  	_ =	shalt  }
0x7a: {  	_ =	shalt  }
0x7b: {  	_ =	shalt  }
0x7c: {  	_ =	shalt  }
0x7d: {  	_ =	shalt  }
0x7e: {  	_ =	shalt  }
0x7f: {  	_ =	shalt  }
0x80: {  	_ =	shalt  }
0x81: {  	_ =	shalt  }
0x82: {  	_ =	shalt  }
0x83: {  	_ =	shalt  }
0x84: {  	_ =	shalt  }
0x85: {  	_ =	shalt  }
0x86: {  	_ =	shalt  }
0x87: {  	_ =	shalt  }
.Lfunc_end0:
.L_simem_size_0:
called_computation.1_lowered:
.L_overlay_start_0:
0x88: {  	s2 =	sld [smem:$0x3FD9]  }
0x89: {  	s3 =	sld [smem:$0x3FFE];
	_ =	sdelay $0x1  }
0x8a: {  	s1 =	srdreg.scid  }
0x8b: {  	s0 =	sand.u32 $0x1, s1  }
0x8c: {  	s17 =	sshll.u32 s0, $0xA;
	s2 =	sadd.s32 s3, s2  }
0x8d: {  	s2 =	sadd.s32 s2, s17  }
0x8e: {  	[smem:$0x3FC2] =	sst s2  }
0x8f: {  	_ = 	snop  }
0x90: {  	s2 =	sld [smem:$0x3FD0];
	(tm) =	ssettm $0x1  }
0x91: {  	s18 =	sld [smem:$0x3FFB];
	_ =	sdelay $0x3  }
0x92: {  	_ =	strace s18  }
0x93: {  	s3 =	sld [smem:$0x3FFC];
	_ =	sdelay $0x3  }
0x94: {  	_ =	strace s3  }
0x95: {  	s3 =	sld [smem:$0x3FFD];
	_ =	sdelay $0x3  }
0x96: {  	_ =	strace s3  }
0x97: {  	_ =	strace $0x8FFFFFFF  }
0x98: {  	s19 =	sld [smem:$0x3FDB];
	_ =	sdelay $0x1  }
0x99: {  	s4 =	simm.s32 $_scs_section_size  }
0x9a: {  	s5 =	simm.s32 $_size__tile_overlayer_lowered;
	s6 =	simm.s32 $_tile_overlayer_lowered  }
0x9b: {  	s22 =	simm.s32 $0x1BFF;
	s21 =	sshll.u32 s6, $0x1;
	s3 =	sadd.s32 s4, s19  }
0x9c: {  	s7 =	simm.s32 $0x0;
	s20 =	sshll.u32 s5, $0x1;
	s5 =	sadd.s32 s21, s3  }
0x9d: {  	[timem:s7], [sflag:s22] =	dma.local [hbm:s5], s20  }
0x9e: {  	_ =	swait.ge [sflag:s22], s20  }
0x9f: {  	s4 =	ssub.s32 $0x0, s20;
	[sflag:s22] =	ssyncset.done $0x0  }
0xa0: {  	[sflag:s22] =	ssyncadd.s32 s4;
	_ =	sdelay $0x1  }
0xa1: {  	s23 =	simm.s32 $0x1B8B  }
0xa2: {  	_ =	swait.ge [sflag:s23], $0x1  }
0xa3: {  	[sflag:s23] =	ssyncset.done $0x0  }
0xa4: {  	s25 =	simm.s32 $0x1B8E;
	s24 =	sld [smem:$0x3FFE];
	[sflag:s23] =	ssyncadd.s32 $0xFFFFFFFF  }
0xa5: {  	s26 =	simm.s32 $execute0_lowered;
	[smem:$0x3FD2] =	sst s25  }
0xa6: {  	s5 =	sshll.u32 s26, $0x1;
	_ =	strace $0x80000049;
	[dreg:$0x1] =	wrdreg $0xFFFFFFFF  }
0xa7: {  	s28 =	simm.s32 $_size_execute0_lowered;
	s3 =	sadd.s32 s3, s5;
	[dreg:$0x0] =	wrdreg $0x0  }
0xa8: {  	s5 =	sshll.u32 s28, $0x1;
	[dreg:$0x2] =	wrdreg s3  }
0xa9: {  	[dreg:$0x3] =	wrdreg s5  }
0xaa: {  	[dreg:$0x4] =	wrdreg $0xC0  }
0xab: {  	_ =	task [dreg:s7], $0x5FFFF  }
0xac: {  	[dreg:$0x1] =	wrdreg $0xFFFFFFFF  }
0xad: {  	[dreg:$0x0] =	wrdreg $0x60  }
0xae: {  	[dreg:$0x2] =	wrdreg s2  }
0xaf: {  	[dreg:$0x3] =	wrdreg s24  }
0xb0: {  	[dreg:$0x4] =	wrdreg $0x150000  }
0xb1: {  	[dreg:$0x5] =	wrdreg $0x9  }
0xb2: {  	_ =	task.clear_ibuf [dreg:s7], $0x6FFFF;
	_ =	strace $0x90000049  }
0xb3: {  	s29 =	simm.s32 $0x9;
	_ =	strace $0x8000004B  }
0xb4: {  	_ =	swait.ge [sflag:s29], $0x1  }
0xb5: {  	[sflag:s29] =	ssyncadd.s32 $0xFFFFFFFF  }
0xb6: {  	_ =	strace $0x9000004B  }
0xb7: {  	_ =	sfence  }
0xb8: {  	s30 =	sld [smem:$0x0];
	_ =	sdelay $0x2  }
0xb9: {  	s31 =	sshll.u32 s1, $0xD;
	s1 =	sshrl.u32 s1, $0x2  }
0xba: {  	s3 =	sand.u32 $0x4000, s31;
	s1 =	sadd.s32 s1, s30  }
0xbb: {  	s0 =	sor.u32 s3, s0;
	s1 =	sshll.u32 s1, $0x11  }
0xbc: {  	s0 =	sor.u32 s1, s0  }
0xbd: {  	s0 =	sadd.s32 $0x8F2B, s0  }
0xbe: {  	[sflag:s0] =	ssyncadd.remote.s32 $0x1  }
0xbf: {  	_ =	sfence.sel $0xFFFF  }
0xc0: {  	[dreg:$0x0] =	wrdreg $0xFFFFFFFF;
	(pc) =	sbr.abs _section_cstart, $3  }
0xc1: {  	[dreg:$0x1] =	wrdreg $0xFFFFFFFF  }
0xc2: {  	_ =	task.clear_ibuf [dreg:s7], $0x2FFFF;
	_ =	strace $0x9FFFFFFF  }
0xc3: {  	(tm) =	ssettm $0x7FFFFFFF  }
tec
execute0_lowered:
.L_overlay_start_1:
0x0: {  	(tag) =	ssettag $0x1  }
0x1: {  	s1 =	rddreg [dreg:$0x0]  }
0x2: {  	s2 =	rddreg [dreg:$0x1];
	s4 =	srdreg.scid  }
0x3: {  	s0 =	stileid.u32;
	s3 =	rddreg [dreg:$0x2];
	s16 =	simm.s32 $0x5000  }
0x4: {  	s17 =	simm.s32 $0x3;
	s18 =	simm.s32 $0x2;
	s19 =	simm.s32 $0x80  }
0x5: {  	s20 =	simm.s32 $0x7000;
	s28 =	simm.s32 $0xF000;
	s29 =	simm.s32 $0x11000  }
0x6: {  	s30 =	simm.s32 $0x13000;
	s31 =	simm.s32 $0x4;
	s7 =	smul.u32 $0x28000, s0  }
0x7: {  	s9 =	sand.u32 $0x1, s4;
	s5 =	sshll.u32 s0, $0x1;
	s12 =	smul.u32 $0x2800, s0  }
0x8: {  	s4 =	simm.s32 $0x0;
	p0 =	seq.s32 s0, $0xF;
	s11 =	smul.u32 $0x138800, s9  }
0x9: {  	s5 =	sor.u32 s9, s5;
	s6 =	ssub.s32 $0x2, s9;
	s13 =	smul.u32 $0x27100, s9  }
0xa: {  	[smem:$0x7FF] =	sst s4;
	s5 =	smul.u32 $0x2800, s5;
	s21 =	sshrl.u32 s6, $0x1  }
0xb: {  	_ =	strace $0x8000004A;
	s22 =	sshrl.u32 s7, $0x2;
	s14 =	ssub.s32 s6, s21  }
0xc: {  	s6 =	sadd.s32 s22, s3;
	s15 =	sshrl.u32 s11, $0x3;
	s12 =	sadd.s32 s12, s13  }
0xd: {  	s22 =	simm.s32 $0x9000;
	s5 =	sshrl.u32 s5, $0x3;
	s25 =	sadd.s32 $0x2000, s6  }
0xe: {  	s9 =	sadd.s32 $0x4000, s6;
	s10 =	sadd.s32 $0x6000, s6;
	s11 =	sadd.s32 $0x8000, s6  }
0xf: {  	s14 =	smax.u32 s14, $0x1;
	s8 =	sadd.s32 s5, s2;
	s2 =	sadd.s32 $0x8C000, s2  }
0x10: {  	[dreg:$0x6] =	wrdreg s25;
	s25 =	simm.s32 $0x1;
	s23 =	sadd.s32 $0x2C00, s8  }
0x11: {  	s24 =	sadd.s32 $0xCC00, s8;
	s26 =	sadd.s32 s2, s15;
	[dreg:$0x4] =	wrdreg s23  }
0x12: {  	s12 =	sadd.s32 s2, s12;
	s2 =	simm.s32 $0x0;
	[dreg:$0x5] =	wrdreg s24  }
0x13: {  	v0 =	vimm.f32 $0.0e+00;
	s13 =	sadd.s32 $0x25800, s26;
	s24 =	simm.s32 $0xB000;
	s26 =	simm.s32 $0xD000  }
.LBB2_1:
0x14: {  	s0 =	rddreg [dreg:$0x4]  }
0x15: {  	[tilespmem:s4], [sflag:$0x2] =	stream.linear.gather [hbm4b:s0+s4], $0x2800, $0x38;
	[tilespmem:$0x1F000] =	vst v63  }
0x16: {  	s23 =	rddreg [dreg:$0x5];
	s5 =	simm.s32 $0x2800;
	s15 =	sand.u32 $0x7F00, s4  }
0x17: {  	[tilespmem:s5], [sflag:$0x2] =	stream.linear.gather [hbm4b:s23+s4], $0x2800, $0x38;
	[tilespmem:$0x1F000] =	vst v63  }
0x18: {  	s21 =	sand.u32 $0x30, s4;
	s23 =	sshrl.u32 s15, $0x2  }
0x19: {  	s15 =	simm.s32 $0x40;
	s23 =	sor.u32 s21, s23;
	s21 =	simm.s32 $0x0  }
.LBB2_2:
0x1a: {  	p1 =	sne.s32 s15, $0x7FC0  }
0x1b: {  	[tilespmem:s23+$0x5000] =	vst v0;
	s21 =	sadd.s32 $0x10, s21;
	s23 =	smov.u32 s15;
	s15 =	sadd.s32 $0x40, s15  }
.Ltmp0:
0x1c: {  	(pc) =	sbr.rel @p1 .LBB2_2-.Ltmp0, $4  }
0x1d: {  	_ = 	snop  }
0x1e: {  	s23 =	sand.u32 $0x7F00, s23  }
0x1f: {  	s0 =	sand.u32 $0x30, s21;
	s23 =	sshrl.u32 s23, $0x2  }
0x20: {  	s23 =	sor.u32 s0, s23  }
0x21: {  	[tilespmem:s23+$0x5000] =	vst v0  }
0x22: {  	[spmem:s6] =	stream.linear.scatter [tilespmem:s16], [sflag:$0x3], $0x2000, $0x38;
	[tilespmem:$0x1F000] =	vst v63  }
0x23: {  	s0 =	rddreg [dreg:$0x6]  }
0x24: {  	[spmem:s0] =	stream.linear.scatter [tilespmem:s16], [sflag:$0x3], $0x2000, $0x38;
	[tilespmem:$0x1F000] =	vst v63  }
0x25: {  	_ = 	snop  }
0x26: {  	[spmem:s9] =	stream.linear.scatter [tilespmem:s16], [sflag:$0x3], $0x2000, $0x38;
	[tilespmem:$0x1F000] =	vst v63  }
0x27: {  	_ = 	snop  }
0x28: {  	[spmem:s10] =	stream.linear.scatter [tilespmem:s16], [sflag:$0x3], $0x2000, $0x38;
	[tilespmem:$0x1F000] =	vst v63  }
0x29: {  	_ = 	snop  }
0x2a: {  	[spmem:s11] =	stream.linear.scatter [tilespmem:s16], [sflag:$0x3], $0x2000, $0x38;
	[tilespmem:$0x1F000] =	vst v63  }
0x2b: {  	_ =	swait.ge [sflag:s17], $0x2000  }
0x2c: {  	[sflag:s17] =	ssyncset.done $0x0  }
0x2d: {  	[sflag:s17] =	ssyncadd.s32 $0xFFFFE000  }
0x2e: {  	_ =	swait.ge [sflag:s17], $0x2000  }
0x2f: {  	[sflag:s17] =	ssyncset.done $0x0  }
0x30: {  	[sflag:s17] =	ssyncadd.s32 $0xFFFFE000  }
0x31: {  	_ =	swait.ge [sflag:s17], $0x2000  }
0x32: {  	[sflag:s17] =	ssyncset.done $0x0  }
0x33: {  	[sflag:s17] =	ssyncadd.s32 $0xFFFFE000  }
0x34: {  	_ =	swait.ge [sflag:s17], $0x2000  }
0x35: {  	[sflag:s17] =	ssyncset.done $0x0  }
0x36: {  	[sflag:s17] =	ssyncadd.s32 $0xFFFFE000  }
0x37: {  	_ =	swait.ge [sflag:s17], $0x2000  }
0x38: {  	[sflag:s17] =	ssyncset.done $0x0  }
0x39: {  	[sflag:s17] =	ssyncadd.s32 $0xFFFFE000  }
0x3a: {  	_ =	swait.ge [sflag:s18], $0x2800  }
0x3b: {  	[sflag:s18] =	ssyncset.done $0x0  }
0x3c: {  	[sflag:s18] =	ssyncadd.s32 $0xFFFFD800  }
0x3d: {  	_ =	swait.ge [sflag:s18], $0x2800  }
0x3e: {  	[sflag:s18] =	ssyncset.done $0x0  }
0x3f: {  	[sflag:s18] =	ssyncadd.s32 $0xFFFFD800  }
0x40: {  	s15 =	simm.s32 $0x0;
	[bflag:$0x0] =	sbarrier.arrive $0xFFFF  }
0x41: {  	[tilespmem:s16], [sflag:$0x1] =	stream.indirect.gather [hbm4b:s1+s19], $0x40, s15, s19, $0xb8;
	[tilespmem:$0x1F000] =	vst v63  }
0x42: {  	_ = 	snop  }
0x43: {  	[tilespmem:s20], [sflag:$0x1] =	stream.indirect.gather [hbm4b:s1+s19], $0x40, s19, s19, $0xb8;
	[tilespmem:$0x1F000] =	vst v63  }
0x44: {  	s21 =	simm.s32 $0x100  }
0x45: {  	[tilespmem:s22], [sflag:$0x1] =	stream.indirect.gather [hbm4b:s1+s19], $0x40, s21, s19, $0xb8;
	[tilespmem:$0x1F000] =	vst v63  }
0x46: {  	s23 =	simm.s32 $0x180  }
0x47: {  	[tilespmem:s24], [sflag:$0x1] =	stream.indirect.gather [hbm4b:s1+s19], $0x40, s23, s19, $0xb8;
	[tilespmem:$0x1F000] =	vst v63  }
0x48: {  	_ =	swait.ge [sflag:s25], $0x2000  }
0x49: {  	[sflag:s25] =	ssyncset.done $0x0  }
0x4a: {  	[sflag:s25] =	ssyncadd.s32 $0xFFFFE000  }
0x4b: {  	_ =	swait.ge [sflag:s25], $0x2000  }
0x4c: {  	[sflag:s25] =	ssyncset.done $0x0  }
0x4d: {  	[sflag:s25] =	ssyncadd.s32 $0xFFFFE000  }
0x4e: {  	_ =	swait.ge [sflag:s25], $0x2000  }
0x4f: {  	[sflag:s25] =	ssyncset.done $0x0  }
0x50: {  	[sflag:s25] =	ssyncadd.s32 $0xFFFFE000  }
0x51: {  	_ =	swait.ge [sflag:s25], $0x2000  }
0x52: {  	[sflag:s25] =	ssyncset.done $0x0  }
0x53: {  	s5 =	simm.s32 $0x200;
	[sflag:s25] =	ssyncadd.s32 $0xFFFFE000  }
0x54: {  	[tilespmem:s26], [sflag:$0x2] =	stream.indirect.gather [hbm4b:s1+s19], $0x40, s5, s19, $0xb8;
	[tilespmem:$0x1F000] =	vst v63  }
0x55: {  	s7 =	simm.s32 $0x280  }
0x56: {  	[tilespmem:s28], [sflag:$0x2] =	stream.indirect.gather [hbm4b:s1+s19], $0x40, s7, s19, $0xb8;
	[tilespmem:$0x1F000] =	vst v63  }
0x57: {  	s8 =	simm.s32 $0x300  }
0x58: {  	[tilespmem:s29], [sflag:$0x2] =	stream.indirect.gather [hbm4b:s1+s19], $0x40, s8, s19, $0xb8;
	[tilespmem:$0x1F000] =	vst v63  }
0x59: {  	s15 =	simm.s32 $0x380  }
0x5a: {  	[tilespmem:s30], [sflag:$0x2] =	stream.indirect.gather [hbm4b:s1+s19], $0x40, s15, s19, $0xb8;
	[tilespmem:$0x1F000] =	vst v63  }
0x5b: {  	s21 =	simm.s32 $0x2800  }
0x5c: {  	[spmem:s3] =	stream.indirect.scatter.add.f32 [tilespmem:s16], [sflag:$0x3], $0x40, s21, s19, $0xb8;
	[tilespmem:$0x1F000] =	vst v63  }
0x5d: {  	s23 =	simm.s32 $0x2880  }
0x5e: {  	[spmem:s3] =	stream.indirect.scatter.add.f32 [tilespmem:s20], [sflag:$0x3], $0x40, s23, s19, $0xb8;
	[tilespmem:$0x1F000] =	vst v63  }
0x5f: {  	s5 =	simm.s32 $0x2900  }
0x60: {  	[spmem:s3] =	stream.indirect.scatter.add.f32 [tilespmem:s22], [sflag:$0x3], $0x40, s5, s19, $0xb8;
	[tilespmem:$0x1F000] =	vst v63  }
0x61: {  	s7 =	simm.s32 $0x2980  }
0x62: {  	[spmem:s3] =	stream.indirect.scatter.add.f32 [tilespmem:s24], [sflag:$0x3], $0x40, s7, s19, $0xb8;
	[tilespmem:$0x1F000] =	vst v63  }
0x63: {  	_ =	swait.ge [sflag:s17], $0x2000  }
0x64: {  	[sflag:s17] =	ssyncset.done $0x0  }
0x65: {  	[sflag:s17] =	ssyncadd.s32 $0xFFFFE000  }
0x66: {  	_ =	swait.ge [sflag:s17], $0x2000  }
0x67: {  	[sflag:s17] =	ssyncset.done $0x0  }
0x68: {  	[sflag:s17] =	ssyncadd.s32 $0xFFFFE000  }
0x69: {  	_ =	swait.ge [sflag:s17], $0x2000  }
0x6a: {  	[sflag:s17] =	ssyncset.done $0x0  }
0x6b: {  	[sflag:s17] =	ssyncadd.s32 $0xFFFFE000  }
0x6c: {  	p1 =	por $0x0, $0x0;
	_ =	swait.ge [sflag:s17], $0x2000  }
0x6d: {  	s0 =	simm.s32 @!p1 $0x5000;
	[sflag:s17] =	ssyncset.done $0x0  }
0x6e: {  	s15 =	simm.s32 @!p1 $0x400;
	s21 =	simm.s32 @!p1 $0x80;
	[sflag:s17] =	ssyncadd.s32 $0xFFFFE000  }
0x6f: {  	[tilespmem:s0], [sflag:$0x1] =	stream.indirect.gather @!p1 [hbm4b:s1+s21], $0x40, s15, s21, $0xb8;
	[tilespmem:$0x1F000] =	vst v63  }
0x70: {  	s0 =	simm.s32 @!p1 $0x480;
	s15 =	simm.s32 @!p1 $0x7000  }
0x71: {  	[tilespmem:s15], [sflag:$0x1] =	stream.indirect.gather @!p1 [hbm4b:s1+s21], $0x40, s0, s21, $0xb8;
	[tilespmem:$0x1F000] =	vst v63  }
0x72: {  	s0 =	simm.s32 @!p1 $0x500;
	s15 =	simm.s32 @!p1 $0x9000  }
0x73: {  	[tilespmem:s15], [sflag:$0x1] =	stream.indirect.gather @!p1 [hbm4b:s1+s21], $0x40, s0, s21, $0xb8;
	[tilespmem:$0x1F000] =	vst v63  }
0x74: {  	s0 =	simm.s32 @!p1 $0x580;
	s15 =	simm.s32 @!p1 $0xB000  }
0x75: {  	[tilespmem:s15], [sflag:$0x1] =	stream.indirect.gather @!p1 [hbm4b:s1+s21], $0x40, s0, s21, $0xb8;
	[tilespmem:$0x1F000] =	vst v63  }
0x76: {  	_ =	swait.ge [sflag:s18], $0x2000  }
0x77: {  	[sflag:s18] =	ssyncset.done $0x0  }
0x78: {  	[sflag:s18] =	ssyncadd.s32 $0xFFFFE000  }
0x79: {  	_ =	swait.ge [sflag:s18], $0x2000  }
0x7a: {  	[sflag:s18] =	ssyncset.done $0x0  }
0x7b: {  	[sflag:s18] =	ssyncadd.s32 $0xFFFFE000  }
0x7c: {  	_ =	swait.ge [sflag:s18], $0x2000  }
0x7d: {  	[sflag:s18] =	ssyncset.done $0x0  }
0x7e: {  	[sflag:s18] =	ssyncadd.s32 $0xFFFFE000  }
0x7f: {  	_ =	swait.ge [sflag:s18], $0x2000  }
0x80: {  	[sflag:s18] =	ssyncset.done $0x0  }
0x81: {  	s8 =	simm.s32 $0x2A00;
	[sflag:s18] =	ssyncadd.s32 $0xFFFFE000  }
0x82: {  	[spmem:s3] =	stream.indirect.scatter.add.f32 [tilespmem:s26], [sflag:$0x4], $0x40, s8, s19, $0xb8;
	[tilespmem:$0x1F000] =	vst v63  }
0x83: {  	s15 =	simm.s32 $0x2A80  }
0x84: {  	[spmem:s3] =	stream.indirect.scatter.add.f32 [tilespmem:s28], [sflag:$0x4], $0x40, s15, s19, $0xb8;
	[tilespmem:$0x1F000] =	vst v63  }
0x85: {  	s21 =	simm.s32 $0x2B00  }
0x86: {  	[spmem:s3] =	stream.indirect.scatter.add.f32 [tilespmem:s29], [sflag:$0x4], $0x40, s21, s19, $0xb8;
	[tilespmem:$0x1F000] =	vst v63  }
0x87: {  	s23 =	simm.s32 $0x2B80  }
0x88: {  	[spmem:s3] =	stream.indirect.scatter.add.f32 [tilespmem:s30], [sflag:$0x4], $0x40, s23, s19, $0xb8;
	[tilespmem:$0x1F000] =	vst v63  }
0x89: {  	_ =	swait.ge [sflag:s31], $0x2000  }
0x8a: {  	[sflag:s31] =	ssyncset.done $0x0  }
0x8b: {  	[sflag:s31] =	ssyncadd.s32 $0xFFFFE000  }
0x8c: {  	_ =	swait.ge [sflag:s31], $0x2000  }
0x8d: {  	[sflag:s31] =	ssyncset.done $0x0  }
0x8e: {  	[sflag:s31] =	ssyncadd.s32 $0xFFFFE000  }
0x8f: {  	_ =	swait.ge [sflag:s31], $0x2000  }
0x90: {  	[sflag:s31] =	ssyncset.done $0x0  }
0x91: {  	[sflag:s31] =	ssyncadd.s32 $0xFFFFE000  }
0x92: {  	_ =	swait.ge [sflag:s31], $0x2000  }
0x93: {  	s15 =	simm.s32 $0x1000;
	[sflag:s31] =	ssyncset.done $0x0  }
.LBB2_4:
0x94: {  	[sflag:s31] =	ssyncadd.s32 $0xFFFFE000;
	s23 =	smov.u32 s15;
	s15 =	sadd.s32 $0x1000, s15  }
0x95: {  	_ =	swait.ge [sflag:s25], $0x2000;
	p1 =	sne.s32 s15, $0xA000  }
0x96: {  	[sflag:s25] =	ssyncset.done $0x0  }
0x97: {  	[sflag:s25] =	ssyncadd.s32 $0xFFFFE000  }
0x98: {  	_ =	swait.ge [sflag:s25], $0x2000  }
0x99: {  	[sflag:s25] =	ssyncset.done $0x0  }
0x9a: {  	[sflag:s25] =	ssyncadd.s32 $0xFFFFE000  }
0x9b: {  	_ =	swait.ge [sflag:s25], $0x2000  }
0x9c: {  	[sflag:s25] =	ssyncset.done $0x0  }
0x9d: {  	[sflag:s25] =	ssyncadd.s32 $0xFFFFE000  }
0x9e: {  	_ =	swait.ge [sflag:s25], $0x2000  }
0x9f: {  	s21 =	sshra.s32 s23, $0x2;
	[sflag:s25] =	ssyncset.done $0x0  }
0xa0: {  	s0 =	sadd.s32 $0x200, s21;
	[sflag:s25] =	ssyncadd.s32 $0xFFFFE000  }
0xa1: {  	[tilespmem:s26], [sflag:$0x2] =	stream.indirect.gather [hbm4b:s1+s19], $0x40, s0, s19, $0xb8;
	[tilespmem:$0x1F000] =	vst v63  }
0xa2: {  	s0 =	sadd.s32 $0x280, s21  }
0xa3: {  	[tilespmem:s28], [sflag:$0x2] =	stream.indirect.gather [hbm4b:s1+s19], $0x40, s0, s19, $0xb8;
	[tilespmem:$0x1F000] =	vst v63  }
0xa4: {  	s0 =	sadd.s32 $0x300, s21  }
0xa5: {  	[tilespmem:s29], [sflag:$0x2] =	stream.indirect.gather [hbm4b:s1+s19], $0x40, s0, s19, $0xb8;
	[tilespmem:$0x1F000] =	vst v63  }
0xa6: {  	s0 =	sadd.s32 $0x380, s21  }
0xa7: {  	[tilespmem:s30], [sflag:$0x2] =	stream.indirect.gather [hbm4b:s1+s19], $0x40, s0, s19, $0xb8;
	[tilespmem:$0x1F000] =	vst v63  }
0xa8: {  	s0 =	sadd.s32 $0x2800, s21  }
0xa9: {  	[spmem:s3] =	stream.indirect.scatter.add.f32 [tilespmem:s16], [sflag:$0x3], $0x40, s0, s19, $0xb8;
	[tilespmem:$0x1F000] =	vst v63  }
0xaa: {  	s0 =	sadd.s32 $0x2880, s21  }
0xab: {  	[spmem:s3] =	stream.indirect.scatter.add.f32 [tilespmem:s20], [sflag:$0x3], $0x40, s0, s19, $0xb8;
	[tilespmem:$0x1F000] =	vst v63  }
0xac: {  	s0 =	sadd.s32 $0x2900, s21  }
0xad: {  	[spmem:s3] =	stream.indirect.scatter.add.f32 [tilespmem:s22], [sflag:$0x3], $0x40, s0, s19, $0xb8;
	[tilespmem:$0x1F000] =	vst v63  }
0xae: {  	s0 =	sadd.s32 $0x2980, s21  }
0xaf: {  	[spmem:s3] =	stream.indirect.scatter.add.f32 [tilespmem:s24], [sflag:$0x3], $0x40, s0, s19, $0xb8;
	[tilespmem:$0x1F000] =	vst v63  }
0xb0: {  	_ =	swait.ge [sflag:s17], $0x2000  }
0xb1: {  	[sflag:s17] =	ssyncset.done $0x0  }
0xb2: {  	[sflag:s17] =	ssyncadd.s32 $0xFFFFE000  }
0xb3: {  	_ =	swait.ge [sflag:s17], $0x2000  }
0xb4: {  	[sflag:s17] =	ssyncset.done $0x0  }
0xb5: {  	[sflag:s17] =	ssyncadd.s32 $0xFFFFE000  }
0xb6: {  	_ =	swait.ge [sflag:s17], $0x2000  }
0xb7: {  	[sflag:s17] =	ssyncset.done $0x0  }
0xb8: {  	[sflag:s17] =	ssyncadd.s32 $0xFFFFE000  }
0xb9: {  	p2 =	seq.s32 s23, $0x9000;
	_ =	swait.ge [sflag:s17], $0x2000  }
0xba: {  	s0 =	sshra.s32 @!p2 s23, $0x2;
	s23 =	simm.s32 @!p2 $0x5000;
	[sflag:s17] =	ssyncset.done $0x0  }
0xbb: {  	s7 =	simm.s32 @!p2 $0x80;
	s5 =	sadd.s32 @!p2 $0x400, s0;
	[sflag:s17] =	ssyncadd.s32 $0xFFFFE000  }
0xbc: {  	[tilespmem:s23], [sflag:$0x1] =	stream.indirect.gather @!p2 [hbm4b:s1+s7], $0x40, s5, s7, $0xb8;
	[tilespmem:$0x1F000] =	vst v63  }
0xbd: {  	s8 =	sadd.s32 @!p2 $0x500, s0;
	s5 =	sadd.s32 @!p2 $0x480, s0;
	s23 =	simm.s32 @!p2 $0x7000  }
0xbe: {  	[tilespmem:s23], [sflag:$0x1] =	stream.indirect.gather @!p2 [hbm4b:s1+s7], $0x40, s5, s7, $0xb8;
	[tilespmem:$0x1F000] =	vst v63  }
0xbf: {  	s0 =	sadd.s32 @!p2 $0x580, s0;
	s5 =	simm.s32 @!p2 $0x9000  }
0xc0: {  	[tilespmem:s5], [sflag:$0x1] =	stream.indirect.gather @!p2 [hbm4b:s1+s7], $0x40, s8, s7, $0xb8;
	[tilespmem:$0x1F000] =	vst v63  }
0xc1: {  	s5 =	simm.s32 @!p2 $0xB000  }
0xc2: {  	[tilespmem:s5], [sflag:$0x1] =	stream.indirect.gather @!p2 [hbm4b:s1+s7], $0x40, s0, s7, $0xb8;
	[tilespmem:$0x1F000] =	vst v63  }
0xc3: {  	_ =	swait.ge [sflag:s18], $0x2000  }
0xc4: {  	[sflag:s18] =	ssyncset.done $0x0  }
0xc5: {  	[sflag:s18] =	ssyncadd.s32 $0xFFFFE000  }
0xc6: {  	_ =	swait.ge [sflag:s18], $0x2000  }
0xc7: {  	[sflag:s18] =	ssyncset.done $0x0  }
0xc8: {  	[sflag:s18] =	ssyncadd.s32 $0xFFFFE000  }
0xc9: {  	_ =	swait.ge [sflag:s18], $0x2000  }
0xca: {  	[sflag:s18] =	ssyncset.done $0x0  }
0xcb: {  	[sflag:s18] =	ssyncadd.s32 $0xFFFFE000  }
0xcc: {  	_ =	swait.ge [sflag:s18], $0x2000  }
0xcd: {  	[sflag:s18] =	ssyncset.done $0x0  }
0xce: {  	s0 =	sadd.s32 $0x2A00, s21;
	[sflag:s18] =	ssyncadd.s32 $0xFFFFE000  }
0xcf: {  	[spmem:s3] =	stream.indirect.scatter.add.f32 [tilespmem:s26], [sflag:$0x4], $0x40, s0, s19, $0xb8;
	[tilespmem:$0x1F000] =	vst v63  }
0xd0: {  	s0 =	sadd.s32 $0x2A80, s21  }
0xd1: {  	[spmem:s3] =	stream.indirect.scatter.add.f32 [tilespmem:s28], [sflag:$0x4], $0x40, s0, s19, $0xb8;
	[tilespmem:$0x1F000] =	vst v63  }
0xd2: {  	s0 =	sadd.s32 $0x2B00, s21  }
0xd3: {  	[spmem:s3] =	stream.indirect.scatter.add.f32 [tilespmem:s29], [sflag:$0x4], $0x40, s0, s19, $0xb8;
	[tilespmem:$0x1F000] =	vst v63  }
0xd4: {  	s0 =	sadd.s32 $0x2B80, s21  }
0xd5: {  	[spmem:s3] =	stream.indirect.scatter.add.f32 [tilespmem:s30], [sflag:$0x4], $0x40, s0, s19, $0xb8;
	[tilespmem:$0x1F000] =	vst v63  }
0xd6: {  	_ =	swait.ge [sflag:s31], $0x2000  }
0xd7: {  	[sflag:s31] =	ssyncset.done $0x0  }
0xd8: {  	[sflag:s31] =	ssyncadd.s32 $0xFFFFE000  }
0xd9: {  	_ =	swait.ge [sflag:s31], $0x2000  }
0xda: {  	[sflag:s31] =	ssyncset.done $0x0  }
0xdb: {  	[sflag:s31] =	ssyncadd.s32 $0xFFFFE000  }
.Ltmp1:
0xdc: {  	_ =	swait.ge [sflag:s31], $0x2000;
	(pc) =	sbr.rel @p1 .LBB2_4-.Ltmp1, $4  }
0xdd: {  	[sflag:s31] =	ssyncset.done $0x0  }
0xde: {  	[sflag:s31] =	ssyncadd.s32 $0xFFFFE000  }
0xdf: {  	_ =	swait.ge [sflag:s31], $0x2000  }
0xe0: {  	[sflag:s31] =	ssyncset.done $0x0  }
0xe1: {  	[sflag:s31] =	ssyncadd.s32 $0xFFFFE000;
	s0 =	sshrl.u32 @p0 s6, $0x3  }
0xe2: {  	s5 =	simm.s32 @p0 $0x1;
	s7 =	simm.s32 @p0 $0x10;
	s8 =	simm.s32 @p0 $0x8  }
0xe3: {  	s15 =	simm.s32 @p0 $0x1FC5;
	s2 =	sadd.s32 $0x1, s2;
	[bflag:$0x0] =	sbarrier.arrive $0xFFFF  }
0xe4: {  	[hbm:s13@s7], [sflag:s15] =	dma.strided @p0 [spmem:s0@s8], $0xC80, s5, $0x8   }
0xe5: {  	p1 =	sne.s32 s2, s14;
	s0 =	simm.s32 @p0 $0x5;
	s5 =	stileid.u32  }
0xe6: {  	s7 =	simm.s32 @!p0 $0x1;
	s8 =	simm.s32 @!p0 $0x10;
	_ =	swait.ge @p0 [sflag:s0], $0xC80  }
0xe7: {  	s15 =	simm.s32 @!p0 $0x8;
	s5 =	sshll.u32 @!p0 s5, $0x6;
	[sflag:s0] =	ssyncset.done @p0 $0x0  }
0xe8: {  	[sflag:s0] =	ssyncadd.s32 @p0 $0xFFFFF380;
	s0 =	sor.u32 @!p0 $0x1C05, s5;
	s5 =	sshrl.u32 @!p0 s6, $0x3  }
0xe9: {  	[hbm:s12@s8], [sflag:s0] =	dma.strided @!p0 [spmem:s5@s15], $0x1400, s7, $0x8   }
.Ltmp2:
0xea: {  	_ = 	snop;
	(pc) =	sbr.rel @p1 .LBB2_1-.Ltmp2, $4  }
0xeb: {  	s0 =	simm.s32 @!p0 $0x5  }
0xec: {  	_ =	swait.ge @!p0 [sflag:s0], $0x1400  }
0xed: {  	[sflag:s0] =	ssyncset.done @!p0 $0x0  }
0xee: {  	[sflag:s0] =	ssyncadd.s32 @!p0 $0xFFFFEC00  }
0xef: {  	_ =	sfence.sel $0x180000  }
0xf0: {  	[bflag:$0x0] =	sbarrier.arrive $0xFFFF  }
0xf1: {  	_ =	strace $0x9000004A  }
0xf2: {  	s0 =	stileid.u32;
	[bflag:$0x2] =	sbarrier.arrive $0xFFFF  }
0xf3: {  	p0 =	sne.s32 s0, $0x0;
	s0 =	rddreg [dreg:$0x3]  }
0xf4: {  	s0 =	sadd.s32 @!p0 $0x100000, s0  }
0xf5: {  	[sflag:s0] =	ssyncadd.tile.s32 @!p0 $0x1;
	_ =	shalt  }
.Lfunc_end2:
_tile_overlayer_lowered:
.L_overlay_start_2:
0xf6: {  	(tag) =	ssettag $0x2  }
0xf7: {  	s0 =	rddreg [dreg:$0x0];
	s2 =	stileid.u32  }
0xf8: {  	s1 =	rddreg [dreg:$0x1];
	p0 =	sne.s32 s2, $0x0  }
0xf9: {  	s3 =	rddreg [dreg:$0x2];
	[bflag:$0x3] =	sbarrier.arrive $0xFFFF;
	s2 =	simm.s32 @!p0 $0x1C05  }
0xfa: {  	[timem:s3], [sflag:s2] =	dma.local @!p0 [hbm:s0], s1  }
0xfb: {  	s0 =	simm.s32 @!p0 $0x5  }
0xfc: {  	_ =	swait.ge @!p0 [sflag:s0], s1  }
0xfd: {  	s1 =	ssub.s32 @!p0 $0x0, s1;
	[sflag:s0] =	ssyncset.done @!p0 $0x0  }
0xfe: {  	[sflag:s0] =	ssyncadd.s32 @!p0 s1  }
0xff: {  	[bflag:$0x3] =	sbarrier.arrive $0xFFFF  }
0x100: {  	_ =	shalt  }

// kernel: kernel.14.cloned.1.call-start
scs
__scs_entry_jumppad:
0x0: {  	(pc) =	sbr.rel $0x88, $3  }
0x1: {  	(tag) =	ssettag $0x0;
	lr =	simm.s32 $0x1  }
0x2: {  	[smem:$0x3F9B] =	sst lr;
	_ =	strace $0xD0000000  }
0x3: {  	_ = 	snop  }
0x4: {  	_ = 	snop  }
0x5: {  	_ = 	snop  }
0x6: {  	_ = 	snop  }
0x7: {  	_ = 	snop  }
__scs_overlays_trampoline_lowered:
0x8: {  	[smem:$0x3FAA] =	sst s0  }
0x9: {  	[smem:$0x3FAB] =	sst s1  }
0xa: {  	[smem:$0x3FAC] =	sst s2  }
0xb: {  	[smem:$0x3FAD] =	sst s3  }
0xc: {  	[smem:$0x3FAE] =	sst s4  }
0xd: {  	[smem:$0x3FAF] =	sst s5  }
0xe: {  	[smem:$0x3FB0] =	sst s6  }
0xf: {  	[smem:$0x3FB1] =	sst s7  }
0x10: {  	[smem:$0x3FB2] =	sst s8  }
0x11: {  	[smem:$0x3FB3] =	sst s9;
	s0 =	simm.s32 @!p0 $0x0  }
0x12: {  	s1 =	sld [smem:$0x3F99];
	s0 =	simm.s32 @p0 $0x1  }
0x13: {  	[smem:$0x3FB4] =	sst s0;
	s0 =	simm.s32 @!p1 $0x0  }
0x14: {  	s2 =	sld [smem:$0x3F98];
	s0 =	simm.s32 @p1 $0x1  }
0x15: {  	[smem:$0x3FB5] =	sst s0;
	s0 =	simm.s32 @!p2 $0x0  }
0x16: {  	s3 =	sld [smem:$0x3FDB];
	s0 =	simm.s32 @p2 $0x1  }
0x17: {  	s4 =	simm.s32 $0x1BF5;
	[smem:$0x3FB7] =	sst s0  }
0x18: {  	s0 =	sld [smem:$0x3F9A];
	_ =	swait.ge [sflag:s4], $0x0  }
0x19: {  	s7 =	sld [smem:$0x3F9B]  }
0x1a: {  	s8 =	sadd.s32 $0xFFFFE003, lr  }
0x1b: {  	s9 =	sadd.s32 $0xFFFFFEF7, lr;
	s5 =	simm.s32 $0xFFFFFFFF;
	p2 =	slt.u32 s8, $0xFFFFF086  }
0x1c: {  	p1 =	slt.u32 s9, $0xF7A;
	s5 =	simm.s32 @!p2 $0x0  }
0x1d: {  	s5 =	simm.s32 @p1 $0x1;
	p0 =	seq.s32 s7, s2  }
0x1e: {  	s7 =	smul.u32 @!p0 $0xF7A, s2;
	p2 =	seq.s32 @!p0 s5, $0x0  }
0x1f: {  	s9 =	smul.u32 $0xF7A, s1;
	s8 =	simm.s32 @!p0 $0x1BF5;
	p2 =	por !p2, p0  }
0x20: {  	[sflag:s8] =	ssyncset.s32 @!p0 $0xFFFFF086;
	s6 =	sadd.s32 @!p0 s3, s7;
	s7 =	simm.s32 @!p0 $0x108  }
0x21: {  	s3 =	sadd.s32 s3, s9;
	s6 =	sadd.s32 @!p0 $0x88, s6;
	s7 =	simm.s32 @p2 $0x1082  }
0x22: {  	[simem:s7], [sflag:s8] =	dma.local @!p0 [hbm:s6], $0xF7A  }
0x23: {  	s9 =	sor.u32 $0xD0000000, s2;
	s6 =	simm.s32 $0x108;
	_ =	swait.ge @!p0 [sflag:s8], $0x0  }
0x24: {  	s3 =	sadd.s32 $0x88, s3;
	s6 =	simm.s32 @!p1 $0x1082;
	[sflag:s4] =	ssyncset.s32 $0xFFFFF086  }
0x25: {  	[simem:s6], [sflag:s4] =	dma.local [hbm:s3], $0xF7A  }
0x26: {  	[smem:$0x3F9B] =	sst s1;
	(tag) =	ssettag s2;
	_ =	strace s9  }
0x27: {  	s1 =	sld [smem:$0x3FAB]  }
0x28: {  	s2 =	sld [smem:$0x3FAC]  }
0x29: {  	s4 =	sld [smem:$0x3FAE]  }
0x2a: {  	p0 =	seq.s32 s5, $0x0;
	s5 =	sld [smem:$0x3FAF]  }
0x2b: {  	s6 =	sld [smem:$0x3FB0]  }
0x2c: {  	s7 =	sld [smem:$0x3FB1]  }
0x2d: {  	s3 =	simm.s32 $0x108;
	s8 =	sld [smem:$0x3FB2]  }
0x2e: {  	s3 =	simm.s32 @!p0 $0x1082;
	s9 =	sld [smem:$0x3FB3]  }
0x2f: {  	lr =	sadd.s32 s0, s3;
	s0 =	sld [smem:$0x3FAA]  }
0x30: {  	s3 =	sld [smem:$0x3FAD]  }
0x31: {  	[smem:$0x3FB6] =	sst s10  }
0x32: {  	s10 =	sld [smem:$0x3FB4];
	_ =	sdelay $0x3  }
0x33: {  	p0 =	seq.s32 s10, $0x1;
	s10 =	sld [smem:$0x3FB6];
	_ =	sdelay $0x3  }
0x34: {  	[smem:$0x3FB6] =	sst s10  }
0x35: {  	s10 =	sld [smem:$0x3FB5];
	_ =	sdelay $0x3  }
0x36: {  	p1 =	seq.s32 s10, $0x1;
	s10 =	sld [smem:$0x3FB6];
	_ =	sdelay $0x3  }
0x37: {  	[smem:$0x3FB6] =	sst s10  }
0x38: {  	s10 =	sld [smem:$0x3FB7]  }
0x39: {  	_ = 	snop;
	(pc) =	sbr.ind lr, $3  }
0x3a: {  	_ = 	snop  }
0x3b: {  	_ = 	snop  }
0x3c: {  	p2 =	seq.s32 s10, $0x1;
	s10 =	sld [smem:$0x3FB6]  }
0x3d: {  	_ =	shalt  }
0x3e: {  	_ =	shalt  }
0x3f: {  	_ =	shalt  }
0x40: {  	_ =	shalt  }
0x41: {  	_ =	shalt  }
0x42: {  	_ =	shalt  }
0x43: {  	_ =	shalt  }
0x44: {  	_ =	shalt  }
0x45: {  	_ =	shalt  }
0x46: {  	_ =	shalt  }
0x47: {  	_ =	shalt  }
0x48: {  	_ =	shalt  }
0x49: {  	_ =	shalt  }
0x4a: {  	_ =	shalt  }
0x4b: {  	_ =	shalt  }
0x4c: {  	_ =	shalt  }
0x4d: {  	_ =	shalt  }
0x4e: {  	_ =	shalt  }
0x4f: {  	_ =	shalt  }
0x50: {  	_ =	shalt  }
0x51: {  	_ =	shalt  }
0x52: {  	_ =	shalt  }
0x53: {  	_ =	shalt  }
0x54: {  	_ =	shalt  }
0x55: {  	_ =	shalt  }
0x56: {  	_ =	shalt  }
0x57: {  	_ =	shalt  }
0x58: {  	_ =	shalt  }
0x59: {  	_ =	shalt  }
0x5a: {  	_ =	shalt  }
0x5b: {  	_ =	shalt  }
0x5c: {  	_ =	shalt  }
0x5d: {  	_ =	shalt  }
0x5e: {  	_ =	shalt  }
0x5f: {  	_ =	shalt  }
0x60: {  	_ =	shalt  }
0x61: {  	_ =	shalt  }
0x62: {  	_ =	shalt  }
0x63: {  	_ =	shalt  }
0x64: {  	_ =	shalt  }
0x65: {  	_ =	shalt  }
0x66: {  	_ =	shalt  }
0x67: {  	_ =	shalt  }
0x68: {  	_ =	shalt  }
0x69: {  	_ =	shalt  }
0x6a: {  	_ =	shalt  }
0x6b: {  	_ =	shalt  }
0x6c: {  	_ =	shalt  }
0x6d: {  	_ =	shalt  }
0x6e: {  	_ =	shalt  }
0x6f: {  	_ =	shalt  }
0x70: {  	_ =	shalt  }
0x71: {  	_ =	shalt  }
0x72: {  	_ =	shalt  }
0x73: {  	_ =	shalt  }
0x74: {  	_ =	shalt  }
0x75: {  	_ =	shalt  }
0x76: {  	_ =	shalt  }
0x77: {  	_ =	shalt  }
0x78: {  	_ =	shalt  }
0x79: {  	_ =	shalt  }
0x7a: {  	_ =	shalt  }
0x7b: {  	_ =	shalt  }
0x7c: {  	_ =	shalt  }
0x7d: {  	_ =	shalt  }
0x7e: {  	_ =	shalt  }
0x7f: {  	_ =	shalt  }
0x80: {  	_ =	shalt  }
0x81: {  	_ =	shalt  }
0x82: {  	_ =	shalt  }
0x83: {  	_ =	shalt  }
0x84: {  	_ =	shalt  }
0x85: {  	_ =	shalt  }
0x86: {  	_ =	shalt  }
0x87: {  	_ =	shalt  }
.Lfunc_end0:
.L_simem_size_0:
called_computation.2_lowered:
.L_overlay_start_0:
0x88: {  	s2 =	sld [smem:$0x3FD9]  }
0x89: {  	s3 =	sld [smem:$0x3FFE];
	_ =	sdelay $0x1  }
0x8a: {  	s1 =	srdreg.scid  }
0x8b: {  	s0 =	sand.u32 $0x1, s1  }
0x8c: {  	s17 =	sshll.u32 s0, $0xA;
	s2 =	sadd.s32 s3, s2  }
0x8d: {  	s2 =	sadd.s32 s2, s17  }
0x8e: {  	[smem:$0x3FC2] =	sst s2  }
0x8f: {  	_ = 	snop  }
0x90: {  	s2 =	sld [smem:$0x3FD0];
	(tm) =	ssettm $0x1  }
0x91: {  	s18 =	sld [smem:$0x3FFB];
	_ =	sdelay $0x3  }
0x92: {  	_ =	strace s18  }
0x93: {  	s3 =	sld [smem:$0x3FFC];
	_ =	sdelay $0x3  }
0x94: {  	_ =	strace s3  }
0x95: {  	s3 =	sld [smem:$0x3FFD];
	_ =	sdelay $0x3  }
0x96: {  	_ =	strace s3  }
0x97: {  	_ =	strace $0x8FFFFFFF  }
0x98: {  	s19 =	sld [smem:$0x3FDB];
	_ =	sdelay $0x1  }
0x99: {  	s4 =	simm.s32 $_scs_section_size  }
0x9a: {  	s5 =	simm.s32 $_size__tile_overlayer_lowered;
	s6 =	simm.s32 $_tile_overlayer_lowered  }
0x9b: {  	s22 =	simm.s32 $0x1BFF;
	s21 =	sshll.u32 s6, $0x1;
	s3 =	sadd.s32 s4, s19  }
0x9c: {  	s7 =	simm.s32 $0x0;
	s20 =	sshll.u32 s5, $0x1;
	s5 =	sadd.s32 s21, s3  }
0x9d: {  	[timem:s7], [sflag:s22] =	dma.local [hbm:s5], s20  }
0x9e: {  	_ =	swait.ge [sflag:s22], s20  }
0x9f: {  	s4 =	ssub.s32 $0x0, s20;
	[sflag:s22] =	ssyncset.done $0x0  }
0xa0: {  	[sflag:s22] =	ssyncadd.s32 s4;
	_ =	sdelay $0x1  }
0xa1: {  	s23 =	simm.s32 $0x1B8B  }
0xa2: {  	_ =	swait.ge [sflag:s23], $0x1  }
0xa3: {  	[sflag:s23] =	ssyncset.done $0x0  }
0xa4: {  	s25 =	simm.s32 $0x1B8E;
	s24 =	sld [smem:$0x3FFE];
	[sflag:s23] =	ssyncadd.s32 $0xFFFFFFFF  }
0xa5: {  	s26 =	simm.s32 $execute0_lowered;
	[smem:$0x3FD2] =	sst s25  }
0xa6: {  	s5 =	sshll.u32 s26, $0x1;
	_ =	strace $0x8000004C;
	[dreg:$0x1] =	wrdreg $0xFFFFFFFF  }
0xa7: {  	s28 =	simm.s32 $_size_execute0_lowered;
	s3 =	sadd.s32 s3, s5;
	[dreg:$0x0] =	wrdreg $0x0  }
0xa8: {  	s5 =	sshll.u32 s28, $0x1;
	[dreg:$0x2] =	wrdreg s3  }
0xa9: {  	[dreg:$0x3] =	wrdreg s5  }
0xaa: {  	[dreg:$0x4] =	wrdreg $0xC0  }
0xab: {  	_ =	task [dreg:s7], $0x5FFFF  }
0xac: {  	[dreg:$0x1] =	wrdreg $0xFFFFFFFF  }
0xad: {  	[dreg:$0x0] =	wrdreg $0x60  }
0xae: {  	[dreg:$0x2] =	wrdreg s2  }
0xaf: {  	[dreg:$0x3] =	wrdreg s24  }
0xb0: {  	[dreg:$0x4] =	wrdreg $0x150000  }
0xb1: {  	[dreg:$0x5] =	wrdreg $0x9  }
0xb2: {  	_ =	task.clear_ibuf [dreg:s7], $0x6FFFF;
	_ =	strace $0x9000004C  }
0xb3: {  	s29 =	simm.s32 $0x9;
	_ =	strace $0x8000004E  }
0xb4: {  	_ =	swait.ge [sflag:s29], $0x1  }
0xb5: {  	[sflag:s29] =	ssyncadd.s32 $0xFFFFFFFF  }
0xb6: {  	_ =	strace $0x9000004E  }
0xb7: {  	_ =	sfence  }
0xb8: {  	s30 =	sld [smem:$0x0];
	_ =	sdelay $0x2  }
0xb9: {  	s31 =	sshll.u32 s1, $0xD;
	s1 =	sshrl.u32 s1, $0x2  }
0xba: {  	s3 =	sand.u32 $0x4000, s31;
	s1 =	sadd.s32 s1, s30  }
0xbb: {  	s0 =	sor.u32 s3, s0;
	s1 =	sshll.u32 s1, $0x11  }
0xbc: {  	s0 =	sor.u32 s1, s0  }
0xbd: {  	s0 =	sadd.s32 $0x8F2B, s0  }
0xbe: {  	[sflag:s0] =	ssyncadd.remote.s32 $0x1  }
0xbf: {  	_ =	sfence.sel $0xFFFF  }
0xc0: {  	[dreg:$0x0] =	wrdreg $0xFFFFFFFF;
	(pc) =	sbr.abs _section_cstart, $3  }
0xc1: {  	[dreg:$0x1] =	wrdreg $0xFFFFFFFF  }
0xc2: {  	_ =	task.clear_ibuf [dreg:s7], $0x2FFFF;
	_ =	strace $0x9FFFFFFF  }
0xc3: {  	(tm) =	ssettm $0x7FFFFFFF  }
tec
execute0_lowered:
.L_overlay_start_1:
0x0: {  	(tag) =	ssettag $0x1  }
0x1: {  	s1 =	rddreg [dreg:$0x0]  }
0x2: {  	s2 =	rddreg [dreg:$0x1];
	s4 =	srdreg.scid  }
0x3: {  	s0 =	stileid.u32;
	s3 =	rddreg [dreg:$0x2];
	s16 =	simm.s32 $0x5000  }
0x4: {  	s17 =	simm.s32 $0x3;
	s18 =	simm.s32 $0x2;
	s19 =	simm.s32 $0x80  }
0x5: {  	s20 =	simm.s32 $0x7000;
	s28 =	simm.s32 $0xF000;
	s29 =	simm.s32 $0x11000  }
0x6: {  	s30 =	simm.s32 $0x13000;
	s31 =	simm.s32 $0x4;
	s7 =	smul.u32 $0x28000, s0  }
0x7: {  	s9 =	sand.u32 $0x1, s4;
	s5 =	sshll.u32 s0, $0x1;
	s12 =	smul.u32 $0x2800, s0  }
0x8: {  	s4 =	simm.s32 $0x0;
	p0 =	seq.s32 s0, $0xF;
	s11 =	smul.u32 $0x138800, s9  }
0x9: {  	s5 =	sor.u32 s9, s5;
	s6 =	ssub.s32 $0x2, s9;
	s13 =	smul.u32 $0x27100, s9  }
0xa: {  	[smem:$0x7FF] =	sst s4;
	s5 =	smul.u32 $0x2800, s5;
	s21 =	sshrl.u32 s6, $0x1  }
0xb: {  	_ =	strace $0x8000004D;
	s22 =	sshrl.u32 s7, $0x2;
	s14 =	ssub.s32 s6, s21  }
0xc: {  	s6 =	sadd.s32 s22, s3;
	s15 =	sshrl.u32 s11, $0x3;
	s12 =	sadd.s32 s12, s13  }
0xd: {  	s22 =	simm.s32 $0x9000;
	s5 =	sshrl.u32 s5, $0x3;
	s25 =	sadd.s32 $0x2000, s6  }
0xe: {  	s9 =	sadd.s32 $0x4000, s6;
	s10 =	sadd.s32 $0x6000, s6;
	s11 =	sadd.s32 $0x8000, s6  }
0xf: {  	s14 =	smax.u32 s14, $0x1;
	s8 =	sadd.s32 s5, s2;
	s2 =	sadd.s32 $0x64E00, s2  }
0x10: {  	[dreg:$0x6] =	wrdreg s25;
	s25 =	simm.s32 $0x1;
	s23 =	sadd.s32 $0x2C00, s8  }
0x11: {  	s24 =	sadd.s32 $0xCC00, s8;
	s26 =	sadd.s32 s2, s15;
	[dreg:$0x4] =	wrdreg s23  }
0x12: {  	s12 =	sadd.s32 s2, s12;
	s2 =	simm.s32 $0x0;
	[dreg:$0x5] =	wrdreg s24  }
0x13: {  	v0 =	vimm.f32 $0.0e+00;
	s13 =	sadd.s32 $0x25800, s26;
	s24 =	simm.s32 $0xB000;
	s26 =	simm.s32 $0xD000  }
.LBB2_1:
0x14: {  	s0 =	rddreg [dreg:$0x4]  }
0x15: {  	[tilespmem:s4], [sflag:$0x2] =	stream.linear.gather [hbm4b:s0+s4], $0x2800, $0x38;
	[tilespmem:$0x1F000] =	vst v63  }
0x16: {  	s23 =	rddreg [dreg:$0x5];
	s5 =	simm.s32 $0x2800;
	s15 =	sand.u32 $0x7F00, s4  }
0x17: {  	[tilespmem:s5], [sflag:$0x2] =	stream.linear.gather [hbm4b:s23+s4], $0x2800, $0x38;
	[tilespmem:$0x1F000] =	vst v63  }
0x18: {  	s21 =	sand.u32 $0x30, s4;
	s23 =	sshrl.u32 s15, $0x2  }
0x19: {  	s15 =	simm.s32 $0x40;
	s23 =	sor.u32 s21, s23;
	s21 =	simm.s32 $0x0  }
.LBB2_2:
0x1a: {  	p1 =	sne.s32 s15, $0x7FC0  }
0x1b: {  	[tilespmem:s23+$0x5000] =	vst v0;
	s21 =	sadd.s32 $0x10, s21;
	s23 =	smov.u32 s15;
	s15 =	sadd.s32 $0x40, s15  }
.Ltmp0:
0x1c: {  	(pc) =	sbr.rel @p1 .LBB2_2-.Ltmp0, $4  }
0x1d: {  	_ = 	snop  }
0x1e: {  	s23 =	sand.u32 $0x7F00, s23  }
0x1f: {  	s0 =	sand.u32 $0x30, s21;
	s23 =	sshrl.u32 s23, $0x2  }
0x20: {  	s23 =	sor.u32 s0, s23  }
0x21: {  	[tilespmem:s23+$0x5000] =	vst v0  }
0x22: {  	[spmem:s6] =	stream.linear.scatter [tilespmem:s16], [sflag:$0x3], $0x2000, $0x38;
	[tilespmem:$0x1F000] =	vst v63  }
0x23: {  	s0 =	rddreg [dreg:$0x6]  }
0x24: {  	[spmem:s0] =	stream.linear.scatter [tilespmem:s16], [sflag:$0x3], $0x2000, $0x38;
	[tilespmem:$0x1F000] =	vst v63  }
0x25: {  	_ = 	snop  }
0x26: {  	[spmem:s9] =	stream.linear.scatter [tilespmem:s16], [sflag:$0x3], $0x2000, $0x38;
	[tilespmem:$0x1F000] =	vst v63  }
0x27: {  	_ = 	snop  }
0x28: {  	[spmem:s10] =	stream.linear.scatter [tilespmem:s16], [sflag:$0x3], $0x2000, $0x38;
	[tilespmem:$0x1F000] =	vst v63  }
0x29: {  	_ = 	snop  }
0x2a: {  	[spmem:s11] =	stream.linear.scatter [tilespmem:s16], [sflag:$0x3], $0x2000, $0x38;
	[tilespmem:$0x1F000] =	vst v63  }
0x2b: {  	_ =	swait.ge [sflag:s17], $0x2000  }
0x2c: {  	[sflag:s17] =	ssyncset.done $0x0  }
0x2d: {  	[sflag:s17] =	ssyncadd.s32 $0xFFFFE000  }
0x2e: {  	_ =	swait.ge [sflag:s17], $0x2000  }
0x2f: {  	[sflag:s17] =	ssyncset.done $0x0  }
0x30: {  	[sflag:s17] =	ssyncadd.s32 $0xFFFFE000  }
0x31: {  	_ =	swait.ge [sflag:s17], $0x2000  }
0x32: {  	[sflag:s17] =	ssyncset.done $0x0  }
0x33: {  	[sflag:s17] =	ssyncadd.s32 $0xFFFFE000  }
0x34: {  	_ =	swait.ge [sflag:s17], $0x2000  }
0x35: {  	[sflag:s17] =	ssyncset.done $0x0  }
0x36: {  	[sflag:s17] =	ssyncadd.s32 $0xFFFFE000  }
0x37: {  	_ =	swait.ge [sflag:s17], $0x2000  }
0x38: {  	[sflag:s17] =	ssyncset.done $0x0  }
0x39: {  	[sflag:s17] =	ssyncadd.s32 $0xFFFFE000  }
0x3a: {  	_ =	swait.ge [sflag:s18], $0x2800  }
0x3b: {  	[sflag:s18] =	ssyncset.done $0x0  }
0x3c: {  	[sflag:s18] =	ssyncadd.s32 $0xFFFFD800  }
0x3d: {  	_ =	swait.ge [sflag:s18], $0x2800  }
0x3e: {  	[sflag:s18] =	ssyncset.done $0x0  }
0x3f: {  	[sflag:s18] =	ssyncadd.s32 $0xFFFFD800  }
0x40: {  	s15 =	simm.s32 $0x0;
	[bflag:$0x0] =	sbarrier.arrive $0xFFFF  }
0x41: {  	[tilespmem:s16], [sflag:$0x1] =	stream.indirect.gather [hbm4b:s1+s19], $0x40, s15, s19, $0xb8;
	[tilespmem:$0x1F000] =	vst v63  }
0x42: {  	_ = 	snop  }
0x43: {  	[tilespmem:s20], [sflag:$0x1] =	stream.indirect.gather [hbm4b:s1+s19], $0x40, s19, s19, $0xb8;
	[tilespmem:$0x1F000] =	vst v63  }
0x44: {  	s21 =	simm.s32 $0x100  }
0x45: {  	[tilespmem:s22], [sflag:$0x1] =	stream.indirect.gather [hbm4b:s1+s19], $0x40, s21, s19, $0xb8;
	[tilespmem:$0x1F000] =	vst v63  }
0x46: {  	s23 =	simm.s32 $0x180  }
0x47: {  	[tilespmem:s24], [sflag:$0x1] =	stream.indirect.gather [hbm4b:s1+s19], $0x40, s23, s19, $0xb8;
	[tilespmem:$0x1F000] =	vst v63  }
0x48: {  	_ =	swait.ge [sflag:s25], $0x2000  }
0x49: {  	[sflag:s25] =	ssyncset.done $0x0  }
0x4a: {  	[sflag:s25] =	ssyncadd.s32 $0xFFFFE000  }
0x4b: {  	_ =	swait.ge [sflag:s25], $0x2000  }
0x4c: {  	[sflag:s25] =	ssyncset.done $0x0  }
0x4d: {  	[sflag:s25] =	ssyncadd.s32 $0xFFFFE000  }
0x4e: {  	_ =	swait.ge [sflag:s25], $0x2000  }
0x4f: {  	[sflag:s25] =	ssyncset.done $0x0  }
0x50: {  	[sflag:s25] =	ssyncadd.s32 $0xFFFFE000  }
0x51: {  	_ =	swait.ge [sflag:s25], $0x2000  }
0x52: {  	[sflag:s25] =	ssyncset.done $0x0  }
0x53: {  	s5 =	simm.s32 $0x200;
	[sflag:s25] =	ssyncadd.s32 $0xFFFFE000  }
0x54: {  	[tilespmem:s26], [sflag:$0x2] =	stream.indirect.gather [hbm4b:s1+s19], $0x40, s5, s19, $0xb8;
	[tilespmem:$0x1F000] =	vst v63  }
0x55: {  	s7 =	simm.s32 $0x280  }
0x56: {  	[tilespmem:s28], [sflag:$0x2] =	stream.indirect.gather [hbm4b:s1+s19], $0x40, s7, s19, $0xb8;
	[tilespmem:$0x1F000] =	vst v63  }
0x57: {  	s8 =	simm.s32 $0x300  }
0x58: {  	[tilespmem:s29], [sflag:$0x2] =	stream.indirect.gather [hbm4b:s1+s19], $0x40, s8, s19, $0xb8;
	[tilespmem:$0x1F000] =	vst v63  }
0x59: {  	s15 =	simm.s32 $0x380  }
0x5a: {  	[tilespmem:s30], [sflag:$0x2] =	stream.indirect.gather [hbm4b:s1+s19], $0x40, s15, s19, $0xb8;
	[tilespmem:$0x1F000] =	vst v63  }
0x5b: {  	s21 =	simm.s32 $0x2800  }
0x5c: {  	[spmem:s3] =	stream.indirect.scatter.add.f32 [tilespmem:s16], [sflag:$0x3], $0x40, s21, s19, $0xb8;
	[tilespmem:$0x1F000] =	vst v63  }
0x5d: {  	s23 =	simm.s32 $0x2880  }
0x5e: {  	[spmem:s3] =	stream.indirect.scatter.add.f32 [tilespmem:s20], [sflag:$0x3], $0x40, s23, s19, $0xb8;
	[tilespmem:$0x1F000] =	vst v63  }
0x5f: {  	s5 =	simm.s32 $0x2900  }
0x60: {  	[spmem:s3] =	stream.indirect.scatter.add.f32 [tilespmem:s22], [sflag:$0x3], $0x40, s5, s19, $0xb8;
	[tilespmem:$0x1F000] =	vst v63  }
0x61: {  	s7 =	simm.s32 $0x2980  }
0x62: {  	[spmem:s3] =	stream.indirect.scatter.add.f32 [tilespmem:s24], [sflag:$0x3], $0x40, s7, s19, $0xb8;
	[tilespmem:$0x1F000] =	vst v63  }
0x63: {  	_ =	swait.ge [sflag:s17], $0x2000  }
0x64: {  	[sflag:s17] =	ssyncset.done $0x0  }
0x65: {  	[sflag:s17] =	ssyncadd.s32 $0xFFFFE000  }
0x66: {  	_ =	swait.ge [sflag:s17], $0x2000  }
0x67: {  	[sflag:s17] =	ssyncset.done $0x0  }
0x68: {  	[sflag:s17] =	ssyncadd.s32 $0xFFFFE000  }
0x69: {  	_ =	swait.ge [sflag:s17], $0x2000  }
0x6a: {  	[sflag:s17] =	ssyncset.done $0x0  }
0x6b: {  	[sflag:s17] =	ssyncadd.s32 $0xFFFFE000  }
0x6c: {  	p1 =	por $0x0, $0x0;
	_ =	swait.ge [sflag:s17], $0x2000  }
0x6d: {  	s0 =	simm.s32 @!p1 $0x5000;
	[sflag:s17] =	ssyncset.done $0x0  }
0x6e: {  	s15 =	simm.s32 @!p1 $0x400;
	s21 =	simm.s32 @!p1 $0x80;
	[sflag:s17] =	ssyncadd.s32 $0xFFFFE000  }
0x6f: {  	[tilespmem:s0], [sflag:$0x1] =	stream.indirect.gather @!p1 [hbm4b:s1+s21], $0x40, s15, s21, $0xb8;
	[tilespmem:$0x1F000] =	vst v63  }
0x70: {  	s0 =	simm.s32 @!p1 $0x480;
	s15 =	simm.s32 @!p1 $0x7000  }
0x71: {  	[tilespmem:s15], [sflag:$0x1] =	stream.indirect.gather @!p1 [hbm4b:s1+s21], $0x40, s0, s21, $0xb8;
	[tilespmem:$0x1F000] =	vst v63  }
0x72: {  	s0 =	simm.s32 @!p1 $0x500;
	s15 =	simm.s32 @!p1 $0x9000  }
0x73: {  	[tilespmem:s15], [sflag:$0x1] =	stream.indirect.gather @!p1 [hbm4b:s1+s21], $0x40, s0, s21, $0xb8;
	[tilespmem:$0x1F000] =	vst v63  }
0x74: {  	s0 =	simm.s32 @!p1 $0x580;
	s15 =	simm.s32 @!p1 $0xB000  }
0x75: {  	[tilespmem:s15], [sflag:$0x1] =	stream.indirect.gather @!p1 [hbm4b:s1+s21], $0x40, s0, s21, $0xb8;
	[tilespmem:$0x1F000] =	vst v63  }
0x76: {  	_ =	swait.ge [sflag:s18], $0x2000  }
0x77: {  	[sflag:s18] =	ssyncset.done $0x0  }
0x78: {  	[sflag:s18] =	ssyncadd.s32 $0xFFFFE000  }
0x79: {  	_ =	swait.ge [sflag:s18], $0x2000  }
0x7a: {  	[sflag:s18] =	ssyncset.done $0x0  }
0x7b: {  	[sflag:s18] =	ssyncadd.s32 $0xFFFFE000  }
0x7c: {  	_ =	swait.ge [sflag:s18], $0x2000  }
0x7d: {  	[sflag:s18] =	ssyncset.done $0x0  }
0x7e: {  	[sflag:s18] =	ssyncadd.s32 $0xFFFFE000  }
0x7f: {  	_ =	swait.ge [sflag:s18], $0x2000  }
0x80: {  	[sflag:s18] =	ssyncset.done $0x0  }
0x81: {  	s8 =	simm.s32 $0x2A00;
	[sflag:s18] =	ssyncadd.s32 $0xFFFFE000  }
0x82: {  	[spmem:s3] =	stream.indirect.scatter.add.f32 [tilespmem:s26], [sflag:$0x4], $0x40, s8, s19, $0xb8;
	[tilespmem:$0x1F000] =	vst v63  }
0x83: {  	s15 =	simm.s32 $0x2A80  }
0x84: {  	[spmem:s3] =	stream.indirect.scatter.add.f32 [tilespmem:s28], [sflag:$0x4], $0x40, s15, s19, $0xb8;
	[tilespmem:$0x1F000] =	vst v63  }
0x85: {  	s21 =	simm.s32 $0x2B00  }
0x86: {  	[spmem:s3] =	stream.indirect.scatter.add.f32 [tilespmem:s29], [sflag:$0x4], $0x40, s21, s19, $0xb8;
	[tilespmem:$0x1F000] =	vst v63  }
0x87: {  	s23 =	simm.s32 $0x2B80  }
0x88: {  	[spmem:s3] =	stream.indirect.scatter.add.f32 [tilespmem:s30], [sflag:$0x4], $0x40, s23, s19, $0xb8;
	[tilespmem:$0x1F000] =	vst v63  }
0x89: {  	_ =	swait.ge [sflag:s31], $0x2000  }
0x8a: {  	[sflag:s31] =	ssyncset.done $0x0  }
0x8b: {  	[sflag:s31] =	ssyncadd.s32 $0xFFFFE000  }
0x8c: {  	_ =	swait.ge [sflag:s31], $0x2000  }
0x8d: {  	[sflag:s31] =	ssyncset.done $0x0  }
0x8e: {  	[sflag:s31] =	ssyncadd.s32 $0xFFFFE000  }
0x8f: {  	_ =	swait.ge [sflag:s31], $0x2000  }
0x90: {  	[sflag:s31] =	ssyncset.done $0x0  }
0x91: {  	[sflag:s31] =	ssyncadd.s32 $0xFFFFE000  }
0x92: {  	_ =	swait.ge [sflag:s31], $0x2000  }
0x93: {  	s15 =	simm.s32 $0x1000;
	[sflag:s31] =	ssyncset.done $0x0  }
.LBB2_4:
0x94: {  	[sflag:s31] =	ssyncadd.s32 $0xFFFFE000;
	s23 =	smov.u32 s15;
	s15 =	sadd.s32 $0x1000, s15  }
0x95: {  	_ =	swait.ge [sflag:s25], $0x2000;
	p1 =	sne.s32 s15, $0xA000  }
0x96: {  	[sflag:s25] =	ssyncset.done $0x0  }
0x97: {  	[sflag:s25] =	ssyncadd.s32 $0xFFFFE000  }
0x98: {  	_ =	swait.ge [sflag:s25], $0x2000  }
0x99: {  	[sflag:s25] =	ssyncset.done $0x0  }
0x9a: {  	[sflag:s25] =	ssyncadd.s32 $0xFFFFE000  }
0x9b: {  	_ =	swait.ge [sflag:s25], $0x2000  }
0x9c: {  	[sflag:s25] =	ssyncset.done $0x0  }
0x9d: {  	[sflag:s25] =	ssyncadd.s32 $0xFFFFE000  }
0x9e: {  	_ =	swait.ge [sflag:s25], $0x2000  }
0x9f: {  	s21 =	sshra.s32 s23, $0x2;
	[sflag:s25] =	ssyncset.done $0x0  }
0xa0: {  	s0 =	sadd.s32 $0x200, s21;
	[sflag:s25] =	ssyncadd.s32 $0xFFFFE000  }
0xa1: {  	[tilespmem:s26], [sflag:$0x2] =	stream.indirect.gather [hbm4b:s1+s19], $0x40, s0, s19, $0xb8;
	[tilespmem:$0x1F000] =	vst v63  }
0xa2: {  	s0 =	sadd.s32 $0x280, s21  }
0xa3: {  	[tilespmem:s28], [sflag:$0x2] =	stream.indirect.gather [hbm4b:s1+s19], $0x40, s0, s19, $0xb8;
	[tilespmem:$0x1F000] =	vst v63  }
0xa4: {  	s0 =	sadd.s32 $0x300, s21  }
0xa5: {  	[tilespmem:s29], [sflag:$0x2] =	stream.indirect.gather [hbm4b:s1+s19], $0x40, s0, s19, $0xb8;
	[tilespmem:$0x1F000] =	vst v63  }
0xa6: {  	s0 =	sadd.s32 $0x380, s21  }
0xa7: {  	[tilespmem:s30], [sflag:$0x2] =	stream.indirect.gather [hbm4b:s1+s19], $0x40, s0, s19, $0xb8;
	[tilespmem:$0x1F000] =	vst v63  }
0xa8: {  	s0 =	sadd.s32 $0x2800, s21  }
0xa9: {  	[spmem:s3] =	stream.indirect.scatter.add.f32 [tilespmem:s16], [sflag:$0x3], $0x40, s0, s19, $0xb8;
	[tilespmem:$0x1F000] =	vst v63  }
0xaa: {  	s0 =	sadd.s32 $0x2880, s21  }
0xab: {  	[spmem:s3] =	stream.indirect.scatter.add.f32 [tilespmem:s20], [sflag:$0x3], $0x40, s0, s19, $0xb8;
	[tilespmem:$0x1F000] =	vst v63  }
0xac: {  	s0 =	sadd.s32 $0x2900, s21  }
0xad: {  	[spmem:s3] =	stream.indirect.scatter.add.f32 [tilespmem:s22], [sflag:$0x3], $0x40, s0, s19, $0xb8;
	[tilespmem:$0x1F000] =	vst v63  }
0xae: {  	s0 =	sadd.s32 $0x2980, s21  }
0xaf: {  	[spmem:s3] =	stream.indirect.scatter.add.f32 [tilespmem:s24], [sflag:$0x3], $0x40, s0, s19, $0xb8;
	[tilespmem:$0x1F000] =	vst v63  }
0xb0: {  	_ =	swait.ge [sflag:s17], $0x2000  }
0xb1: {  	[sflag:s17] =	ssyncset.done $0x0  }
0xb2: {  	[sflag:s17] =	ssyncadd.s32 $0xFFFFE000  }
0xb3: {  	_ =	swait.ge [sflag:s17], $0x2000  }
0xb4: {  	[sflag:s17] =	ssyncset.done $0x0  }
0xb5: {  	[sflag:s17] =	ssyncadd.s32 $0xFFFFE000  }
0xb6: {  	_ =	swait.ge [sflag:s17], $0x2000  }
0xb7: {  	[sflag:s17] =	ssyncset.done $0x0  }
0xb8: {  	[sflag:s17] =	ssyncadd.s32 $0xFFFFE000  }
0xb9: {  	p2 =	seq.s32 s23, $0x9000;
	_ =	swait.ge [sflag:s17], $0x2000  }
0xba: {  	s0 =	sshra.s32 @!p2 s23, $0x2;
	s23 =	simm.s32 @!p2 $0x5000;
	[sflag:s17] =	ssyncset.done $0x0  }
0xbb: {  	s7 =	simm.s32 @!p2 $0x80;
	s5 =	sadd.s32 @!p2 $0x400, s0;
	[sflag:s17] =	ssyncadd.s32 $0xFFFFE000  }
0xbc: {  	[tilespmem:s23], [sflag:$0x1] =	stream.indirect.gather @!p2 [hbm4b:s1+s7], $0x40, s5, s7, $0xb8;
	[tilespmem:$0x1F000] =	vst v63  }
0xbd: {  	s8 =	sadd.s32 @!p2 $0x500, s0;
	s5 =	sadd.s32 @!p2 $0x480, s0;
	s23 =	simm.s32 @!p2 $0x7000  }
0xbe: {  	[tilespmem:s23], [sflag:$0x1] =	stream.indirect.gather @!p2 [hbm4b:s1+s7], $0x40, s5, s7, $0xb8;
	[tilespmem:$0x1F000] =	vst v63  }
0xbf: {  	s0 =	sadd.s32 @!p2 $0x580, s0;
	s5 =	simm.s32 @!p2 $0x9000  }
0xc0: {  	[tilespmem:s5], [sflag:$0x1] =	stream.indirect.gather @!p2 [hbm4b:s1+s7], $0x40, s8, s7, $0xb8;
	[tilespmem:$0x1F000] =	vst v63  }
0xc1: {  	s5 =	simm.s32 @!p2 $0xB000  }
0xc2: {  	[tilespmem:s5], [sflag:$0x1] =	stream.indirect.gather @!p2 [hbm4b:s1+s7], $0x40, s0, s7, $0xb8;
	[tilespmem:$0x1F000] =	vst v63  }
0xc3: {  	_ =	swait.ge [sflag:s18], $0x2000  }
0xc4: {  	[sflag:s18] =	ssyncset.done $0x0  }
0xc5: {  	[sflag:s18] =	ssyncadd.s32 $0xFFFFE000  }
0xc6: {  	_ =	swait.ge [sflag:s18], $0x2000  }
0xc7: {  	[sflag:s18] =	ssyncset.done $0x0  }
0xc8: {  	[sflag:s18] =	ssyncadd.s32 $0xFFFFE000  }
0xc9: {  	_ =	swait.ge [sflag:s18], $0x2000  }
0xca: {  	[sflag:s18] =	ssyncset.done $0x0  }
0xcb: {  	[sflag:s18] =	ssyncadd.s32 $0xFFFFE000  }
0xcc: {  	_ =	swait.ge [sflag:s18], $0x2000  }
0xcd: {  	[sflag:s18] =	ssyncset.done $0x0  }
0xce: {  	s0 =	sadd.s32 $0x2A00, s21;
	[sflag:s18] =	ssyncadd.s32 $0xFFFFE000  }
0xcf: {  	[spmem:s3] =	stream.indirect.scatter.add.f32 [tilespmem:s26], [sflag:$0x4], $0x40, s0, s19, $0xb8;
	[tilespmem:$0x1F000] =	vst v63  }
0xd0: {  	s0 =	sadd.s32 $0x2A80, s21  }
0xd1: {  	[spmem:s3] =	stream.indirect.scatter.add.f32 [tilespmem:s28], [sflag:$0x4], $0x40, s0, s19, $0xb8;
	[tilespmem:$0x1F000] =	vst v63  }
0xd2: {  	s0 =	sadd.s32 $0x2B00, s21  }
0xd3: {  	[spmem:s3] =	stream.indirect.scatter.add.f32 [tilespmem:s29], [sflag:$0x4], $0x40, s0, s19, $0xb8;
	[tilespmem:$0x1F000] =	vst v63  }
0xd4: {  	s0 =	sadd.s32 $0x2B80, s21  }
0xd5: {  	[spmem:s3] =	stream.indirect.scatter.add.f32 [tilespmem:s30], [sflag:$0x4], $0x40, s0, s19, $0xb8;
	[tilespmem:$0x1F000] =	vst v63  }
0xd6: {  	_ =	swait.ge [sflag:s31], $0x2000  }
0xd7: {  	[sflag:s31] =	ssyncset.done $0x0  }
0xd8: {  	[sflag:s31] =	ssyncadd.s32 $0xFFFFE000  }
0xd9: {  	_ =	swait.ge [sflag:s31], $0x2000  }
0xda: {  	[sflag:s31] =	ssyncset.done $0x0  }
0xdb: {  	[sflag:s31] =	ssyncadd.s32 $0xFFFFE000  }
.Ltmp1:
0xdc: {  	_ =	swait.ge [sflag:s31], $0x2000;
	(pc) =	sbr.rel @p1 .LBB2_4-.Ltmp1, $4  }
0xdd: {  	[sflag:s31] =	ssyncset.done $0x0  }
0xde: {  	[sflag:s31] =	ssyncadd.s32 $0xFFFFE000  }
0xdf: {  	_ =	swait.ge [sflag:s31], $0x2000  }
0xe0: {  	[sflag:s31] =	ssyncset.done $0x0  }
0xe1: {  	[sflag:s31] =	ssyncadd.s32 $0xFFFFE000;
	s0 =	sshrl.u32 @p0 s6, $0x3  }
0xe2: {  	s5 =	simm.s32 @p0 $0x1;
	s7 =	simm.s32 @p0 $0x10;
	s8 =	simm.s32 @p0 $0x8  }
0xe3: {  	s15 =	simm.s32 @p0 $0x1FC5;
	s2 =	sadd.s32 $0x1, s2;
	[bflag:$0x0] =	sbarrier.arrive $0xFFFF  }
0xe4: {  	[hbm:s13@s7], [sflag:s15] =	dma.strided @p0 [spmem:s0@s8], $0xC80, s5, $0x8   }
0xe5: {  	p1 =	sne.s32 s2, s14;
	s0 =	simm.s32 @p0 $0x5;
	s5 =	stileid.u32  }
0xe6: {  	s7 =	simm.s32 @!p0 $0x1;
	s8 =	simm.s32 @!p0 $0x10;
	_ =	swait.ge @p0 [sflag:s0], $0xC80  }
0xe7: {  	s15 =	simm.s32 @!p0 $0x8;
	s5 =	sshll.u32 @!p0 s5, $0x6;
	[sflag:s0] =	ssyncset.done @p0 $0x0  }
0xe8: {  	[sflag:s0] =	ssyncadd.s32 @p0 $0xFFFFF380;
	s0 =	sor.u32 @!p0 $0x1C05, s5;
	s5 =	sshrl.u32 @!p0 s6, $0x3  }
0xe9: {  	[hbm:s12@s8], [sflag:s0] =	dma.strided @!p0 [spmem:s5@s15], $0x1400, s7, $0x8   }
.Ltmp2:
0xea: {  	_ = 	snop;
	(pc) =	sbr.rel @p1 .LBB2_1-.Ltmp2, $4  }
0xeb: {  	s0 =	simm.s32 @!p0 $0x5  }
0xec: {  	_ =	swait.ge @!p0 [sflag:s0], $0x1400  }
0xed: {  	[sflag:s0] =	ssyncset.done @!p0 $0x0  }
0xee: {  	[sflag:s0] =	ssyncadd.s32 @!p0 $0xFFFFEC00  }
0xef: {  	_ =	sfence.sel $0x180000  }
0xf0: {  	[bflag:$0x0] =	sbarrier.arrive $0xFFFF  }
0xf1: {  	_ =	strace $0x9000004D  }
0xf2: {  	s0 =	stileid.u32;
	[bflag:$0x2] =	sbarrier.arrive $0xFFFF  }
0xf3: {  	p0 =	sne.s32 s0, $0x0;
	s0 =	rddreg [dreg:$0x3]  }
0xf4: {  	s0 =	sadd.s32 @!p0 $0x100000, s0  }
0xf5: {  	[sflag:s0] =	ssyncadd.tile.s32 @!p0 $0x1;
	_ =	shalt  }
.Lfunc_end2:
_tile_overlayer_lowered:
.L_overlay_start_2:
0xf6: {  	(tag) =	ssettag $0x2  }
0xf7: {  	s0 =	rddreg [dreg:$0x0];
	s2 =	stileid.u32  }
0xf8: {  	s1 =	rddreg [dreg:$0x1];
	p0 =	sne.s32 s2, $0x0  }
0xf9: {  	s3 =	rddreg [dreg:$0x2];
	[bflag:$0x3] =	sbarrier.arrive $0xFFFF;
	s2 =	simm.s32 @!p0 $0x1C05  }
0xfa: {  	[timem:s3], [sflag:s2] =	dma.local @!p0 [hbm:s0], s1  }
0xfb: {  	s0 =	simm.s32 @!p0 $0x5  }
0xfc: {  	_ =	swait.ge @!p0 [sflag:s0], s1  }
0xfd: {  	s1 =	ssub.s32 @!p0 $0x0, s1;
	[sflag:s0] =	ssyncset.done @!p0 $0x0  }
0xfe: {  	[sflag:s0] =	ssyncadd.s32 @!p0 s1  }
0xff: {  	[bflag:$0x3] =	sbarrier.arrive $0xFFFF  }
0x100: {  	_ =	shalt  }

// kernel: kernel.8.cloned.1.call-start
scs
__scs_entry_jumppad:
0x0: {  	(pc) =	sbr.rel $0x88, $3  }
0x1: {  	(tag) =	ssettag $0x0;
	lr =	simm.s32 $0x1  }
0x2: {  	[smem:$0x3F9B] =	sst lr;
	_ =	strace $0xD0000000  }
0x3: {  	_ = 	snop  }
0x4: {  	_ = 	snop  }
0x5: {  	_ = 	snop  }
0x6: {  	_ = 	snop  }
0x7: {  	_ = 	snop  }
__scs_overlays_trampoline_lowered:
0x8: {  	[smem:$0x3FAA] =	sst s0  }
0x9: {  	[smem:$0x3FAB] =	sst s1  }
0xa: {  	[smem:$0x3FAC] =	sst s2  }
0xb: {  	[smem:$0x3FAD] =	sst s3  }
0xc: {  	[smem:$0x3FAE] =	sst s4  }
0xd: {  	[smem:$0x3FAF] =	sst s5  }
0xe: {  	[smem:$0x3FB0] =	sst s6  }
0xf: {  	[smem:$0x3FB1] =	sst s7  }
0x10: {  	[smem:$0x3FB2] =	sst s8  }
0x11: {  	[smem:$0x3FB3] =	sst s9;
	s0 =	simm.s32 @!p0 $0x0  }
0x12: {  	s1 =	sld [smem:$0x3F99];
	s0 =	simm.s32 @p0 $0x1  }
0x13: {  	[smem:$0x3FB4] =	sst s0;
	s0 =	simm.s32 @!p1 $0x0  }
0x14: {  	s2 =	sld [smem:$0x3F98];
	s0 =	simm.s32 @p1 $0x1  }
0x15: {  	[smem:$0x3FB5] =	sst s0;
	s0 =	simm.s32 @!p2 $0x0  }
0x16: {  	s3 =	sld [smem:$0x3FDB];
	s0 =	simm.s32 @p2 $0x1  }
0x17: {  	s4 =	simm.s32 $0x1BF5;
	[smem:$0x3FB7] =	sst s0  }
0x18: {  	s0 =	sld [smem:$0x3F9A];
	_ =	swait.ge [sflag:s4], $0x0  }
0x19: {  	s7 =	sld [smem:$0x3F9B]  }
0x1a: {  	s8 =	sadd.s32 $0xFFFFE003, lr  }
0x1b: {  	s9 =	sadd.s32 $0xFFFFFEF7, lr;
	s5 =	simm.s32 $0xFFFFFFFF;
	p2 =	slt.u32 s8, $0xFFFFF086  }
0x1c: {  	p1 =	slt.u32 s9, $0xF7A;
	s5 =	simm.s32 @!p2 $0x0  }
0x1d: {  	s5 =	simm.s32 @p1 $0x1;
	p0 =	seq.s32 s7, s2  }
0x1e: {  	s7 =	smul.u32 @!p0 $0xF7A, s2;
	p2 =	seq.s32 @!p0 s5, $0x0  }
0x1f: {  	s9 =	smul.u32 $0xF7A, s1;
	s8 =	simm.s32 @!p0 $0x1BF5;
	p2 =	por !p2, p0  }
0x20: {  	[sflag:s8] =	ssyncset.s32 @!p0 $0xFFFFF086;
	s6 =	sadd.s32 @!p0 s3, s7;
	s7 =	simm.s32 @!p0 $0x108  }
0x21: {  	s3 =	sadd.s32 s3, s9;
	s6 =	sadd.s32 @!p0 $0x88, s6;
	s7 =	simm.s32 @p2 $0x1082  }
0x22: {  	[simem:s7], [sflag:s8] =	dma.local @!p0 [hbm:s6], $0xF7A  }
0x23: {  	s9 =	sor.u32 $0xD0000000, s2;
	s6 =	simm.s32 $0x108;
	_ =	swait.ge @!p0 [sflag:s8], $0x0  }
0x24: {  	s3 =	sadd.s32 $0x88, s3;
	s6 =	simm.s32 @!p1 $0x1082;
	[sflag:s4] =	ssyncset.s32 $0xFFFFF086  }
0x25: {  	[simem:s6], [sflag:s4] =	dma.local [hbm:s3], $0xF7A  }
0x26: {  	[smem:$0x3F9B] =	sst s1;
	(tag) =	ssettag s2;
	_ =	strace s9  }
0x27: {  	s1 =	sld [smem:$0x3FAB]  }
0x28: {  	s2 =	sld [smem:$0x3FAC]  }
0x29: {  	s4 =	sld [smem:$0x3FAE]  }
0x2a: {  	p0 =	seq.s32 s5, $0x0;
	s5 =	sld [smem:$0x3FAF]  }
0x2b: {  	s6 =	sld [smem:$0x3FB0]  }
0x2c: {  	s7 =	sld [smem:$0x3FB1]  }
0x2d: {  	s3 =	simm.s32 $0x108;
	s8 =	sld [smem:$0x3FB2]  }
0x2e: {  	s3 =	simm.s32 @!p0 $0x1082;
	s9 =	sld [smem:$0x3FB3]  }
0x2f: {  	lr =	sadd.s32 s0, s3;
	s0 =	sld [smem:$0x3FAA]  }
0x30: {  	s3 =	sld [smem:$0x3FAD]  }
0x31: {  	[smem:$0x3FB6] =	sst s10  }
0x32: {  	s10 =	sld [smem:$0x3FB4];
	_ =	sdelay $0x3  }
0x33: {  	p0 =	seq.s32 s10, $0x1;
	s10 =	sld [smem:$0x3FB6];
	_ =	sdelay $0x3  }
0x34: {  	[smem:$0x3FB6] =	sst s10  }
0x35: {  	s10 =	sld [smem:$0x3FB5];
	_ =	sdelay $0x3  }
0x36: {  	p1 =	seq.s32 s10, $0x1;
	s10 =	sld [smem:$0x3FB6];
	_ =	sdelay $0x3  }
0x37: {  	[smem:$0x3FB6] =	sst s10  }
0x38: {  	s10 =	sld [smem:$0x3FB7]  }
0x39: {  	_ = 	snop;
	(pc) =	sbr.ind lr, $3  }
0x3a: {  	_ = 	snop  }
0x3b: {  	_ = 	snop  }
0x3c: {  	p2 =	seq.s32 s10, $0x1;
	s10 =	sld [smem:$0x3FB6]  }
0x3d: {  	_ =	shalt  }
0x3e: {  	_ =	shalt  }
0x3f: {  	_ =	shalt  }
0x40: {  	_ =	shalt  }
0x41: {  	_ =	shalt  }
0x42: {  	_ =	shalt  }
0x43: {  	_ =	shalt  }
0x44: {  	_ =	shalt  }
0x45: {  	_ =	shalt  }
0x46: {  	_ =	shalt  }
0x47: {  	_ =	shalt  }
0x48: {  	_ =	shalt  }
0x49: {  	_ =	shalt  }
0x4a: {  	_ =	shalt  }
0x4b: {  	_ =	shalt  }
0x4c: {  	_ =	shalt  }
0x4d: {  	_ =	shalt  }
0x4e: {  	_ =	shalt  }
0x4f: {  	_ =	shalt  }
0x50: {  	_ =	shalt  }
0x51: {  	_ =	shalt  }
0x52: {  	_ =	shalt  }
0x53: {  	_ =	shalt  }
0x54: {  	_ =	shalt  }
0x55: {  	_ =	shalt  }
0x56: {  	_ =	shalt  }
0x57: {  	_ =	shalt  }
0x58: {  	_ =	shalt  }
0x59: {  	_ =	shalt  }
0x5a: {  	_ =	shalt  }
0x5b: {  	_ =	shalt  }
0x5c: {  	_ =	shalt  }
0x5d: {  	_ =	shalt  }
0x5e: {  	_ =	shalt  }
0x5f: {  	_ =	shalt  }
0x60: {  	_ =	shalt  }
0x61: {  	_ =	shalt  }
0x62: {  	_ =	shalt  }
0x63: {  	_ =	shalt  }
0x64: {  	_ =	shalt  }
0x65: {  	_ =	shalt  }
0x66: {  	_ =	shalt  }
0x67: {  	_ =	shalt  }
0x68: {  	_ =	shalt  }
0x69: {  	_ =	shalt  }
0x6a: {  	_ =	shalt  }
0x6b: {  	_ =	shalt  }
0x6c: {  	_ =	shalt  }
0x6d: {  	_ =	shalt  }
0x6e: {  	_ =	shalt  }
0x6f: {  	_ =	shalt  }
0x70: {  	_ =	shalt  }
0x71: {  	_ =	shalt  }
0x72: {  	_ =	shalt  }
0x73: {  	_ =	shalt  }
0x74: {  	_ =	shalt  }
0x75: {  	_ =	shalt  }
0x76: {  	_ =	shalt  }
0x77: {  	_ =	shalt  }
0x78: {  	_ =	shalt  }
0x79: {  	_ =	shalt  }
0x7a: {  	_ =	shalt  }
0x7b: {  	_ =	shalt  }
0x7c: {  	_ =	shalt  }
0x7d: {  	_ =	shalt  }
0x7e: {  	_ =	shalt  }
0x7f: {  	_ =	shalt  }
0x80: {  	_ =	shalt  }
0x81: {  	_ =	shalt  }
0x82: {  	_ =	shalt  }
0x83: {  	_ =	shalt  }
0x84: {  	_ =	shalt  }
0x85: {  	_ =	shalt  }
0x86: {  	_ =	shalt  }
0x87: {  	_ =	shalt  }
.Lfunc_end0:
.L_simem_size_0:
called_computation_lowered:
.L_overlay_start_0:
0x88: {  	s2 =	sld [smem:$0x3FD9]  }
0x89: {  	s3 =	sld [smem:$0x3FFE];
	_ =	sdelay $0x1  }
0x8a: {  	s1 =	srdreg.scid  }
0x8b: {  	s0 =	sand.u32 $0x1, s1  }
0x8c: {  	s17 =	sshll.u32 s0, $0xA;
	s2 =	sadd.s32 s3, s2  }
0x8d: {  	s2 =	sadd.s32 s2, s17  }
0x8e: {  	[smem:$0x3FC2] =	sst s2  }
0x8f: {  	_ = 	snop  }
0x90: {  	s2 =	sld [smem:$0x3FD0];
	(tm) =	ssettm $0x1  }
0x91: {  	s18 =	sld [smem:$0x3FFB];
	_ =	sdelay $0x3  }
0x92: {  	_ =	strace s18  }
0x93: {  	s3 =	sld [smem:$0x3FFC];
	_ =	sdelay $0x3  }
0x94: {  	_ =	strace s3  }
0x95: {  	s3 =	sld [smem:$0x3FFD];
	_ =	sdelay $0x3  }
0x96: {  	_ =	strace s3  }
0x97: {  	_ =	strace $0x8FFFFFFF  }
0x98: {  	s19 =	sld [smem:$0x3FDB];
	_ =	sdelay $0x1  }
0x99: {  	s4 =	simm.s32 $_scs_section_size  }
0x9a: {  	s5 =	simm.s32 $_size__tile_overlayer_lowered;
	s6 =	simm.s32 $_tile_overlayer_lowered  }
0x9b: {  	s22 =	simm.s32 $0x1BFF;
	s21 =	sshll.u32 s6, $0x1;
	s3 =	sadd.s32 s4, s19  }
0x9c: {  	s7 =	simm.s32 $0x0;
	s20 =	sshll.u32 s5, $0x1;
	s5 =	sadd.s32 s21, s3  }
0x9d: {  	[timem:s7], [sflag:s22] =	dma.local [hbm:s5], s20  }
0x9e: {  	_ =	swait.ge [sflag:s22], s20  }
0x9f: {  	s4 =	ssub.s32 $0x0, s20;
	[sflag:s22] =	ssyncset.done $0x0  }
0xa0: {  	[sflag:s22] =	ssyncadd.s32 s4;
	_ =	sdelay $0x1  }
0xa1: {  	s23 =	simm.s32 $0x1B8B  }
0xa2: {  	_ =	swait.ge [sflag:s23], $0x1  }
0xa3: {  	[sflag:s23] =	ssyncset.done $0x0  }
0xa4: {  	s25 =	simm.s32 $0x1B8E;
	s24 =	sld [smem:$0x3FFE];
	[sflag:s23] =	ssyncadd.s32 $0xFFFFFFFF  }
0xa5: {  	s26 =	simm.s32 $execute0_lowered;
	[smem:$0x3FD2] =	sst s25  }
0xa6: {  	s5 =	sshll.u32 s26, $0x1;
	_ =	strace $0x80000046;
	[dreg:$0x1] =	wrdreg $0xFFFFFFFF  }
0xa7: {  	s28 =	simm.s32 $_size_execute0_lowered;
	s3 =	sadd.s32 s3, s5;
	[dreg:$0x0] =	wrdreg $0x0  }
0xa8: {  	s5 =	sshll.u32 s28, $0x1;
	[dreg:$0x2] =	wrdreg s3  }
0xa9: {  	[dreg:$0x3] =	wrdreg s5  }
0xaa: {  	[dreg:$0x4] =	wrdreg $0xC0  }
0xab: {  	_ =	task [dreg:s7], $0x5FFFF  }
0xac: {  	[dreg:$0x1] =	wrdreg $0xFFFFFFFF  }
0xad: {  	[dreg:$0x0] =	wrdreg $0x60  }
0xae: {  	[dreg:$0x2] =	wrdreg s24  }
0xaf: {  	[dreg:$0x3] =	wrdreg s2  }
0xb0: {  	[dreg:$0x4] =	wrdreg $0x30000  }
0xb1: {  	[dreg:$0x5] =	wrdreg $0x9  }
0xb2: {  	_ =	task.clear_ibuf [dreg:s7], $0x6FFFF;
	_ =	strace $0x90000046  }
0xb3: {  	s29 =	simm.s32 $0x9;
	_ =	strace $0x80000048  }
0xb4: {  	_ =	swait.ge [sflag:s29], $0x1  }
0xb5: {  	[sflag:s29] =	ssyncadd.s32 $0xFFFFFFFF  }
0xb6: {  	_ =	strace $0x90000048  }
0xb7: {  	_ =	sfence  }
0xb8: {  	s30 =	sld [smem:$0x0];
	_ =	sdelay $0x2  }
0xb9: {  	s31 =	sshll.u32 s1, $0xD;
	s1 =	sshrl.u32 s1, $0x2  }
0xba: {  	s3 =	sand.u32 $0x4000, s31;
	s1 =	sadd.s32 s1, s30  }
0xbb: {  	s0 =	sor.u32 s3, s0;
	s1 =	sshll.u32 s1, $0x11  }
0xbc: {  	s0 =	sor.u32 s1, s0  }
0xbd: {  	s0 =	sadd.s32 $0x8F2B, s0  }
0xbe: {  	[sflag:s0] =	ssyncadd.remote.s32 $0x1  }
0xbf: {  	_ =	sfence.sel $0xFFFF  }
0xc0: {  	[dreg:$0x0] =	wrdreg $0xFFFFFFFF;
	(pc) =	sbr.abs _section_cstart, $3  }
0xc1: {  	[dreg:$0x1] =	wrdreg $0xFFFFFFFF  }
0xc2: {  	_ =	task.clear_ibuf [dreg:s7], $0x2FFFF;
	_ =	strace $0x9FFFFFFF  }
0xc3: {  	(tm) =	ssettm $0x7FFFFFFF  }
tec
execute0_lowered:
.L_overlay_start_1:
0x0: {  	(tag) =	ssettag $0x1  }
0x1: {  	s4 =	rddreg [dreg:$0x0]  }
0x2: {  	s11 =	rddreg [dreg:$0x1];
	s1 =	srdreg.scid  }
0x3: {  	s0 =	stileid.u32;
	s2 =	rddreg [dreg:$0x2];
	s14 =	simm.s32 $0x2  }
0x4: {  	s15 =	simm.s32 $0x1;
	s16 =	simm.s32 $0x80;
	s20 =	simm.s32 $0x0  }
0x5: {  	s5 =	sand.u32 $0x1, s1;
	s3 =	sshll.u32 s0, $0x1;
	s9 =	smul.u32 $0xA000, s0  }
0x6: {  	s1 =	rddreg [dreg:$0x3];
	s10 =	smul.u32 $0x500, s0;
	p0 =	seq.s32 s0, $0xF  }
0x7: {  	s6 =	sor.u32 s5, s3;
	s3 =	simm.s32 $0x0;
	s31 =	smul.u32 $0x4E20, s5  }
0x8: {  	s7 =	ssub.s32 $0x2, s5;
	s13 =	smul.u32 $0x27100, s5;
	s18 =	sshll.u32 @!p0 s0, $0x6  }
0x9: {  	s6 =	smul.u32 $0x2800, s6;
	[smem:$0x7FF] =	sst s3;
	s8 =	sshrl.u32 s7, $0x1  }
0xa: {  	s30 =	sshrl.u32 s9, $0x2;
	s18 =	sor.u32 @!p0 $0x1C03, s18;
	_ =	strace $0x80000047  }
0xb: {  	s12 =	ssub.s32 s7, s8;
	s10 =	sadd.s32 s10, s31;
	s13 =	sshrl.u32 s13, $0x3  }
0xc: {  	s6 =	sshrl.u32 s6, $0x3;
	s10 =	sadd.s32 s11, s10;
	s11 =	sadd.s32 s11, s13  }
0xd: {  	s12 =	smax.u32 s12, $0x1;
	s13 =	simm.s32 $0x2800;
	s6 =	sadd.s32 s4, s6  }
0xe: {  	s4 =	sadd.s32 s30, s2;
	s11 =	sadd.s32 $0x4B00, s11;
	s5 =	sadd.s32 $0xCC00, s6  }
0xf: {  	s6 =	sadd.s32 $0x800, s4;
	s7 =	sadd.s32 $0x1000, s4;
	s8 =	sadd.s32 $0x1800, s4  }
0x10: {  	v0 =	vimm.f32 $0.0e+00;
	v1 =	vimm.f32 $1.000000000e+00;
	s9 =	sadd.s32 $0x2000, s4;
	s17 =	sshrl.u32 @p0 s4, $0x3;
	s19 =	sshrl.u32 @!p0 s4, $0x3  }
.LBB2_1:
0x11: {  	[tilespmem:s3], [sflag:$0x1] =	stream.linear.gather [hbm4b:s5+s3], $0x2800, $0x38;
	[tilespmem:$0x5800] =	vst v63  }
0x12: {  	s21 =	simm.s32 $0x40;
	s22 =	simm.s32 $0x0  }
.LBB2_2:
0x13: {  	p1 =	sne.s32 s21, $0x1FC0;
	[tilespmem:s22+$0x2800] =	vst v0;
	s22 =	smov.u32 s21;
	s21 =	sadd.s32 $0x40, s21  }
.Ltmp0:
0x14: {  	(pc) =	sbr.rel @p1 .LBB2_2-.Ltmp0, $2  }
0x15: {  	_ =	sdelay $0x2  }
0x16: {  	s22 =	sshra.s32 s22, $0x2  }
0x17: {  	[tilespmem:s22+$0x2800] =	vst v0  }
0x18: {  	[spmem:s4] =	stream.linear.scatter [tilespmem:s13], [sflag:$0x2], $0x800, $0x38;
	[tilespmem:$0x5800] =	vst v63  }
0x19: {  	_ = 	snop  }
0x1a: {  	[spmem:s6] =	stream.linear.scatter [tilespmem:s13], [sflag:$0x2], $0x800, $0x38;
	[tilespmem:$0x5800] =	vst v63  }
0x1b: {  	_ = 	snop  }
0x1c: {  	[spmem:s7] =	stream.linear.scatter [tilespmem:s13], [sflag:$0x2], $0x800, $0x38;
	[tilespmem:$0x5800] =	vst v63  }
0x1d: {  	_ = 	snop  }
0x1e: {  	[spmem:s8] =	stream.linear.scatter [tilespmem:s13], [sflag:$0x2], $0x800, $0x38;
	[tilespmem:$0x5800] =	vst v63  }
0x1f: {  	_ = 	snop  }
0x20: {  	[spmem:s9] =	stream.linear.scatter [tilespmem:s13], [sflag:$0x2], $0x800, $0x38;
	[tilespmem:$0x5800] =	vst v63  }
0x21: {  	_ =	swait.ge [sflag:s14], $0x800  }
0x22: {  	[sflag:s14] =	ssyncset.done $0x0  }
0x23: {  	[sflag:s14] =	ssyncadd.s32 $0xFFFFF800  }
0x24: {  	_ =	swait.ge [sflag:s14], $0x800  }
0x25: {  	[sflag:s14] =	ssyncset.done $0x0  }
0x26: {  	[sflag:s14] =	ssyncadd.s32 $0xFFFFF800  }
0x27: {  	_ =	swait.ge [sflag:s14], $0x800  }
0x28: {  	[sflag:s14] =	ssyncset.done $0x0  }
0x29: {  	[sflag:s14] =	ssyncadd.s32 $0xFFFFF800  }
0x2a: {  	_ =	swait.ge [sflag:s14], $0x800  }
0x2b: {  	[sflag:s14] =	ssyncset.done $0x0  }
0x2c: {  	[sflag:s14] =	ssyncadd.s32 $0xFFFFF800  }
0x2d: {  	_ =	swait.ge [sflag:s14], $0x800  }
0x2e: {  	[sflag:s14] =	ssyncset.done $0x0  }
0x2f: {  	s21 =	simm.s32 $0x40;
	s22 =	simm.s32 $0x0;
	[sflag:s14] =	ssyncadd.s32 $0xFFFFF800  }
.LBB2_4:
0x30: {  	p1 =	sne.s32 s21, $0x1FC0;
	[tilespmem:s22+$0x2800] =	vst v1;
	s22 =	smov.u32 s21;
	s21 =	sadd.s32 $0x40, s21  }
.Ltmp1:
0x31: {  	(pc) =	sbr.rel @p1 .LBB2_4-.Ltmp1, $2  }
0x32: {  	_ =	sdelay $0x2  }
0x33: {  	s22 =	sshra.s32 s22, $0x2  }
0x34: {  	[tilespmem:s22+$0x2800] =	vst v1  }
0x35: {  	_ =	swait.ge [sflag:s15], $0x2800  }
0x36: {  	[sflag:s15] =	ssyncset.done $0x0  }
0x37: {  	[sflag:s15] =	ssyncadd.s32 $0xFFFFD800  }
0x38: {  	s21 =	simm.s32 $0x0;
	[bflag:$0x0] =	sbarrier.arrive $0xFFFF  }
0x39: {  	[spmem:s2] =	stream.indirect.scatter.add.f32 [tilespmem:s13], [sflag:$0x2], $0x10, s21, s16, $0xb8;
	[tilespmem:$0x5800] =	vst v63  }
0x3a: {  	s24 =	simm.s32 $0x80  }
0x3b: {  	[spmem:s2] =	stream.indirect.scatter.add.f32 [tilespmem:s13], [sflag:$0x2], $0x10, s24, s16, $0xb8;
	[tilespmem:$0x5800] =	vst v63  }
0x3c: {  	s25 =	simm.s32 $0x100  }
0x3d: {  	[spmem:s2] =	stream.indirect.scatter.add.f32 [tilespmem:s13], [sflag:$0x2], $0x10, s25, s16, $0xb8;
	[tilespmem:$0x5800] =	vst v63  }
0x3e: {  	s26 =	simm.s32 $0x180  }
0x3f: {  	[spmem:s2] =	stream.indirect.scatter.add.f32 [tilespmem:s13], [sflag:$0x2], $0x10, s26, s16, $0xb8;
	[tilespmem:$0x5800] =	vst v63  }
0x40: {  	s28 =	simm.s32 $0x200  }
0x41: {  	[spmem:s2] =	stream.indirect.scatter.add.f32 [tilespmem:s13], [sflag:$0x2], $0x10, s28, s16, $0xb8;
	[tilespmem:$0x5800] =	vst v63  }
0x42: {  	s29 =	simm.s32 $0x280  }
0x43: {  	[spmem:s2] =	stream.indirect.scatter.add.f32 [tilespmem:s13], [sflag:$0x2], $0x10, s29, s16, $0xb8;
	[tilespmem:$0x5800] =	vst v63  }
0x44: {  	s30 =	simm.s32 $0x300  }
0x45: {  	[spmem:s2] =	stream.indirect.scatter.add.f32 [tilespmem:s13], [sflag:$0x2], $0x10, s30, s16, $0xb8;
	[tilespmem:$0x5800] =	vst v63  }
0x46: {  	s31 =	simm.s32 $0x380  }
0x47: {  	[spmem:s2] =	stream.indirect.scatter.add.f32 [tilespmem:s13], [sflag:$0x2], $0x10, s31, s16, $0xb8;
	[tilespmem:$0x5800] =	vst v63  }
0x48: {  	_ =	swait.ge [sflag:s14], $0x800  }
0x49: {  	[sflag:s14] =	ssyncset.done $0x0  }
0x4a: {  	[sflag:s14] =	ssyncadd.s32 $0xFFFFF800  }
0x4b: {  	_ =	swait.ge [sflag:s14], $0x800  }
0x4c: {  	[sflag:s14] =	ssyncset.done $0x0  }
0x4d: {  	[sflag:s14] =	ssyncadd.s32 $0xFFFFF800  }
0x4e: {  	_ =	swait.ge [sflag:s14], $0x800  }
0x4f: {  	[sflag:s14] =	ssyncset.done $0x0  }
0x50: {  	[sflag:s14] =	ssyncadd.s32 $0xFFFFF800  }
0x51: {  	_ =	swait.ge [sflag:s14], $0x800  }
0x52: {  	[sflag:s14] =	ssyncset.done $0x0  }
0x53: {  	[sflag:s14] =	ssyncadd.s32 $0xFFFFF800  }
0x54: {  	_ =	swait.ge [sflag:s14], $0x800  }
0x55: {  	[sflag:s14] =	ssyncset.done $0x0  }
0x56: {  	[sflag:s14] =	ssyncadd.s32 $0xFFFFF800  }
0x57: {  	_ =	swait.ge [sflag:s14], $0x800  }
0x58: {  	[sflag:s14] =	ssyncset.done $0x0  }
0x59: {  	[sflag:s14] =	ssyncadd.s32 $0xFFFFF800  }
0x5a: {  	_ =	swait.ge [sflag:s14], $0x800  }
0x5b: {  	[sflag:s14] =	ssyncset.done $0x0  }
0x5c: {  	[sflag:s14] =	ssyncadd.s32 $0xFFFFF800  }
0x5d: {  	_ =	swait.ge [sflag:s14], $0x800  }
0x5e: {  	s23 =	simm.s32 $0x2000;
	s21 =	simm.s32 $0x1000;
	[sflag:s14] =	ssyncset.done $0x0  }
.LBB2_6:
0x5f: {  	s24 =	sshra.s32 s21, $0x2  }
0x60: {  	[sflag:s14] =	ssyncadd.s32 $0xFFFFF800;
	s21 =	smov.u32 s23;
	s22 =	sadd.s32 $0x1000, s23  }
0x61: {  	[spmem:s2] =	stream.indirect.scatter.add.f32 [tilespmem:s13], [sflag:$0x2], $0x10, s24, s16, $0xb8;
	[tilespmem:$0x5800] =	vst v63  }
0x62: {  	p1 =	sne.s32 s23, $0x9000;
	s23 =	sadd.s32 $0x80, s24  }
0x63: {  	[spmem:s2] =	stream.indirect.scatter.add.f32 [tilespmem:s13], [sflag:$0x2], $0x10, s23, s16, $0xb8;
	[tilespmem:$0x5800] =	vst v63  }
0x64: {  	s23 =	sadd.s32 $0x100, s24  }
0x65: {  	[spmem:s2] =	stream.indirect.scatter.add.f32 [tilespmem:s13], [sflag:$0x2], $0x10, s23, s16, $0xb8;
	[tilespmem:$0x5800] =	vst v63  }
0x66: {  	s23 =	sadd.s32 $0x180, s24  }
0x67: {  	[spmem:s2] =	stream.indirect.scatter.add.f32 [tilespmem:s13], [sflag:$0x2], $0x10, s23, s16, $0xb8;
	[tilespmem:$0x5800] =	vst v63  }
0x68: {  	s23 =	sadd.s32 $0x200, s24  }
0x69: {  	[spmem:s2] =	stream.indirect.scatter.add.f32 [tilespmem:s13], [sflag:$0x2], $0x10, s23, s16, $0xb8;
	[tilespmem:$0x5800] =	vst v63  }
0x6a: {  	s23 =	sadd.s32 $0x280, s24  }
0x6b: {  	[spmem:s2] =	stream.indirect.scatter.add.f32 [tilespmem:s13], [sflag:$0x2], $0x10, s23, s16, $0xb8;
	[tilespmem:$0x5800] =	vst v63  }
0x6c: {  	s23 =	sadd.s32 $0x300, s24  }
0x6d: {  	[spmem:s2] =	stream.indirect.scatter.add.f32 [tilespmem:s13], [sflag:$0x2], $0x10, s23, s16, $0xb8;
	[tilespmem:$0x5800] =	vst v63  }
0x6e: {  	s23 =	sadd.s32 $0x380, s24  }
0x6f: {  	[spmem:s2] =	stream.indirect.scatter.add.f32 [tilespmem:s13], [sflag:$0x2], $0x10, s23, s16, $0xb8;
	[tilespmem:$0x5800] =	vst v63  }
0x70: {  	_ =	swait.ge [sflag:s14], $0x800  }
0x71: {  	[sflag:s14] =	ssyncset.done $0x0  }
0x72: {  	[sflag:s14] =	ssyncadd.s32 $0xFFFFF800  }
0x73: {  	_ =	swait.ge [sflag:s14], $0x800  }
0x74: {  	[sflag:s14] =	ssyncset.done $0x0  }
0x75: {  	[sflag:s14] =	ssyncadd.s32 $0xFFFFF800  }
0x76: {  	_ =	swait.ge [sflag:s14], $0x800  }
0x77: {  	[sflag:s14] =	ssyncset.done $0x0  }
0x78: {  	[sflag:s14] =	ssyncadd.s32 $0xFFFFF800  }
0x79: {  	_ =	swait.ge [sflag:s14], $0x800  }
0x7a: {  	[sflag:s14] =	ssyncset.done $0x0  }
0x7b: {  	[sflag:s14] =	ssyncadd.s32 $0xFFFFF800  }
0x7c: {  	_ =	swait.ge [sflag:s14], $0x800  }
0x7d: {  	[sflag:s14] =	ssyncset.done $0x0  }
0x7e: {  	[sflag:s14] =	ssyncadd.s32 $0xFFFFF800  }
0x7f: {  	_ =	swait.ge [sflag:s14], $0x800  }
0x80: {  	[sflag:s14] =	ssyncset.done $0x0  }
0x81: {  	[sflag:s14] =	ssyncadd.s32 $0xFFFFF800  }
.Ltmp2:
0x82: {  	_ =	swait.ge [sflag:s14], $0x800;
	(pc) =	sbr.rel @p1 .LBB2_6-.Ltmp2, $4  }
0x83: {  	[sflag:s14] =	ssyncset.done $0x0  }
0x84: {  	[sflag:s14] =	ssyncadd.s32 $0xFFFFF800  }
0x85: {  	_ =	swait.ge [sflag:s14], $0x800  }
0x86: {  	s23 =	smov.u32 s22;
	[sflag:s14] =	ssyncset.done $0x0  }
0x87: {  	s21 =	sshra.s32 s21, $0x2;
	[sflag:s14] =	ssyncadd.s32 $0xFFFFF800  }
0x88: {  	[spmem:s2] =	stream.indirect.scatter.add.f32 [tilespmem:s13], [sflag:$0x2], $0x10, s21, s16, $0xb8;
	[tilespmem:$0x5800] =	vst v63  }
0x89: {  	s22 =	sadd.s32 $0x80, s21  }
0x8a: {  	[spmem:s2] =	stream.indirect.scatter.add.f32 [tilespmem:s13], [sflag:$0x2], $0x10, s22, s16, $0xb8;
	[tilespmem:$0x5800] =	vst v63  }
0x8b: {  	s26 =	sadd.s32 $0x100, s21  }
0x8c: {  	[spmem:s2] =	stream.indirect.scatter.add.f32 [tilespmem:s13], [sflag:$0x2], $0x10, s26, s16, $0xb8;
	[tilespmem:$0x5800] =	vst v63  }
0x8d: {  	s28 =	sadd.s32 $0x180, s21  }
0x8e: {  	[spmem:s2] =	stream.indirect.scatter.add.f32 [tilespmem:s13], [sflag:$0x2], $0x10, s28, s16, $0xb8;
	[tilespmem:$0x5800] =	vst v63  }
0x8f: {  	s29 =	sadd.s32 $0x200, s21  }
0x90: {  	[spmem:s2] =	stream.indirect.scatter.add.f32 [tilespmem:s13], [sflag:$0x2], $0x10, s29, s16, $0xb8;
	[tilespmem:$0x5800] =	vst v63  }
0x91: {  	s30 =	sadd.s32 $0x280, s21  }
0x92: {  	[spmem:s2] =	stream.indirect.scatter.add.f32 [tilespmem:s13], [sflag:$0x2], $0x10, s30, s16, $0xb8;
	[tilespmem:$0x5800] =	vst v63  }
0x93: {  	s31 =	sadd.s32 $0x300, s21  }
0x94: {  	[spmem:s2] =	stream.indirect.scatter.add.f32 [tilespmem:s13], [sflag:$0x2], $0x10, s31, s16, $0xb8;
	[tilespmem:$0x5800] =	vst v63  }
0x95: {  	s21 =	sadd.s32 $0x380, s21  }
0x96: {  	[spmem:s2] =	stream.indirect.scatter.add.f32 [tilespmem:s13], [sflag:$0x2], $0x10, s21, s16, $0xb8;
	[tilespmem:$0x5800] =	vst v63  }
0x97: {  	_ =	swait.ge [sflag:s14], $0x800  }
0x98: {  	[sflag:s14] =	ssyncset.done $0x0  }
0x99: {  	[sflag:s14] =	ssyncadd.s32 $0xFFFFF800  }
0x9a: {  	_ =	swait.ge [sflag:s14], $0x800  }
0x9b: {  	[sflag:s14] =	ssyncset.done $0x0  }
0x9c: {  	[sflag:s14] =	ssyncadd.s32 $0xFFFFF800  }
0x9d: {  	_ =	swait.ge [sflag:s14], $0x800  }
0x9e: {  	[sflag:s14] =	ssyncset.done $0x0  }
0x9f: {  	[sflag:s14] =	ssyncadd.s32 $0xFFFFF800  }
0xa0: {  	_ =	swait.ge [sflag:s14], $0x800  }
0xa1: {  	[sflag:s14] =	ssyncset.done $0x0  }
0xa2: {  	[sflag:s14] =	ssyncadd.s32 $0xFFFFF800  }
0xa3: {  	_ =	swait.ge [sflag:s14], $0x800  }
0xa4: {  	[sflag:s14] =	ssyncset.done $0x0  }
0xa5: {  	[sflag:s14] =	ssyncadd.s32 $0xFFFFF800  }
0xa6: {  	_ =	swait.ge [sflag:s14], $0x800  }
0xa7: {  	[sflag:s14] =	ssyncset.done $0x0  }
0xa8: {  	[sflag:s14] =	ssyncadd.s32 $0xFFFFF800  }
0xa9: {  	_ =	swait.ge [sflag:s14], $0x800  }
0xaa: {  	[sflag:s14] =	ssyncset.done $0x0  }
0xab: {  	[sflag:s14] =	ssyncadd.s32 $0xFFFFF800  }
0xac: {  	_ =	swait.ge [sflag:s14], $0x800  }
0xad: {  	[sflag:s14] =	ssyncset.done $0x0  }
0xae: {  	[sflag:s14] =	ssyncadd.s32 $0xFFFFF800  }
0xaf: {  	s21 =	simm.s32 @p0 $0x1FC3;
	[bflag:$0x0] =	sbarrier.arrive $0xFFFF  }
0xb0: {  	[hbm:s11], [sflag:s21] =	dma.local @p0 [spmem:s17], $0x320  }
0xb1: {  	s21 =	simm.s32 @p0 $0x3  }
0xb2: {  	s20 =	sadd.s32 $0x1, s20;
	_ =	swait.ge @p0 [sflag:s21], $0x320  }
0xb3: {  	p1 =	sne.s32 s20, s12;
	[sflag:s21] =	ssyncset.done @p0 $0x0  }
.Ltmp3:
0xb4: {  	[sflag:s21] =	ssyncadd.s32 @p0 $0xFFFFFCE0;
	s21 =	simm.s32 @!p0 $0x3;
	(pc) =	sbr.rel @p1 .LBB2_1-.Ltmp3, $4  }
0xb5: {  	[hbm:s10], [sflag:s18] =	dma.local @!p0 [spmem:s19], $0x500  }
0xb6: {  	_ =	swait.ge @!p0 [sflag:s21], $0x500  }
0xb7: {  	[sflag:s21] =	ssyncset.done @!p0 $0x0  }
0xb8: {  	[sflag:s21] =	ssyncadd.s32 @!p0 $0xFFFFFB00  }
0xb9: {  	_ =	sfence.sel $0x180000  }
0xba: {  	[bflag:$0x0] =	sbarrier.arrive $0xFFFF  }
0xbb: {  	p0 =	sne.s32 s0, $0x0;
	_ =	strace $0x90000047  }
0xbc: {  	s0 =	sadd.s32 @!p0 $0x100000, s1;
	[bflag:$0x2] =	sbarrier.arrive $0xFFFF  }
0xbd: {  	[sflag:s0] =	ssyncadd.tile.s32 @!p0 $0x1;
	_ =	shalt  }
.Lfunc_end2:
_tile_overlayer_lowered:
.L_overlay_start_2:
0xbe: {  	(tag) =	ssettag $0x2  }
0xbf: {  	s0 =	rddreg [dreg:$0x0];
	s2 =	stileid.u32  }
0xc0: {  	s1 =	rddreg [dreg:$0x1];
	p0 =	sne.s32 s2, $0x0  }
0xc1: {  	s3 =	rddreg [dreg:$0x2];
	[bflag:$0x3] =	sbarrier.arrive $0xFFFF;
	s2 =	simm.s32 @!p0 $0x1C03  }
0xc2: {  	[timem:s3], [sflag:s2] =	dma.local @!p0 [hbm:s0], s1  }
0xc3: {  	s0 =	simm.s32 @!p0 $0x3  }
0xc4: {  	_ =	swait.ge @!p0 [sflag:s0], s1  }
0xc5: {  	s1 =	ssub.s32 @!p0 $0x0, s1;
	[sflag:s0] =	ssyncset.done @!p0 $0x0  }
0xc6: {  	[sflag:s0] =	ssyncadd.s32 @!p0 s1  }
0xc7: {  	[bflag:$0x3] =	sbarrier.arrive $0xFFFF  }
0xc8: {  	_ =	shalt  }

</sc_bundles>
